<compile_context>
chip_gen: v7x
topology: tpu7x:2x2x1
jax: 0.10.2.dev20260603
libtpu: 0.0.44.dev20260713+nightly
codegen_flags: <defaults>
</compile_context>

<pallas_src>
import functools

import numpy as np
import jax
import jax.numpy as jnp
from jax import lax
from jax.experimental import pallas as pl
from jax.experimental.pallas import tpu as pltpu
from jax.experimental.pallas import tpu_sc as plsc

BATCH = 16
XSIZE = 128
NPIX = XSIZE * XSIZE
ACC = NPIX + 192
W0_FIRST = 30.0

CH = 5120
NCHUNK = 30
HALF = CH * NCHUNK
VPAD = 2 * HALF
VB = 6144
NW = 32

_HIGH = jax.lax.Precision.HIGHEST



def _stage_a_body(rs_ref, latent_ref, w0_ref, w1_ref, w2_ref, w3_ref,
                  bias_ref, aux_ref, wd_ref,
                  idx_ref, va_ref, vb_ref, vc_ref, vd_ref):
    rs = rs_ref[...]
    a = rs[:, 0:1]
    b = rs[:, 1:2]
    g = rs[:, 2:3]
    ca, sa = jnp.cos(a), jnp.sin(a)
    cb, sb = jnp.cos(b), jnp.sin(b)
    cg, sg = jnp.cos(g), jnp.sin(g)
    r00 = cg * cb * ca - sg * sa
    r01 = cg * cb * sa + sg * ca
    r02 = -cg * sb
    r10 = -sg * cb * ca - cg * sa
    r11 = -sg * cb * sa + cg * ca
    r12 = sg * sb
    sx = rs[:, 3:4]
    sy = rs[:, 4:5]

    latent = latent_ref[...]
    h = jnp.sin(W0_FIRST * (jnp.dot(latent, w0_ref[...],
                                    preferred_element_type=jnp.float32)
                            + bias_ref[0:1, :]))
    for i, w_ref in enumerate((w1_ref, w2_ref, w3_ref)):
        h = h + jnp.sin(jnp.dot(h, w_ref[...],
                                preferred_element_type=jnp.float32)
                        + bias_ref[i + 1:i + 2, :])

    val = (jnp.dot(h, wd_ref[...],
                   preferred_element_type=jnp.float32)
           + aux_ref[4:5, :] + aux_ref[3:4, :])

    gmat = jnp.concatenate(
        [jnp.concatenate([r00, r01, r02], axis=1),
         jnp.concatenate([r10, r11, r12], axis=1)], axis=0)
    pq = jnp.dot(gmat, aux_ref[0:3, :], preferred_element_type=jnp.float32)
    px = (pq[0:BATCH, :] + sx) + XSIZE / 2.0
    py = (pq[BATCH:2 * BATCH, :] + sy) + XSIZE / 2.0

    x0 = jnp.floor(px)
    y0 = jnp.floor(py)
    fx = px - x0
    fy = py - y0
    x0i = jnp.clip(x0.astype(jnp.int32), 0, XSIZE - 1)
    y0i = jnp.clip(y0.astype(jnp.int32), 0, XSIZE - 1)
    w00 = (1.0 - fx) * (1.0 - fy)
    w01 = fx * (1.0 - fy)
    w10 = (1.0 - fx) * fy
    w11 = fx * fy
    dx = (x0i < XSIZE - 1).astype(jnp.float32)
    dy = (y0i < XSIZE - 1).astype(jnp.float32)
    ex = 1.0 - dx
    ey = 1.0 - dy
    wa = w00 + ex * w01 + ey * w10 + ex * ey * w11
    wb = dx * (w01 + ey * w11)
    wc = dy * (w10 + ex * w11)
    wd_w = dx * dy * w11

    ii = y0i * XSIZE + x0i
    taps = [val * wa, val * wb, val * wc, val * wd_w]

    pos = lax.broadcasted_iota(jnp.int32, ii.shape, 1) & 3
    taken = [t for t in taps]
    is_dup = None
    for s in (1, 2, 3):
        nxt = jnp.roll(ii, -s, axis=1)
        prv = jnp.roll(ii, s, axis=1)
        m_add = (pos <= 3 - s) & (ii == nxt)
        m_dup = (pos >= s) & (ii == prv)
        is_dup = m_dup if is_dup is None else (is_dup | m_dup)
        zf = m_add.astype(jnp.float32)
        taken = [t + zf * jnp.roll(tap, -s, axis=1)
                 for t, tap in zip(taken, taps)]

    ii_eff = jnp.where(is_dup, NPIX + 8, ii)
    copy_off = (lax.broadcasted_iota(jnp.int32, ii.shape, 1) >> 2) & 3

    idx_ref[...] = ii_eff + copy_off * ACC
    va_ref[...] = jnp.where(is_dup, 0.0, taken[0])
    vb_ref[...] = jnp.where(is_dup, 0.0, taken[1])
    vc_ref[...] = jnp.where(is_dup, 0.0, taken[2])
    vd_ref[...] = jnp.where(is_dup, 0.0, taken[3])


def _stage_a(rs, latent, W0, W1, W2, W3, bias, aux, wd):
    nblk = VPAD // VB
    grid = (nblk,)
    fixed = lambda i: (0, 0)
    out_sd = jax.ShapeDtypeStruct((BATCH, VPAD), jnp.float32)
    return pl.pallas_call(
        _stage_a_body,
        grid=grid,
        in_specs=[
            pl.BlockSpec((BATCH, 8), fixed),
            pl.BlockSpec((BATCH, 64), fixed),
            pl.BlockSpec((64, 64), fixed),
            pl.BlockSpec((64, 64), fixed),
            pl.BlockSpec((64, 64), fixed),
            pl.BlockSpec((64, 64), fixed),
            pl.BlockSpec((8, 64), fixed),
            pl.BlockSpec((8, VB), lambda i: (0, i)),
            pl.BlockSpec((64, VB), lambda i: (0, i)),
        ],
        out_specs=[pl.BlockSpec((BATCH, VB), lambda i: (0, i))] * 5,
        out_shape=[jax.ShapeDtypeStruct((BATCH, VPAD), jnp.int32),
                   out_sd, out_sd, out_sd, out_sd],
    )(rs, latent, W0, W1, W2, W3, bias, aux, wd)



def _sc_scatter_body(idx_hbm, va_hbm, vb_hbm, vc_hbm, vd_hbm, out_hbm,
                     i0, i1, a0, a1, b0, b1, c0, c1, d0, d1,
                     acc, sem0, sem1):
    cid = lax.axis_index("c")
    sid = lax.axis_index("s")
    wid = sid * 2 + cid
    base = sid * VPAD + cid * HALF

    def zbody(i, _):
        acc[pl.ds(i * 16, 16)] = jnp.zeros((16,), jnp.float32)
        return 0
    lax.fori_loop(0, 4 * ACC // 16, zbody, 0)

    bufs = ((i0, a0, b0, c0, d0, sem0), (i1, a1, b1, c1, d1, sem1))

    def start(slot, c):
        off = base + c * CH
        ib, ab, bb, cb2, db, sem = bufs[slot]
        return [
            pltpu.async_copy(idx_hbm.at[pl.ds(off, CH)], ib, sem),
            pltpu.async_copy(va_hbm.at[pl.ds(off, CH)], ab, sem),
            pltpu.async_copy(vb_hbm.at[pl.ds(off, CH)], bb, sem),
            pltpu.async_copy(vc_hbm.at[pl.ds(off, CH)], cb2, sem),
            pltpu.async_copy(vd_hbm.at[pl.ds(off, CH)], db, sem),
        ]

    def consume(slot):
        ib, ab, bb, cb2, db, _ = bufs[slot]

        def cbody(i, _):
            o = i * 16
            iv = ib[pl.ds(o, 16)]
            va = ab[pl.ds(o, 16)]
            vb = bb[pl.ds(o, 16)]
            vc = cb2[pl.ds(o, 16)]
            vd = db[pl.ds(o, 16)]
            plsc.addupdate_scatter(acc, [iv], va)
            plsc.addupdate_scatter(acc, [iv + 1], vb)
            plsc.addupdate_scatter(acc, [iv + XSIZE], vc)
            plsc.addupdate_scatter(acc, [iv + (XSIZE + 1)], vd)
            return 0
        lax.fori_loop(0, CH // 16, cbody, 0)

    pend = start(0, 0)
    for c in range(NCHUNK):
        for cp in pend:
            cp.wait()
        nxt = start((c + 1) & 1, c + 1) if c + 1 < NCHUNK else None
        consume(c & 1)
        pend = nxt

    def mbody(i, _):
        o = i * 16
        acc[pl.ds(o, 16)] = (acc[pl.ds(o, 16)] + acc[pl.ds(o + ACC, 16)]
                             + acc[pl.ds(o + 2 * ACC, 16)]
                             + acc[pl.ds(o + 3 * ACC, 16)])
        return 0
    lax.fori_loop(0, NPIX // 16, mbody, 0)

    pltpu.sync_copy(acc.at[pl.ds(0, NPIX)], out_hbm.at[wid])


def _sc_scatter(idx_flat, va_flat, vb_flat, vc_flat, vd_flat):
    mesh = plsc.VectorSubcoreMesh(core_axis_name="c", subcore_axis_name="s")
    f = functools.partial(
        pl.kernel,
        out_type=jax.ShapeDtypeStruct((NW, NPIX), jnp.float32),
        mesh=mesh,
        compiler_params=pltpu.CompilerParams(needs_layout_passes=False),
        scratch_types=[
            pltpu.VMEM((CH,), jnp.int32), pltpu.VMEM((CH,), jnp.int32),
            pltpu.VMEM((CH,), jnp.float32), pltpu.VMEM((CH,), jnp.float32),
            pltpu.VMEM((CH,), jnp.float32), pltpu.VMEM((CH,), jnp.float32),
            pltpu.VMEM((CH,), jnp.float32), pltpu.VMEM((CH,), jnp.float32),
            pltpu.VMEM((CH,), jnp.float32), pltpu.VMEM((CH,), jnp.float32),
            pltpu.VMEM((4 * ACC,), jnp.float32),
            pltpu.SemaphoreType.DMA, pltpu.SemaphoreType.DMA,
        ],
    )(_sc_scatter_body)
    return f(idx_flat, va_flat, vb_flat, vc_flat, vd_flat)



def _filter_consts():
    t = np.arange(-3, 4, dtype=np.float64)
    k = np.exp(-0.5 * t * t)
    k = k / k.sum()
    kg = np.zeros((XSIZE, XSIZE), dtype=np.float64)
    for off, kv in zip(range(-3, 4), k):
        kg += np.diag(np.full(XSIZE - abs(off), kv), off)
    n = XSIZE
    u = np.arange(n)
    theta = 2.0 * np.pi * np.outer(u, u) / n
    F = np.exp(-1j * theta)
    A = F @ kg
    B = kg @ F
    C2 = np.conj(F) / (n * n)
    D2 = np.conj(F)
    def f32(x):
        return jnp.asarray(np.ascontiguousarray(x), dtype=jnp.float32)
    return (f32(A.real), f32(A.imag), f32(B.real), f32(B.imag),
            f32(C2.real), f32(C2.imag), f32(D2.real), f32(D2.imag))


def _stage_c_body(p_ref, ar_ref, ai_ref, br_ref, bi_ref,
                  cr_ref, ci_ref, dr_ref, di_ref, ctf_ref, out_ref):
    x = p_ref[0, 0] + p_ref[0, 1]
    dot = functools.partial(jnp.dot, precision=_HIGH,
                            preferred_element_type=jnp.float32)
    p = dot(ar_ref[...], x)
    q = dot(ai_ref[...], x)
    zr = dot(p, br_ref[...]) - dot(q, bi_ref[...])
    zi = dot(p, bi_ref[...]) + dot(q, br_ref[...])
    ctf = ctf_ref[...]
    zr = zr * ctf
    zi = zi * ctf
    u = dot(cr_ref[...], zr) - dot(ci_ref[...], zi)
    v = dot(cr_ref[...], zi) + dot(ci_ref[...], zr)
    out_ref[0] = dot(u, dr_ref[...]) - dot(v, di_ref[...])


def _stage_c(parts, ctf):
    consts = _filter_consts()
    fixed2 = lambda i: (0, 0)
    return pl.pallas_call(
        _stage_c_body,
        grid=(BATCH,),
        in_specs=[pl.BlockSpec((1, 2, XSIZE, XSIZE), lambda i: (i, 0, 0, 0))]
                 + [pl.BlockSpec((XSIZE, XSIZE), fixed2)] * 9,
        out_specs=pl.BlockSpec((1, XSIZE, XSIZE), lambda i: (i, 0, 0)),
        out_shape=jax.ShapeDtypeStruct((BATCH, XSIZE, XSIZE), jnp.float32),
    )(parts, *consts, ctf)



def kernel(rows, shifts, latent, coords, base_values,
           W0, b0, W1, b1, W2, b2, W3, b3, Wd, bd, ctf):
    v = coords.shape[0]
    pad = VPAD - v

    rs = jnp.zeros((BATCH, 8), jnp.float32)
    rs = rs.at[:, 0:3].set(rows).at[:, 3:5].set(shifts)
    bias = jnp.stack([b0, b1, b2, b3] + [jnp.zeros_like(b0)] * 4)

    aux = jnp.concatenate(
        [coords.T, base_values[None, :], bd[None, :],
         jnp.zeros((3, v), jnp.float32)], axis=0)
    aux = jnp.pad(aux, ((0, 0), (0, pad)))
    wd_p = jnp.pad(Wd, ((0, 0), (0, pad)))

    idx, va, vb, vc, vd = _stage_a(rs, latent, W0, W1, W2, W3, bias, aux, wd_p)

    parts = _sc_scatter(idx.reshape(-1), va.reshape(-1), vb.reshape(-1),
                        vc.reshape(-1), vd.reshape(-1))

    parts = parts.reshape(BATCH, 2, XSIZE, XSIZE)
    return _stage_c(parts, ctf)

# --- scband reference (transcript-rebuilt; emitter-appended) ---
"""Pipeline reference for scband-decoder-58652073394456 (READ-ONLY COPY).

The authoritative reference and input builder live on the scoring server;
editing this copy changes nothing except your own understanding.
"""

import jax, jax.numpy as jnp
import numpy as np

BATCH = 16
LATENT_DIM = 64
TOTAL_VOXELS = 300000
XSIZE = 128
W0_FIRST = 30.0


def euler_to_rotm(rows):
    a, b, g = rows[:, 0], rows[:, 1], rows[:, 2]
    ca, sa = jnp.cos(a), jnp.sin(a)
    cb, sb = jnp.cos(b), jnp.sin(b)
    cg, sg = jnp.cos(g), jnp.sin(g)
    r00 = cg * cb * ca - sg * sa
    r01 = cg * cb * sa + sg * ca
    r02 = -cg * sb
    r10 = -sg * cb * ca - cg * sa
    r11 = -sg * cb * sa + cg * ca
    r12 = sg * sb
    r20 = sb * ca
    r21 = sb * sa
    r22 = cb
    R = jnp.stack([jnp.stack([r00, r01, r02], axis=-1),
                   jnp.stack([r10, r11, r12], axis=-1),
                   jnp.stack([r20, r21, r22], axis=-1)], axis=-2)
    return R


def siren_net(latent, W0, b0, W1, b1, W2, b2, W3, b3, Wd, bd):
    h = jnp.sin(W0_FIRST * (latent @ W0 + b0))
    for Wi, bi in ((W1, b1), (W2, b2), (W3, b3)):
        h = h + jnp.sin(1.0 * (h @ Wi + bi))
    return h @ Wd + bd


def scatter_img_by_pass(coords, R, shifts, values):
    rot = jnp.einsum('bij,vj->bvi', R, coords)
    px = rot[:, :, 0] + shifts[:, 0:1] + XSIZE / 2.0
    py = rot[:, :, 1] + shifts[:, 1:2] + XSIZE / 2.0
    x0 = jnp.floor(px)
    y0 = jnp.floor(py)
    fx = px - x0
    fy = py - y0
    x0i = jnp.clip(x0.astype(jnp.int32), 0, XSIZE - 1)
    x1i = jnp.clip(x0i + 1, 0, XSIZE - 1)
    y0i = jnp.clip(y0.astype(jnp.int32), 0, XSIZE - 1)
    y1i = jnp.clip(y0i + 1, 0, XSIZE - 1)
    w00 = (1.0 - fx) * (1.0 - fy)
    w01 = fx * (1.0 - fy)
    w10 = (1.0 - fx) * fy
    w11 = fx * fy
    b = jnp.broadcast_to(jnp.arange(values.shape[0])[:, None], x0i.shape)
    imgs = jnp.zeros((values.shape[0], XSIZE, XSIZE), dtype=values.dtype)
    imgs = imgs.at[b, y0i, x0i].add(values * w00)
    imgs = imgs.at[b, y0i, x1i].add(values * w01)
    imgs = imgs.at[b, y1i, x0i].add(values * w10)
    imgs = imgs.at[b, y1i, x1i].add(values * w11)
    return imgs


def gaussian_filter_image(imgs):
    t = jnp.arange(-3, 4, dtype=imgs.dtype)
    k = jnp.exp(-0.5 * t * t)
    k = k / jnp.sum(k)
    x = imgs[:, None, :, :]
    x = jax.lax.conv_general_dilated(x, k.reshape(1, 1, 1, 7), (1, 1), 'SAME')
    x = jax.lax.conv_general_dilated(x, k.reshape(1, 1, 7, 1), (1, 1), 'SAME')
    return x[:, 0, :, :]


def ctf_filter_image(imgs, ctf):
    ft = jnp.fft.fft2(imgs)
    return jnp.real(jnp.fft.ifft2(ft * ctf[None, :, :].astype(ft.dtype)))


def setup_inputs(seed: int = 0):
    key = jax.random.key(seed)
    ks = jax.random.split(key, 16)
    rows = jax.random.uniform(ks[0], (BATCH, 3), dtype=jnp.float32) * 2.0 * np.pi
    shifts = jax.random.normal(ks[1], (BATCH, 2), dtype=jnp.float32) * 2.0
    latent = jax.random.normal(ks[2], (BATCH, LATENT_DIM), dtype=jnp.float32)
    coords = (jax.random.uniform(ks[3], (TOTAL_VOXELS, 3), dtype=jnp.float32) - 0.5) * (XSIZE - 2)
    base_values = jax.random.normal(ks[4], (TOTAL_VOXELS,), dtype=jnp.float32) * 0.1
    s0 = 6.0 / LATENT_DIM
    W0 = jax.random.uniform(ks[5], (LATENT_DIM, LATENT_DIM), dtype=jnp.float32, minval=-s0, maxval=s0)
    b0 = jnp.zeros((LATENT_DIM,), dtype=jnp.float32)
    c = float(np.sqrt(6.0 / LATENT_DIM))
    W1 = jax.random.uniform(ks[6], (LATENT_DIM, LATENT_DIM), dtype=jnp.float32, minval=-c, maxval=c)
    b1 = jnp.zeros((LATENT_DIM,), dtype=jnp.float32)
    W2 = jax.random.uniform(ks[7], (LATENT_DIM, LATENT_DIM), dtype=jnp.float32, minval=-c, maxval=c)
    b2 = jnp.zeros((LATENT_DIM,), dtype=jnp.float32)
    W3 = jax.random.uniform(ks[8], (LATENT_DIM, LATENT_DIM), dtype=jnp.float32, minval=-c, maxval=c)
    b3 = jnp.zeros((LATENT_DIM,), dtype=jnp.float32)
    Wd = jax.random.normal(ks[9], (LATENT_DIM, TOTAL_VOXELS), dtype=jnp.float32) * 0.01
    bd = jnp.zeros((TOTAL_VOXELS,), dtype=jnp.float32)
    f = np.fft.fftfreq(XSIZE).astype(np.float32)
    g2 = f[:, None] ** 2 + f[None, :] ** 2
    ctf = jnp.asarray(np.sin(300.0 * g2 + 0.3).astype(np.float32))
    return {"rows": rows, "shifts": shifts, "latent": latent, "coords": coords,
            "base_values": base_values, "W0": W0, "b0": b0, "W1": W1, "b1": b1,
            "W2": W2, "b2": b2, "W3": W3, "b3": b3, "Wd": Wd, "bd": bd, "ctf": ctf}


def reference(rows, shifts, latent, coords, base_values, W0, b0, W1, b1, W2, b2, W3, b3, Wd, bd, ctf):
    R = euler_to_rotm(rows)
    delta = siren_net(latent, W0, b0, W1, b1, W2, b2, W3, b3, Wd, bd)
    values = base_values[None, :] + delta
    imgs = scatter_img_by_pass(coords, R, shifts, values)
    imgs = gaussian_filter_image(imgs)
    imgs = ctf_filter_image(imgs, ctf)
    return imgs

if __name__ == "__main__":
    import jax
    _d = setup_inputs()
    print(jax.jit(kernel)(*tuple(_d.values())))

</pallas_src>

<mosaic_0001>
#map = affine_map<(d0, d1) -> (0)>
#map1 = affine_map<(d0, d1) -> (0, 0)>
module attributes {stable_mosaic.version = 14 : i64} {
  func.func @_sc_scatter_body(%arg0: i32, %arg1: i32, %arg2: memref<4915200xi32, #tpu.memory_space<hbm>>, %arg3: memref<4915200xf32, #tpu.memory_space<hbm>>, %arg4: memref<4915200xf32, #tpu.memory_space<hbm>>, %arg5: memref<4915200xf32, #tpu.memory_space<hbm>>, %arg6: memref<4915200xf32, #tpu.memory_space<hbm>>, %arg7: memref<32x16384xf32, #tpu.memory_space<hbm>>, %arg8: memref<5120xi32, #tpu.memory_space<vmem>>, %arg9: memref<5120xi32, #tpu.memory_space<vmem>>, %arg10: memref<5120xf32, #tpu.memory_space<vmem>>, %arg11: memref<5120xf32, #tpu.memory_space<vmem>>, %arg12: memref<5120xf32, #tpu.memory_space<vmem>>, %arg13: memref<5120xf32, #tpu.memory_space<vmem>>, %arg14: memref<5120xf32, #tpu.memory_space<vmem>>, %arg15: memref<5120xf32, #tpu.memory_space<vmem>>, %arg16: memref<5120xf32, #tpu.memory_space<vmem>>, %arg17: memref<5120xf32, #tpu.memory_space<vmem>>, %arg18: memref<66304xf32, #tpu.memory_space<vmem>>, %arg19: memref<!tpu.dma_semaphore, #tpu.memory_space<semaphore_mem>>, %arg20: memref<!tpu.dma_semaphore, #tpu.memory_space<semaphore_mem>>) attributes {dimension_semantics = [#tpu.dimension_semantics<core_parallel>, #tpu.dimension_semantics<subcore_parallel>], iteration_bounds = array<i64: 2, 16>, scalar_prefetch = 0 : i64, scratch_operands = 13 : i64, tpu.core_type = #tpu.core_type<sc_vector_subcore>, window_params = [{transform_indices = #map}, {transform_indices = #map}, {transform_indices = #map}, {transform_indices = #map}, {transform_indices = #map}, {transform_indices = #map1}]} {
    %mul3A = arith.constant 2 : i32
    %mul3A_0 = arith.muli %arg1, %mul3A : i32
    %add3A = arith.addi %mul3A_0, %arg0 : i32
    %mul3A_1 = arith.constant 307200 : i32
    %mul3A_2 = arith.muli %arg1, %mul3A_1 : i32
    %mul3A_3 = arith.constant 153600 : i32
    %mul3A_4 = arith.muli %arg0, %mul3A_3 : i32
    %add3A_5 = arith.addi %mul3A_2, %mul3A_4 : i32
    %scan3A = arith.constant 0 : i32
    %scan3A_6 = arith.constant 0 : i32
    %scan3A_7 = arith.constant 4144 : i32
    %scan3A_8 = arith.addi %scan3A_6, %scan3A_7 : i32
    %scan3A_9 = arith.constant 1 : i32
    %scan3A_10 = scf.for %scan3A_887 = %scan3A_6 to %scan3A_8 step %scan3A_9 iter_args(%scan3A_888 = %scan3A) -> (i32)  : i32 {
      %broadcast_in_dim3A = arith.constant 0.000000e+00 : f32
      %broadcast_in_dim3A_889 = vector.broadcast %broadcast_in_dim3A : f32 to vector<16xf32>
      %mul3A_890 = arith.constant 16 : i32
      %mul3A_891 = arith.muli %scan3A_887, %mul3A_890 : i32
      %swap3A = arith.index_cast %mul3A_891 : i32 to index
      %swap3A_892 = tpu.vector_load %arg18[%swap3A] {strides = array<i32>} : memref<66304xf32, #tpu.memory_space<vmem>>, vector<16xf32>,
      tpu.vector_store %arg18[%swap3A], %broadcast_in_dim3A_889 {strides = array<i32>} : memref<66304xf32, #tpu.memory_space<vmem>>, vector<16xf32>,
      %scan3A_893 = arith.constant 0 : i32
      scf.yield %scan3A_893 : i32
    }
    %scan3A_11 = arith.constant 4144 : i32
    %add3A_12 = arith.constant 0 : i32
    %add3A_13 = arith.addi %add3A_5, %add3A_12 : i32
    %dma_start3A = tpu.memref_slice %arg2[%add3A_13] : memref<4915200xi32, #tpu.memory_space<hbm>> -> memref<5120xi32, #tpu.memory_space<hbm>>
    %dma_start3A_14 = tpu.memref_slice %arg2[%add3A_13] : memref<4915200xi32, #tpu.memory_space<hbm>> -> memref<5120xi32, #tpu.memory_space<hbm>>
    tpu.enqueue_dma source(%dma_start3A_14 : memref<5120xi32, #tpu.memory_space<hbm>>) target(%arg8 : memref<5120xi32, #tpu.memory_space<vmem>>) target_semaphore(%arg19 : memref<!tpu.dma_semaphore, #tpu.memory_space<semaphore_mem>>)
    %dma_start3A_15 = tpu.memref_slice %arg3[%add3A_13] : memref<4915200xf32, #tpu.memory_space<hbm>> -> memref<5120xf32, #tpu.memory_space<hbm>>
    %dma_start3A_16 = tpu.memref_slice %arg3[%add3A_13] : memref<4915200xf32, #tpu.memory_space<hbm>> -> memref<5120xf32, #tpu.memory_space<hbm>>
    tpu.enqueue_dma source(%dma_start3A_16 : memref<5120xf32, #tpu.memory_space<hbm>>) target(%arg10 : memref<5120xf32, #tpu.memory_space<vmem>>) target_semaphore(%arg19 : memref<!tpu.dma_semaphore, #tpu.memory_space<semaphore_mem>>)
    %dma_start3A_17 = tpu.memref_slice %arg4[%add3A_13] : memref<4915200xf32, #tpu.memory_space<hbm>> -> memref<5120xf32, #tpu.memory_space<hbm>>
    %dma_start3A_18 = tpu.memref_slice %arg4[%add3A_13] : memref<4915200xf32, #tpu.memory_space<hbm>> -> memref<5120xf32, #tpu.memory_space<hbm>>
    tpu.enqueue_dma source(%dma_start3A_18 : memref<5120xf32, #tpu.memory_space<hbm>>) target(%arg12 : memref<5120xf32, #tpu.memory_space<vmem>>) target_semaphore(%arg19 : memref<!tpu.dma_semaphore, #tpu.memory_space<semaphore_mem>>)
    %dma_start3A_19 = tpu.memref_slice %arg5[%add3A_13] : memref<4915200xf32, #tpu.memory_space<hbm>> -> memref<5120xf32, #tpu.memory_space<hbm>>
    %dma_start3A_20 = tpu.memref_slice %arg5[%add3A_13] : memref<4915200xf32, #tpu.memory_space<hbm>> -> memref<5120xf32, #tpu.memory_space<hbm>>
    tpu.enqueue_dma source(%dma_start3A_20 : memref<5120xf32, #tpu.memory_space<hbm>>) target(%arg14 : memref<5120xf32, #tpu.memory_space<vmem>>) target_semaphore(%arg19 : memref<!tpu.dma_semaphore, #tpu.memory_space<semaphore_mem>>)
    %dma_start3A_21 = tpu.memref_slice %arg6[%add3A_13] : memref<4915200xf32, #tpu.memory_space<hbm>> -> memref<5120xf32, #tpu.memory_space<hbm>>
    %dma_start3A_22 = tpu.memref_slice %arg6[%add3A_13] : memref<4915200xf32, #tpu.memory_space<hbm>> -> memref<5120xf32, #tpu.memory_space<hbm>>
    tpu.enqueue_dma source(%dma_start3A_22 : memref<5120xf32, #tpu.memory_space<hbm>>) target(%arg16 : memref<5120xf32, #tpu.memory_space<vmem>>) target_semaphore(%arg19 : memref<!tpu.dma_semaphore, #tpu.memory_space<semaphore_mem>>)
    %dma_wait3A = tpu.memref_slice %arg2[%add3A_13] : memref<4915200xi32, #tpu.memory_space<hbm>> -> memref<5120xi32, #tpu.memory_space<hbm>>
    %dma_wait3A_23 = tpu.memref_slice %arg2[%add3A_13] : memref<4915200xi32, #tpu.memory_space<hbm>> -> memref<5120xi32, #tpu.memory_space<hbm>>
    tpu.wait_dma2 semaphore(%arg19 : memref<!tpu.dma_semaphore, #tpu.memory_space<semaphore_mem>>) src(%dma_wait3A_23 : memref<5120xi32, #tpu.memory_space<hbm>>) dst(%arg8 : memref<5120xi32, #tpu.memory_space<vmem>>)
    %dma_wait3A_24 = tpu.memref_slice %arg3[%add3A_13] : memref<4915200xf32, #tpu.memory_space<hbm>> -> memref<5120xf32, #tpu.memory_space<hbm>>
    %dma_wait3A_25 = tpu.memref_slice %arg3[%add3A_13] : memref<4915200xf32, #tpu.memory_space<hbm>> -> memref<5120xf32, #tpu.memory_space<hbm>>
    tpu.wait_dma2 semaphore(%arg19 : memref<!tpu.dma_semaphore, #tpu.memory_space<semaphore_mem>>) src(%dma_wait3A_25 : memref<5120xf32, #tpu.memory_space<hbm>>) dst(%arg10 : memref<5120xf32, #tpu.memory_space<vmem>>)
    %dma_wait3A_26 = tpu.memref_slice %arg4[%add3A_13] : memref<4915200xf32, #tpu.memory_space<hbm>> -> memref<5120xf32, #tpu.memory_space<hbm>>
    %dma_wait3A_27 = tpu.memref_slice %arg4[%add3A_13] : memref<4915200xf32, #tpu.memory_space<hbm>> -> memref<5120xf32, #tpu.memory_space<hbm>>
    tpu.wait_dma2 semaphore(%arg19 : memref<!tpu.dma_semaphore, #tpu.memory_space<semaphore_mem>>) src(%dma_wait3A_27 : memref<5120xf32, #tpu.memory_space<hbm>>) dst(%arg12 : memref<5120xf32, #tpu.memory_space<vmem>>)
    %dma_wait3A_28 = tpu.memref_slice %arg5[%add3A_13] : memref<4915200xf32, #tpu.memory_space<hbm>> -> memref<5120xf32, #tpu.memory_space<hbm>>
    %dma_wait3A_29 = tpu.memref_slice %arg5[%add3A_13] : memref<4915200xf32, #tpu.memory_space<hbm>> -> memref<5120xf32, #tpu.memory_space<hbm>>
    tpu.wait_dma2 semaphore(%arg19 : memref<!tpu.dma_semaphore, #tpu.memory_space<semaphore_mem>>) src(%dma_wait3A_29 : memref<5120xf32, #tpu.memory_space<hbm>>) dst(%arg14 : memref<5120xf32, #tpu.memory_space<vmem>>)
    %dma_wait3A_30 = tpu.memref_slice %arg6[%add3A_13] : memref<4915200xf32, #tpu.memory_space<hbm>> -> memref<5120xf32, #tpu.memory_space<hbm>>
    %dma_wait3A_31 = tpu.memref_slice %arg6[%add3A_13] : memref<4915200xf32, #tpu.memory_space<hbm>> -> memref<5120xf32, #tpu.memory_space<hbm>>
    tpu.wait_dma2 semaphore(%arg19 : memref<!tpu.dma_semaphore, #tpu.memory_space<semaphore_mem>>) src(%dma_wait3A_31 : memref<5120xf32, #tpu.memory_space<hbm>>) dst(%arg16 : memref<5120xf32, #tpu.memory_space<vmem>>)
    %add3A_32 = arith.constant 5120 : i32
    %add3A_33 = arith.addi %add3A_5, %add3A_32 : i32
    %dma_start3A_34 = tpu.memref_slice %arg2[%add3A_33] : memref<4915200xi32, #tpu.memory_space<hbm>> -> memref<5120xi32, #tpu.memory_space<hbm>>
    %dma_start3A_35 = tpu.memref_slice %arg2[%add3A_33] : memref<4915200xi32, #tpu.memory_space<hbm>> -> memref<5120xi32, #tpu.memory_space<hbm>>
    tpu.enqueue_dma source(%dma_start3A_35 : memref<5120xi32, #tpu.memory_space<hbm>>) target(%arg9 : memref<5120xi32, #tpu.memory_space<vmem>>) target_semaphore(%arg20 : memref<!tpu.dma_semaphore, #tpu.memory_space<semaphore_mem>>)
    %dma_start3A_36 = tpu.memref_slice %arg3[%add3A_33] : memref<4915200xf32, #tpu.memory_space<hbm>> -> memref<5120xf32, #tpu.memory_space<hbm>>
    %dma_start3A_37 = tpu.memref_slice %arg3[%add3A_33] : memref<4915200xf32, #tpu.memory_space<hbm>> -> memref<5120xf32, #tpu.memory_space<hbm>>
    tpu.enqueue_dma source(%dma_start3A_37 : memref<5120xf32, #tpu.memory_space<hbm>>) target(%arg11 : memref<5120xf32, #tpu.memory_space<vmem>>) target_semaphore(%arg20 : memref<!tpu.dma_semaphore, #tpu.memory_space<semaphore_mem>>)
    %dma_start3A_38 = tpu.memref_slice %arg4[%add3A_33] : memref<4915200xf32, #tpu.memory_space<hbm>> -> memref<5120xf32, #tpu.memory_space<hbm>>
    %dma_start3A_39 = tpu.memref_slice %arg4[%add3A_33] : memref<4915200xf32, #tpu.memory_space<hbm>> -> memref<5120xf32, #tpu.memory_space<hbm>>
    tpu.enqueue_dma source(%dma_start3A_39 : memref<5120xf32, #tpu.memory_space<hbm>>) target(%arg13 : memref<5120xf32, #tpu.memory_space<vmem>>) target_semaphore(%arg20 : memref<!tpu.dma_semaphore, #tpu.memory_space<semaphore_mem>>)
    %dma_start3A_40 = tpu.memref_slice %arg5[%add3A_33] : memref<4915200xf32, #tpu.memory_space<hbm>> -> memref<5120xf32, #tpu.memory_space<hbm>>
    %dma_start3A_41 = tpu.memref_slice %arg5[%add3A_33] : memref<4915200xf32, #tpu.memory_space<hbm>> -> memref<5120xf32, #tpu.memory_space<hbm>>
    tpu.enqueue_dma source(%dma_start3A_41 : memref<5120xf32, #tpu.memory_space<hbm>>) target(%arg15 : memref<5120xf32, #tpu.memory_space<vmem>>) target_semaphore(%arg20 : memref<!tpu.dma_semaphore, #tpu.memory_space<semaphore_mem>>)
    %dma_start3A_42 = tpu.memref_slice %arg6[%add3A_33] : memref<4915200xf32, #tpu.memory_space<hbm>> -> memref<5120xf32, #tpu.memory_space<hbm>>
    %dma_start3A_43 = tpu.memref_slice %arg6[%add3A_33] : memref<4915200xf32, #tpu.memory_space<hbm>> -> memref<5120xf32, #tpu.memory_space<hbm>>
    tpu.enqueue_dma source(%dma_start3A_43 : memref<5120xf32, #tpu.memory_space<hbm>>) target(%arg17 : memref<5120xf32, #tpu.memory_space<vmem>>) target_semaphore(%arg20 : memref<!tpu.dma_semaphore, #tpu.memory_space<semaphore_mem>>)
    %scan3A_44 = arith.constant 0 : i32
    %scan3A_45 = arith.constant 0 : i32
    %scan3A_46 = arith.constant 320 : i32
    %scan3A_47 = arith.addi %scan3A_45, %scan3A_46 : i32
    %scan3A_48 = arith.constant 1 : i32
    %scan3A_49 = scf.for %scan3A_887 = %scan3A_45 to %scan3A_47 step %scan3A_48 iter_args(%scan3A_888 = %scan3A_44) -> (i32)  : i32 {
      %mul3A_889 = arith.constant 16 : i32
      %mul3A_890 = arith.muli %scan3A_887, %mul3A_889 : i32
      %get3A = arith.index_cast %mul3A_890 : i32 to index
      %get3A_891 = tpu.vector_load %arg8[%get3A] {strides = array<i32>} : memref<5120xi32, #tpu.memory_space<vmem>>, vector<16xi32>,
      %get3A_892 = arith.index_cast %mul3A_890 : i32 to index
      %get3A_893 = tpu.vector_load %arg10[%get3A_892] {strides = array<i32>} : memref<5120xf32, #tpu.memory_space<vmem>>, vector<16xf32>,
      %get3A_894 = arith.index_cast %mul3A_890 : i32 to index
      %get3A_895 = tpu.vector_load %arg12[%get3A_894] {strides = array<i32>} : memref<5120xf32, #tpu.memory_space<vmem>>, vector<16xf32>,
      %get3A_896 = arith.index_cast %mul3A_890 : i32 to index
      %get3A_897 = tpu.vector_load %arg14[%get3A_896] {strides = array<i32>} : memref<5120xf32, #tpu.memory_space<vmem>>, vector<16xf32>,
      %get3A_898 = arith.index_cast %mul3A_890 : i32 to index
      %get3A_899 = tpu.vector_load %arg16[%get3A_898] {strides = array<i32>} : memref<5120xf32, #tpu.memory_space<vmem>>, vector<16xf32>,
      tpu.vector_store_idx %arg18[%get3A_891], %get3A_893 {add = true} : memref<66304xf32, #tpu.memory_space<vmem>>[vector<16xi32>], vector<16xf32>,
      %add3A_900 = arith.constant 1 : i32
      %add3A_901 = vector.broadcast %add3A_900 : i32 to vector<16xi32>
      %add3A_902 = arith.addi %get3A_891, %add3A_901 : vector<16xi32>
      tpu.vector_store_idx %arg18[%add3A_902], %get3A_895 {add = true} : memref<66304xf32, #tpu.memory_space<vmem>>[vector<16xi32>], vector<16xf32>,
      %add3A_903 = arith.constant 128 : i32
      %add3A_904 = vector.broadcast %add3A_903 : i32 to vector<16xi32>
      %add3A_905 = arith.addi %get3A_891, %add3A_904 : vector<16xi32>
      tpu.vector_store_idx %arg18[%add3A_905], %get3A_897 {add = true} : memref<66304xf32, #tpu.memory_space<vmem>>[vector<16xi32>], vector<16xf32>,
      %add3A_906 = arith.constant 129 : i32
      %add3A_907 = vector.broadcast %add3A_906 : i32 to vector<16xi32>
      %add3A_908 = arith.addi %get3A_891, %add3A_907 : vector<16xi32>
      tpu.vector_store_idx %arg18[%add3A_908], %get3A_899 {add = true} : memref<66304xf32, #tpu.memory_space<vmem>>[vector<16xi32>], vector<16xf32>,
      %scan3A_909 = arith.constant 0 : i32
      scf.yield %scan3A_909 : i32
    }
    %scan3A_50 = arith.constant 320 : i32
    %dma_wait3A_51 = tpu.memref_slice %arg2[%add3A_33] : memref<4915200xi32, #tpu.memory_space<hbm>> -> memref<5120xi32, #tpu.memory_space<hbm>>
    %dma_wait3A_52 = tpu.memref_slice %arg2[%add3A_33] : memref<4915200xi32, #tpu.memory_space<hbm>> -> memref<5120xi32, #tpu.memory_space<hbm>>
    tpu.wait_dma2 semaphore(%arg20 : memref<!tpu.dma_semaphore, #tpu.memory_space<semaphore_mem>>) src(%dma_wait3A_52 : memref<5120xi32, #tpu.memory_space<hbm>>) dst(%arg9 : memref<5120xi32, #tpu.memory_space<vmem>>)
    %dma_wait3A_53 = tpu.memref_slice %arg3[%add3A_33] : memref<4915200xf32, #tpu.memory_space<hbm>> -> memref<5120xf32, #tpu.memory_space<hbm>>
    %dma_wait3A_54 = tpu.memref_slice %arg3[%add3A_33] : memref<4915200xf32, #tpu.memory_space<hbm>> -> memref<5120xf32, #tpu.memory_space<hbm>>
    tpu.wait_dma2 semaphore(%arg20 : memref<!tpu.dma_semaphore, #tpu.memory_space<semaphore_mem>>) src(%dma_wait3A_54 : memref<5120xf32, #tpu.memory_space<hbm>>) dst(%arg11 : memref<5120xf32, #tpu.memory_space<vmem>>)
    %dma_wait3A_55 = tpu.memref_slice %arg4[%add3A_33] : memref<4915200xf32, #tpu.memory_space<hbm>> -> memref<5120xf32, #tpu.memory_space<hbm>>
    %dma_wait3A_56 = tpu.memref_slice %arg4[%add3A_33] : memref<4915200xf32, #tpu.memory_space<hbm>> -> memref<5120xf32, #tpu.memory_space<hbm>>
    tpu.wait_dma2 semaphore(%arg20 : memref<!tpu.dma_semaphore, #tpu.memory_space<semaphore_mem>>) src(%dma_wait3A_56 : memref<5120xf32, #tpu.memory_space<hbm>>) dst(%arg13 : memref<5120xf32, #tpu.memory_space<vmem>>)
    %dma_wait3A_57 = tpu.memref_slice %arg5[%add3A_33] : memref<4915200xf32, #tpu.memory_space<hbm>> -> memref<5120xf32, #tpu.memory_space<hbm>>
    %dma_wait3A_58 = tpu.memref_slice %arg5[%add3A_33] : memref<4915200xf32, #tpu.memory_space<hbm>> -> memref<5120xf32, #tpu.memory_space<hbm>>
    tpu.wait_dma2 semaphore(%arg20 : memref<!tpu.dma_semaphore, #tpu.memory_space<semaphore_mem>>) src(%dma_wait3A_58 : memref<5120xf32, #tpu.memory_space<hbm>>) dst(%arg15 : memref<5120xf32, #tpu.memory_space<vmem>>)
    %dma_wait3A_59 = tpu.memref_slice %arg6[%add3A_33] : memref<4915200xf32, #tpu.memory_space<hbm>> -> memref<5120xf32, #tpu.memory_space<hbm>>
    %dma_wait3A_60 = tpu.memref_slice %arg6[%add3A_33] : memref<4915200xf32, #tpu.memory_space<hbm>> -> memref<5120xf32, #tpu.memory_space<hbm>>
    tpu.wait_dma2 semaphore(%arg20 : memref<!tpu.dma_semaphore, #tpu.memory_space<semaphore_mem>>) src(%dma_wait3A_60 : memref<5120xf32, #tpu.memory_space<hbm>>) dst(%arg17 : memref<5120xf32, #tpu.memory_space<vmem>>)
    %add3A_61 = arith.constant 10240 : i32
    %add3A_62 = arith.addi %add3A_5, %add3A_61 : i32
    %dma_start3A_63 = tpu.memref_slice %arg2[%add3A_62] : memref<4915200xi32, #tpu.memory_space<hbm>> -> memref<5120xi32, #tpu.memory_space<hbm>>
    %dma_start3A_64 = tpu.memref_slice %arg2[%add3A_62] : memref<4915200xi32, #tpu.memory_space<hbm>> -> memref<5120xi32, #tpu.memory_space<hbm>>
    tpu.enqueue_dma source(%dma_start3A_64 : memref<5120xi32, #tpu.memory_space<hbm>>) target(%arg8 : memref<5120xi32, #tpu.memory_space<vmem>>) target_semaphore(%arg19 : memref<!tpu.dma_semaphore, #tpu.memory_space<semaphore_mem>>)
    %dma_start3A_65 = tpu.memref_slice %arg3[%add3A_62] : memref<4915200xf32, #tpu.memory_space<hbm>> -> memref<5120xf32, #tpu.memory_space<hbm>>
    %dma_start3A_66 = tpu.memref_slice %arg3[%add3A_62] : memref<4915200xf32, #tpu.memory_space<hbm>> -> memref<5120xf32, #tpu.memory_space<hbm>>
    tpu.enqueue_dma source(%dma_start3A_66 : memref<5120xf32, #tpu.memory_space<hbm>>) target(%arg10 : memref<5120xf32, #tpu.memory_space<vmem>>) target_semaphore(%arg19 : memref<!tpu.dma_semaphore, #tpu.memory_space<semaphore_mem>>)
    %dma_start3A_67 = tpu.memref_slice %arg4[%add3A_62] : memref<4915200xf32, #tpu.memory_space<hbm>> -> memref<5120xf32, #tpu.memory_space<hbm>>
    %dma_start3A_68 = tpu.memref_slice %arg4[%add3A_62] : memref<4915200xf32, #tpu.memory_space<hbm>> -> memref<5120xf32, #tpu.memory_space<hbm>>
    tpu.enqueue_dma source(%dma_start3A_68 : memref<5120xf32, #tpu.memory_space<hbm>>) target(%arg12 : memref<5120xf32, #tpu.memory_space<vmem>>) target_semaphore(%arg19 : memref<!tpu.dma_semaphore, #tpu.memory_space<semaphore_mem>>)
    %dma_start3A_69 = tpu.memref_slice %arg5[%add3A_62] : memref<4915200xf32, #tpu.memory_space<hbm>> -> memref<5120xf32, #tpu.memory_space<hbm>>
    %dma_start3A_70 = tpu.memref_slice %arg5[%add3A_62] : memref<4915200xf32, #tpu.memory_space<hbm>> -> memref<5120xf32, #tpu.memory_space<hbm>>
    tpu.enqueue_dma source(%dma_start3A_70 : memref<5120xf32, #tpu.memory_space<hbm>>) target(%arg14 : memref<5120xf32, #tpu.memory_space<vmem>>) target_semaphore(%arg19 : memref<!tpu.dma_semaphore, #tpu.memory_space<semaphore_mem>>)
    %dma_start3A_71 = tpu.memref_slice %arg6[%add3A_62] : memref<4915200xf32, #tpu.memory_space<hbm>> -> memref<5120xf32, #tpu.memory_space<hbm>>
    %dma_start3A_72 = tpu.memref_slice %arg6[%add3A_62] : memref<4915200xf32, #tpu.memory_space<hbm>> -> memref<5120xf32, #tpu.memory_space<hbm>>
    tpu.enqueue_dma source(%dma_start3A_72 : memref<5120xf32, #tpu.memory_space<hbm>>) target(%arg16 : memref<5120xf32, #tpu.memory_space<vmem>>) target_semaphore(%arg19 : memref<!tpu.dma_semaphore, #tpu.memory_space<semaphore_mem>>)
    %scan3A_73 = arith.constant 0 : i32
    %scan3A_74 = arith.constant 0 : i32
    %scan3A_75 = arith.constant 320 : i32
    %scan3A_76 = arith.addi %scan3A_74, %scan3A_75 : i32
    %scan3A_77 = arith.constant 1 : i32
    %scan3A_78 = scf.for %scan3A_887 = %scan3A_74 to %scan3A_76 step %scan3A_77 iter_args(%scan3A_888 = %scan3A_73) -> (i32)  : i32 {
      %mul3A_889 = arith.constant 16 : i32
      %mul3A_890 = arith.muli %scan3A_887, %mul3A_889 : i32
      %get3A = arith.index_cast %mul3A_890 : i32 to index
      %get3A_891 = tpu.vector_load %arg9[%get3A] {strides = array<i32>} : memref<5120xi32, #tpu.memory_space<vmem>>, vector<16xi32>,
      %get3A_892 = arith.index_cast %mul3A_890 : i32 to index
      %get3A_893 = tpu.vector_load %arg11[%get3A_892] {strides = array<i32>} : memref<5120xf32, #tpu.memory_space<vmem>>, vector<16xf32>,
      %get3A_894 = arith.index_cast %mul3A_890 : i32 to index
      %get3A_895 = tpu.vector_load %arg13[%get3A_894] {strides = array<i32>} : memref<5120xf32, #tpu.memory_space<vmem>>, vector<16xf32>,
      %get3A_896 = arith.index_cast %mul3A_890 : i32 to index
      %get3A_897 = tpu.vector_load %arg15[%get3A_896] {strides = array<i32>} : memref<5120xf32, #tpu.memory_space<vmem>>, vector<16xf32>,
      %get3A_898 = arith.index_cast %mul3A_890 : i32 to index
      %get3A_899 = tpu.vector_load %arg17[%get3A_898] {strides = array<i32>} : memref<5120xf32, #tpu.memory_space<vmem>>, vector<16xf32>,
      tpu.vector_store_idx %arg18[%get3A_891], %get3A_893 {add = true} : memref<66304xf32, #tpu.memory_space<vmem>>[vector<16xi32>], vector<16xf32>,
      %add3A_900 = arith.constant 1 : i32
      %add3A_901 = vector.broadcast %add3A_900 : i32 to vector<16xi32>
      %add3A_902 = arith.addi %get3A_891, %add3A_901 : vector<16xi32>
      tpu.vector_store_idx %arg18[%add3A_902], %get3A_895 {add = true} : memref<66304xf32, #tpu.memory_space<vmem>>[vector<16xi32>], vector<16xf32>,
      %add3A_903 = arith.constant 128 : i32
      %add3A_904 = vector.broadcast %add3A_903 : i32 to vector<16xi32>
      %add3A_905 = arith.addi %get3A_891, %add3A_904 : vector<16xi32>
      tpu.vector_store_idx %arg18[%add3A_905], %get3A_897 {add = true} : memref<66304xf32, #tpu.memory_space<vmem>>[vector<16xi32>], vector<16xf32>,
      %add3A_906 = arith.constant 129 : i32
      %add3A_907 = vector.broadcast %add3A_906 : i32 to vector<16xi32>
      %add3A_908 = arith.addi %get3A_891, %add3A_907 : vector<16xi32>
      tpu.vector_store_idx %arg18[%add3A_908], %get3A_899 {add = true} : memref<66304xf32, #tpu.memory_space<vmem>>[vector<16xi32>], vector<16xf32>,
      %scan3A_909 = arith.constant 0 : i32
      scf.yield %scan3A_909 : i32
    }
    %scan3A_79 = arith.constant 320 : i32
    %dma_wait3A_80 = tpu.memref_slice %arg2[%add3A_62] : memref<4915200xi32, #tpu.memory_space<hbm>> -> memref<5120xi32, #tpu.memory_space<hbm>>
    %dma_wait3A_81 = tpu.memref_slice %arg2[%add3A_62] : memref<4915200xi32, #tpu.memory_space<hbm>> -> memref<5120xi32, #tpu.memory_space<hbm>>
    tpu.wait_dma2 semaphore(%arg19 : memref<!tpu.dma_semaphore, #tpu.memory_space<semaphore_mem>>) src(%dma_wait3A_81 : memref<5120xi32, #tpu.memory_space<hbm>>) dst(%arg8 : memref<5120xi32, #tpu.memory_space<vmem>>)
    %dma_wait3A_82 = tpu.memref_slice %arg3[%add3A_62] : memref<4915200xf32, #tpu.memory_space<hbm>> -> memref<5120xf32, #tpu.memory_space<hbm>>
    %dma_wait3A_83 = tpu.memref_slice %arg3[%add3A_62] : memref<4915200xf32, #tpu.memory_space<hbm>> -> memref<5120xf32, #tpu.memory_space<hbm>>
    tpu.wait_dma2 semaphore(%arg19 : memref<!tpu.dma_semaphore, #tpu.memory_space<semaphore_mem>>) src(%dma_wait3A_83 : memref<5120xf32, #tpu.memory_space<hbm>>) dst(%arg10 : memref<5120xf32, #tpu.memory_space<vmem>>)
    %dma_wait3A_84 = tpu.memref_slice %arg4[%add3A_62] : memref<4915200xf32, #tpu.memory_space<hbm>> -> memref<5120xf32, #tpu.memory_space<hbm>>
    %dma_wait3A_85 = tpu.memref_slice %arg4[%add3A_62] : memref<4915200xf32, #tpu.memory_space<hbm>> -> memref<5120xf32, #tpu.memory_space<hbm>>
    tpu.wait_dma2 semaphore(%arg19 : memref<!tpu.dma_semaphore, #tpu.memory_space<semaphore_mem>>) src(%dma_wait3A_85 : memref<5120xf32, #tpu.memory_space<hbm>>) dst(%arg12 : memref<5120xf32, #tpu.memory_space<vmem>>)
    %dma_wait3A_86 = tpu.memref_slice %arg5[%add3A_62] : memref<4915200xf32, #tpu.memory_space<hbm>> -> memref<5120xf32, #tpu.memory_space<hbm>>
    %dma_wait3A_87 = tpu.memref_slice %arg5[%add3A_62] : memref<4915200xf32, #tpu.memory_space<hbm>> -> memref<5120xf32, #tpu.memory_space<hbm>>
    tpu.wait_dma2 semaphore(%arg19 : memref<!tpu.dma_semaphore, #tpu.memory_space<semaphore_mem>>) src(%dma_wait3A_87 : memref<5120xf32, #tpu.memory_space<hbm>>) dst(%arg14 : memref<5120xf32, #tpu.memory_space<vmem>>)
    %dma_wait3A_88 = tpu.memref_slice %arg6[%add3A_62] : memref<4915200xf32, #tpu.memory_space<hbm>> -> memref<5120xf32, #tpu.memory_space<hbm>>
    %dma_wait3A_89 = tpu.memref_slice %arg6[%add3A_62] : memref<4915200xf32, #tpu.memory_space<hbm>> -> memref<5120xf32, #tpu.memory_space<hbm>>
    tpu.wait_dma2 semaphore(%arg19 : memref<!tpu.dma_semaphore, #tpu.memory_space<semaphore_mem>>) src(%dma_wait3A_89 : memref<5120xf32, #tpu.memory_space<hbm>>) dst(%arg16 : memref<5120xf32, #tpu.memory_space<vmem>>)
    %add3A_90 = arith.constant 15360 : i32
    %add3A_91 = arith.addi %add3A_5, %add3A_90 : i32
    %dma_start3A_92 = tpu.memref_slice %arg2[%add3A_91] : memref<4915200xi32, #tpu.memory_space<hbm>> -> memref<5120xi32, #tpu.memory_space<hbm>>
    %dma_start3A_93 = tpu.memref_slice %arg2[%add3A_91] : memref<4915200xi32, #tpu.memory_space<hbm>> -> memref<5120xi32, #tpu.memory_space<hbm>>
    tpu.enqueue_dma source(%dma_start3A_93 : memref<5120xi32, #tpu.memory_space<hbm>>) target(%arg9 : memref<5120xi32, #tpu.memory_space<vmem>>) target_semaphore(%arg20 : memref<!tpu.dma_semaphore, #tpu.memory_space<semaphore_mem>>)
    %dma_start3A_94 = tpu.memref_slice %arg3[%add3A_91] : memref<4915200xf32, #tpu.memory_space<hbm>> -> memref<5120xf32, #tpu.memory_space<hbm>>
    %dma_start3A_95 = tpu.memref_slice %arg3[%add3A_91] : memref<4915200xf32, #tpu.memory_space<hbm>> -> memref<5120xf32, #tpu.memory_space<hbm>>
    tpu.enqueue_dma source(%dma_start3A_95 : memref<5120xf32, #tpu.memory_space<hbm>>) target(%arg11 : memref<5120xf32, #tpu.memory_space<vmem>>) target_semaphore(%arg20 : memref<!tpu.dma_semaphore, #tpu.memory_space<semaphore_mem>>)
    %dma_start3A_96 = tpu.memref_slice %arg4[%add3A_91] : memref<4915200xf32, #tpu.memory_space<hbm>> -> memref<5120xf32, #tpu.memory_space<hbm>>
    %dma_start3A_97 = tpu.memref_slice %arg4[%add3A_91] : memref<4915200xf32, #tpu.memory_space<hbm>> -> memref<5120xf32, #tpu.memory_space<hbm>>
    tpu.enqueue_dma source(%dma_start3A_97 : memref<5120xf32, #tpu.memory_space<hbm>>) target(%arg13 : memref<5120xf32, #tpu.memory_space<vmem>>) target_semaphore(%arg20 : memref<!tpu.dma_semaphore, #tpu.memory_space<semaphore_mem>>)
    %dma_start3A_98 = tpu.memref_slice %arg5[%add3A_91] : memref<4915200xf32, #tpu.memory_space<hbm>> -> memref<5120xf32, #tpu.memory_space<hbm>>
    %dma_start3A_99 = tpu.memref_slice %arg5[%add3A_91] : memref<4915200xf32, #tpu.memory_space<hbm>> -> memref<5120xf32, #tpu.memory_space<hbm>>
    tpu.enqueue_dma source(%dma_start3A_99 : memref<5120xf32, #tpu.memory_space<hbm>>) target(%arg15 : memref<5120xf32, #tpu.memory_space<vmem>>) target_semaphore(%arg20 : memref<!tpu.dma_semaphore, #tpu.memory_space<semaphore_mem>>)
    %dma_start3A_100 = tpu.memref_slice %arg6[%add3A_91] : memref<4915200xf32, #tpu.memory_space<hbm>> -> memref<5120xf32, #tpu.memory_space<hbm>>
    %dma_start3A_101 = tpu.memref_slice %arg6[%add3A_91] : memref<4915200xf32, #tpu.memory_space<hbm>> -> memref<5120xf32, #tpu.memory_space<hbm>>
    tpu.enqueue_dma source(%dma_start3A_101 : memref<5120xf32, #tpu.memory_space<hbm>>) target(%arg17 : memref<5120xf32, #tpu.memory_space<vmem>>) target_semaphore(%arg20 : memref<!tpu.dma_semaphore, #tpu.memory_space<semaphore_mem>>)
    %scan3A_102 = arith.constant 0 : i32
    %scan3A_103 = arith.constant 0 : i32
    %scan3A_104 = arith.constant 320 : i32
    %scan3A_105 = arith.addi %scan3A_103, %scan3A_104 : i32
    %scan3A_106 = arith.constant 1 : i32
    %scan3A_107 = scf.for %scan3A_887 = %scan3A_103 to %scan3A_105 step %scan3A_106 iter_args(%scan3A_888 = %scan3A_102) -> (i32)  : i32 {
      %mul3A_889 = arith.constant 16 : i32
      %mul3A_890 = arith.muli %scan3A_887, %mul3A_889 : i32
      %get3A = arith.index_cast %mul3A_890 : i32 to index
      %get3A_891 = tpu.vector_load %arg8[%get3A] {strides = array<i32>} : memref<5120xi32, #tpu.memory_space<vmem>>, vector<16xi32>,
      %get3A_892 = arith.index_cast %mul3A_890 : i32 to index
      %get3A_893 = tpu.vector_load %arg10[%get3A_892] {strides = array<i32>} : memref<5120xf32, #tpu.memory_space<vmem>>, vector<16xf32>,
      %get3A_894 = arith.index_cast %mul3A_890 : i32 to index
      %get3A_895 = tpu.vector_load %arg12[%get3A_894] {strides = array<i32>} : memref<5120xf32, #tpu.memory_space<vmem>>, vector<16xf32>,
      %get3A_896 = arith.index_cast %mul3A_890 : i32 to index
      %get3A_897 = tpu.vector_load %arg14[%get3A_896] {strides = array<i32>} : memref<5120xf32, #tpu.memory_space<vmem>>, vector<16xf32>,
      %get3A_898 = arith.index_cast %mul3A_890 : i32 to index
      %get3A_899 = tpu.vector_load %arg16[%get3A_898] {strides = array<i32>} : memref<5120xf32, #tpu.memory_space<vmem>>, vector<16xf32>,
      tpu.vector_store_idx %arg18[%get3A_891], %get3A_893 {add = true} : memref<66304xf32, #tpu.memory_space<vmem>>[vector<16xi32>], vector<16xf32>,
      %add3A_900 = arith.constant 1 : i32
      %add3A_901 = vector.broadcast %add3A_900 : i32 to vector<16xi32>
      %add3A_902 = arith.addi %get3A_891, %add3A_901 : vector<16xi32>
      tpu.vector_store_idx %arg18[%add3A_902], %get3A_895 {add = true} : memref<66304xf32, #tpu.memory_space<vmem>>[vector<16xi32>], vector<16xf32>,
      %add3A_903 = arith.constant 128 : i32
      %add3A_904 = vector.broadcast %add3A_903 : i32 to vector<16xi32>
      %add3A_905 = arith.addi %get3A_891, %add3A_904 : vector<16xi32>
      tpu.vector_store_idx %arg18[%add3A_905], %get3A_897 {add = true} : memref<66304xf32, #tpu.memory_space<vmem>>[vector<16xi32>], vector<16xf32>,
      %add3A_906 = arith.constant 129 : i32
      %add3A_907 = vector.broadcast %add3A_906 : i32 to vector<16xi32>
      %add3A_908 = arith.addi %get3A_891, %add3A_907 : vector<16xi32>
      tpu.vector_store_idx %arg18[%add3A_908], %get3A_899 {add = true} : memref<66304xf32, #tpu.memory_space<vmem>>[vector<16xi32>], vector<16xf32>,
      %scan3A_909 = arith.constant 0 : i32
      scf.yield %scan3A_909 : i32
    }
    %scan3A_108 = arith.constant 320 : i32
    %dma_wait3A_109 = tpu.memref_slice %arg2[%add3A_91] : memref<4915200xi32, #tpu.memory_space<hbm>> -> memref<5120xi32, #tpu.memory_space<hbm>>
    %dma_wait3A_110 = tpu.memref_slice %arg2[%add3A_91] : memref<4915200xi32, #tpu.memory_space<hbm>> -> memref<5120xi32, #tpu.memory_space<hbm>>
    tpu.wait_dma2 semaphore(%arg20 : memref<!tpu.dma_semaphore, #tpu.memory_space<semaphore_mem>>) src(%dma_wait3A_110 : memref<5120xi32, #tpu.memory_space<hbm>>) dst(%arg9 : memref<5120xi32, #tpu.memory_space<vmem>>)
    %dma_wait3A_111 = tpu.memref_slice %arg3[%add3A_91] : memref<4915200xf32, #tpu.memory_space<hbm>> -> memref<5120xf32, #tpu.memory_space<hbm>>
    %dma_wait3A_112 = tpu.memref_slice %arg3[%add3A_91] : memref<4915200xf32, #tpu.memory_space<hbm>> -> memref<5120xf32, #tpu.memory_space<hbm>>
    tpu.wait_dma2 semaphore(%arg20 : memref<!tpu.dma_semaphore, #tpu.memory_space<semaphore_mem>>) src(%dma_wait3A_112 : memref<5120xf32, #tpu.memory_space<hbm>>) dst(%arg11 : memref<5120xf32, #tpu.memory_space<vmem>>)
    %dma_wait3A_113 = tpu.memref_slice %arg4[%add3A_91] : memref<4915200xf32, #tpu.memory_space<hbm>> -> memref<5120xf32, #tpu.memory_space<hbm>>
    %dma_wait3A_114 = tpu.memref_slice %arg4[%add3A_91] : memref<4915200xf32, #tpu.memory_space<hbm>> -> memref<5120xf32, #tpu.memory_space<hbm>>
    tpu.wait_dma2 semaphore(%arg20 : memref<!tpu.dma_semaphore, #tpu.memory_space<semaphore_mem>>) src(%dma_wait3A_114 : memref<5120xf32, #tpu.memory_space<hbm>>) dst(%arg13 : memref<5120xf32, #tpu.memory_space<vmem>>)
    %dma_wait3A_115 = tpu.memref_slice %arg5[%add3A_91] : memref<4915200xf32, #tpu.memory_space<hbm>> -> memref<5120xf32, #tpu.memory_space<hbm>>
    %dma_wait3A_116 = tpu.memref_slice %arg5[%add3A_91] : memref<4915200xf32, #tpu.memory_space<hbm>> -> memref<5120xf32, #tpu.memory_space<hbm>>
    tpu.wait_dma2 semaphore(%arg20 : memref<!tpu.dma_semaphore, #tpu.memory_space<semaphore_mem>>) src(%dma_wait3A_116 : memref<5120xf32, #tpu.memory_space<hbm>>) dst(%arg15 : memref<5120xf32, #tpu.memory_space<vmem>>)
    %dma_wait3A_117 = tpu.memref_slice %arg6[%add3A_91] : memref<4915200xf32, #tpu.memory_space<hbm>> -> memref<5120xf32, #tpu.memory_space<hbm>>
    %dma_wait3A_118 = tpu.memref_slice %arg6[%add3A_91] : memref<4915200xf32, #tpu.memory_space<hbm>> -> memref<5120xf32, #tpu.memory_space<hbm>>
    tpu.wait_dma2 semaphore(%arg20 : memref<!tpu.dma_semaphore, #tpu.memory_space<semaphore_mem>>) src(%dma_wait3A_118 : memref<5120xf32, #tpu.memory_space<hbm>>) dst(%arg17 : memref<5120xf32, #tpu.memory_space<vmem>>)
    %add3A_119 = arith.constant 20480 : i32
    %add3A_120 = arith.addi %add3A_5, %add3A_119 : i32
    %dma_start3A_121 = tpu.memref_slice %arg2[%add3A_120] : memref<4915200xi32, #tpu.memory_space<hbm>> -> memref<5120xi32, #tpu.memory_space<hbm>>
    %dma_start3A_122 = tpu.memref_slice %arg2[%add3A_120] : memref<4915200xi32, #tpu.memory_space<hbm>> -> memref<5120xi32, #tpu.memory_space<hbm>>
    tpu.enqueue_dma source(%dma_start3A_122 : memref<5120xi32, #tpu.memory_space<hbm>>) target(%arg8 : memref<5120xi32, #tpu.memory_space<vmem>>) target_semaphore(%arg19 : memref<!tpu.dma_semaphore, #tpu.memory_space<semaphore_mem>>)
    %dma_start3A_123 = tpu.memref_slice %arg3[%add3A_120] : memref<4915200xf32, #tpu.memory_space<hbm>> -> memref<5120xf32, #tpu.memory_space<hbm>>
    %dma_start3A_124 = tpu.memref_slice %arg3[%add3A_120] : memref<4915200xf32, #tpu.memory_space<hbm>> -> memref<5120xf32, #tpu.memory_space<hbm>>
    tpu.enqueue_dma source(%dma_start3A_124 : memref<5120xf32, #tpu.memory_space<hbm>>) target(%arg10 : memref<5120xf32, #tpu.memory_space<vmem>>) target_semaphore(%arg19 : memref<!tpu.dma_semaphore, #tpu.memory_space<semaphore_mem>>)
    %dma_start3A_125 = tpu.memref_slice %arg4[%add3A_120] : memref<4915200xf32, #tpu.memory_space<hbm>> -> memref<5120xf32, #tpu.memory_space<hbm>>
    %dma_start3A_126 = tpu.memref_slice %arg4[%add3A_120] : memref<4915200xf32, #tpu.memory_space<hbm>> -> memref<5120xf32, #tpu.memory_space<hbm>>
    tpu.enqueue_dma source(%dma_start3A_126 : memref<5120xf32, #tpu.memory_space<hbm>>) target(%arg12 : memref<5120xf32, #tpu.memory_space<vmem>>) target_semaphore(%arg19 : memref<!tpu.dma_semaphore, #tpu.memory_space<semaphore_mem>>)
    %dma_start3A_127 = tpu.memref_slice %arg5[%add3A_120] : memref<4915200xf32, #tpu.memory_space<hbm>> -> memref<5120xf32, #tpu.memory_space<hbm>>
    %dma_start3A_128 = tpu.memref_slice %arg5[%add3A_120] : memref<4915200xf32, #tpu.memory_space<hbm>> -> memref<5120xf32, #tpu.memory_space<hbm>>
    tpu.enqueue_dma source(%dma_start3A_128 : memref<5120xf32, #tpu.memory_space<hbm>>) target(%arg14 : memref<5120xf32, #tpu.memory_space<vmem>>) target_semaphore(%arg19 : memref<!tpu.dma_semaphore, #tpu.memory_space<semaphore_mem>>)
    %dma_start3A_129 = tpu.memref_slice %arg6[%add3A_120] : memref<4915200xf32, #tpu.memory_space<hbm>> -> memref<5120xf32, #tpu.memory_space<hbm>>
    %dma_start3A_130 = tpu.memref_slice %arg6[%add3A_120] : memref<4915200xf32, #tpu.memory_space<hbm>> -> memref<5120xf32, #tpu.memory_space<hbm>>
    tpu.enqueue_dma source(%dma_start3A_130 : memref<5120xf32, #tpu.memory_space<hbm>>) target(%arg16 : memref<5120xf32, #tpu.memory_space<vmem>>) target_semaphore(%arg19 : memref<!tpu.dma_semaphore, #tpu.memory_space<semaphore_mem>>)
    %scan3A_131 = arith.constant 0 : i32
    %scan3A_132 = arith.constant 0 : i32
    %scan3A_133 = arith.constant 320 : i32
    %scan3A_134 = arith.addi %scan3A_132, %scan3A_133 : i32
    %scan3A_135 = arith.constant 1 : i32
    %scan3A_136 = scf.for %scan3A_887 = %scan3A_132 to %scan3A_134 step %scan3A_135 iter_args(%scan3A_888 = %scan3A_131) -> (i32)  : i32 {
      %mul3A_889 = arith.constant 16 : i32
      %mul3A_890 = arith.muli %scan3A_887, %mul3A_889 : i32
      %get3A = arith.index_cast %mul3A_890 : i32 to index
      %get3A_891 = tpu.vector_load %arg9[%get3A] {strides = array<i32>} : memref<5120xi32, #tpu.memory_space<vmem>>, vector<16xi32>,
      %get3A_892 = arith.index_cast %mul3A_890 : i32 to index
      %get3A_893 = tpu.vector_load %arg11[%get3A_892] {strides = array<i32>} : memref<5120xf32, #tpu.memory_space<vmem>>, vector<16xf32>,
      %get3A_894 = arith.index_cast %mul3A_890 : i32 to index
      %get3A_895 = tpu.vector_load %arg13[%get3A_894] {strides = array<i32>} : memref<5120xf32, #tpu.memory_space<vmem>>, vector<16xf32>,
      %get3A_896 = arith.index_cast %mul3A_890 : i32 to index
      %get3A_897 = tpu.vector_load %arg15[%get3A_896] {strides = array<i32>} : memref<5120xf32, #tpu.memory_space<vmem>>, vector<16xf32>,
      %get3A_898 = arith.index_cast %mul3A_890 : i32 to index
      %get3A_899 = tpu.vector_load %arg17[%get3A_898] {strides = array<i32>} : memref<5120xf32, #tpu.memory_space<vmem>>, vector<16xf32>,
      tpu.vector_store_idx %arg18[%get3A_891], %get3A_893 {add = true} : memref<66304xf32, #tpu.memory_space<vmem>>[vector<16xi32>], vector<16xf32>,
      %add3A_900 = arith.constant 1 : i32
      %add3A_901 = vector.broadcast %add3A_900 : i32 to vector<16xi32>
      %add3A_902 = arith.addi %get3A_891, %add3A_901 : vector<16xi32>
      tpu.vector_store_idx %arg18[%add3A_902], %get3A_895 {add = true} : memref<66304xf32, #tpu.memory_space<vmem>>[vector<16xi32>], vector<16xf32>,
      %add3A_903 = arith.constant 128 : i32
      %add3A_904 = vector.broadcast %add3A_903 : i32 to vector<16xi32>
      %add3A_905 = arith.addi %get3A_891, %add3A_904 : vector<16xi32>
      tpu.vector_store_idx %arg18[%add3A_905], %get3A_897 {add = true} : memref<66304xf32, #tpu.memory_space<vmem>>[vector<16xi32>], vector<16xf32>,
      %add3A_906 = arith.constant 129 : i32
      %add3A_907 = vector.broadcast %add3A_906 : i32 to vector<16xi32>
      %add3A_908 = arith.addi %get3A_891, %add3A_907 : vector<16xi32>
      tpu.vector_store_idx %arg18[%add3A_908], %get3A_899 {add = true} : memref<66304xf32, #tpu.memory_space<vmem>>[vector<16xi32>], vector<16xf32>,
      %scan3A_909 = arith.constant 0 : i32
      scf.yield %scan3A_909 : i32
    }
    %scan3A_137 = arith.constant 320 : i32
    %dma_wait3A_138 = tpu.memref_slice %arg2[%add3A_120] : memref<4915200xi32, #tpu.memory_space<hbm>> -> memref<5120xi32, #tpu.memory_space<hbm>>
    %dma_wait3A_139 = tpu.memref_slice %arg2[%add3A_120] : memref<4915200xi32, #tpu.memory_space<hbm>> -> memref<5120xi32, #tpu.memory_space<hbm>>
    tpu.wait_dma2 semaphore(%arg19 : memref<!tpu.dma_semaphore, #tpu.memory_space<semaphore_mem>>) src(%dma_wait3A_139 : memref<5120xi32, #tpu.memory_space<hbm>>) dst(%arg8 : memref<5120xi32, #tpu.memory_space<vmem>>)
    %dma_wait3A_140 = tpu.memref_slice %arg3[%add3A_120] : memref<4915200xf32, #tpu.memory_space<hbm>> -> memref<5120xf32, #tpu.memory_space<hbm>>
    %dma_wait3A_141 = tpu.memref_slice %arg3[%add3A_120] : memref<4915200xf32, #tpu.memory_space<hbm>> -> memref<5120xf32, #tpu.memory_space<hbm>>
    tpu.wait_dma2 semaphore(%arg19 : memref<!tpu.dma_semaphore, #tpu.memory_space<semaphore_mem>>) src(%dma_wait3A_141 : memref<5120xf32, #tpu.memory_space<hbm>>) dst(%arg10 : memref<5120xf32, #tpu.memory_space<vmem>>)
    %dma_wait3A_142 = tpu.memref_slice %arg4[%add3A_120] : memref<4915200xf32, #tpu.memory_space<hbm>> -> memref<5120xf32, #tpu.memory_space<hbm>>
    %dma_wait3A_143 = tpu.memref_slice %arg4[%add3A_120] : memref<4915200xf32, #tpu.memory_space<hbm>> -> memref<5120xf32, #tpu.memory_space<hbm>>
    tpu.wait_dma2 semaphore(%arg19 : memref<!tpu.dma_semaphore, #tpu.memory_space<semaphore_mem>>) src(%dma_wait3A_143 : memref<5120xf32, #tpu.memory_space<hbm>>) dst(%arg12 : memref<5120xf32, #tpu.memory_space<vmem>>)
    %dma_wait3A_144 = tpu.memref_slice %arg5[%add3A_120] : memref<4915200xf32, #tpu.memory_space<hbm>> -> memref<5120xf32, #tpu.memory_space<hbm>>
    %dma_wait3A_145 = tpu.memref_slice %arg5[%add3A_120] : memref<4915200xf32, #tpu.memory_space<hbm>> -> memref<5120xf32, #tpu.memory_space<hbm>>
    tpu.wait_dma2 semaphore(%arg19 : memref<!tpu.dma_semaphore, #tpu.memory_space<semaphore_mem>>) src(%dma_wait3A_145 : memref<5120xf32, #tpu.memory_space<hbm>>) dst(%arg14 : memref<5120xf32, #tpu.memory_space<vmem>>)
    %dma_wait3A_146 = tpu.memref_slice %arg6[%add3A_120] : memref<4915200xf32, #tpu.memory_space<hbm>> -> memref<5120xf32, #tpu.memory_space<hbm>>
    %dma_wait3A_147 = tpu.memref_slice %arg6[%add3A_120] : memref<4915200xf32, #tpu.memory_space<hbm>> -> memref<5120xf32, #tpu.memory_space<hbm>>
    tpu.wait_dma2 semaphore(%arg19 : memref<!tpu.dma_semaphore, #tpu.memory_space<semaphore_mem>>) src(%dma_wait3A_147 : memref<5120xf32, #tpu.memory_space<hbm>>) dst(%arg16 : memref<5120xf32, #tpu.memory_space<vmem>>)
    %add3A_148 = arith.constant 25600 : i32
    %add3A_149 = arith.addi %add3A_5, %add3A_148 : i32
    %dma_start3A_150 = tpu.memref_slice %arg2[%add3A_149] : memref<4915200xi32, #tpu.memory_space<hbm>> -> memref<5120xi32, #tpu.memory_space<hbm>>
    %dma_start3A_151 = tpu.memref_slice %arg2[%add3A_149] : memref<4915200xi32, #tpu.memory_space<hbm>> -> memref<5120xi32, #tpu.memory_space<hbm>>
    tpu.enqueue_dma source(%dma_start3A_151 : memref<5120xi32, #tpu.memory_space<hbm>>) target(%arg9 : memref<5120xi32, #tpu.memory_space<vmem>>) target_semaphore(%arg20 : memref<!tpu.dma_semaphore, #tpu.memory_space<semaphore_mem>>)
    %dma_start3A_152 = tpu.memref_slice %arg3[%add3A_149] : memref<4915200xf32, #tpu.memory_space<hbm>> -> memref<5120xf32, #tpu.memory_space<hbm>>
    %dma_start3A_153 = tpu.memref_slice %arg3[%add3A_149] : memref<4915200xf32, #tpu.memory_space<hbm>> -> memref<5120xf32, #tpu.memory_space<hbm>>
    tpu.enqueue_dma source(%dma_start3A_153 : memref<5120xf32, #tpu.memory_space<hbm>>) target(%arg11 : memref<5120xf32, #tpu.memory_space<vmem>>) target_semaphore(%arg20 : memref<!tpu.dma_semaphore, #tpu.memory_space<semaphore_mem>>)
    %dma_start3A_154 = tpu.memref_slice %arg4[%add3A_149] : memref<4915200xf32, #tpu.memory_space<hbm>> -> memref<5120xf32, #tpu.memory_space<hbm>>
    %dma_start3A_155 = tpu.memref_slice %arg4[%add3A_149] : memref<4915200xf32, #tpu.memory_space<hbm>> -> memref<5120xf32, #tpu.memory_space<hbm>>
    tpu.enqueue_dma source(%dma_start3A_155 : memref<5120xf32, #tpu.memory_space<hbm>>) target(%arg13 : memref<5120xf32, #tpu.memory_space<vmem>>) target_semaphore(%arg20 : memref<!tpu.dma_semaphore, #tpu.memory_space<semaphore_mem>>)
    %dma_start3A_156 = tpu.memref_slice %arg5[%add3A_149] : memref<4915200xf32, #tpu.memory_space<hbm>> -> memref<5120xf32, #tpu.memory_space<hbm>>
    %dma_start3A_157 = tpu.memref_slice %arg5[%add3A_149] : memref<4915200xf32, #tpu.memory_space<hbm>> -> memref<5120xf32, #tpu.memory_space<hbm>>
    tpu.enqueue_dma source(%dma_start3A_157 : memref<5120xf32, #tpu.memory_space<hbm>>) target(%arg15 : memref<5120xf32, #tpu.memory_space<vmem>>) target_semaphore(%arg20 : memref<!tpu.dma_semaphore, #tpu.memory_space<semaphore_mem>>)
    %dma_start3A_158 = tpu.memref_slice %arg6[%add3A_149] : memref<4915200xf32, #tpu.memory_space<hbm>> -> memref<5120xf32, #tpu.memory_space<hbm>>
    %dma_start3A_159 = tpu.memref_slice %arg6[%add3A_149] : memref<4915200xf32, #tpu.memory_space<hbm>> -> memref<5120xf32, #tpu.memory_space<hbm>>
    tpu.enqueue_dma source(%dma_start3A_159 : memref<5120xf32, #tpu.memory_space<hbm>>) target(%arg17 : memref<5120xf32, #tpu.memory_space<vmem>>) target_semaphore(%arg20 : memref<!tpu.dma_semaphore, #tpu.memory_space<semaphore_mem>>)
    %scan3A_160 = arith.constant 0 : i32
    %scan3A_161 = arith.constant 0 : i32
    %scan3A_162 = arith.constant 320 : i32
    %scan3A_163 = arith.addi %scan3A_161, %scan3A_162 : i32
    %scan3A_164 = arith.constant 1 : i32
    %scan3A_165 = scf.for %scan3A_887 = %scan3A_161 to %scan3A_163 step %scan3A_164 iter_args(%scan3A_888 = %scan3A_160) -> (i32)  : i32 {
      %mul3A_889 = arith.constant 16 : i32
      %mul3A_890 = arith.muli %scan3A_887, %mul3A_889 : i32
      %get3A = arith.index_cast %mul3A_890 : i32 to index
      %get3A_891 = tpu.vector_load %arg8[%get3A] {strides = array<i32>} : memref<5120xi32, #tpu.memory_space<vmem>>, vector<16xi32>,
      %get3A_892 = arith.index_cast %mul3A_890 : i32 to index
      %get3A_893 = tpu.vector_load %arg10[%get3A_892] {strides = array<i32>} : memref<5120xf32, #tpu.memory_space<vmem>>, vector<16xf32>,
      %get3A_894 = arith.index_cast %mul3A_890 : i32 to index
      %get3A_895 = tpu.vector_load %arg12[%get3A_894] {strides = array<i32>} : memref<5120xf32, #tpu.memory_space<vmem>>, vector<16xf32>,
      %get3A_896 = arith.index_cast %mul3A_890 : i32 to index
      %get3A_897 = tpu.vector_load %arg14[%get3A_896] {strides = array<i32>} : memref<5120xf32, #tpu.memory_space<vmem>>, vector<16xf32>,
      %get3A_898 = arith.index_cast %mul3A_890 : i32 to index
      %get3A_899 = tpu.vector_load %arg16[%get3A_898] {strides = array<i32>} : memref<5120xf32, #tpu.memory_space<vmem>>, vector<16xf32>,
      tpu.vector_store_idx %arg18[%get3A_891], %get3A_893 {add = true} : memref<66304xf32, #tpu.memory_space<vmem>>[vector<16xi32>], vector<16xf32>,
      %add3A_900 = arith.constant 1 : i32
      %add3A_901 = vector.broadcast %add3A_900 : i32 to vector<16xi32>
      %add3A_902 = arith.addi %get3A_891, %add3A_901 : vector<16xi32>
      tpu.vector_store_idx %arg18[%add3A_902], %get3A_895 {add = true} : memref<66304xf32, #tpu.memory_space<vmem>>[vector<16xi32>], vector<16xf32>,
      %add3A_903 = arith.constant 128 : i32
      %add3A_904 = vector.broadcast %add3A_903 : i32 to vector<16xi32>
      %add3A_905 = arith.addi %get3A_891, %add3A_904 : vector<16xi32>
      tpu.vector_store_idx %arg18[%add3A_905], %get3A_897 {add = true} : memref<66304xf32, #tpu.memory_space<vmem>>[vector<16xi32>], vector<16xf32>,
      %add3A_906 = arith.constant 129 : i32
      %add3A_907 = vector.broadcast %add3A_906 : i32 to vector<16xi32>
      %add3A_908 = arith.addi %get3A_891, %add3A_907 : vector<16xi32>
      tpu.vector_store_idx %arg18[%add3A_908], %get3A_899 {add = true} : memref<66304xf32, #tpu.memory_space<vmem>>[vector<16xi32>], vector<16xf32>,
      %scan3A_909 = arith.constant 0 : i32
      scf.yield %scan3A_909 : i32
    }
    %scan3A_166 = arith.constant 320 : i32
    %dma_wait3A_167 = tpu.memref_slice %arg2[%add3A_149] : memref<4915200xi32, #tpu.memory_space<hbm>> -> memref<5120xi32, #tpu.memory_space<hbm>>
    %dma_wait3A_168 = tpu.memref_slice %arg2[%add3A_149] : memref<4915200xi32, #tpu.memory_space<hbm>> -> memref<5120xi32, #tpu.memory_space<hbm>>
    tpu.wait_dma2 semaphore(%arg20 : memref<!tpu.dma_semaphore, #tpu.memory_space<semaphore_mem>>) src(%dma_wait3A_168 : memref<5120xi32, #tpu.memory_space<hbm>>) dst(%arg9 : memref<5120xi32, #tpu.memory_space<vmem>>)
    %dma_wait3A_169 = tpu.memref_slice %arg3[%add3A_149] : memref<4915200xf32, #tpu.memory_space<hbm>> -> memref<5120xf32, #tpu.memory_space<hbm>>
    %dma_wait3A_170 = tpu.memref_slice %arg3[%add3A_149] : memref<4915200xf32, #tpu.memory_space<hbm>> -> memref<5120xf32, #tpu.memory_space<hbm>>
    tpu.wait_dma2 semaphore(%arg20 : memref<!tpu.dma_semaphore, #tpu.memory_space<semaphore_mem>>) src(%dma_wait3A_170 : memref<5120xf32, #tpu.memory_space<hbm>>) dst(%arg11 : memref<5120xf32, #tpu.memory_space<vmem>>)
    %dma_wait3A_171 = tpu.memref_slice %arg4[%add3A_149] : memref<4915200xf32, #tpu.memory_space<hbm>> -> memref<5120xf32, #tpu.memory_space<hbm>>
    %dma_wait3A_172 = tpu.memref_slice %arg4[%add3A_149] : memref<4915200xf32, #tpu.memory_space<hbm>> -> memref<5120xf32, #tpu.memory_space<hbm>>
    tpu.wait_dma2 semaphore(%arg20 : memref<!tpu.dma_semaphore, #tpu.memory_space<semaphore_mem>>) src(%dma_wait3A_172 : memref<5120xf32, #tpu.memory_space<hbm>>) dst(%arg13 : memref<5120xf32, #tpu.memory_space<vmem>>)
    %dma_wait3A_173 = tpu.memref_slice %arg5[%add3A_149] : memref<4915200xf32, #tpu.memory_space<hbm>> -> memref<5120xf32, #tpu.memory_space<hbm>>
    %dma_wait3A_174 = tpu.memref_slice %arg5[%add3A_149] : memref<4915200xf32, #tpu.memory_space<hbm>> -> memref<5120xf32, #tpu.memory_space<hbm>>
    tpu.wait_dma2 semaphore(%arg20 : memref<!tpu.dma_semaphore, #tpu.memory_space<semaphore_mem>>) src(%dma_wait3A_174 : memref<5120xf32, #tpu.memory_space<hbm>>) dst(%arg15 : memref<5120xf32, #tpu.memory_space<vmem>>)
    %dma_wait3A_175 = tpu.memref_slice %arg6[%add3A_149] : memref<4915200xf32, #tpu.memory_space<hbm>> -> memref<5120xf32, #tpu.memory_space<hbm>>
    %dma_wait3A_176 = tpu.memref_slice %arg6[%add3A_149] : memref<4915200xf32, #tpu.memory_space<hbm>> -> memref<5120xf32, #tpu.memory_space<hbm>>
    tpu.wait_dma2 semaphore(%arg20 : memref<!tpu.dma_semaphore, #tpu.memory_space<semaphore_mem>>) src(%dma_wait3A_176 : memref<5120xf32, #tpu.memory_space<hbm>>) dst(%arg17 : memref<5120xf32, #tpu.memory_space<vmem>>)
    %add3A_177 = arith.constant 30720 : i32
    %add3A_178 = arith.addi %add3A_5, %add3A_177 : i32
    %dma_start3A_179 = tpu.memref_slice %arg2[%add3A_178] : memref<4915200xi32, #tpu.memory_space<hbm>> -> memref<5120xi32, #tpu.memory_space<hbm>>
    %dma_start3A_180 = tpu.memref_slice %arg2[%add3A_178] : memref<4915200xi32, #tpu.memory_space<hbm>> -> memref<5120xi32, #tpu.memory_space<hbm>>
    tpu.enqueue_dma source(%dma_start3A_180 : memref<5120xi32, #tpu.memory_space<hbm>>) target(%arg8 : memref<5120xi32, #tpu.memory_space<vmem>>) target_semaphore(%arg19 : memref<!tpu.dma_semaphore, #tpu.memory_space<semaphore_mem>>)
    %dma_start3A_181 = tpu.memref_slice %arg3[%add3A_178] : memref<4915200xf32, #tpu.memory_space<hbm>> -> memref<5120xf32, #tpu.memory_space<hbm>>
    %dma_start3A_182 = tpu.memref_slice %arg3[%add3A_178] : memref<4915200xf32, #tpu.memory_space<hbm>> -> memref<5120xf32, #tpu.memory_space<hbm>>
    tpu.enqueue_dma source(%dma_start3A_182 : memref<5120xf32, #tpu.memory_space<hbm>>) target(%arg10 : memref<5120xf32, #tpu.memory_space<vmem>>) target_semaphore(%arg19 : memref<!tpu.dma_semaphore, #tpu.memory_space<semaphore_mem>>)
    %dma_start3A_183 = tpu.memref_slice %arg4[%add3A_178] : memref<4915200xf32, #tpu.memory_space<hbm>> -> memref<5120xf32, #tpu.memory_space<hbm>>
    %dma_start3A_184 = tpu.memref_slice %arg4[%add3A_178] : memref<4915200xf32, #tpu.memory_space<hbm>> -> memref<5120xf32, #tpu.memory_space<hbm>>
    tpu.enqueue_dma source(%dma_start3A_184 : memref<5120xf32, #tpu.memory_space<hbm>>) target(%arg12 : memref<5120xf32, #tpu.memory_space<vmem>>) target_semaphore(%arg19 : memref<!tpu.dma_semaphore, #tpu.memory_space<semaphore_mem>>)
    %dma_start3A_185 = tpu.memref_slice %arg5[%add3A_178] : memref<4915200xf32, #tpu.memory_space<hbm>> -> memref<5120xf32, #tpu.memory_space<hbm>>
    %dma_start3A_186 = tpu.memref_slice %arg5[%add3A_178] : memref<4915200xf32, #tpu.memory_space<hbm>> -> memref<5120xf32, #tpu.memory_space<hbm>>
    tpu.enqueue_dma source(%dma_start3A_186 : memref<5120xf32, #tpu.memory_space<hbm>>) target(%arg14 : memref<5120xf32, #tpu.memory_space<vmem>>) target_semaphore(%arg19 : memref<!tpu.dma_semaphore, #tpu.memory_space<semaphore_mem>>)
    %dma_start3A_187 = tpu.memref_slice %arg6[%add3A_178] : memref<4915200xf32, #tpu.memory_space<hbm>> -> memref<5120xf32, #tpu.memory_space<hbm>>
    %dma_start3A_188 = tpu.memref_slice %arg6[%add3A_178] : memref<4915200xf32, #tpu.memory_space<hbm>> -> memref<5120xf32, #tpu.memory_space<hbm>>
    tpu.enqueue_dma source(%dma_start3A_188 : memref<5120xf32, #tpu.memory_space<hbm>>) target(%arg16 : memref<5120xf32, #tpu.memory_space<vmem>>) target_semaphore(%arg19 : memref<!tpu.dma_semaphore, #tpu.memory_space<semaphore_mem>>)
    %scan3A_189 = arith.constant 0 : i32
    %scan3A_190 = arith.constant 0 : i32
    %scan3A_191 = arith.constant 320 : i32
    %scan3A_192 = arith.addi %scan3A_190, %scan3A_191 : i32
    %scan3A_193 = arith.constant 1 : i32
    %scan3A_194 = scf.for %scan3A_887 = %scan3A_190 to %scan3A_192 step %scan3A_193 iter_args(%scan3A_888 = %scan3A_189) -> (i32)  : i32 {
      %mul3A_889 = arith.constant 16 : i32
      %mul3A_890 = arith.muli %scan3A_887, %mul3A_889 : i32
      %get3A = arith.index_cast %mul3A_890 : i32 to index
      %get3A_891 = tpu.vector_load %arg9[%get3A] {strides = array<i32>} : memref<5120xi32, #tpu.memory_space<vmem>>, vector<16xi32>,
      %get3A_892 = arith.index_cast %mul3A_890 : i32 to index
      %get3A_893 = tpu.vector_load %arg11[%get3A_892] {strides = array<i32>} : memref<5120xf32, #tpu.memory_space<vmem>>, vector<16xf32>,
      %get3A_894 = arith.index_cast %mul3A_890 : i32 to index
      %get3A_895 = tpu.vector_load %arg13[%get3A_894] {strides = array<i32>} : memref<5120xf32, #tpu.memory_space<vmem>>, vector<16xf32>,
      %get3A_896 = arith.index_cast %mul3A_890 : i32 to index
      %get3A_897 = tpu.vector_load %arg15[%get3A_896] {strides = array<i32>} : memref<5120xf32, #tpu.memory_space<vmem>>, vector<16xf32>,
      %get3A_898 = arith.index_cast %mul3A_890 : i32 to index
      %get3A_899 = tpu.vector_load %arg17[%get3A_898] {strides = array<i32>} : memref<5120xf32, #tpu.memory_space<vmem>>, vector<16xf32>,
      tpu.vector_store_idx %arg18[%get3A_891], %get3A_893 {add = true} : memref<66304xf32, #tpu.memory_space<vmem>>[vector<16xi32>], vector<16xf32>,
      %add3A_900 = arith.constant 1 : i32
      %add3A_901 = vector.broadcast %add3A_900 : i32 to vector<16xi32>
      %add3A_902 = arith.addi %get3A_891, %add3A_901 : vector<16xi32>
      tpu.vector_store_idx %arg18[%add3A_902], %get3A_895 {add = true} : memref<66304xf32, #tpu.memory_space<vmem>>[vector<16xi32>], vector<16xf32>,
      %add3A_903 = arith.constant 128 : i32
      %add3A_904 = vector.broadcast %add3A_903 : i32 to vector<16xi32>
      %add3A_905 = arith.addi %get3A_891, %add3A_904 : vector<16xi32>
      tpu.vector_store_idx %arg18[%add3A_905], %get3A_897 {add = true} : memref<66304xf32, #tpu.memory_space<vmem>>[vector<16xi32>], vector<16xf32>,
      %add3A_906 = arith.constant 129 : i32
      %add3A_907 = vector.broadcast %add3A_906 : i32 to vector<16xi32>
      %add3A_908 = arith.addi %get3A_891, %add3A_907 : vector<16xi32>
      tpu.vector_store_idx %arg18[%add3A_908], %get3A_899 {add = true} : memref<66304xf32, #tpu.memory_space<vmem>>[vector<16xi32>], vector<16xf32>,
      %scan3A_909 = arith.constant 0 : i32
      scf.yield %scan3A_909 : i32
    }
    %scan3A_195 = arith.constant 320 : i32
    %dma_wait3A_196 = tpu.memref_slice %arg2[%add3A_178] : memref<4915200xi32, #tpu.memory_space<hbm>> -> memref<5120xi32, #tpu.memory_space<hbm>>
    %dma_wait3A_197 = tpu.memref_slice %arg2[%add3A_178] : memref<4915200xi32, #tpu.memory_space<hbm>> -> memref<5120xi32, #tpu.memory_space<hbm>>
    tpu.wait_dma2 semaphore(%arg19 : memref<!tpu.dma_semaphore, #tpu.memory_space<semaphore_mem>>) src(%dma_wait3A_197 : memref<5120xi32, #tpu.memory_space<hbm>>) dst(%arg8 : memref<5120xi32, #tpu.memory_space<vmem>>)
    %dma_wait3A_198 = tpu.memref_slice %arg3[%add3A_178] : memref<4915200xf32, #tpu.memory_space<hbm>> -> memref<5120xf32, #tpu.memory_space<hbm>>
    %dma_wait3A_199 = tpu.memref_slice %arg3[%add3A_178] : memref<4915200xf32, #tpu.memory_space<hbm>> -> memref<5120xf32, #tpu.memory_space<hbm>>
    tpu.wait_dma2 semaphore(%arg19 : memref<!tpu.dma_semaphore, #tpu.memory_space<semaphore_mem>>) src(%dma_wait3A_199 : memref<5120xf32, #tpu.memory_space<hbm>>) dst(%arg10 : memref<5120xf32, #tpu.memory_space<vmem>>)
    %dma_wait3A_200 = tpu.memref_slice %arg4[%add3A_178] : memref<4915200xf32, #tpu.memory_space<hbm>> -> memref<5120xf32, #tpu.memory_space<hbm>>
    %dma_wait3A_201 = tpu.memref_slice %arg4[%add3A_178] : memref<4915200xf32, #tpu.memory_space<hbm>> -> memref<5120xf32, #tpu.memory_space<hbm>>
    tpu.wait_dma2 semaphore(%arg19 : memref<!tpu.dma_semaphore, #tpu.memory_space<semaphore_mem>>) src(%dma_wait3A_201 : memref<5120xf32, #tpu.memory_space<hbm>>) dst(%arg12 : memref<5120xf32, #tpu.memory_space<vmem>>)
    %dma_wait3A_202 = tpu.memref_slice %arg5[%add3A_178] : memref<4915200xf32, #tpu.memory_space<hbm>> -> memref<5120xf32, #tpu.memory_space<hbm>>
    %dma_wait3A_203 = tpu.memref_slice %arg5[%add3A_178] : memref<4915200xf32, #tpu.memory_space<hbm>> -> memref<5120xf32, #tpu.memory_space<hbm>>
    tpu.wait_dma2 semaphore(%arg19 : memref<!tpu.dma_semaphore, #tpu.memory_space<semaphore_mem>>) src(%dma_wait3A_203 : memref<5120xf32, #tpu.memory_space<hbm>>) dst(%arg14 : memref<5120xf32, #tpu.memory_space<vmem>>)
    %dma_wait3A_204 = tpu.memref_slice %arg6[%add3A_178] : memref<4915200xf32, #tpu.memory_space<hbm>> -> memref<5120xf32, #tpu.memory_space<hbm>>
    %dma_wait3A_205 = tpu.memref_slice %arg6[%add3A_178] : memref<4915200xf32, #tpu.memory_space<hbm>> -> memref<5120xf32, #tpu.memory_space<hbm>>
    tpu.wait_dma2 semaphore(%arg19 : memref<!tpu.dma_semaphore, #tpu.memory_space<semaphore_mem>>) src(%dma_wait3A_205 : memref<5120xf32, #tpu.memory_space<hbm>>) dst(%arg16 : memref<5120xf32, #tpu.memory_space<vmem>>)
    %add3A_206 = arith.constant 35840 : i32
    %add3A_207 = arith.addi %add3A_5, %add3A_206 : i32
    %dma_start3A_208 = tpu.memref_slice %arg2[%add3A_207] : memref<4915200xi32, #tpu.memory_space<hbm>> -> memref<5120xi32, #tpu.memory_space<hbm>>
    %dma_start3A_209 = tpu.memref_slice %arg2[%add3A_207] : memref<4915200xi32, #tpu.memory_space<hbm>> -> memref<5120xi32, #tpu.memory_space<hbm>>
    tpu.enqueue_dma source(%dma_start3A_209 : memref<5120xi32, #tpu.memory_space<hbm>>) target(%arg9 : memref<5120xi32, #tpu.memory_space<vmem>>) target_semaphore(%arg20 : memref<!tpu.dma_semaphore, #tpu.memory_space<semaphore_mem>>)
    %dma_start3A_210 = tpu.memref_slice %arg3[%add3A_207] : memref<4915200xf32, #tpu.memory_space<hbm>> -> memref<5120xf32, #tpu.memory_space<hbm>>
    %dma_start3A_211 = tpu.memref_slice %arg3[%add3A_207] : memref<4915200xf32, #tpu.memory_space<hbm>> -> memref<5120xf32, #tpu.memory_space<hbm>>
    tpu.enqueue_dma source(%dma_start3A_211 : memref<5120xf32, #tpu.memory_space<hbm>>) target(%arg11 : memref<5120xf32, #tpu.memory_space<vmem>>) target_semaphore(%arg20 : memref<!tpu.dma_semaphore, #tpu.memory_space<semaphore_mem>>)
    %dma_start3A_212 = tpu.memref_slice %arg4[%add3A_207] : memref<4915200xf32, #tpu.memory_space<hbm>> -> memref<5120xf32, #tpu.memory_space<hbm>>
    %dma_start3A_213 = tpu.memref_slice %arg4[%add3A_207] : memref<4915200xf32, #tpu.memory_space<hbm>> -> memref<5120xf32, #tpu.memory_space<hbm>>
    tpu.enqueue_dma source(%dma_start3A_213 : memref<5120xf32, #tpu.memory_space<hbm>>) target(%arg13 : memref<5120xf32, #tpu.memory_space<vmem>>) target_semaphore(%arg20 : memref<!tpu.dma_semaphore, #tpu.memory_space<semaphore_mem>>)
    %dma_start3A_214 = tpu.memref_slice %arg5[%add3A_207] : memref<4915200xf32, #tpu.memory_space<hbm>> -> memref<5120xf32, #tpu.memory_space<hbm>>
    %dma_start3A_215 = tpu.memref_slice %arg5[%add3A_207] : memref<4915200xf32, #tpu.memory_space<hbm>> -> memref<5120xf32, #tpu.memory_space<hbm>>
    tpu.enqueue_dma source(%dma_start3A_215 : memref<5120xf32, #tpu.memory_space<hbm>>) target(%arg15 : memref<5120xf32, #tpu.memory_space<vmem>>) target_semaphore(%arg20 : memref<!tpu.dma_semaphore, #tpu.memory_space<semaphore_mem>>)
    %dma_start3A_216 = tpu.memref_slice %arg6[%add3A_207] : memref<4915200xf32, #tpu.memory_space<hbm>> -> memref<5120xf32, #tpu.memory_space<hbm>>
    %dma_start3A_217 = tpu.memref_slice %arg6[%add3A_207] : memref<4915200xf32, #tpu.memory_space<hbm>> -> memref<5120xf32, #tpu.memory_space<hbm>>
    tpu.enqueue_dma source(%dma_start3A_217 : memref<5120xf32, #tpu.memory_space<hbm>>) target(%arg17 : memref<5120xf32, #tpu.memory_space<vmem>>) target_semaphore(%arg20 : memref<!tpu.dma_semaphore, #tpu.memory_space<semaphore_mem>>)
    %scan3A_218 = arith.constant 0 : i32
    %scan3A_219 = arith.constant 0 : i32
    %scan3A_220 = arith.constant 320 : i32
    %scan3A_221 = arith.addi %scan3A_219, %scan3A_220 : i32
    %scan3A_222 = arith.constant 1 : i32
    %scan3A_223 = scf.for %scan3A_887 = %scan3A_219 to %scan3A_221 step %scan3A_222 iter_args(%scan3A_888 = %scan3A_218) -> (i32)  : i32 {
      %mul3A_889 = arith.constant 16 : i32
      %mul3A_890 = arith.muli %scan3A_887, %mul3A_889 : i32
      %get3A = arith.index_cast %mul3A_890 : i32 to index
      %get3A_891 = tpu.vector_load %arg8[%get3A] {strides = array<i32>} : memref<5120xi32, #tpu.memory_space<vmem>>, vector<16xi32>,
      %get3A_892 = arith.index_cast %mul3A_890 : i32 to index
      %get3A_893 = tpu.vector_load %arg10[%get3A_892] {strides = array<i32>} : memref<5120xf32, #tpu.memory_space<vmem>>, vector<16xf32>,
      %get3A_894 = arith.index_cast %mul3A_890 : i32 to index
      %get3A_895 = tpu.vector_load %arg12[%get3A_894] {strides = array<i32>} : memref<5120xf32, #tpu.memory_space<vmem>>, vector<16xf32>,
      %get3A_896 = arith.index_cast %mul3A_890 : i32 to index
      %get3A_897 = tpu.vector_load %arg14[%get3A_896] {strides = array<i32>} : memref<5120xf32, #tpu.memory_space<vmem>>, vector<16xf32>,
      %get3A_898 = arith.index_cast %mul3A_890 : i32 to index
      %get3A_899 = tpu.vector_load %arg16[%get3A_898] {strides = array<i32>} : memref<5120xf32, #tpu.memory_space<vmem>>, vector<16xf32>,
      tpu.vector_store_idx %arg18[%get3A_891], %get3A_893 {add = true} : memref<66304xf32, #tpu.memory_space<vmem>>[vector<16xi32>], vector<16xf32>,
      %add3A_900 = arith.constant 1 : i32
      %add3A_901 = vector.broadcast %add3A_900 : i32 to vector<16xi32>
      %add3A_902 = arith.addi %get3A_891, %add3A_901 : vector<16xi32>
      tpu.vector_store_idx %arg18[%add3A_902], %get3A_895 {add = true} : memref<66304xf32, #tpu.memory_space<vmem>>[vector<16xi32>], vector<16xf32>,
      %add3A_903 = arith.constant 128 : i32
      %add3A_904 = vector.broadcast %add3A_903 : i32 to vector<16xi32>
      %add3A_905 = arith.addi %get3A_891, %add3A_904 : vector<16xi32>
      tpu.vector_store_idx %arg18[%add3A_905], %get3A_897 {add = true} : memref<66304xf32, #tpu.memory_space<vmem>>[vector<16xi32>], vector<16xf32>,
      %add3A_906 = arith.constant 129 : i32
      %add3A_907 = vector.broadcast %add3A_906 : i32 to vector<16xi32>
      %add3A_908 = arith.addi %get3A_891, %add3A_907 : vector<16xi32>
      tpu.vector_store_idx %arg18[%add3A_908], %get3A_899 {add = true} : memref<66304xf32, #tpu.memory_space<vmem>>[vector<16xi32>], vector<16xf32>,
      %scan3A_909 = arith.constant 0 : i32
      scf.yield %scan3A_909 : i32
    }
    %scan3A_224 = arith.constant 320 : i32
    %dma_wait3A_225 = tpu.memref_slice %arg2[%add3A_207] : memref<4915200xi32, #tpu.memory_space<hbm>> -> memref<5120xi32, #tpu.memory_space<hbm>>
    %dma_wait3A_226 = tpu.memref_slice %arg2[%add3A_207] : memref<4915200xi32, #tpu.memory_space<hbm>> -> memref<5120xi32, #tpu.memory_space<hbm>>
    tpu.wait_dma2 semaphore(%arg20 : memref<!tpu.dma_semaphore, #tpu.memory_space<semaphore_mem>>) src(%dma_wait3A_226 : memref<5120xi32, #tpu.memory_space<hbm>>) dst(%arg9 : memref<5120xi32, #tpu.memory_space<vmem>>)
    %dma_wait3A_227 = tpu.memref_slice %arg3[%add3A_207] : memref<4915200xf32, #tpu.memory_space<hbm>> -> memref<5120xf32, #tpu.memory_space<hbm>>
    %dma_wait3A_228 = tpu.memref_slice %arg3[%add3A_207] : memref<4915200xf32, #tpu.memory_space<hbm>> -> memref<5120xf32, #tpu.memory_space<hbm>>
    tpu.wait_dma2 semaphore(%arg20 : memref<!tpu.dma_semaphore, #tpu.memory_space<semaphore_mem>>) src(%dma_wait3A_228 : memref<5120xf32, #tpu.memory_space<hbm>>) dst(%arg11 : memref<5120xf32, #tpu.memory_space<vmem>>)
    %dma_wait3A_229 = tpu.memref_slice %arg4[%add3A_207] : memref<4915200xf32, #tpu.memory_space<hbm>> -> memref<5120xf32, #tpu.memory_space<hbm>>
    %dma_wait3A_230 = tpu.memref_slice %arg4[%add3A_207] : memref<4915200xf32, #tpu.memory_space<hbm>> -> memref<5120xf32, #tpu.memory_space<hbm>>
    tpu.wait_dma2 semaphore(%arg20 : memref<!tpu.dma_semaphore, #tpu.memory_space<semaphore_mem>>) src(%dma_wait3A_230 : memref<5120xf32, #tpu.memory_space<hbm>>) dst(%arg13 : memref<5120xf32, #tpu.memory_space<vmem>>)
    %dma_wait3A_231 = tpu.memref_slice %arg5[%add3A_207] : memref<4915200xf32, #tpu.memory_space<hbm>> -> memref<5120xf32, #tpu.memory_space<hbm>>
    %dma_wait3A_232 = tpu.memref_slice %arg5[%add3A_207] : memref<4915200xf32, #tpu.memory_space<hbm>> -> memref<5120xf32, #tpu.memory_space<hbm>>
    tpu.wait_dma2 semaphore(%arg20 : memref<!tpu.dma_semaphore, #tpu.memory_space<semaphore_mem>>) src(%dma_wait3A_232 : memref<5120xf32, #tpu.memory_space<hbm>>) dst(%arg15 : memref<5120xf32, #tpu.memory_space<vmem>>)
    %dma_wait3A_233 = tpu.memref_slice %arg6[%add3A_207] : memref<4915200xf32, #tpu.memory_space<hbm>> -> memref<5120xf32, #tpu.memory_space<hbm>>
    %dma_wait3A_234 = tpu.memref_slice %arg6[%add3A_207] : memref<4915200xf32, #tpu.memory_space<hbm>> -> memref<5120xf32, #tpu.memory_space<hbm>>
    tpu.wait_dma2 semaphore(%arg20 : memref<!tpu.dma_semaphore, #tpu.memory_space<semaphore_mem>>) src(%dma_wait3A_234 : memref<5120xf32, #tpu.memory_space<hbm>>) dst(%arg17 : memref<5120xf32, #tpu.memory_space<vmem>>)
    %add3A_235 = arith.constant 40960 : i32
    %add3A_236 = arith.addi %add3A_5, %add3A_235 : i32
    %dma_start3A_237 = tpu.memref_slice %arg2[%add3A_236] : memref<4915200xi32, #tpu.memory_space<hbm>> -> memref<5120xi32, #tpu.memory_space<hbm>>
    %dma_start3A_238 = tpu.memref_slice %arg2[%add3A_236] : memref<4915200xi32, #tpu.memory_space<hbm>> -> memref<5120xi32, #tpu.memory_space<hbm>>
    tpu.enqueue_dma source(%dma_start3A_238 : memref<5120xi32, #tpu.memory_space<hbm>>) target(%arg8 : memref<5120xi32, #tpu.memory_space<vmem>>) target_semaphore(%arg19 : memref<!tpu.dma_semaphore, #tpu.memory_space<semaphore_mem>>)
    %dma_start3A_239 = tpu.memref_slice %arg3[%add3A_236] : memref<4915200xf32, #tpu.memory_space<hbm>> -> memref<5120xf32, #tpu.memory_space<hbm>>
    %dma_start3A_240 = tpu.memref_slice %arg3[%add3A_236] : memref<4915200xf32, #tpu.memory_space<hbm>> -> memref<5120xf32, #tpu.memory_space<hbm>>
    tpu.enqueue_dma source(%dma_start3A_240 : memref<5120xf32, #tpu.memory_space<hbm>>) target(%arg10 : memref<5120xf32, #tpu.memory_space<vmem>>) target_semaphore(%arg19 : memref<!tpu.dma_semaphore, #tpu.memory_space<semaphore_mem>>)
    %dma_start3A_241 = tpu.memref_slice %arg4[%add3A_236] : memref<4915200xf32, #tpu.memory_space<hbm>> -> memref<5120xf32, #tpu.memory_space<hbm>>
    %dma_start3A_242 = tpu.memref_slice %arg4[%add3A_236] : memref<4915200xf32, #tpu.memory_space<hbm>> -> memref<5120xf32, #tpu.memory_space<hbm>>
    tpu.enqueue_dma source(%dma_start3A_242 : memref<5120xf32, #tpu.memory_space<hbm>>) target(%arg12 : memref<5120xf32, #tpu.memory_space<vmem>>) target_semaphore(%arg19 : memref<!tpu.dma_semaphore, #tpu.memory_space<semaphore_mem>>)
    %dma_start3A_243 = tpu.memref_slice %arg5[%add3A_236] : memref<4915200xf32, #tpu.memory_space<hbm>> -> memref<5120xf32, #tpu.memory_space<hbm>>
    %dma_start3A_244 = tpu.memref_slice %arg5[%add3A_236] : memref<4915200xf32, #tpu.memory_space<hbm>> -> memref<5120xf32, #tpu.memory_space<hbm>>
    tpu.enqueue_dma source(%dma_start3A_244 : memref<5120xf32, #tpu.memory_space<hbm>>) target(%arg14 : memref<5120xf32, #tpu.memory_space<vmem>>) target_semaphore(%arg19 : memref<!tpu.dma_semaphore, #tpu.memory_space<semaphore_mem>>)
    %dma_start3A_245 = tpu.memref_slice %arg6[%add3A_236] : memref<4915200xf32, #tpu.memory_space<hbm>> -> memref<5120xf32, #tpu.memory_space<hbm>>
    %dma_start3A_246 = tpu.memref_slice %arg6[%add3A_236] : memref<4915200xf32, #tpu.memory_space<hbm>> -> memref<5120xf32, #tpu.memory_space<hbm>>
    tpu.enqueue_dma source(%dma_start3A_246 : memref<5120xf32, #tpu.memory_space<hbm>>) target(%arg16 : memref<5120xf32, #tpu.memory_space<vmem>>) target_semaphore(%arg19 : memref<!tpu.dma_semaphore, #tpu.memory_space<semaphore_mem>>)
    %scan3A_247 = arith.constant 0 : i32
    %scan3A_248 = arith.constant 0 : i32
    %scan3A_249 = arith.constant 320 : i32
    %scan3A_250 = arith.addi %scan3A_248, %scan3A_249 : i32
    %scan3A_251 = arith.constant 1 : i32
    %scan3A_252 = scf.for %scan3A_887 = %scan3A_248 to %scan3A_250 step %scan3A_251 iter_args(%scan3A_888 = %scan3A_247) -> (i32)  : i32 {
      %mul3A_889 = arith.constant 16 : i32
      %mul3A_890 = arith.muli %scan3A_887, %mul3A_889 : i32
      %get3A = arith.index_cast %mul3A_890 : i32 to index
      %get3A_891 = tpu.vector_load %arg9[%get3A] {strides = array<i32>} : memref<5120xi32, #tpu.memory_space<vmem>>, vector<16xi32>,
      %get3A_892 = arith.index_cast %mul3A_890 : i32 to index
      %get3A_893 = tpu.vector_load %arg11[%get3A_892] {strides = array<i32>} : memref<5120xf32, #tpu.memory_space<vmem>>, vector<16xf32>,
      %get3A_894 = arith.index_cast %mul3A_890 : i32 to index
      %get3A_895 = tpu.vector_load %arg13[%get3A_894] {strides = array<i32>} : memref<5120xf32, #tpu.memory_space<vmem>>, vector<16xf32>,
      %get3A_896 = arith.index_cast %mul3A_890 : i32 to index
      %get3A_897 = tpu.vector_load %arg15[%get3A_896] {strides = array<i32>} : memref<5120xf32, #tpu.memory_space<vmem>>, vector<16xf32>,
      %get3A_898 = arith.index_cast %mul3A_890 : i32 to index
      %get3A_899 = tpu.vector_load %arg17[%get3A_898] {strides = array<i32>} : memref<5120xf32, #tpu.memory_space<vmem>>, vector<16xf32>,
      tpu.vector_store_idx %arg18[%get3A_891], %get3A_893 {add = true} : memref<66304xf32, #tpu.memory_space<vmem>>[vector<16xi32>], vector<16xf32>,
      %add3A_900 = arith.constant 1 : i32
      %add3A_901 = vector.broadcast %add3A_900 : i32 to vector<16xi32>
      %add3A_902 = arith.addi %get3A_891, %add3A_901 : vector<16xi32>
      tpu.vector_store_idx %arg18[%add3A_902], %get3A_895 {add = true} : memref<66304xf32, #tpu.memory_space<vmem>>[vector<16xi32>], vector<16xf32>,
      %add3A_903 = arith.constant 128 : i32
      %add3A_904 = vector.broadcast %add3A_903 : i32 to vector<16xi32>
      %add3A_905 = arith.addi %get3A_891, %add3A_904 : vector<16xi32>
      tpu.vector_store_idx %arg18[%add3A_905], %get3A_897 {add = true} : memref<66304xf32, #tpu.memory_space<vmem>>[vector<16xi32>], vector<16xf32>,
      %add3A_906 = arith.constant 129 : i32
      %add3A_907 = vector.broadcast %add3A_906 : i32 to vector<16xi32>
      %add3A_908 = arith.addi %get3A_891, %add3A_907 : vector<16xi32>
      tpu.vector_store_idx %arg18[%add3A_908], %get3A_899 {add = true} : memref<66304xf32, #tpu.memory_space<vmem>>[vector<16xi32>], vector<16xf32>,
      %scan3A_909 = arith.constant 0 : i32
      scf.yield %scan3A_909 : i32
    }
    %scan3A_253 = arith.constant 320 : i32
    %dma_wait3A_254 = tpu.memref_slice %arg2[%add3A_236] : memref<4915200xi32, #tpu.memory_space<hbm>> -> memref<5120xi32, #tpu.memory_space<hbm>>
    %dma_wait3A_255 = tpu.memref_slice %arg2[%add3A_236] : memref<4915200xi32, #tpu.memory_space<hbm>> -> memref<5120xi32, #tpu.memory_space<hbm>>
    tpu.wait_dma2 semaphore(%arg19 : memref<!tpu.dma_semaphore, #tpu.memory_space<semaphore_mem>>) src(%dma_wait3A_255 : memref<5120xi32, #tpu.memory_space<hbm>>) dst(%arg8 : memref<5120xi32, #tpu.memory_space<vmem>>)
    %dma_wait3A_256 = tpu.memref_slice %arg3[%add3A_236] : memref<4915200xf32, #tpu.memory_space<hbm>> -> memref<5120xf32, #tpu.memory_space<hbm>>
    %dma_wait3A_257 = tpu.memref_slice %arg3[%add3A_236] : memref<4915200xf32, #tpu.memory_space<hbm>> -> memref<5120xf32, #tpu.memory_space<hbm>>
    tpu.wait_dma2 semaphore(%arg19 : memref<!tpu.dma_semaphore, #tpu.memory_space<semaphore_mem>>) src(%dma_wait3A_257 : memref<5120xf32, #tpu.memory_space<hbm>>) dst(%arg10 : memref<5120xf32, #tpu.memory_space<vmem>>)
    %dma_wait3A_258 = tpu.memref_slice %arg4[%add3A_236] : memref<4915200xf32, #tpu.memory_space<hbm>> -> memref<5120xf32, #tpu.memory_space<hbm>>
    %dma_wait3A_259 = tpu.memref_slice %arg4[%add3A_236] : memref<4915200xf32, #tpu.memory_space<hbm>> -> memref<5120xf32, #tpu.memory_space<hbm>>
    tpu.wait_dma2 semaphore(%arg19 : memref<!tpu.dma_semaphore, #tpu.memory_space<semaphore_mem>>) src(%dma_wait3A_259 : memref<5120xf32, #tpu.memory_space<hbm>>) dst(%arg12 : memref<5120xf32, #tpu.memory_space<vmem>>)
    %dma_wait3A_260 = tpu.memref_slice %arg5[%add3A_236] : memref<4915200xf32, #tpu.memory_space<hbm>> -> memref<5120xf32, #tpu.memory_space<hbm>>
    %dma_wait3A_261 = tpu.memref_slice %arg5[%add3A_236] : memref<4915200xf32, #tpu.memory_space<hbm>> -> memref<5120xf32, #tpu.memory_space<hbm>>
    tpu.wait_dma2 semaphore(%arg19 : memref<!tpu.dma_semaphore, #tpu.memory_space<semaphore_mem>>) src(%dma_wait3A_261 : memref<5120xf32, #tpu.memory_space<hbm>>) dst(%arg14 : memref<5120xf32, #tpu.memory_space<vmem>>)
    %dma_wait3A_262 = tpu.memref_slice %arg6[%add3A_236] : memref<4915200xf32, #tpu.memory_space<hbm>> -> memref<5120xf32, #tpu.memory_space<hbm>>
    %dma_wait3A_263 = tpu.memref_slice %arg6[%add3A_236] : memref<4915200xf32, #tpu.memory_space<hbm>> -> memref<5120xf32, #tpu.memory_space<hbm>>
    tpu.wait_dma2 semaphore(%arg19 : memref<!tpu.dma_semaphore, #tpu.memory_space<semaphore_mem>>) src(%dma_wait3A_263 : memref<5120xf32, #tpu.memory_space<hbm>>) dst(%arg16 : memref<5120xf32, #tpu.memory_space<vmem>>)
    %add3A_264 = arith.constant 46080 : i32
    %add3A_265 = arith.addi %add3A_5, %add3A_264 : i32
    %dma_start3A_266 = tpu.memref_slice %arg2[%add3A_265] : memref<4915200xi32, #tpu.memory_space<hbm>> -> memref<5120xi32, #tpu.memory_space<hbm>>
    %dma_start3A_267 = tpu.memref_slice %arg2[%add3A_265] : memref<4915200xi32, #tpu.memory_space<hbm>> -> memref<5120xi32, #tpu.memory_space<hbm>>
    tpu.enqueue_dma source(%dma_start3A_267 : memref<5120xi32, #tpu.memory_space<hbm>>) target(%arg9 : memref<5120xi32, #tpu.memory_space<vmem>>) target_semaphore(%arg20 : memref<!tpu.dma_semaphore, #tpu.memory_space<semaphore_mem>>)
    %dma_start3A_268 = tpu.memref_slice %arg3[%add3A_265] : memref<4915200xf32, #tpu.memory_space<hbm>> -> memref<5120xf32, #tpu.memory_space<hbm>>
    %dma_start3A_269 = tpu.memref_slice %arg3[%add3A_265] : memref<4915200xf32, #tpu.memory_space<hbm>> -> memref<5120xf32, #tpu.memory_space<hbm>>
    tpu.enqueue_dma source(%dma_start3A_269 : memref<5120xf32, #tpu.memory_space<hbm>>) target(%arg11 : memref<5120xf32, #tpu.memory_space<vmem>>) target_semaphore(%arg20 : memref<!tpu.dma_semaphore, #tpu.memory_space<semaphore_mem>>)
    %dma_start3A_270 = tpu.memref_slice %arg4[%add3A_265] : memref<4915200xf32, #tpu.memory_space<hbm>> -> memref<5120xf32, #tpu.memory_space<hbm>>
    %dma_start3A_271 = tpu.memref_slice %arg4[%add3A_265] : memref<4915200xf32, #tpu.memory_space<hbm>> -> memref<5120xf32, #tpu.memory_space<hbm>>
    tpu.enqueue_dma source(%dma_start3A_271 : memref<5120xf32, #tpu.memory_space<hbm>>) target(%arg13 : memref<5120xf32, #tpu.memory_space<vmem>>) target_semaphore(%arg20 : memref<!tpu.dma_semaphore, #tpu.memory_space<semaphore_mem>>)
    %dma_start3A_272 = tpu.memref_slice %arg5[%add3A_265] : memref<4915200xf32, #tpu.memory_space<hbm>> -> memref<5120xf32, #tpu.memory_space<hbm>>
    %dma_start3A_273 = tpu.memref_slice %arg5[%add3A_265] : memref<4915200xf32, #tpu.memory_space<hbm>> -> memref<5120xf32, #tpu.memory_space<hbm>>
    tpu.enqueue_dma source(%dma_start3A_273 : memref<5120xf32, #tpu.memory_space<hbm>>) target(%arg15 : memref<5120xf32, #tpu.memory_space<vmem>>) target_semaphore(%arg20 : memref<!tpu.dma_semaphore, #tpu.memory_space<semaphore_mem>>)
    %dma_start3A_274 = tpu.memref_slice %arg6[%add3A_265] : memref<4915200xf32, #tpu.memory_space<hbm>> -> memref<5120xf32, #tpu.memory_space<hbm>>
    %dma_start3A_275 = tpu.memref_slice %arg6[%add3A_265] : memref<4915200xf32, #tpu.memory_space<hbm>> -> memref<5120xf32, #tpu.memory_space<hbm>>
    tpu.enqueue_dma source(%dma_start3A_275 : memref<5120xf32, #tpu.memory_space<hbm>>) target(%arg17 : memref<5120xf32, #tpu.memory_space<vmem>>) target_semaphore(%arg20 : memref<!tpu.dma_semaphore, #tpu.memory_space<semaphore_mem>>)
    %scan3A_276 = arith.constant 0 : i32
    %scan3A_277 = arith.constant 0 : i32
    %scan3A_278 = arith.constant 320 : i32
    %scan3A_279 = arith.addi %scan3A_277, %scan3A_278 : i32
    %scan3A_280 = arith.constant 1 : i32
    %scan3A_281 = scf.for %scan3A_887 = %scan3A_277 to %scan3A_279 step %scan3A_280 iter_args(%scan3A_888 = %scan3A_276) -> (i32)  : i32 {
      %mul3A_889 = arith.constant 16 : i32
      %mul3A_890 = arith.muli %scan3A_887, %mul3A_889 : i32
      %get3A = arith.index_cast %mul3A_890 : i32 to index
      %get3A_891 = tpu.vector_load %arg8[%get3A] {strides = array<i32>} : memref<5120xi32, #tpu.memory_space<vmem>>, vector<16xi32>,
      %get3A_892 = arith.index_cast %mul3A_890 : i32 to index
      %get3A_893 = tpu.vector_load %arg10[%get3A_892] {strides = array<i32>} : memref<5120xf32, #tpu.memory_space<vmem>>, vector<16xf32>,
      %get3A_894 = arith.index_cast %mul3A_890 : i32 to index
      %get3A_895 = tpu.vector_load %arg12[%get3A_894] {strides = array<i32>} : memref<5120xf32, #tpu.memory_space<vmem>>, vector<16xf32>,
      %get3A_896 = arith.index_cast %mul3A_890 : i32 to index
      %get3A_897 = tpu.vector_load %arg14[%get3A_896] {strides = array<i32>} : memref<5120xf32, #tpu.memory_space<vmem>>, vector<16xf32>,
      %get3A_898 = arith.index_cast %mul3A_890 : i32 to index
      %get3A_899 = tpu.vector_load %arg16[%get3A_898] {strides = array<i32>} : memref<5120xf32, #tpu.memory_space<vmem>>, vector<16xf32>,
      tpu.vector_store_idx %arg18[%get3A_891], %get3A_893 {add = true} : memref<66304xf32, #tpu.memory_space<vmem>>[vector<16xi32>], vector<16xf32>,
      %add3A_900 = arith.constant 1 : i32
      %add3A_901 = vector.broadcast %add3A_900 : i32 to vector<16xi32>
      %add3A_902 = arith.addi %get3A_891, %add3A_901 : vector<16xi32>
      tpu.vector_store_idx %arg18[%add3A_902], %get3A_895 {add = true} : memref<66304xf32, #tpu.memory_space<vmem>>[vector<16xi32>], vector<16xf32>,
      %add3A_903 = arith.constant 128 : i32
      %add3A_904 = vector.broadcast %add3A_903 : i32 to vector<16xi32>
      %add3A_905 = arith.addi %get3A_891, %add3A_904 : vector<16xi32>
      tpu.vector_store_idx %arg18[%add3A_905], %get3A_897 {add = true} : memref<66304xf32, #tpu.memory_space<vmem>>[vector<16xi32>], vector<16xf32>,
      %add3A_906 = arith.constant 129 : i32
      %add3A_907 = vector.broadcast %add3A_906 : i32 to vector<16xi32>
      %add3A_908 = arith.addi %get3A_891, %add3A_907 : vector<16xi32>
      tpu.vector_store_idx %arg18[%add3A_908], %get3A_899 {add = true} : memref<66304xf32, #tpu.memory_space<vmem>>[vector<16xi32>], vector<16xf32>,
      %scan3A_909 = arith.constant 0 : i32
      scf.yield %scan3A_909 : i32
    }
    %scan3A_282 = arith.constant 320 : i32
    %dma_wait3A_283 = tpu.memref_slice %arg2[%add3A_265] : memref<4915200xi32, #tpu.memory_space<hbm>> -> memref<5120xi32, #tpu.memory_space<hbm>>
    %dma_wait3A_284 = tpu.memref_slice %arg2[%add3A_265] : memref<4915200xi32, #tpu.memory_space<hbm>> -> memref<5120xi32, #tpu.memory_space<hbm>>
    tpu.wait_dma2 semaphore(%arg20 : memref<!tpu.dma_semaphore, #tpu.memory_space<semaphore_mem>>) src(%dma_wait3A_284 : memref<5120xi32, #tpu.memory_space<hbm>>) dst(%arg9 : memref<5120xi32, #tpu.memory_space<vmem>>)
    %dma_wait3A_285 = tpu.memref_slice %arg3[%add3A_265] : memref<4915200xf32, #tpu.memory_space<hbm>> -> memref<5120xf32, #tpu.memory_space<hbm>>
    %dma_wait3A_286 = tpu.memref_slice %arg3[%add3A_265] : memref<4915200xf32, #tpu.memory_space<hbm>> -> memref<5120xf32, #tpu.memory_space<hbm>>
    tpu.wait_dma2 semaphore(%arg20 : memref<!tpu.dma_semaphore, #tpu.memory_space<semaphore_mem>>) src(%dma_wait3A_286 : memref<5120xf32, #tpu.memory_space<hbm>>) dst(%arg11 : memref<5120xf32, #tpu.memory_space<vmem>>)
    %dma_wait3A_287 = tpu.memref_slice %arg4[%add3A_265] : memref<4915200xf32, #tpu.memory_space<hbm>> -> memref<5120xf32, #tpu.memory_space<hbm>>
    %dma_wait3A_288 = tpu.memref_slice %arg4[%add3A_265] : memref<4915200xf32, #tpu.memory_space<hbm>> -> memref<5120xf32, #tpu.memory_space<hbm>>
    tpu.wait_dma2 semaphore(%arg20 : memref<!tpu.dma_semaphore, #tpu.memory_space<semaphore_mem>>) src(%dma_wait3A_288 : memref<5120xf32, #tpu.memory_space<hbm>>) dst(%arg13 : memref<5120xf32, #tpu.memory_space<vmem>>)
    %dma_wait3A_289 = tpu.memref_slice %arg5[%add3A_265] : memref<4915200xf32, #tpu.memory_space<hbm>> -> memref<5120xf32, #tpu.memory_space<hbm>>
    %dma_wait3A_290 = tpu.memref_slice %arg5[%add3A_265] : memref<4915200xf32, #tpu.memory_space<hbm>> -> memref<5120xf32, #tpu.memory_space<hbm>>
    tpu.wait_dma2 semaphore(%arg20 : memref<!tpu.dma_semaphore, #tpu.memory_space<semaphore_mem>>) src(%dma_wait3A_290 : memref<5120xf32, #tpu.memory_space<hbm>>) dst(%arg15 : memref<5120xf32, #tpu.memory_space<vmem>>)
    %dma_wait3A_291 = tpu.memref_slice %arg6[%add3A_265] : memref<4915200xf32, #tpu.memory_space<hbm>> -> memref<5120xf32, #tpu.memory_space<hbm>>
    %dma_wait3A_292 = tpu.memref_slice %arg6[%add3A_265] : memref<4915200xf32, #tpu.memory_space<hbm>> -> memref<5120xf32, #tpu.memory_space<hbm>>
    tpu.wait_dma2 semaphore(%arg20 : memref<!tpu.dma_semaphore, #tpu.memory_space<semaphore_mem>>) src(%dma_wait3A_292 : memref<5120xf32, #tpu.memory_space<hbm>>) dst(%arg17 : memref<5120xf32, #tpu.memory_space<vmem>>)
    %add3A_293 = arith.constant 51200 : i32
    %add3A_294 = arith.addi %add3A_5, %add3A_293 : i32
    %dma_start3A_295 = tpu.memref_slice %arg2[%add3A_294] : memref<4915200xi32, #tpu.memory_space<hbm>> -> memref<5120xi32, #tpu.memory_space<hbm>>
    %dma_start3A_296 = tpu.memref_slice %arg2[%add3A_294] : memref<4915200xi32, #tpu.memory_space<hbm>> -> memref<5120xi32, #tpu.memory_space<hbm>>
    tpu.enqueue_dma source(%dma_start3A_296 : memref<5120xi32, #tpu.memory_space<hbm>>) target(%arg8 : memref<5120xi32, #tpu.memory_space<vmem>>) target_semaphore(%arg19 : memref<!tpu.dma_semaphore, #tpu.memory_space<semaphore_mem>>)
    %dma_start3A_297 = tpu.memref_slice %arg3[%add3A_294] : memref<4915200xf32, #tpu.memory_space<hbm>> -> memref<5120xf32, #tpu.memory_space<hbm>>
    %dma_start3A_298 = tpu.memref_slice %arg3[%add3A_294] : memref<4915200xf32, #tpu.memory_space<hbm>> -> memref<5120xf32, #tpu.memory_space<hbm>>
    tpu.enqueue_dma source(%dma_start3A_298 : memref<5120xf32, #tpu.memory_space<hbm>>) target(%arg10 : memref<5120xf32, #tpu.memory_space<vmem>>) target_semaphore(%arg19 : memref<!tpu.dma_semaphore, #tpu.memory_space<semaphore_mem>>)
    %dma_start3A_299 = tpu.memref_slice %arg4[%add3A_294] : memref<4915200xf32, #tpu.memory_space<hbm>> -> memref<5120xf32, #tpu.memory_space<hbm>>
    %dma_start3A_300 = tpu.memref_slice %arg4[%add3A_294] : memref<4915200xf32, #tpu.memory_space<hbm>> -> memref<5120xf32, #tpu.memory_space<hbm>>
    tpu.enqueue_dma source(%dma_start3A_300 : memref<5120xf32, #tpu.memory_space<hbm>>) target(%arg12 : memref<5120xf32, #tpu.memory_space<vmem>>) target_semaphore(%arg19 : memref<!tpu.dma_semaphore, #tpu.memory_space<semaphore_mem>>)
    %dma_start3A_301 = tpu.memref_slice %arg5[%add3A_294] : memref<4915200xf32, #tpu.memory_space<hbm>> -> memref<5120xf32, #tpu.memory_space<hbm>>
    %dma_start3A_302 = tpu.memref_slice %arg5[%add3A_294] : memref<4915200xf32, #tpu.memory_space<hbm>> -> memref<5120xf32, #tpu.memory_space<hbm>>
    tpu.enqueue_dma source(%dma_start3A_302 : memref<5120xf32, #tpu.memory_space<hbm>>) target(%arg14 : memref<5120xf32, #tpu.memory_space<vmem>>) target_semaphore(%arg19 : memref<!tpu.dma_semaphore, #tpu.memory_space<semaphore_mem>>)
    %dma_start3A_303 = tpu.memref_slice %arg6[%add3A_294] : memref<4915200xf32, #tpu.memory_space<hbm>> -> memref<5120xf32, #tpu.memory_space<hbm>>
    %dma_start3A_304 = tpu.memref_slice %arg6[%add3A_294] : memref<4915200xf32, #tpu.memory_space<hbm>> -> memref<5120xf32, #tpu.memory_space<hbm>>
    tpu.enqueue_dma source(%dma_start3A_304 : memref<5120xf32, #tpu.memory_space<hbm>>) target(%arg16 : memref<5120xf32, #tpu.memory_space<vmem>>) target_semaphore(%arg19 : memref<!tpu.dma_semaphore, #tpu.memory_space<semaphore_mem>>)
    %scan3A_305 = arith.constant 0 : i32
    %scan3A_306 = arith.constant 0 : i32
    %scan3A_307 = arith.constant 320 : i32
    %scan3A_308 = arith.addi %scan3A_306, %scan3A_307 : i32
    %scan3A_309 = arith.constant 1 : i32
    %scan3A_310 = scf.for %scan3A_887 = %scan3A_306 to %scan3A_308 step %scan3A_309 iter_args(%scan3A_888 = %scan3A_305) -> (i32)  : i32 {
      %mul3A_889 = arith.constant 16 : i32
      %mul3A_890 = arith.muli %scan3A_887, %mul3A_889 : i32
      %get3A = arith.index_cast %mul3A_890 : i32 to index
      %get3A_891 = tpu.vector_load %arg9[%get3A] {strides = array<i32>} : memref<5120xi32, #tpu.memory_space<vmem>>, vector<16xi32>,
      %get3A_892 = arith.index_cast %mul3A_890 : i32 to index
      %get3A_893 = tpu.vector_load %arg11[%get3A_892] {strides = array<i32>} : memref<5120xf32, #tpu.memory_space<vmem>>, vector<16xf32>,
      %get3A_894 = arith.index_cast %mul3A_890 : i32 to index
      %get3A_895 = tpu.vector_load %arg13[%get3A_894] {strides = array<i32>} : memref<5120xf32, #tpu.memory_space<vmem>>, vector<16xf32>,
      %get3A_896 = arith.index_cast %mul3A_890 : i32 to index
      %get3A_897 = tpu.vector_load %arg15[%get3A_896] {strides = array<i32>} : memref<5120xf32, #tpu.memory_space<vmem>>, vector<16xf32>,
      %get3A_898 = arith.index_cast %mul3A_890 : i32 to index
      %get3A_899 = tpu.vector_load %arg17[%get3A_898] {strides = array<i32>} : memref<5120xf32, #tpu.memory_space<vmem>>, vector<16xf32>,
      tpu.vector_store_idx %arg18[%get3A_891], %get3A_893 {add = true} : memref<66304xf32, #tpu.memory_space<vmem>>[vector<16xi32>], vector<16xf32>,
      %add3A_900 = arith.constant 1 : i32
      %add3A_901 = vector.broadcast %add3A_900 : i32 to vector<16xi32>
      %add3A_902 = arith.addi %get3A_891, %add3A_901 : vector<16xi32>
      tpu.vector_store_idx %arg18[%add3A_902], %get3A_895 {add = true} : memref<66304xf32, #tpu.memory_space<vmem>>[vector<16xi32>], vector<16xf32>,
      %add3A_903 = arith.constant 128 : i32
      %add3A_904 = vector.broadcast %add3A_903 : i32 to vector<16xi32>
      %add3A_905 = arith.addi %get3A_891, %add3A_904 : vector<16xi32>
      tpu.vector_store_idx %arg18[%add3A_905], %get3A_897 {add = true} : memref<66304xf32, #tpu.memory_space<vmem>>[vector<16xi32>], vector<16xf32>,
      %add3A_906 = arith.constant 129 : i32
      %add3A_907 = vector.broadcast %add3A_906 : i32 to vector<16xi32>
      %add3A_908 = arith.addi %get3A_891, %add3A_907 : vector<16xi32>
      tpu.vector_store_idx %arg18[%add3A_908], %get3A_899 {add = true} : memref<66304xf32, #tpu.memory_space<vmem>>[vector<16xi32>], vector<16xf32>,
      %scan3A_909 = arith.constant 0 : i32
      scf.yield %scan3A_909 : i32
    }
    %scan3A_311 = arith.constant 320 : i32
    %dma_wait3A_312 = tpu.memref_slice %arg2[%add3A_294] : memref<4915200xi32, #tpu.memory_space<hbm>> -> memref<5120xi32, #tpu.memory_space<hbm>>
    %dma_wait3A_313 = tpu.memref_slice %arg2[%add3A_294] : memref<4915200xi32, #tpu.memory_space<hbm>> -> memref<5120xi32, #tpu.memory_space<hbm>>
    tpu.wait_dma2 semaphore(%arg19 : memref<!tpu.dma_semaphore, #tpu.memory_space<semaphore_mem>>) src(%dma_wait3A_313 : memref<5120xi32, #tpu.memory_space<hbm>>) dst(%arg8 : memref<5120xi32, #tpu.memory_space<vmem>>)
    %dma_wait3A_314 = tpu.memref_slice %arg3[%add3A_294] : memref<4915200xf32, #tpu.memory_space<hbm>> -> memref<5120xf32, #tpu.memory_space<hbm>>
    %dma_wait3A_315 = tpu.memref_slice %arg3[%add3A_294] : memref<4915200xf32, #tpu.memory_space<hbm>> -> memref<5120xf32, #tpu.memory_space<hbm>>
    tpu.wait_dma2 semaphore(%arg19 : memref<!tpu.dma_semaphore, #tpu.memory_space<semaphore_mem>>) src(%dma_wait3A_315 : memref<5120xf32, #tpu.memory_space<hbm>>) dst(%arg10 : memref<5120xf32, #tpu.memory_space<vmem>>)
    %dma_wait3A_316 = tpu.memref_slice %arg4[%add3A_294] : memref<4915200xf32, #tpu.memory_space<hbm>> -> memref<5120xf32, #tpu.memory_space<hbm>>
    %dma_wait3A_317 = tpu.memref_slice %arg4[%add3A_294] : memref<4915200xf32, #tpu.memory_space<hbm>> -> memref<5120xf32, #tpu.memory_space<hbm>>
    tpu.wait_dma2 semaphore(%arg19 : memref<!tpu.dma_semaphore, #tpu.memory_space<semaphore_mem>>) src(%dma_wait3A_317 : memref<5120xf32, #tpu.memory_space<hbm>>) dst(%arg12 : memref<5120xf32, #tpu.memory_space<vmem>>)
    %dma_wait3A_318 = tpu.memref_slice %arg5[%add3A_294] : memref<4915200xf32, #tpu.memory_space<hbm>> -> memref<5120xf32, #tpu.memory_space<hbm>>
    %dma_wait3A_319 = tpu.memref_slice %arg5[%add3A_294] : memref<4915200xf32, #tpu.memory_space<hbm>> -> memref<5120xf32, #tpu.memory_space<hbm>>
    tpu.wait_dma2 semaphore(%arg19 : memref<!tpu.dma_semaphore, #tpu.memory_space<semaphore_mem>>) src(%dma_wait3A_319 : memref<5120xf32, #tpu.memory_space<hbm>>) dst(%arg14 : memref<5120xf32, #tpu.memory_space<vmem>>)
    %dma_wait3A_320 = tpu.memref_slice %arg6[%add3A_294] : memref<4915200xf32, #tpu.memory_space<hbm>> -> memref<5120xf32, #tpu.memory_space<hbm>>
    %dma_wait3A_321 = tpu.memref_slice %arg6[%add3A_294] : memref<4915200xf32, #tpu.memory_space<hbm>> -> memref<5120xf32, #tpu.memory_space<hbm>>
    tpu.wait_dma2 semaphore(%arg19 : memref<!tpu.dma_semaphore, #tpu.memory_space<semaphore_mem>>) src(%dma_wait3A_321 : memref<5120xf32, #tpu.memory_space<hbm>>) dst(%arg16 : memref<5120xf32, #tpu.memory_space<vmem>>)
    %add3A_322 = arith.constant 56320 : i32
    %add3A_323 = arith.addi %add3A_5, %add3A_322 : i32
    %dma_start3A_324 = tpu.memref_slice %arg2[%add3A_323] : memref<4915200xi32, #tpu.memory_space<hbm>> -> memref<5120xi32, #tpu.memory_space<hbm>>
    %dma_start3A_325 = tpu.memref_slice %arg2[%add3A_323] : memref<4915200xi32, #tpu.memory_space<hbm>> -> memref<5120xi32, #tpu.memory_space<hbm>>
    tpu.enqueue_dma source(%dma_start3A_325 : memref<5120xi32, #tpu.memory_space<hbm>>) target(%arg9 : memref<5120xi32, #tpu.memory_space<vmem>>) target_semaphore(%arg20 : memref<!tpu.dma_semaphore, #tpu.memory_space<semaphore_mem>>)
    %dma_start3A_326 = tpu.memref_slice %arg3[%add3A_323] : memref<4915200xf32, #tpu.memory_space<hbm>> -> memref<5120xf32, #tpu.memory_space<hbm>>
    %dma_start3A_327 = tpu.memref_slice %arg3[%add3A_323] : memref<4915200xf32, #tpu.memory_space<hbm>> -> memref<5120xf32, #tpu.memory_space<hbm>>
    tpu.enqueue_dma source(%dma_start3A_327 : memref<5120xf32, #tpu.memory_space<hbm>>) target(%arg11 : memref<5120xf32, #tpu.memory_space<vmem>>) target_semaphore(%arg20 : memref<!tpu.dma_semaphore, #tpu.memory_space<semaphore_mem>>)
    %dma_start3A_328 = tpu.memref_slice %arg4[%add3A_323] : memref<4915200xf32, #tpu.memory_space<hbm>> -> memref<5120xf32, #tpu.memory_space<hbm>>
    %dma_start3A_329 = tpu.memref_slice %arg4[%add3A_323] : memref<4915200xf32, #tpu.memory_space<hbm>> -> memref<5120xf32, #tpu.memory_space<hbm>>
    tpu.enqueue_dma source(%dma_start3A_329 : memref<5120xf32, #tpu.memory_space<hbm>>) target(%arg13 : memref<5120xf32, #tpu.memory_space<vmem>>) target_semaphore(%arg20 : memref<!tpu.dma_semaphore, #tpu.memory_space<semaphore_mem>>)
    %dma_start3A_330 = tpu.memref_slice %arg5[%add3A_323] : memref<4915200xf32, #tpu.memory_space<hbm>> -> memref<5120xf32, #tpu.memory_space<hbm>>
    %dma_start3A_331 = tpu.memref_slice %arg5[%add3A_323] : memref<4915200xf32, #tpu.memory_space<hbm>> -> memref<5120xf32, #tpu.memory_space<hbm>>
    tpu.enqueue_dma source(%dma_start3A_331 : memref<5120xf32, #tpu.memory_space<hbm>>) target(%arg15 : memref<5120xf32, #tpu.memory_space<vmem>>) target_semaphore(%arg20 : memref<!tpu.dma_semaphore, #tpu.memory_space<semaphore_mem>>)
    %dma_start3A_332 = tpu.memref_slice %arg6[%add3A_323] : memref<4915200xf32, #tpu.memory_space<hbm>> -> memref<5120xf32, #tpu.memory_space<hbm>>
    %dma_start3A_333 = tpu.memref_slice %arg6[%add3A_323] : memref<4915200xf32, #tpu.memory_space<hbm>> -> memref<5120xf32, #tpu.memory_space<hbm>>
    tpu.enqueue_dma source(%dma_start3A_333 : memref<5120xf32, #tpu.memory_space<hbm>>) target(%arg17 : memref<5120xf32, #tpu.memory_space<vmem>>) target_semaphore(%arg20 : memref<!tpu.dma_semaphore, #tpu.memory_space<semaphore_mem>>)
    %scan3A_334 = arith.constant 0 : i32
    %scan3A_335 = arith.constant 0 : i32
    %scan3A_336 = arith.constant 320 : i32
    %scan3A_337 = arith.addi %scan3A_335, %scan3A_336 : i32
    %scan3A_338 = arith.constant 1 : i32
    %scan3A_339 = scf.for %scan3A_887 = %scan3A_335 to %scan3A_337 step %scan3A_338 iter_args(%scan3A_888 = %scan3A_334) -> (i32)  : i32 {
      %mul3A_889 = arith.constant 16 : i32
      %mul3A_890 = arith.muli %scan3A_887, %mul3A_889 : i32
      %get3A = arith.index_cast %mul3A_890 : i32 to index
      %get3A_891 = tpu.vector_load %arg8[%get3A] {strides = array<i32>} : memref<5120xi32, #tpu.memory_space<vmem>>, vector<16xi32>,
      %get3A_892 = arith.index_cast %mul3A_890 : i32 to index
      %get3A_893 = tpu.vector_load %arg10[%get3A_892] {strides = array<i32>} : memref<5120xf32, #tpu.memory_space<vmem>>, vector<16xf32>,
      %get3A_894 = arith.index_cast %mul3A_890 : i32 to index
      %get3A_895 = tpu.vector_load %arg12[%get3A_894] {strides = array<i32>} : memref<5120xf32, #tpu.memory_space<vmem>>, vector<16xf32>,
      %get3A_896 = arith.index_cast %mul3A_890 : i32 to index
      %get3A_897 = tpu.vector_load %arg14[%get3A_896] {strides = array<i32>} : memref<5120xf32, #tpu.memory_space<vmem>>, vector<16xf32>,
      %get3A_898 = arith.index_cast %mul3A_890 : i32 to index
      %get3A_899 = tpu.vector_load %arg16[%get3A_898] {strides = array<i32>} : memref<5120xf32, #tpu.memory_space<vmem>>, vector<16xf32>,
      tpu.vector_store_idx %arg18[%get3A_891], %get3A_893 {add = true} : memref<66304xf32, #tpu.memory_space<vmem>>[vector<16xi32>], vector<16xf32>,
      %add3A_900 = arith.constant 1 : i32
      %add3A_901 = vector.broadcast %add3A_900 : i32 to vector<16xi32>
      %add3A_902 = arith.addi %get3A_891, %add3A_901 : vector<16xi32>
      tpu.vector_store_idx %arg18[%add3A_902], %get3A_895 {add = true} : memref<66304xf32, #tpu.memory_space<vmem>>[vector<16xi32>], vector<16xf32>,
      %add3A_903 = arith.constant 128 : i32
      %add3A_904 = vector.broadcast %add3A_903 : i32 to vector<16xi32>
      %add3A_905 = arith.addi %get3A_891, %add3A_904 : vector<16xi32>
      tpu.vector_store_idx %arg18[%add3A_905], %get3A_897 {add = true} : memref<66304xf32, #tpu.memory_space<vmem>>[vector<16xi32>], vector<16xf32>,
      %add3A_906 = arith.constant 129 : i32
      %add3A_907 = vector.broadcast %add3A_906 : i32 to vector<16xi32>
      %add3A_908 = arith.addi %get3A_891, %add3A_907 : vector<16xi32>
      tpu.vector_store_idx %arg18[%add3A_908], %get3A_899 {add = true} : memref<66304xf32, #tpu.memory_space<vmem>>[vector<16xi32>], vector<16xf32>,
      %scan3A_909 = arith.constant 0 : i32
      scf.yield %scan3A_909 : i32
    }
    %scan3A_340 = arith.constant 320 : i32
    %dma_wait3A_341 = tpu.memref_slice %arg2[%add3A_323] : memref<4915200xi32, #tpu.memory_space<hbm>> -> memref<5120xi32, #tpu.memory_space<hbm>>
    %dma_wait3A_342 = tpu.memref_slice %arg2[%add3A_323] : memref<4915200xi32, #tpu.memory_space<hbm>> -> memref<5120xi32, #tpu.memory_space<hbm>>
    tpu.wait_dma2 semaphore(%arg20 : memref<!tpu.dma_semaphore, #tpu.memory_space<semaphore_mem>>) src(%dma_wait3A_342 : memref<5120xi32, #tpu.memory_space<hbm>>) dst(%arg9 : memref<5120xi32, #tpu.memory_space<vmem>>)
    %dma_wait3A_343 = tpu.memref_slice %arg3[%add3A_323] : memref<4915200xf32, #tpu.memory_space<hbm>> -> memref<5120xf32, #tpu.memory_space<hbm>>
    %dma_wait3A_344 = tpu.memref_slice %arg3[%add3A_323] : memref<4915200xf32, #tpu.memory_space<hbm>> -> memref<5120xf32, #tpu.memory_space<hbm>>
    tpu.wait_dma2 semaphore(%arg20 : memref<!tpu.dma_semaphore, #tpu.memory_space<semaphore_mem>>) src(%dma_wait3A_344 : memref<5120xf32, #tpu.memory_space<hbm>>) dst(%arg11 : memref<5120xf32, #tpu.memory_space<vmem>>)
    %dma_wait3A_345 = tpu.memref_slice %arg4[%add3A_323] : memref<4915200xf32, #tpu.memory_space<hbm>> -> memref<5120xf32, #tpu.memory_space<hbm>>
    %dma_wait3A_346 = tpu.memref_slice %arg4[%add3A_323] : memref<4915200xf32, #tpu.memory_space<hbm>> -> memref<5120xf32, #tpu.memory_space<hbm>>
    tpu.wait_dma2 semaphore(%arg20 : memref<!tpu.dma_semaphore, #tpu.memory_space<semaphore_mem>>) src(%dma_wait3A_346 : memref<5120xf32, #tpu.memory_space<hbm>>) dst(%arg13 : memref<5120xf32, #tpu.memory_space<vmem>>)
    %dma_wait3A_347 = tpu.memref_slice %arg5[%add3A_323] : memref<4915200xf32, #tpu.memory_space<hbm>> -> memref<5120xf32, #tpu.memory_space<hbm>>
    %dma_wait3A_348 = tpu.memref_slice %arg5[%add3A_323] : memref<4915200xf32, #tpu.memory_space<hbm>> -> memref<5120xf32, #tpu.memory_space<hbm>>
    tpu.wait_dma2 semaphore(%arg20 : memref<!tpu.dma_semaphore, #tpu.memory_space<semaphore_mem>>) src(%dma_wait3A_348 : memref<5120xf32, #tpu.memory_space<hbm>>) dst(%arg15 : memref<5120xf32, #tpu.memory_space<vmem>>)
    %dma_wait3A_349 = tpu.memref_slice %arg6[%add3A_323] : memref<4915200xf32, #tpu.memory_space<hbm>> -> memref<5120xf32, #tpu.memory_space<hbm>>
    %dma_wait3A_350 = tpu.memref_slice %arg6[%add3A_323] : memref<4915200xf32, #tpu.memory_space<hbm>> -> memref<5120xf32, #tpu.memory_space<hbm>>
    tpu.wait_dma2 semaphore(%arg20 : memref<!tpu.dma_semaphore, #tpu.memory_space<semaphore_mem>>) src(%dma_wait3A_350 : memref<5120xf32, #tpu.memory_space<hbm>>) dst(%arg17 : memref<5120xf32, #tpu.memory_space<vmem>>)
    %add3A_351 = arith.constant 61440 : i32
    %add3A_352 = arith.addi %add3A_5, %add3A_351 : i32
    %dma_start3A_353 = tpu.memref_slice %arg2[%add3A_352] : memref<4915200xi32, #tpu.memory_space<hbm>> -> memref<5120xi32, #tpu.memory_space<hbm>>
    %dma_start3A_354 = tpu.memref_slice %arg2[%add3A_352] : memref<4915200xi32, #tpu.memory_space<hbm>> -> memref<5120xi32, #tpu.memory_space<hbm>>
    tpu.enqueue_dma source(%dma_start3A_354 : memref<5120xi32, #tpu.memory_space<hbm>>) target(%arg8 : memref<5120xi32, #tpu.memory_space<vmem>>) target_semaphore(%arg19 : memref<!tpu.dma_semaphore, #tpu.memory_space<semaphore_mem>>)
    %dma_start3A_355 = tpu.memref_slice %arg3[%add3A_352] : memref<4915200xf32, #tpu.memory_space<hbm>> -> memref<5120xf32, #tpu.memory_space<hbm>>
    %dma_start3A_356 = tpu.memref_slice %arg3[%add3A_352] : memref<4915200xf32, #tpu.memory_space<hbm>> -> memref<5120xf32, #tpu.memory_space<hbm>>
    tpu.enqueue_dma source(%dma_start3A_356 : memref<5120xf32, #tpu.memory_space<hbm>>) target(%arg10 : memref<5120xf32, #tpu.memory_space<vmem>>) target_semaphore(%arg19 : memref<!tpu.dma_semaphore, #tpu.memory_space<semaphore_mem>>)
    %dma_start3A_357 = tpu.memref_slice %arg4[%add3A_352] : memref<4915200xf32, #tpu.memory_space<hbm>> -> memref<5120xf32, #tpu.memory_space<hbm>>
    %dma_start3A_358 = tpu.memref_slice %arg4[%add3A_352] : memref<4915200xf32, #tpu.memory_space<hbm>> -> memref<5120xf32, #tpu.memory_space<hbm>>
    tpu.enqueue_dma source(%dma_start3A_358 : memref<5120xf32, #tpu.memory_space<hbm>>) target(%arg12 : memref<5120xf32, #tpu.memory_space<vmem>>) target_semaphore(%arg19 : memref<!tpu.dma_semaphore, #tpu.memory_space<semaphore_mem>>)
    %dma_start3A_359 = tpu.memref_slice %arg5[%add3A_352] : memref<4915200xf32, #tpu.memory_space<hbm>> -> memref<5120xf32, #tpu.memory_space<hbm>>
    %dma_start3A_360 = tpu.memref_slice %arg5[%add3A_352] : memref<4915200xf32, #tpu.memory_space<hbm>> -> memref<5120xf32, #tpu.memory_space<hbm>>
    tpu.enqueue_dma source(%dma_start3A_360 : memref<5120xf32, #tpu.memory_space<hbm>>) target(%arg14 : memref<5120xf32, #tpu.memory_space<vmem>>) target_semaphore(%arg19 : memref<!tpu.dma_semaphore, #tpu.memory_space<semaphore_mem>>)
    %dma_start3A_361 = tpu.memref_slice %arg6[%add3A_352] : memref<4915200xf32, #tpu.memory_space<hbm>> -> memref<5120xf32, #tpu.memory_space<hbm>>
    %dma_start3A_362 = tpu.memref_slice %arg6[%add3A_352] : memref<4915200xf32, #tpu.memory_space<hbm>> -> memref<5120xf32, #tpu.memory_space<hbm>>
    tpu.enqueue_dma source(%dma_start3A_362 : memref<5120xf32, #tpu.memory_space<hbm>>) target(%arg16 : memref<5120xf32, #tpu.memory_space<vmem>>) target_semaphore(%arg19 : memref<!tpu.dma_semaphore, #tpu.memory_space<semaphore_mem>>)
    %scan3A_363 = arith.constant 0 : i32
    %scan3A_364 = arith.constant 0 : i32
    %scan3A_365 = arith.constant 320 : i32
    %scan3A_366 = arith.addi %scan3A_364, %scan3A_365 : i32
    %scan3A_367 = arith.constant 1 : i32
    %scan3A_368 = scf.for %scan3A_887 = %scan3A_364 to %scan3A_366 step %scan3A_367 iter_args(%scan3A_888 = %scan3A_363) -> (i32)  : i32 {
      %mul3A_889 = arith.constant 16 : i32
      %mul3A_890 = arith.muli %scan3A_887, %mul3A_889 : i32
      %get3A = arith.index_cast %mul3A_890 : i32 to index
      %get3A_891 = tpu.vector_load %arg9[%get3A] {strides = array<i32>} : memref<5120xi32, #tpu.memory_space<vmem>>, vector<16xi32>,
      %get3A_892 = arith.index_cast %mul3A_890 : i32 to index
      %get3A_893 = tpu.vector_load %arg11[%get3A_892] {strides = array<i32>} : memref<5120xf32, #tpu.memory_space<vmem>>, vector<16xf32>,
      %get3A_894 = arith.index_cast %mul3A_890 : i32 to index
      %get3A_895 = tpu.vector_load %arg13[%get3A_894] {strides = array<i32>} : memref<5120xf32, #tpu.memory_space<vmem>>, vector<16xf32>,
      %get3A_896 = arith.index_cast %mul3A_890 : i32 to index
      %get3A_897 = tpu.vector_load %arg15[%get3A_896] {strides = array<i32>} : memref<5120xf32, #tpu.memory_space<vmem>>, vector<16xf32>,
      %get3A_898 = arith.index_cast %mul3A_890 : i32 to index
      %get3A_899 = tpu.vector_load %arg17[%get3A_898] {strides = array<i32>} : memref<5120xf32, #tpu.memory_space<vmem>>, vector<16xf32>,
      tpu.vector_store_idx %arg18[%get3A_891], %get3A_893 {add = true} : memref<66304xf32, #tpu.memory_space<vmem>>[vector<16xi32>], vector<16xf32>,
      %add3A_900 = arith.constant 1 : i32
      %add3A_901 = vector.broadcast %add3A_900 : i32 to vector<16xi32>
      %add3A_902 = arith.addi %get3A_891, %add3A_901 : vector<16xi32>
      tpu.vector_store_idx %arg18[%add3A_902], %get3A_895 {add = true} : memref<66304xf32, #tpu.memory_space<vmem>>[vector<16xi32>], vector<16xf32>,
      %add3A_903 = arith.constant 128 : i32
      %add3A_904 = vector.broadcast %add3A_903 : i32 to vector<16xi32>
      %add3A_905 = arith.addi %get3A_891, %add3A_904 : vector<16xi32>
      tpu.vector_store_idx %arg18[%add3A_905], %get3A_897 {add = true} : memref<66304xf32, #tpu.memory_space<vmem>>[vector<16xi32>], vector<16xf32>,
      %add3A_906 = arith.constant 129 : i32
      %add3A_907 = vector.broadcast %add3A_906 : i32 to vector<16xi32>
      %add3A_908 = arith.addi %get3A_891, %add3A_907 : vector<16xi32>
      tpu.vector_store_idx %arg18[%add3A_908], %get3A_899 {add = true} : memref<66304xf32, #tpu.memory_space<vmem>>[vector<16xi32>], vector<16xf32>,
      %scan3A_909 = arith.constant 0 : i32
      scf.yield %scan3A_909 : i32
    }
    %scan3A_369 = arith.constant 320 : i32
    %dma_wait3A_370 = tpu.memref_slice %arg2[%add3A_352] : memref<4915200xi32, #tpu.memory_space<hbm>> -> memref<5120xi32, #tpu.memory_space<hbm>>
    %dma_wait3A_371 = tpu.memref_slice %arg2[%add3A_352] : memref<4915200xi32, #tpu.memory_space<hbm>> -> memref<5120xi32, #tpu.memory_space<hbm>>
    tpu.wait_dma2 semaphore(%arg19 : memref<!tpu.dma_semaphore, #tpu.memory_space<semaphore_mem>>) src(%dma_wait3A_371 : memref<5120xi32, #tpu.memory_space<hbm>>) dst(%arg8 : memref<5120xi32, #tpu.memory_space<vmem>>)
    %dma_wait3A_372 = tpu.memref_slice %arg3[%add3A_352] : memref<4915200xf32, #tpu.memory_space<hbm>> -> memref<5120xf32, #tpu.memory_space<hbm>>
    %dma_wait3A_373 = tpu.memref_slice %arg3[%add3A_352] : memref<4915200xf32, #tpu.memory_space<hbm>> -> memref<5120xf32, #tpu.memory_space<hbm>>
    tpu.wait_dma2 semaphore(%arg19 : memref<!tpu.dma_semaphore, #tpu.memory_space<semaphore_mem>>) src(%dma_wait3A_373 : memref<5120xf32, #tpu.memory_space<hbm>>) dst(%arg10 : memref<5120xf32, #tpu.memory_space<vmem>>)
    %dma_wait3A_374 = tpu.memref_slice %arg4[%add3A_352] : memref<4915200xf32, #tpu.memory_space<hbm>> -> memref<5120xf32, #tpu.memory_space<hbm>>
    %dma_wait3A_375 = tpu.memref_slice %arg4[%add3A_352] : memref<4915200xf32, #tpu.memory_space<hbm>> -> memref<5120xf32, #tpu.memory_space<hbm>>
    tpu.wait_dma2 semaphore(%arg19 : memref<!tpu.dma_semaphore, #tpu.memory_space<semaphore_mem>>) src(%dma_wait3A_375 : memref<5120xf32, #tpu.memory_space<hbm>>) dst(%arg12 : memref<5120xf32, #tpu.memory_space<vmem>>)
    %dma_wait3A_376 = tpu.memref_slice %arg5[%add3A_352] : memref<4915200xf32, #tpu.memory_space<hbm>> -> memref<5120xf32, #tpu.memory_space<hbm>>
    %dma_wait3A_377 = tpu.memref_slice %arg5[%add3A_352] : memref<4915200xf32, #tpu.memory_space<hbm>> -> memref<5120xf32, #tpu.memory_space<hbm>>
    tpu.wait_dma2 semaphore(%arg19 : memref<!tpu.dma_semaphore, #tpu.memory_space<semaphore_mem>>) src(%dma_wait3A_377 : memref<5120xf32, #tpu.memory_space<hbm>>) dst(%arg14 : memref<5120xf32, #tpu.memory_space<vmem>>)
    %dma_wait3A_378 = tpu.memref_slice %arg6[%add3A_352] : memref<4915200xf32, #tpu.memory_space<hbm>> -> memref<5120xf32, #tpu.memory_space<hbm>>
    %dma_wait3A_379 = tpu.memref_slice %arg6[%add3A_352] : memref<4915200xf32, #tpu.memory_space<hbm>> -> memref<5120xf32, #tpu.memory_space<hbm>>
    tpu.wait_dma2 semaphore(%arg19 : memref<!tpu.dma_semaphore, #tpu.memory_space<semaphore_mem>>) src(%dma_wait3A_379 : memref<5120xf32, #tpu.memory_space<hbm>>) dst(%arg16 : memref<5120xf32, #tpu.memory_space<vmem>>)
    %add3A_380 = arith.constant 66560 : i32
    %add3A_381 = arith.addi %add3A_5, %add3A_380 : i32
    %dma_start3A_382 = tpu.memref_slice %arg2[%add3A_381] : memref<4915200xi32, #tpu.memory_space<hbm>> -> memref<5120xi32, #tpu.memory_space<hbm>>
    %dma_start3A_383 = tpu.memref_slice %arg2[%add3A_381] : memref<4915200xi32, #tpu.memory_space<hbm>> -> memref<5120xi32, #tpu.memory_space<hbm>>
    tpu.enqueue_dma source(%dma_start3A_383 : memref<5120xi32, #tpu.memory_space<hbm>>) target(%arg9 : memref<5120xi32, #tpu.memory_space<vmem>>) target_semaphore(%arg20 : memref<!tpu.dma_semaphore, #tpu.memory_space<semaphore_mem>>)
    %dma_start3A_384 = tpu.memref_slice %arg3[%add3A_381] : memref<4915200xf32, #tpu.memory_space<hbm>> -> memref<5120xf32, #tpu.memory_space<hbm>>
    %dma_start3A_385 = tpu.memref_slice %arg3[%add3A_381] : memref<4915200xf32, #tpu.memory_space<hbm>> -> memref<5120xf32, #tpu.memory_space<hbm>>
    tpu.enqueue_dma source(%dma_start3A_385 : memref<5120xf32, #tpu.memory_space<hbm>>) target(%arg11 : memref<5120xf32, #tpu.memory_space<vmem>>) target_semaphore(%arg20 : memref<!tpu.dma_semaphore, #tpu.memory_space<semaphore_mem>>)
    %dma_start3A_386 = tpu.memref_slice %arg4[%add3A_381] : memref<4915200xf32, #tpu.memory_space<hbm>> -> memref<5120xf32, #tpu.memory_space<hbm>>
    %dma_start3A_387 = tpu.memref_slice %arg4[%add3A_381] : memref<4915200xf32, #tpu.memory_space<hbm>> -> memref<5120xf32, #tpu.memory_space<hbm>>
    tpu.enqueue_dma source(%dma_start3A_387 : memref<5120xf32, #tpu.memory_space<hbm>>) target(%arg13 : memref<5120xf32, #tpu.memory_space<vmem>>) target_semaphore(%arg20 : memref<!tpu.dma_semaphore, #tpu.memory_space<semaphore_mem>>)
    %dma_start3A_388 = tpu.memref_slice %arg5[%add3A_381] : memref<4915200xf32, #tpu.memory_space<hbm>> -> memref<5120xf32, #tpu.memory_space<hbm>>
    %dma_start3A_389 = tpu.memref_slice %arg5[%add3A_381] : memref<4915200xf32, #tpu.memory_space<hbm>> -> memref<5120xf32, #tpu.memory_space<hbm>>
    tpu.enqueue_dma source(%dma_start3A_389 : memref<5120xf32, #tpu.memory_space<hbm>>) target(%arg15 : memref<5120xf32, #tpu.memory_space<vmem>>) target_semaphore(%arg20 : memref<!tpu.dma_semaphore, #tpu.memory_space<semaphore_mem>>)
    %dma_start3A_390 = tpu.memref_slice %arg6[%add3A_381] : memref<4915200xf32, #tpu.memory_space<hbm>> -> memref<5120xf32, #tpu.memory_space<hbm>>
    %dma_start3A_391 = tpu.memref_slice %arg6[%add3A_381] : memref<4915200xf32, #tpu.memory_space<hbm>> -> memref<5120xf32, #tpu.memory_space<hbm>>
    tpu.enqueue_dma source(%dma_start3A_391 : memref<5120xf32, #tpu.memory_space<hbm>>) target(%arg17 : memref<5120xf32, #tpu.memory_space<vmem>>) target_semaphore(%arg20 : memref<!tpu.dma_semaphore, #tpu.memory_space<semaphore_mem>>)
    %scan3A_392 = arith.constant 0 : i32
    %scan3A_393 = arith.constant 0 : i32
    %scan3A_394 = arith.constant 320 : i32
    %scan3A_395 = arith.addi %scan3A_393, %scan3A_394 : i32
    %scan3A_396 = arith.constant 1 : i32
    %scan3A_397 = scf.for %scan3A_887 = %scan3A_393 to %scan3A_395 step %scan3A_396 iter_args(%scan3A_888 = %scan3A_392) -> (i32)  : i32 {
      %mul3A_889 = arith.constant 16 : i32
      %mul3A_890 = arith.muli %scan3A_887, %mul3A_889 : i32
      %get3A = arith.index_cast %mul3A_890 : i32 to index
      %get3A_891 = tpu.vector_load %arg8[%get3A] {strides = array<i32>} : memref<5120xi32, #tpu.memory_space<vmem>>, vector<16xi32>,
      %get3A_892 = arith.index_cast %mul3A_890 : i32 to index
      %get3A_893 = tpu.vector_load %arg10[%get3A_892] {strides = array<i32>} : memref<5120xf32, #tpu.memory_space<vmem>>, vector<16xf32>,
      %get3A_894 = arith.index_cast %mul3A_890 : i32 to index
      %get3A_895 = tpu.vector_load %arg12[%get3A_894] {strides = array<i32>} : memref<5120xf32, #tpu.memory_space<vmem>>, vector<16xf32>,
      %get3A_896 = arith.index_cast %mul3A_890 : i32 to index
      %get3A_897 = tpu.vector_load %arg14[%get3A_896] {strides = array<i32>} : memref<5120xf32, #tpu.memory_space<vmem>>, vector<16xf32>,
      %get3A_898 = arith.index_cast %mul3A_890 : i32 to index
      %get3A_899 = tpu.vector_load %arg16[%get3A_898] {strides = array<i32>} : memref<5120xf32, #tpu.memory_space<vmem>>, vector<16xf32>,
      tpu.vector_store_idx %arg18[%get3A_891], %get3A_893 {add = true} : memref<66304xf32, #tpu.memory_space<vmem>>[vector<16xi32>], vector<16xf32>,
      %add3A_900 = arith.constant 1 : i32
      %add3A_901 = vector.broadcast %add3A_900 : i32 to vector<16xi32>
      %add3A_902 = arith.addi %get3A_891, %add3A_901 : vector<16xi32>
      tpu.vector_store_idx %arg18[%add3A_902], %get3A_895 {add = true} : memref<66304xf32, #tpu.memory_space<vmem>>[vector<16xi32>], vector<16xf32>,
      %add3A_903 = arith.constant 128 : i32
      %add3A_904 = vector.broadcast %add3A_903 : i32 to vector<16xi32>
      %add3A_905 = arith.addi %get3A_891, %add3A_904 : vector<16xi32>
      tpu.vector_store_idx %arg18[%add3A_905], %get3A_897 {add = true} : memref<66304xf32, #tpu.memory_space<vmem>>[vector<16xi32>], vector<16xf32>,
      %add3A_906 = arith.constant 129 : i32
      %add3A_907 = vector.broadcast %add3A_906 : i32 to vector<16xi32>
      %add3A_908 = arith.addi %get3A_891, %add3A_907 : vector<16xi32>
      tpu.vector_store_idx %arg18[%add3A_908], %get3A_899 {add = true} : memref<66304xf32, #tpu.memory_space<vmem>>[vector<16xi32>], vector<16xf32>,
      %scan3A_909 = arith.constant 0 : i32
      scf.yield %scan3A_909 : i32
    }
    %scan3A_398 = arith.constant 320 : i32
    %dma_wait3A_399 = tpu.memref_slice %arg2[%add3A_381] : memref<4915200xi32, #tpu.memory_space<hbm>> -> memref<5120xi32, #tpu.memory_space<hbm>>
    %dma_wait3A_400 = tpu.memref_slice %arg2[%add3A_381] : memref<4915200xi32, #tpu.memory_space<hbm>> -> memref<5120xi32, #tpu.memory_space<hbm>>
    tpu.wait_dma2 semaphore(%arg20 : memref<!tpu.dma_semaphore, #tpu.memory_space<semaphore_mem>>) src(%dma_wait3A_400 : memref<5120xi32, #tpu.memory_space<hbm>>) dst(%arg9 : memref<5120xi32, #tpu.memory_space<vmem>>)
    %dma_wait3A_401 = tpu.memref_slice %arg3[%add3A_381] : memref<4915200xf32, #tpu.memory_space<hbm>> -> memref<5120xf32, #tpu.memory_space<hbm>>
    %dma_wait3A_402 = tpu.memref_slice %arg3[%add3A_381] : memref<4915200xf32, #tpu.memory_space<hbm>> -> memref<5120xf32, #tpu.memory_space<hbm>>
    tpu.wait_dma2 semaphore(%arg20 : memref<!tpu.dma_semaphore, #tpu.memory_space<semaphore_mem>>) src(%dma_wait3A_402 : memref<5120xf32, #tpu.memory_space<hbm>>) dst(%arg11 : memref<5120xf32, #tpu.memory_space<vmem>>)
    %dma_wait3A_403 = tpu.memref_slice %arg4[%add3A_381] : memref<4915200xf32, #tpu.memory_space<hbm>> -> memref<5120xf32, #tpu.memory_space<hbm>>
    %dma_wait3A_404 = tpu.memref_slice %arg4[%add3A_381] : memref<4915200xf32, #tpu.memory_space<hbm>> -> memref<5120xf32, #tpu.memory_space<hbm>>
    tpu.wait_dma2 semaphore(%arg20 : memref<!tpu.dma_semaphore, #tpu.memory_space<semaphore_mem>>) src(%dma_wait3A_404 : memref<5120xf32, #tpu.memory_space<hbm>>) dst(%arg13 : memref<5120xf32, #tpu.memory_space<vmem>>)
    %dma_wait3A_405 = tpu.memref_slice %arg5[%add3A_381] : memref<4915200xf32, #tpu.memory_space<hbm>> -> memref<5120xf32, #tpu.memory_space<hbm>>
    %dma_wait3A_406 = tpu.memref_slice %arg5[%add3A_381] : memref<4915200xf32, #tpu.memory_space<hbm>> -> memref<5120xf32, #tpu.memory_space<hbm>>
    tpu.wait_dma2 semaphore(%arg20 : memref<!tpu.dma_semaphore, #tpu.memory_space<semaphore_mem>>) src(%dma_wait3A_406 : memref<5120xf32, #tpu.memory_space<hbm>>) dst(%arg15 : memref<5120xf32, #tpu.memory_space<vmem>>)
    %dma_wait3A_407 = tpu.memref_slice %arg6[%add3A_381] : memref<4915200xf32, #tpu.memory_space<hbm>> -> memref<5120xf32, #tpu.memory_space<hbm>>
    %dma_wait3A_408 = tpu.memref_slice %arg6[%add3A_381] : memref<4915200xf32, #tpu.memory_space<hbm>> -> memref<5120xf32, #tpu.memory_space<hbm>>
    tpu.wait_dma2 semaphore(%arg20 : memref<!tpu.dma_semaphore, #tpu.memory_space<semaphore_mem>>) src(%dma_wait3A_408 : memref<5120xf32, #tpu.memory_space<hbm>>) dst(%arg17 : memref<5120xf32, #tpu.memory_space<vmem>>)
    %add3A_409 = arith.constant 71680 : i32
    %add3A_410 = arith.addi %add3A_5, %add3A_409 : i32
    %dma_start3A_411 = tpu.memref_slice %arg2[%add3A_410] : memref<4915200xi32, #tpu.memory_space<hbm>> -> memref<5120xi32, #tpu.memory_space<hbm>>
    %dma_start3A_412 = tpu.memref_slice %arg2[%add3A_410] : memref<4915200xi32, #tpu.memory_space<hbm>> -> memref<5120xi32, #tpu.memory_space<hbm>>
    tpu.enqueue_dma source(%dma_start3A_412 : memref<5120xi32, #tpu.memory_space<hbm>>) target(%arg8 : memref<5120xi32, #tpu.memory_space<vmem>>) target_semaphore(%arg19 : memref<!tpu.dma_semaphore, #tpu.memory_space<semaphore_mem>>)
    %dma_start3A_413 = tpu.memref_slice %arg3[%add3A_410] : memref<4915200xf32, #tpu.memory_space<hbm>> -> memref<5120xf32, #tpu.memory_space<hbm>>
    %dma_start3A_414 = tpu.memref_slice %arg3[%add3A_410] : memref<4915200xf32, #tpu.memory_space<hbm>> -> memref<5120xf32, #tpu.memory_space<hbm>>
    tpu.enqueue_dma source(%dma_start3A_414 : memref<5120xf32, #tpu.memory_space<hbm>>) target(%arg10 : memref<5120xf32, #tpu.memory_space<vmem>>) target_semaphore(%arg19 : memref<!tpu.dma_semaphore, #tpu.memory_space<semaphore_mem>>)
    %dma_start3A_415 = tpu.memref_slice %arg4[%add3A_410] : memref<4915200xf32, #tpu.memory_space<hbm>> -> memref<5120xf32, #tpu.memory_space<hbm>>
    %dma_start3A_416 = tpu.memref_slice %arg4[%add3A_410] : memref<4915200xf32, #tpu.memory_space<hbm>> -> memref<5120xf32, #tpu.memory_space<hbm>>
    tpu.enqueue_dma source(%dma_start3A_416 : memref<5120xf32, #tpu.memory_space<hbm>>) target(%arg12 : memref<5120xf32, #tpu.memory_space<vmem>>) target_semaphore(%arg19 : memref<!tpu.dma_semaphore, #tpu.memory_space<semaphore_mem>>)
    %dma_start3A_417 = tpu.memref_slice %arg5[%add3A_410] : memref<4915200xf32, #tpu.memory_space<hbm>> -> memref<5120xf32, #tpu.memory_space<hbm>>
    %dma_start3A_418 = tpu.memref_slice %arg5[%add3A_410] : memref<4915200xf32, #tpu.memory_space<hbm>> -> memref<5120xf32, #tpu.memory_space<hbm>>
    tpu.enqueue_dma source(%dma_start3A_418 : memref<5120xf32, #tpu.memory_space<hbm>>) target(%arg14 : memref<5120xf32, #tpu.memory_space<vmem>>) target_semaphore(%arg19 : memref<!tpu.dma_semaphore, #tpu.memory_space<semaphore_mem>>)
    %dma_start3A_419 = tpu.memref_slice %arg6[%add3A_410] : memref<4915200xf32, #tpu.memory_space<hbm>> -> memref<5120xf32, #tpu.memory_space<hbm>>
    %dma_start3A_420 = tpu.memref_slice %arg6[%add3A_410] : memref<4915200xf32, #tpu.memory_space<hbm>> -> memref<5120xf32, #tpu.memory_space<hbm>>
    tpu.enqueue_dma source(%dma_start3A_420 : memref<5120xf32, #tpu.memory_space<hbm>>) target(%arg16 : memref<5120xf32, #tpu.memory_space<vmem>>) target_semaphore(%arg19 : memref<!tpu.dma_semaphore, #tpu.memory_space<semaphore_mem>>)
    %scan3A_421 = arith.constant 0 : i32
    %scan3A_422 = arith.constant 0 : i32
    %scan3A_423 = arith.constant 320 : i32
    %scan3A_424 = arith.addi %scan3A_422, %scan3A_423 : i32
    %scan3A_425 = arith.constant 1 : i32
    %scan3A_426 = scf.for %scan3A_887 = %scan3A_422 to %scan3A_424 step %scan3A_425 iter_args(%scan3A_888 = %scan3A_421) -> (i32)  : i32 {
      %mul3A_889 = arith.constant 16 : i32
      %mul3A_890 = arith.muli %scan3A_887, %mul3A_889 : i32
      %get3A = arith.index_cast %mul3A_890 : i32 to index
      %get3A_891 = tpu.vector_load %arg9[%get3A] {strides = array<i32>} : memref<5120xi32, #tpu.memory_space<vmem>>, vector<16xi32>,
      %get3A_892 = arith.index_cast %mul3A_890 : i32 to index
      %get3A_893 = tpu.vector_load %arg11[%get3A_892] {strides = array<i32>} : memref<5120xf32, #tpu.memory_space<vmem>>, vector<16xf32>,
      %get3A_894 = arith.index_cast %mul3A_890 : i32 to index
      %get3A_895 = tpu.vector_load %arg13[%get3A_894] {strides = array<i32>} : memref<5120xf32, #tpu.memory_space<vmem>>, vector<16xf32>,
      %get3A_896 = arith.index_cast %mul3A_890 : i32 to index
      %get3A_897 = tpu.vector_load %arg15[%get3A_896] {strides = array<i32>} : memref<5120xf32, #tpu.memory_space<vmem>>, vector<16xf32>,
      %get3A_898 = arith.index_cast %mul3A_890 : i32 to index
      %get3A_899 = tpu.vector_load %arg17[%get3A_898] {strides = array<i32>} : memref<5120xf32, #tpu.memory_space<vmem>>, vector<16xf32>,
      tpu.vector_store_idx %arg18[%get3A_891], %get3A_893 {add = true} : memref<66304xf32, #tpu.memory_space<vmem>>[vector<16xi32>], vector<16xf32>,
      %add3A_900 = arith.constant 1 : i32
      %add3A_901 = vector.broadcast %add3A_900 : i32 to vector<16xi32>
      %add3A_902 = arith.addi %get3A_891, %add3A_901 : vector<16xi32>
      tpu.vector_store_idx %arg18[%add3A_902], %get3A_895 {add = true} : memref<66304xf32, #tpu.memory_space<vmem>>[vector<16xi32>], vector<16xf32>,
      %add3A_903 = arith.constant 128 : i32
      %add3A_904 = vector.broadcast %add3A_903 : i32 to vector<16xi32>
      %add3A_905 = arith.addi %get3A_891, %add3A_904 : vector<16xi32>
      tpu.vector_store_idx %arg18[%add3A_905], %get3A_897 {add = true} : memref<66304xf32, #tpu.memory_space<vmem>>[vector<16xi32>], vector<16xf32>,
      %add3A_906 = arith.constant 129 : i32
      %add3A_907 = vector.broadcast %add3A_906 : i32 to vector<16xi32>
      %add3A_908 = arith.addi %get3A_891, %add3A_907 : vector<16xi32>
      tpu.vector_store_idx %arg18[%add3A_908], %get3A_899 {add = true} : memref<66304xf32, #tpu.memory_space<vmem>>[vector<16xi32>], vector<16xf32>,
      %scan3A_909 = arith.constant 0 : i32
      scf.yield %scan3A_909 : i32
    }
    %scan3A_427 = arith.constant 320 : i32
    %dma_wait3A_428 = tpu.memref_slice %arg2[%add3A_410] : memref<4915200xi32, #tpu.memory_space<hbm>> -> memref<5120xi32, #tpu.memory_space<hbm>>
    %dma_wait3A_429 = tpu.memref_slice %arg2[%add3A_410] : memref<4915200xi32, #tpu.memory_space<hbm>> -> memref<5120xi32, #tpu.memory_space<hbm>>
    tpu.wait_dma2 semaphore(%arg19 : memref<!tpu.dma_semaphore, #tpu.memory_space<semaphore_mem>>) src(%dma_wait3A_429 : memref<5120xi32, #tpu.memory_space<hbm>>) dst(%arg8 : memref<5120xi32, #tpu.memory_space<vmem>>)
    %dma_wait3A_430 = tpu.memref_slice %arg3[%add3A_410] : memref<4915200xf32, #tpu.memory_space<hbm>> -> memref<5120xf32, #tpu.memory_space<hbm>>
    %dma_wait3A_431 = tpu.memref_slice %arg3[%add3A_410] : memref<4915200xf32, #tpu.memory_space<hbm>> -> memref<5120xf32, #tpu.memory_space<hbm>>
    tpu.wait_dma2 semaphore(%arg19 : memref<!tpu.dma_semaphore, #tpu.memory_space<semaphore_mem>>) src(%dma_wait3A_431 : memref<5120xf32, #tpu.memory_space<hbm>>) dst(%arg10 : memref<5120xf32, #tpu.memory_space<vmem>>)
    %dma_wait3A_432 = tpu.memref_slice %arg4[%add3A_410] : memref<4915200xf32, #tpu.memory_space<hbm>> -> memref<5120xf32, #tpu.memory_space<hbm>>
    %dma_wait3A_433 = tpu.memref_slice %arg4[%add3A_410] : memref<4915200xf32, #tpu.memory_space<hbm>> -> memref<5120xf32, #tpu.memory_space<hbm>>
    tpu.wait_dma2 semaphore(%arg19 : memref<!tpu.dma_semaphore, #tpu.memory_space<semaphore_mem>>) src(%dma_wait3A_433 : memref<5120xf32, #tpu.memory_space<hbm>>) dst(%arg12 : memref<5120xf32, #tpu.memory_space<vmem>>)
    %dma_wait3A_434 = tpu.memref_slice %arg5[%add3A_410] : memref<4915200xf32, #tpu.memory_space<hbm>> -> memref<5120xf32, #tpu.memory_space<hbm>>
    %dma_wait3A_435 = tpu.memref_slice %arg5[%add3A_410] : memref<4915200xf32, #tpu.memory_space<hbm>> -> memref<5120xf32, #tpu.memory_space<hbm>>
    tpu.wait_dma2 semaphore(%arg19 : memref<!tpu.dma_semaphore, #tpu.memory_space<semaphore_mem>>) src(%dma_wait3A_435 : memref<5120xf32, #tpu.memory_space<hbm>>) dst(%arg14 : memref<5120xf32, #tpu.memory_space<vmem>>)
    %dma_wait3A_436 = tpu.memref_slice %arg6[%add3A_410] : memref<4915200xf32, #tpu.memory_space<hbm>> -> memref<5120xf32, #tpu.memory_space<hbm>>
    %dma_wait3A_437 = tpu.memref_slice %arg6[%add3A_410] : memref<4915200xf32, #tpu.memory_space<hbm>> -> memref<5120xf32, #tpu.memory_space<hbm>>
    tpu.wait_dma2 semaphore(%arg19 : memref<!tpu.dma_semaphore, #tpu.memory_space<semaphore_mem>>) src(%dma_wait3A_437 : memref<5120xf32, #tpu.memory_space<hbm>>) dst(%arg16 : memref<5120xf32, #tpu.memory_space<vmem>>)
    %add3A_438 = arith.constant 76800 : i32
    %add3A_439 = arith.addi %add3A_5, %add3A_438 : i32
    %dma_start3A_440 = tpu.memref_slice %arg2[%add3A_439] : memref<4915200xi32, #tpu.memory_space<hbm>> -> memref<5120xi32, #tpu.memory_space<hbm>>
    %dma_start3A_441 = tpu.memref_slice %arg2[%add3A_439] : memref<4915200xi32, #tpu.memory_space<hbm>> -> memref<5120xi32, #tpu.memory_space<hbm>>
    tpu.enqueue_dma source(%dma_start3A_441 : memref<5120xi32, #tpu.memory_space<hbm>>) target(%arg9 : memref<5120xi32, #tpu.memory_space<vmem>>) target_semaphore(%arg20 : memref<!tpu.dma_semaphore, #tpu.memory_space<semaphore_mem>>)
    %dma_start3A_442 = tpu.memref_slice %arg3[%add3A_439] : memref<4915200xf32, #tpu.memory_space<hbm>> -> memref<5120xf32, #tpu.memory_space<hbm>>
    %dma_start3A_443 = tpu.memref_slice %arg3[%add3A_439] : memref<4915200xf32, #tpu.memory_space<hbm>> -> memref<5120xf32, #tpu.memory_space<hbm>>
    tpu.enqueue_dma source(%dma_start3A_443 : memref<5120xf32, #tpu.memory_space<hbm>>) target(%arg11 : memref<5120xf32, #tpu.memory_space<vmem>>) target_semaphore(%arg20 : memref<!tpu.dma_semaphore, #tpu.memory_space<semaphore_mem>>)
    %dma_start3A_444 = tpu.memref_slice %arg4[%add3A_439] : memref<4915200xf32, #tpu.memory_space<hbm>> -> memref<5120xf32, #tpu.memory_space<hbm>>
    %dma_start3A_445 = tpu.memref_slice %arg4[%add3A_439] : memref<4915200xf32, #tpu.memory_space<hbm>> -> memref<5120xf32, #tpu.memory_space<hbm>>
    tpu.enqueue_dma source(%dma_start3A_445 : memref<5120xf32, #tpu.memory_space<hbm>>) target(%arg13 : memref<5120xf32, #tpu.memory_space<vmem>>) target_semaphore(%arg20 : memref<!tpu.dma_semaphore, #tpu.memory_space<semaphore_mem>>)
    %dma_start3A_446 = tpu.memref_slice %arg5[%add3A_439] : memref<4915200xf32, #tpu.memory_space<hbm>> -> memref<5120xf32, #tpu.memory_space<hbm>>
    %dma_start3A_447 = tpu.memref_slice %arg5[%add3A_439] : memref<4915200xf32, #tpu.memory_space<hbm>> -> memref<5120xf32, #tpu.memory_space<hbm>>
    tpu.enqueue_dma source(%dma_start3A_447 : memref<5120xf32, #tpu.memory_space<hbm>>) target(%arg15 : memref<5120xf32, #tpu.memory_space<vmem>>) target_semaphore(%arg20 : memref<!tpu.dma_semaphore, #tpu.memory_space<semaphore_mem>>)
    %dma_start3A_448 = tpu.memref_slice %arg6[%add3A_439] : memref<4915200xf32, #tpu.memory_space<hbm>> -> memref<5120xf32, #tpu.memory_space<hbm>>
    %dma_start3A_449 = tpu.memref_slice %arg6[%add3A_439] : memref<4915200xf32, #tpu.memory_space<hbm>> -> memref<5120xf32, #tpu.memory_space<hbm>>
    tpu.enqueue_dma source(%dma_start3A_449 : memref<5120xf32, #tpu.memory_space<hbm>>) target(%arg17 : memref<5120xf32, #tpu.memory_space<vmem>>) target_semaphore(%arg20 : memref<!tpu.dma_semaphore, #tpu.memory_space<semaphore_mem>>)
    %scan3A_450 = arith.constant 0 : i32
    %scan3A_451 = arith.constant 0 : i32
    %scan3A_452 = arith.constant 320 : i32
    %scan3A_453 = arith.addi %scan3A_451, %scan3A_452 : i32
    %scan3A_454 = arith.constant 1 : i32
    %scan3A_455 = scf.for %scan3A_887 = %scan3A_451 to %scan3A_453 step %scan3A_454 iter_args(%scan3A_888 = %scan3A_450) -> (i32)  : i32 {
      %mul3A_889 = arith.constant 16 : i32
      %mul3A_890 = arith.muli %scan3A_887, %mul3A_889 : i32
      %get3A = arith.index_cast %mul3A_890 : i32 to index
      %get3A_891 = tpu.vector_load %arg8[%get3A] {strides = array<i32>} : memref<5120xi32, #tpu.memory_space<vmem>>, vector<16xi32>,
      %get3A_892 = arith.index_cast %mul3A_890 : i32 to index
      %get3A_893 = tpu.vector_load %arg10[%get3A_892] {strides = array<i32>} : memref<5120xf32, #tpu.memory_space<vmem>>, vector<16xf32>,
      %get3A_894 = arith.index_cast %mul3A_890 : i32 to index
      %get3A_895 = tpu.vector_load %arg12[%get3A_894] {strides = array<i32>} : memref<5120xf32, #tpu.memory_space<vmem>>, vector<16xf32>,
      %get3A_896 = arith.index_cast %mul3A_890 : i32 to index
      %get3A_897 = tpu.vector_load %arg14[%get3A_896] {strides = array<i32>} : memref<5120xf32, #tpu.memory_space<vmem>>, vector<16xf32>,
      %get3A_898 = arith.index_cast %mul3A_890 : i32 to index
      %get3A_899 = tpu.vector_load %arg16[%get3A_898] {strides = array<i32>} : memref<5120xf32, #tpu.memory_space<vmem>>, vector<16xf32>,
      tpu.vector_store_idx %arg18[%get3A_891], %get3A_893 {add = true} : memref<66304xf32, #tpu.memory_space<vmem>>[vector<16xi32>], vector<16xf32>,
      %add3A_900 = arith.constant 1 : i32
      %add3A_901 = vector.broadcast %add3A_900 : i32 to vector<16xi32>
      %add3A_902 = arith.addi %get3A_891, %add3A_901 : vector<16xi32>
      tpu.vector_store_idx %arg18[%add3A_902], %get3A_895 {add = true} : memref<66304xf32, #tpu.memory_space<vmem>>[vector<16xi32>], vector<16xf32>,
      %add3A_903 = arith.constant 128 : i32
      %add3A_904 = vector.broadcast %add3A_903 : i32 to vector<16xi32>
      %add3A_905 = arith.addi %get3A_891, %add3A_904 : vector<16xi32>
      tpu.vector_store_idx %arg18[%add3A_905], %get3A_897 {add = true} : memref<66304xf32, #tpu.memory_space<vmem>>[vector<16xi32>], vector<16xf32>,
      %add3A_906 = arith.constant 129 : i32
      %add3A_907 = vector.broadcast %add3A_906 : i32 to vector<16xi32>
      %add3A_908 = arith.addi %get3A_891, %add3A_907 : vector<16xi32>
      tpu.vector_store_idx %arg18[%add3A_908], %get3A_899 {add = true} : memref<66304xf32, #tpu.memory_space<vmem>>[vector<16xi32>], vector<16xf32>,
      %scan3A_909 = arith.constant 0 : i32
      scf.yield %scan3A_909 : i32
    }
    %scan3A_456 = arith.constant 320 : i32
    %dma_wait3A_457 = tpu.memref_slice %arg2[%add3A_439] : memref<4915200xi32, #tpu.memory_space<hbm>> -> memref<5120xi32, #tpu.memory_space<hbm>>
    %dma_wait3A_458 = tpu.memref_slice %arg2[%add3A_439] : memref<4915200xi32, #tpu.memory_space<hbm>> -> memref<5120xi32, #tpu.memory_space<hbm>>
    tpu.wait_dma2 semaphore(%arg20 : memref<!tpu.dma_semaphore, #tpu.memory_space<semaphore_mem>>) src(%dma_wait3A_458 : memref<5120xi32, #tpu.memory_space<hbm>>) dst(%arg9 : memref<5120xi32, #tpu.memory_space<vmem>>)
    %dma_wait3A_459 = tpu.memref_slice %arg3[%add3A_439] : memref<4915200xf32, #tpu.memory_space<hbm>> -> memref<5120xf32, #tpu.memory_space<hbm>>
    %dma_wait3A_460 = tpu.memref_slice %arg3[%add3A_439] : memref<4915200xf32, #tpu.memory_space<hbm>> -> memref<5120xf32, #tpu.memory_space<hbm>>
    tpu.wait_dma2 semaphore(%arg20 : memref<!tpu.dma_semaphore, #tpu.memory_space<semaphore_mem>>) src(%dma_wait3A_460 : memref<5120xf32, #tpu.memory_space<hbm>>) dst(%arg11 : memref<5120xf32, #tpu.memory_space<vmem>>)
    %dma_wait3A_461 = tpu.memref_slice %arg4[%add3A_439] : memref<4915200xf32, #tpu.memory_space<hbm>> -> memref<5120xf32, #tpu.memory_space<hbm>>
    %dma_wait3A_462 = tpu.memref_slice %arg4[%add3A_439] : memref<4915200xf32, #tpu.memory_space<hbm>> -> memref<5120xf32, #tpu.memory_space<hbm>>
    tpu.wait_dma2 semaphore(%arg20 : memref<!tpu.dma_semaphore, #tpu.memory_space<semaphore_mem>>) src(%dma_wait3A_462 : memref<5120xf32, #tpu.memory_space<hbm>>) dst(%arg13 : memref<5120xf32, #tpu.memory_space<vmem>>)
    %dma_wait3A_463 = tpu.memref_slice %arg5[%add3A_439] : memref<4915200xf32, #tpu.memory_space<hbm>> -> memref<5120xf32, #tpu.memory_space<hbm>>
    %dma_wait3A_464 = tpu.memref_slice %arg5[%add3A_439] : memref<4915200xf32, #tpu.memory_space<hbm>> -> memref<5120xf32, #tpu.memory_space<hbm>>
    tpu.wait_dma2 semaphore(%arg20 : memref<!tpu.dma_semaphore, #tpu.memory_space<semaphore_mem>>) src(%dma_wait3A_464 : memref<5120xf32, #tpu.memory_space<hbm>>) dst(%arg15 : memref<5120xf32, #tpu.memory_space<vmem>>)
    %dma_wait3A_465 = tpu.memref_slice %arg6[%add3A_439] : memref<4915200xf32, #tpu.memory_space<hbm>> -> memref<5120xf32, #tpu.memory_space<hbm>>
    %dma_wait3A_466 = tpu.memref_slice %arg6[%add3A_439] : memref<4915200xf32, #tpu.memory_space<hbm>> -> memref<5120xf32, #tpu.memory_space<hbm>>
    tpu.wait_dma2 semaphore(%arg20 : memref<!tpu.dma_semaphore, #tpu.memory_space<semaphore_mem>>) src(%dma_wait3A_466 : memref<5120xf32, #tpu.memory_space<hbm>>) dst(%arg17 : memref<5120xf32, #tpu.memory_space<vmem>>)
    %add3A_467 = arith.constant 81920 : i32
    %add3A_468 = arith.addi %add3A_5, %add3A_467 : i32
    %dma_start3A_469 = tpu.memref_slice %arg2[%add3A_468] : memref<4915200xi32, #tpu.memory_space<hbm>> -> memref<5120xi32, #tpu.memory_space<hbm>>
    %dma_start3A_470 = tpu.memref_slice %arg2[%add3A_468] : memref<4915200xi32, #tpu.memory_space<hbm>> -> memref<5120xi32, #tpu.memory_space<hbm>>
    tpu.enqueue_dma source(%dma_start3A_470 : memref<5120xi32, #tpu.memory_space<hbm>>) target(%arg8 : memref<5120xi32, #tpu.memory_space<vmem>>) target_semaphore(%arg19 : memref<!tpu.dma_semaphore, #tpu.memory_space<semaphore_mem>>)
    %dma_start3A_471 = tpu.memref_slice %arg3[%add3A_468] : memref<4915200xf32, #tpu.memory_space<hbm>> -> memref<5120xf32, #tpu.memory_space<hbm>>
    %dma_start3A_472 = tpu.memref_slice %arg3[%add3A_468] : memref<4915200xf32, #tpu.memory_space<hbm>> -> memref<5120xf32, #tpu.memory_space<hbm>>
    tpu.enqueue_dma source(%dma_start3A_472 : memref<5120xf32, #tpu.memory_space<hbm>>) target(%arg10 : memref<5120xf32, #tpu.memory_space<vmem>>) target_semaphore(%arg19 : memref<!tpu.dma_semaphore, #tpu.memory_space<semaphore_mem>>)
    %dma_start3A_473 = tpu.memref_slice %arg4[%add3A_468] : memref<4915200xf32, #tpu.memory_space<hbm>> -> memref<5120xf32, #tpu.memory_space<hbm>>
    %dma_start3A_474 = tpu.memref_slice %arg4[%add3A_468] : memref<4915200xf32, #tpu.memory_space<hbm>> -> memref<5120xf32, #tpu.memory_space<hbm>>
    tpu.enqueue_dma source(%dma_start3A_474 : memref<5120xf32, #tpu.memory_space<hbm>>) target(%arg12 : memref<5120xf32, #tpu.memory_space<vmem>>) target_semaphore(%arg19 : memref<!tpu.dma_semaphore, #tpu.memory_space<semaphore_mem>>)
    %dma_start3A_475 = tpu.memref_slice %arg5[%add3A_468] : memref<4915200xf32, #tpu.memory_space<hbm>> -> memref<5120xf32, #tpu.memory_space<hbm>>
    %dma_start3A_476 = tpu.memref_slice %arg5[%add3A_468] : memref<4915200xf32, #tpu.memory_space<hbm>> -> memref<5120xf32, #tpu.memory_space<hbm>>
    tpu.enqueue_dma source(%dma_start3A_476 : memref<5120xf32, #tpu.memory_space<hbm>>) target(%arg14 : memref<5120xf32, #tpu.memory_space<vmem>>) target_semaphore(%arg19 : memref<!tpu.dma_semaphore, #tpu.memory_space<semaphore_mem>>)
    %dma_start3A_477 = tpu.memref_slice %arg6[%add3A_468] : memref<4915200xf32, #tpu.memory_space<hbm>> -> memref<5120xf32, #tpu.memory_space<hbm>>
    %dma_start3A_478 = tpu.memref_slice %arg6[%add3A_468] : memref<4915200xf32, #tpu.memory_space<hbm>> -> memref<5120xf32, #tpu.memory_space<hbm>>
    tpu.enqueue_dma source(%dma_start3A_478 : memref<5120xf32, #tpu.memory_space<hbm>>) target(%arg16 : memref<5120xf32, #tpu.memory_space<vmem>>) target_semaphore(%arg19 : memref<!tpu.dma_semaphore, #tpu.memory_space<semaphore_mem>>)
    %scan3A_479 = arith.constant 0 : i32
    %scan3A_480 = arith.constant 0 : i32
    %scan3A_481 = arith.constant 320 : i32
    %scan3A_482 = arith.addi %scan3A_480, %scan3A_481 : i32
    %scan3A_483 = arith.constant 1 : i32
    %scan3A_484 = scf.for %scan3A_887 = %scan3A_480 to %scan3A_482 step %scan3A_483 iter_args(%scan3A_888 = %scan3A_479) -> (i32)  : i32 {
      %mul3A_889 = arith.constant 16 : i32
      %mul3A_890 = arith.muli %scan3A_887, %mul3A_889 : i32
      %get3A = arith.index_cast %mul3A_890 : i32 to index
      %get3A_891 = tpu.vector_load %arg9[%get3A] {strides = array<i32>} : memref<5120xi32, #tpu.memory_space<vmem>>, vector<16xi32>,
      %get3A_892 = arith.index_cast %mul3A_890 : i32 to index
      %get3A_893 = tpu.vector_load %arg11[%get3A_892] {strides = array<i32>} : memref<5120xf32, #tpu.memory_space<vmem>>, vector<16xf32>,
      %get3A_894 = arith.index_cast %mul3A_890 : i32 to index
      %get3A_895 = tpu.vector_load %arg13[%get3A_894] {strides = array<i32>} : memref<5120xf32, #tpu.memory_space<vmem>>, vector<16xf32>,
      %get3A_896 = arith.index_cast %mul3A_890 : i32 to index
      %get3A_897 = tpu.vector_load %arg15[%get3A_896] {strides = array<i32>} : memref<5120xf32, #tpu.memory_space<vmem>>, vector<16xf32>,
      %get3A_898 = arith.index_cast %mul3A_890 : i32 to index
      %get3A_899 = tpu.vector_load %arg17[%get3A_898] {strides = array<i32>} : memref<5120xf32, #tpu.memory_space<vmem>>, vector<16xf32>,
      tpu.vector_store_idx %arg18[%get3A_891], %get3A_893 {add = true} : memref<66304xf32, #tpu.memory_space<vmem>>[vector<16xi32>], vector<16xf32>,
      %add3A_900 = arith.constant 1 : i32
      %add3A_901 = vector.broadcast %add3A_900 : i32 to vector<16xi32>
      %add3A_902 = arith.addi %get3A_891, %add3A_901 : vector<16xi32>
      tpu.vector_store_idx %arg18[%add3A_902], %get3A_895 {add = true} : memref<66304xf32, #tpu.memory_space<vmem>>[vector<16xi32>], vector<16xf32>,
      %add3A_903 = arith.constant 128 : i32
      %add3A_904 = vector.broadcast %add3A_903 : i32 to vector<16xi32>
      %add3A_905 = arith.addi %get3A_891, %add3A_904 : vector<16xi32>
      tpu.vector_store_idx %arg18[%add3A_905], %get3A_897 {add = true} : memref<66304xf32, #tpu.memory_space<vmem>>[vector<16xi32>], vector<16xf32>,
      %add3A_906 = arith.constant 129 : i32
      %add3A_907 = vector.broadcast %add3A_906 : i32 to vector<16xi32>
      %add3A_908 = arith.addi %get3A_891, %add3A_907 : vector<16xi32>
      tpu.vector_store_idx %arg18[%add3A_908], %get3A_899 {add = true} : memref<66304xf32, #tpu.memory_space<vmem>>[vector<16xi32>], vector<16xf32>,
      %scan3A_909 = arith.constant 0 : i32
      scf.yield %scan3A_909 : i32
    }
    %scan3A_485 = arith.constant 320 : i32
    %dma_wait3A_486 = tpu.memref_slice %arg2[%add3A_468] : memref<4915200xi32, #tpu.memory_space<hbm>> -> memref<5120xi32, #tpu.memory_space<hbm>>
    %dma_wait3A_487 = tpu.memref_slice %arg2[%add3A_468] : memref<4915200xi32, #tpu.memory_space<hbm>> -> memref<5120xi32, #tpu.memory_space<hbm>>
    tpu.wait_dma2 semaphore(%arg19 : memref<!tpu.dma_semaphore, #tpu.memory_space<semaphore_mem>>) src(%dma_wait3A_487 : memref<5120xi32, #tpu.memory_space<hbm>>) dst(%arg8 : memref<5120xi32, #tpu.memory_space<vmem>>)
    %dma_wait3A_488 = tpu.memref_slice %arg3[%add3A_468] : memref<4915200xf32, #tpu.memory_space<hbm>> -> memref<5120xf32, #tpu.memory_space<hbm>>
    %dma_wait3A_489 = tpu.memref_slice %arg3[%add3A_468] : memref<4915200xf32, #tpu.memory_space<hbm>> -> memref<5120xf32, #tpu.memory_space<hbm>>
    tpu.wait_dma2 semaphore(%arg19 : memref<!tpu.dma_semaphore, #tpu.memory_space<semaphore_mem>>) src(%dma_wait3A_489 : memref<5120xf32, #tpu.memory_space<hbm>>) dst(%arg10 : memref<5120xf32, #tpu.memory_space<vmem>>)
    %dma_wait3A_490 = tpu.memref_slice %arg4[%add3A_468] : memref<4915200xf32, #tpu.memory_space<hbm>> -> memref<5120xf32, #tpu.memory_space<hbm>>
    %dma_wait3A_491 = tpu.memref_slice %arg4[%add3A_468] : memref<4915200xf32, #tpu.memory_space<hbm>> -> memref<5120xf32, #tpu.memory_space<hbm>>
    tpu.wait_dma2 semaphore(%arg19 : memref<!tpu.dma_semaphore, #tpu.memory_space<semaphore_mem>>) src(%dma_wait3A_491 : memref<5120xf32, #tpu.memory_space<hbm>>) dst(%arg12 : memref<5120xf32, #tpu.memory_space<vmem>>)
    %dma_wait3A_492 = tpu.memref_slice %arg5[%add3A_468] : memref<4915200xf32, #tpu.memory_space<hbm>> -> memref<5120xf32, #tpu.memory_space<hbm>>
    %dma_wait3A_493 = tpu.memref_slice %arg5[%add3A_468] : memref<4915200xf32, #tpu.memory_space<hbm>> -> memref<5120xf32, #tpu.memory_space<hbm>>
    tpu.wait_dma2 semaphore(%arg19 : memref<!tpu.dma_semaphore, #tpu.memory_space<semaphore_mem>>) src(%dma_wait3A_493 : memref<5120xf32, #tpu.memory_space<hbm>>) dst(%arg14 : memref<5120xf32, #tpu.memory_space<vmem>>)
    %dma_wait3A_494 = tpu.memref_slice %arg6[%add3A_468] : memref<4915200xf32, #tpu.memory_space<hbm>> -> memref<5120xf32, #tpu.memory_space<hbm>>
    %dma_wait3A_495 = tpu.memref_slice %arg6[%add3A_468] : memref<4915200xf32, #tpu.memory_space<hbm>> -> memref<5120xf32, #tpu.memory_space<hbm>>
    tpu.wait_dma2 semaphore(%arg19 : memref<!tpu.dma_semaphore, #tpu.memory_space<semaphore_mem>>) src(%dma_wait3A_495 : memref<5120xf32, #tpu.memory_space<hbm>>) dst(%arg16 : memref<5120xf32, #tpu.memory_space<vmem>>)
    %add3A_496 = arith.constant 87040 : i32
    %add3A_497 = arith.addi %add3A_5, %add3A_496 : i32
    %dma_start3A_498 = tpu.memref_slice %arg2[%add3A_497] : memref<4915200xi32, #tpu.memory_space<hbm>> -> memref<5120xi32, #tpu.memory_space<hbm>>
    %dma_start3A_499 = tpu.memref_slice %arg2[%add3A_497] : memref<4915200xi32, #tpu.memory_space<hbm>> -> memref<5120xi32, #tpu.memory_space<hbm>>
    tpu.enqueue_dma source(%dma_start3A_499 : memref<5120xi32, #tpu.memory_space<hbm>>) target(%arg9 : memref<5120xi32, #tpu.memory_space<vmem>>) target_semaphore(%arg20 : memref<!tpu.dma_semaphore, #tpu.memory_space<semaphore_mem>>)
    %dma_start3A_500 = tpu.memref_slice %arg3[%add3A_497] : memref<4915200xf32, #tpu.memory_space<hbm>> -> memref<5120xf32, #tpu.memory_space<hbm>>
    %dma_start3A_501 = tpu.memref_slice %arg3[%add3A_497] : memref<4915200xf32, #tpu.memory_space<hbm>> -> memref<5120xf32, #tpu.memory_space<hbm>>
    tpu.enqueue_dma source(%dma_start3A_501 : memref<5120xf32, #tpu.memory_space<hbm>>) target(%arg11 : memref<5120xf32, #tpu.memory_space<vmem>>) target_semaphore(%arg20 : memref<!tpu.dma_semaphore, #tpu.memory_space<semaphore_mem>>)
    %dma_start3A_502 = tpu.memref_slice %arg4[%add3A_497] : memref<4915200xf32, #tpu.memory_space<hbm>> -> memref<5120xf32, #tpu.memory_space<hbm>>
    %dma_start3A_503 = tpu.memref_slice %arg4[%add3A_497] : memref<4915200xf32, #tpu.memory_space<hbm>> -> memref<5120xf32, #tpu.memory_space<hbm>>
    tpu.enqueue_dma source(%dma_start3A_503 : memref<5120xf32, #tpu.memory_space<hbm>>) target(%arg13 : memref<5120xf32, #tpu.memory_space<vmem>>) target_semaphore(%arg20 : memref<!tpu.dma_semaphore, #tpu.memory_space<semaphore_mem>>)
    %dma_start3A_504 = tpu.memref_slice %arg5[%add3A_497] : memref<4915200xf32, #tpu.memory_space<hbm>> -> memref<5120xf32, #tpu.memory_space<hbm>>
    %dma_start3A_505 = tpu.memref_slice %arg5[%add3A_497] : memref<4915200xf32, #tpu.memory_space<hbm>> -> memref<5120xf32, #tpu.memory_space<hbm>>
    tpu.enqueue_dma source(%dma_start3A_505 : memref<5120xf32, #tpu.memory_space<hbm>>) target(%arg15 : memref<5120xf32, #tpu.memory_space<vmem>>) target_semaphore(%arg20 : memref<!tpu.dma_semaphore, #tpu.memory_space<semaphore_mem>>)
    %dma_start3A_506 = tpu.memref_slice %arg6[%add3A_497] : memref<4915200xf32, #tpu.memory_space<hbm>> -> memref<5120xf32, #tpu.memory_space<hbm>>
    %dma_start3A_507 = tpu.memref_slice %arg6[%add3A_497] : memref<4915200xf32, #tpu.memory_space<hbm>> -> memref<5120xf32, #tpu.memory_space<hbm>>
    tpu.enqueue_dma source(%dma_start3A_507 : memref<5120xf32, #tpu.memory_space<hbm>>) target(%arg17 : memref<5120xf32, #tpu.memory_space<vmem>>) target_semaphore(%arg20 : memref<!tpu.dma_semaphore, #tpu.memory_space<semaphore_mem>>)
    %scan3A_508 = arith.constant 0 : i32
    %scan3A_509 = arith.constant 0 : i32
    %scan3A_510 = arith.constant 320 : i32
    %scan3A_511 = arith.addi %scan3A_509, %scan3A_510 : i32
    %scan3A_512 = arith.constant 1 : i32
    %scan3A_513 = scf.for %scan3A_887 = %scan3A_509 to %scan3A_511 step %scan3A_512 iter_args(%scan3A_888 = %scan3A_508) -> (i32)  : i32 {
      %mul3A_889 = arith.constant 16 : i32
      %mul3A_890 = arith.muli %scan3A_887, %mul3A_889 : i32
      %get3A = arith.index_cast %mul3A_890 : i32 to index
      %get3A_891 = tpu.vector_load %arg8[%get3A] {strides = array<i32>} : memref<5120xi32, #tpu.memory_space<vmem>>, vector<16xi32>,
      %get3A_892 = arith.index_cast %mul3A_890 : i32 to index
      %get3A_893 = tpu.vector_load %arg10[%get3A_892] {strides = array<i32>} : memref<5120xf32, #tpu.memory_space<vmem>>, vector<16xf32>,
      %get3A_894 = arith.index_cast %mul3A_890 : i32 to index
      %get3A_895 = tpu.vector_load %arg12[%get3A_894] {strides = array<i32>} : memref<5120xf32, #tpu.memory_space<vmem>>, vector<16xf32>,
      %get3A_896 = arith.index_cast %mul3A_890 : i32 to index
      %get3A_897 = tpu.vector_load %arg14[%get3A_896] {strides = array<i32>} : memref<5120xf32, #tpu.memory_space<vmem>>, vector<16xf32>,
      %get3A_898 = arith.index_cast %mul3A_890 : i32 to index
      %get3A_899 = tpu.vector_load %arg16[%get3A_898] {strides = array<i32>} : memref<5120xf32, #tpu.memory_space<vmem>>, vector<16xf32>,
      tpu.vector_store_idx %arg18[%get3A_891], %get3A_893 {add = true} : memref<66304xf32, #tpu.memory_space<vmem>>[vector<16xi32>], vector<16xf32>,
      %add3A_900 = arith.constant 1 : i32
      %add3A_901 = vector.broadcast %add3A_900 : i32 to vector<16xi32>
      %add3A_902 = arith.addi %get3A_891, %add3A_901 : vector<16xi32>
      tpu.vector_store_idx %arg18[%add3A_902], %get3A_895 {add = true} : memref<66304xf32, #tpu.memory_space<vmem>>[vector<16xi32>], vector<16xf32>,
      %add3A_903 = arith.constant 128 : i32
      %add3A_904 = vector.broadcast %add3A_903 : i32 to vector<16xi32>
      %add3A_905 = arith.addi %get3A_891, %add3A_904 : vector<16xi32>
      tpu.vector_store_idx %arg18[%add3A_905], %get3A_897 {add = true} : memref<66304xf32, #tpu.memory_space<vmem>>[vector<16xi32>], vector<16xf32>,
      %add3A_906 = arith.constant 129 : i32
      %add3A_907 = vector.broadcast %add3A_906 : i32 to vector<16xi32>
      %add3A_908 = arith.addi %get3A_891, %add3A_907 : vector<16xi32>
      tpu.vector_store_idx %arg18[%add3A_908], %get3A_899 {add = true} : memref<66304xf32, #tpu.memory_space<vmem>>[vector<16xi32>], vector<16xf32>,
      %scan3A_909 = arith.constant 0 : i32
      scf.yield %scan3A_909 : i32
    }
    %scan3A_514 = arith.constant 320 : i32
    %dma_wait3A_515 = tpu.memref_slice %arg2[%add3A_497] : memref<4915200xi32, #tpu.memory_space<hbm>> -> memref<5120xi32, #tpu.memory_space<hbm>>
    %dma_wait3A_516 = tpu.memref_slice %arg2[%add3A_497] : memref<4915200xi32, #tpu.memory_space<hbm>> -> memref<5120xi32, #tpu.memory_space<hbm>>
    tpu.wait_dma2 semaphore(%arg20 : memref<!tpu.dma_semaphore, #tpu.memory_space<semaphore_mem>>) src(%dma_wait3A_516 : memref<5120xi32, #tpu.memory_space<hbm>>) dst(%arg9 : memref<5120xi32, #tpu.memory_space<vmem>>)
    %dma_wait3A_517 = tpu.memref_slice %arg3[%add3A_497] : memref<4915200xf32, #tpu.memory_space<hbm>> -> memref<5120xf32, #tpu.memory_space<hbm>>
    %dma_wait3A_518 = tpu.memref_slice %arg3[%add3A_497] : memref<4915200xf32, #tpu.memory_space<hbm>> -> memref<5120xf32, #tpu.memory_space<hbm>>
    tpu.wait_dma2 semaphore(%arg20 : memref<!tpu.dma_semaphore, #tpu.memory_space<semaphore_mem>>) src(%dma_wait3A_518 : memref<5120xf32, #tpu.memory_space<hbm>>) dst(%arg11 : memref<5120xf32, #tpu.memory_space<vmem>>)
    %dma_wait3A_519 = tpu.memref_slice %arg4[%add3A_497] : memref<4915200xf32, #tpu.memory_space<hbm>> -> memref<5120xf32, #tpu.memory_space<hbm>>
    %dma_wait3A_520 = tpu.memref_slice %arg4[%add3A_497] : memref<4915200xf32, #tpu.memory_space<hbm>> -> memref<5120xf32, #tpu.memory_space<hbm>>
    tpu.wait_dma2 semaphore(%arg20 : memref<!tpu.dma_semaphore, #tpu.memory_space<semaphore_mem>>) src(%dma_wait3A_520 : memref<5120xf32, #tpu.memory_space<hbm>>) dst(%arg13 : memref<5120xf32, #tpu.memory_space<vmem>>)
    %dma_wait3A_521 = tpu.memref_slice %arg5[%add3A_497] : memref<4915200xf32, #tpu.memory_space<hbm>> -> memref<5120xf32, #tpu.memory_space<hbm>>
    %dma_wait3A_522 = tpu.memref_slice %arg5[%add3A_497] : memref<4915200xf32, #tpu.memory_space<hbm>> -> memref<5120xf32, #tpu.memory_space<hbm>>
    tpu.wait_dma2 semaphore(%arg20 : memref<!tpu.dma_semaphore, #tpu.memory_space<semaphore_mem>>) src(%dma_wait3A_522 : memref<5120xf32, #tpu.memory_space<hbm>>) dst(%arg15 : memref<5120xf32, #tpu.memory_space<vmem>>)
    %dma_wait3A_523 = tpu.memref_slice %arg6[%add3A_497] : memref<4915200xf32, #tpu.memory_space<hbm>> -> memref<5120xf32, #tpu.memory_space<hbm>>
    %dma_wait3A_524 = tpu.memref_slice %arg6[%add3A_497] : memref<4915200xf32, #tpu.memory_space<hbm>> -> memref<5120xf32, #tpu.memory_space<hbm>>
    tpu.wait_dma2 semaphore(%arg20 : memref<!tpu.dma_semaphore, #tpu.memory_space<semaphore_mem>>) src(%dma_wait3A_524 : memref<5120xf32, #tpu.memory_space<hbm>>) dst(%arg17 : memref<5120xf32, #tpu.memory_space<vmem>>)
    %add3A_525 = arith.constant 92160 : i32
    %add3A_526 = arith.addi %add3A_5, %add3A_525 : i32
    %dma_start3A_527 = tpu.memref_slice %arg2[%add3A_526] : memref<4915200xi32, #tpu.memory_space<hbm>> -> memref<5120xi32, #tpu.memory_space<hbm>>
    %dma_start3A_528 = tpu.memref_slice %arg2[%add3A_526] : memref<4915200xi32, #tpu.memory_space<hbm>> -> memref<5120xi32, #tpu.memory_space<hbm>>
    tpu.enqueue_dma source(%dma_start3A_528 : memref<5120xi32, #tpu.memory_space<hbm>>) target(%arg8 : memref<5120xi32, #tpu.memory_space<vmem>>) target_semaphore(%arg19 : memref<!tpu.dma_semaphore, #tpu.memory_space<semaphore_mem>>)
    %dma_start3A_529 = tpu.memref_slice %arg3[%add3A_526] : memref<4915200xf32, #tpu.memory_space<hbm>> -> memref<5120xf32, #tpu.memory_space<hbm>>
    %dma_start3A_530 = tpu.memref_slice %arg3[%add3A_526] : memref<4915200xf32, #tpu.memory_space<hbm>> -> memref<5120xf32, #tpu.memory_space<hbm>>
    tpu.enqueue_dma source(%dma_start3A_530 : memref<5120xf32, #tpu.memory_space<hbm>>) target(%arg10 : memref<5120xf32, #tpu.memory_space<vmem>>) target_semaphore(%arg19 : memref<!tpu.dma_semaphore, #tpu.memory_space<semaphore_mem>>)
    %dma_start3A_531 = tpu.memref_slice %arg4[%add3A_526] : memref<4915200xf32, #tpu.memory_space<hbm>> -> memref<5120xf32, #tpu.memory_space<hbm>>
    %dma_start3A_532 = tpu.memref_slice %arg4[%add3A_526] : memref<4915200xf32, #tpu.memory_space<hbm>> -> memref<5120xf32, #tpu.memory_space<hbm>>
    tpu.enqueue_dma source(%dma_start3A_532 : memref<5120xf32, #tpu.memory_space<hbm>>) target(%arg12 : memref<5120xf32, #tpu.memory_space<vmem>>) target_semaphore(%arg19 : memref<!tpu.dma_semaphore, #tpu.memory_space<semaphore_mem>>)
    %dma_start3A_533 = tpu.memref_slice %arg5[%add3A_526] : memref<4915200xf32, #tpu.memory_space<hbm>> -> memref<5120xf32, #tpu.memory_space<hbm>>
    %dma_start3A_534 = tpu.memref_slice %arg5[%add3A_526] : memref<4915200xf32, #tpu.memory_space<hbm>> -> memref<5120xf32, #tpu.memory_space<hbm>>
    tpu.enqueue_dma source(%dma_start3A_534 : memref<5120xf32, #tpu.memory_space<hbm>>) target(%arg14 : memref<5120xf32, #tpu.memory_space<vmem>>) target_semaphore(%arg19 : memref<!tpu.dma_semaphore, #tpu.memory_space<semaphore_mem>>)
    %dma_start3A_535 = tpu.memref_slice %arg6[%add3A_526] : memref<4915200xf32, #tpu.memory_space<hbm>> -> memref<5120xf32, #tpu.memory_space<hbm>>
    %dma_start3A_536 = tpu.memref_slice %arg6[%add3A_526] : memref<4915200xf32, #tpu.memory_space<hbm>> -> memref<5120xf32, #tpu.memory_space<hbm>>
    tpu.enqueue_dma source(%dma_start3A_536 : memref<5120xf32, #tpu.memory_space<hbm>>) target(%arg16 : memref<5120xf32, #tpu.memory_space<vmem>>) target_semaphore(%arg19 : memref<!tpu.dma_semaphore, #tpu.memory_space<semaphore_mem>>)
    %scan3A_537 = arith.constant 0 : i32
    %scan3A_538 = arith.constant 0 : i32
    %scan3A_539 = arith.constant 320 : i32
    %scan3A_540 = arith.addi %scan3A_538, %scan3A_539 : i32
    %scan3A_541 = arith.constant 1 : i32
    %scan3A_542 = scf.for %scan3A_887 = %scan3A_538 to %scan3A_540 step %scan3A_541 iter_args(%scan3A_888 = %scan3A_537) -> (i32)  : i32 {
      %mul3A_889 = arith.constant 16 : i32
      %mul3A_890 = arith.muli %scan3A_887, %mul3A_889 : i32
      %get3A = arith.index_cast %mul3A_890 : i32 to index
      %get3A_891 = tpu.vector_load %arg9[%get3A] {strides = array<i32>} : memref<5120xi32, #tpu.memory_space<vmem>>, vector<16xi32>,
      %get3A_892 = arith.index_cast %mul3A_890 : i32 to index
      %get3A_893 = tpu.vector_load %arg11[%get3A_892] {strides = array<i32>} : memref<5120xf32, #tpu.memory_space<vmem>>, vector<16xf32>,
      %get3A_894 = arith.index_cast %mul3A_890 : i32 to index
      %get3A_895 = tpu.vector_load %arg13[%get3A_894] {strides = array<i32>} : memref<5120xf32, #tpu.memory_space<vmem>>, vector<16xf32>,
      %get3A_896 = arith.index_cast %mul3A_890 : i32 to index
      %get3A_897 = tpu.vector_load %arg15[%get3A_896] {strides = array<i32>} : memref<5120xf32, #tpu.memory_space<vmem>>, vector<16xf32>,
      %get3A_898 = arith.index_cast %mul3A_890 : i32 to index
      %get3A_899 = tpu.vector_load %arg17[%get3A_898] {strides = array<i32>} : memref<5120xf32, #tpu.memory_space<vmem>>, vector<16xf32>,
      tpu.vector_store_idx %arg18[%get3A_891], %get3A_893 {add = true} : memref<66304xf32, #tpu.memory_space<vmem>>[vector<16xi32>], vector<16xf32>,
      %add3A_900 = arith.constant 1 : i32
      %add3A_901 = vector.broadcast %add3A_900 : i32 to vector<16xi32>
      %add3A_902 = arith.addi %get3A_891, %add3A_901 : vector<16xi32>
      tpu.vector_store_idx %arg18[%add3A_902], %get3A_895 {add = true} : memref<66304xf32, #tpu.memory_space<vmem>>[vector<16xi32>], vector<16xf32>,
      %add3A_903 = arith.constant 128 : i32
      %add3A_904 = vector.broadcast %add3A_903 : i32 to vector<16xi32>
      %add3A_905 = arith.addi %get3A_891, %add3A_904 : vector<16xi32>
      tpu.vector_store_idx %arg18[%add3A_905], %get3A_897 {add = true} : memref<66304xf32, #tpu.memory_space<vmem>>[vector<16xi32>], vector<16xf32>,
      %add3A_906 = arith.constant 129 : i32
      %add3A_907 = vector.broadcast %add3A_906 : i32 to vector<16xi32>
      %add3A_908 = arith.addi %get3A_891, %add3A_907 : vector<16xi32>
      tpu.vector_store_idx %arg18[%add3A_908], %get3A_899 {add = true} : memref<66304xf32, #tpu.memory_space<vmem>>[vector<16xi32>], vector<16xf32>,
      %scan3A_909 = arith.constant 0 : i32
      scf.yield %scan3A_909 : i32
    }
    %scan3A_543 = arith.constant 320 : i32
    %dma_wait3A_544 = tpu.memref_slice %arg2[%add3A_526] : memref<4915200xi32, #tpu.memory_space<hbm>> -> memref<5120xi32, #tpu.memory_space<hbm>>
    %dma_wait3A_545 = tpu.memref_slice %arg2[%add3A_526] : memref<4915200xi32, #tpu.memory_space<hbm>> -> memref<5120xi32, #tpu.memory_space<hbm>>
    tpu.wait_dma2 semaphore(%arg19 : memref<!tpu.dma_semaphore, #tpu.memory_space<semaphore_mem>>) src(%dma_wait3A_545 : memref<5120xi32, #tpu.memory_space<hbm>>) dst(%arg8 : memref<5120xi32, #tpu.memory_space<vmem>>)
    %dma_wait3A_546 = tpu.memref_slice %arg3[%add3A_526] : memref<4915200xf32, #tpu.memory_space<hbm>> -> memref<5120xf32, #tpu.memory_space<hbm>>
    %dma_wait3A_547 = tpu.memref_slice %arg3[%add3A_526] : memref<4915200xf32, #tpu.memory_space<hbm>> -> memref<5120xf32, #tpu.memory_space<hbm>>
    tpu.wait_dma2 semaphore(%arg19 : memref<!tpu.dma_semaphore, #tpu.memory_space<semaphore_mem>>) src(%dma_wait3A_547 : memref<5120xf32, #tpu.memory_space<hbm>>) dst(%arg10 : memref<5120xf32, #tpu.memory_space<vmem>>)
    %dma_wait3A_548 = tpu.memref_slice %arg4[%add3A_526] : memref<4915200xf32, #tpu.memory_space<hbm>> -> memref<5120xf32, #tpu.memory_space<hbm>>
    %dma_wait3A_549 = tpu.memref_slice %arg4[%add3A_526] : memref<4915200xf32, #tpu.memory_space<hbm>> -> memref<5120xf32, #tpu.memory_space<hbm>>
    tpu.wait_dma2 semaphore(%arg19 : memref<!tpu.dma_semaphore, #tpu.memory_space<semaphore_mem>>) src(%dma_wait3A_549 : memref<5120xf32, #tpu.memory_space<hbm>>) dst(%arg12 : memref<5120xf32, #tpu.memory_space<vmem>>)
    %dma_wait3A_550 = tpu.memref_slice %arg5[%add3A_526] : memref<4915200xf32, #tpu.memory_space<hbm>> -> memref<5120xf32, #tpu.memory_space<hbm>>
    %dma_wait3A_551 = tpu.memref_slice %arg5[%add3A_526] : memref<4915200xf32, #tpu.memory_space<hbm>> -> memref<5120xf32, #tpu.memory_space<hbm>>
    tpu.wait_dma2 semaphore(%arg19 : memref<!tpu.dma_semaphore, #tpu.memory_space<semaphore_mem>>) src(%dma_wait3A_551 : memref<5120xf32, #tpu.memory_space<hbm>>) dst(%arg14 : memref<5120xf32, #tpu.memory_space<vmem>>)
    %dma_wait3A_552 = tpu.memref_slice %arg6[%add3A_526] : memref<4915200xf32, #tpu.memory_space<hbm>> -> memref<5120xf32, #tpu.memory_space<hbm>>
    %dma_wait3A_553 = tpu.memref_slice %arg6[%add3A_526] : memref<4915200xf32, #tpu.memory_space<hbm>> -> memref<5120xf32, #tpu.memory_space<hbm>>
    tpu.wait_dma2 semaphore(%arg19 : memref<!tpu.dma_semaphore, #tpu.memory_space<semaphore_mem>>) src(%dma_wait3A_553 : memref<5120xf32, #tpu.memory_space<hbm>>) dst(%arg16 : memref<5120xf32, #tpu.memory_space<vmem>>)
    %add3A_554 = arith.constant 97280 : i32
    %add3A_555 = arith.addi %add3A_5, %add3A_554 : i32
    %dma_start3A_556 = tpu.memref_slice %arg2[%add3A_555] : memref<4915200xi32, #tpu.memory_space<hbm>> -> memref<5120xi32, #tpu.memory_space<hbm>>
    %dma_start3A_557 = tpu.memref_slice %arg2[%add3A_555] : memref<4915200xi32, #tpu.memory_space<hbm>> -> memref<5120xi32, #tpu.memory_space<hbm>>
    tpu.enqueue_dma source(%dma_start3A_557 : memref<5120xi32, #tpu.memory_space<hbm>>) target(%arg9 : memref<5120xi32, #tpu.memory_space<vmem>>) target_semaphore(%arg20 : memref<!tpu.dma_semaphore, #tpu.memory_space<semaphore_mem>>)
    %dma_start3A_558 = tpu.memref_slice %arg3[%add3A_555] : memref<4915200xf32, #tpu.memory_space<hbm>> -> memref<5120xf32, #tpu.memory_space<hbm>>
    %dma_start3A_559 = tpu.memref_slice %arg3[%add3A_555] : memref<4915200xf32, #tpu.memory_space<hbm>> -> memref<5120xf32, #tpu.memory_space<hbm>>
    tpu.enqueue_dma source(%dma_start3A_559 : memref<5120xf32, #tpu.memory_space<hbm>>) target(%arg11 : memref<5120xf32, #tpu.memory_space<vmem>>) target_semaphore(%arg20 : memref<!tpu.dma_semaphore, #tpu.memory_space<semaphore_mem>>)
    %dma_start3A_560 = tpu.memref_slice %arg4[%add3A_555] : memref<4915200xf32, #tpu.memory_space<hbm>> -> memref<5120xf32, #tpu.memory_space<hbm>>
    %dma_start3A_561 = tpu.memref_slice %arg4[%add3A_555] : memref<4915200xf32, #tpu.memory_space<hbm>> -> memref<5120xf32, #tpu.memory_space<hbm>>
    tpu.enqueue_dma source(%dma_start3A_561 : memref<5120xf32, #tpu.memory_space<hbm>>) target(%arg13 : memref<5120xf32, #tpu.memory_space<vmem>>) target_semaphore(%arg20 : memref<!tpu.dma_semaphore, #tpu.memory_space<semaphore_mem>>)
    %dma_start3A_562 = tpu.memref_slice %arg5[%add3A_555] : memref<4915200xf32, #tpu.memory_space<hbm>> -> memref<5120xf32, #tpu.memory_space<hbm>>
    %dma_start3A_563 = tpu.memref_slice %arg5[%add3A_555] : memref<4915200xf32, #tpu.memory_space<hbm>> -> memref<5120xf32, #tpu.memory_space<hbm>>
    tpu.enqueue_dma source(%dma_start3A_563 : memref<5120xf32, #tpu.memory_space<hbm>>) target(%arg15 : memref<5120xf32, #tpu.memory_space<vmem>>) target_semaphore(%arg20 : memref<!tpu.dma_semaphore, #tpu.memory_space<semaphore_mem>>)
    %dma_start3A_564 = tpu.memref_slice %arg6[%add3A_555] : memref<4915200xf32, #tpu.memory_space<hbm>> -> memref<5120xf32, #tpu.memory_space<hbm>>
    %dma_start3A_565 = tpu.memref_slice %arg6[%add3A_555] : memref<4915200xf32, #tpu.memory_space<hbm>> -> memref<5120xf32, #tpu.memory_space<hbm>>
    tpu.enqueue_dma source(%dma_start3A_565 : memref<5120xf32, #tpu.memory_space<hbm>>) target(%arg17 : memref<5120xf32, #tpu.memory_space<vmem>>) target_semaphore(%arg20 : memref<!tpu.dma_semaphore, #tpu.memory_space<semaphore_mem>>)
    %scan3A_566 = arith.constant 0 : i32
    %scan3A_567 = arith.constant 0 : i32
    %scan3A_568 = arith.constant 320 : i32
    %scan3A_569 = arith.addi %scan3A_567, %scan3A_568 : i32
    %scan3A_570 = arith.constant 1 : i32
    %scan3A_571 = scf.for %scan3A_887 = %scan3A_567 to %scan3A_569 step %scan3A_570 iter_args(%scan3A_888 = %scan3A_566) -> (i32)  : i32 {
      %mul3A_889 = arith.constant 16 : i32
      %mul3A_890 = arith.muli %scan3A_887, %mul3A_889 : i32
      %get3A = arith.index_cast %mul3A_890 : i32 to index
      %get3A_891 = tpu.vector_load %arg8[%get3A] {strides = array<i32>} : memref<5120xi32, #tpu.memory_space<vmem>>, vector<16xi32>,
      %get3A_892 = arith.index_cast %mul3A_890 : i32 to index
      %get3A_893 = tpu.vector_load %arg10[%get3A_892] {strides = array<i32>} : memref<5120xf32, #tpu.memory_space<vmem>>, vector<16xf32>,
      %get3A_894 = arith.index_cast %mul3A_890 : i32 to index
      %get3A_895 = tpu.vector_load %arg12[%get3A_894] {strides = array<i32>} : memref<5120xf32, #tpu.memory_space<vmem>>, vector<16xf32>,
      %get3A_896 = arith.index_cast %mul3A_890 : i32 to index
      %get3A_897 = tpu.vector_load %arg14[%get3A_896] {strides = array<i32>} : memref<5120xf32, #tpu.memory_space<vmem>>, vector<16xf32>,
      %get3A_898 = arith.index_cast %mul3A_890 : i32 to index
      %get3A_899 = tpu.vector_load %arg16[%get3A_898] {strides = array<i32>} : memref<5120xf32, #tpu.memory_space<vmem>>, vector<16xf32>,
      tpu.vector_store_idx %arg18[%get3A_891], %get3A_893 {add = true} : memref<66304xf32, #tpu.memory_space<vmem>>[vector<16xi32>], vector<16xf32>,
      %add3A_900 = arith.constant 1 : i32
      %add3A_901 = vector.broadcast %add3A_900 : i32 to vector<16xi32>
      %add3A_902 = arith.addi %get3A_891, %add3A_901 : vector<16xi32>
      tpu.vector_store_idx %arg18[%add3A_902], %get3A_895 {add = true} : memref<66304xf32, #tpu.memory_space<vmem>>[vector<16xi32>], vector<16xf32>,
      %add3A_903 = arith.constant 128 : i32
      %add3A_904 = vector.broadcast %add3A_903 : i32 to vector<16xi32>
      %add3A_905 = arith.addi %get3A_891, %add3A_904 : vector<16xi32>
      tpu.vector_store_idx %arg18[%add3A_905], %get3A_897 {add = true} : memref<66304xf32, #tpu.memory_space<vmem>>[vector<16xi32>], vector<16xf32>,
      %add3A_906 = arith.constant 129 : i32
      %add3A_907 = vector.broadcast %add3A_906 : i32 to vector<16xi32>
      %add3A_908 = arith.addi %get3A_891, %add3A_907 : vector<16xi32>
      tpu.vector_store_idx %arg18[%add3A_908], %get3A_899 {add = true} : memref<66304xf32, #tpu.memory_space<vmem>>[vector<16xi32>], vector<16xf32>,
      %scan3A_909 = arith.constant 0 : i32
      scf.yield %scan3A_909 : i32
    }
    %scan3A_572 = arith.constant 320 : i32
    %dma_wait3A_573 = tpu.memref_slice %arg2[%add3A_555] : memref<4915200xi32, #tpu.memory_space<hbm>> -> memref<5120xi32, #tpu.memory_space<hbm>>
    %dma_wait3A_574 = tpu.memref_slice %arg2[%add3A_555] : memref<4915200xi32, #tpu.memory_space<hbm>> -> memref<5120xi32, #tpu.memory_space<hbm>>
    tpu.wait_dma2 semaphore(%arg20 : memref<!tpu.dma_semaphore, #tpu.memory_space<semaphore_mem>>) src(%dma_wait3A_574 : memref<5120xi32, #tpu.memory_space<hbm>>) dst(%arg9 : memref<5120xi32, #tpu.memory_space<vmem>>)
    %dma_wait3A_575 = tpu.memref_slice %arg3[%add3A_555] : memref<4915200xf32, #tpu.memory_space<hbm>> -> memref<5120xf32, #tpu.memory_space<hbm>>
    %dma_wait3A_576 = tpu.memref_slice %arg3[%add3A_555] : memref<4915200xf32, #tpu.memory_space<hbm>> -> memref<5120xf32, #tpu.memory_space<hbm>>
    tpu.wait_dma2 semaphore(%arg20 : memref<!tpu.dma_semaphore, #tpu.memory_space<semaphore_mem>>) src(%dma_wait3A_576 : memref<5120xf32, #tpu.memory_space<hbm>>) dst(%arg11 : memref<5120xf32, #tpu.memory_space<vmem>>)
    %dma_wait3A_577 = tpu.memref_slice %arg4[%add3A_555] : memref<4915200xf32, #tpu.memory_space<hbm>> -> memref<5120xf32, #tpu.memory_space<hbm>>
    %dma_wait3A_578 = tpu.memref_slice %arg4[%add3A_555] : memref<4915200xf32, #tpu.memory_space<hbm>> -> memref<5120xf32, #tpu.memory_space<hbm>>
    tpu.wait_dma2 semaphore(%arg20 : memref<!tpu.dma_semaphore, #tpu.memory_space<semaphore_mem>>) src(%dma_wait3A_578 : memref<5120xf32, #tpu.memory_space<hbm>>) dst(%arg13 : memref<5120xf32, #tpu.memory_space<vmem>>)
    %dma_wait3A_579 = tpu.memref_slice %arg5[%add3A_555] : memref<4915200xf32, #tpu.memory_space<hbm>> -> memref<5120xf32, #tpu.memory_space<hbm>>
    %dma_wait3A_580 = tpu.memref_slice %arg5[%add3A_555] : memref<4915200xf32, #tpu.memory_space<hbm>> -> memref<5120xf32, #tpu.memory_space<hbm>>
    tpu.wait_dma2 semaphore(%arg20 : memref<!tpu.dma_semaphore, #tpu.memory_space<semaphore_mem>>) src(%dma_wait3A_580 : memref<5120xf32, #tpu.memory_space<hbm>>) dst(%arg15 : memref<5120xf32, #tpu.memory_space<vmem>>)
    %dma_wait3A_581 = tpu.memref_slice %arg6[%add3A_555] : memref<4915200xf32, #tpu.memory_space<hbm>> -> memref<5120xf32, #tpu.memory_space<hbm>>
    %dma_wait3A_582 = tpu.memref_slice %arg6[%add3A_555] : memref<4915200xf32, #tpu.memory_space<hbm>> -> memref<5120xf32, #tpu.memory_space<hbm>>
    tpu.wait_dma2 semaphore(%arg20 : memref<!tpu.dma_semaphore, #tpu.memory_space<semaphore_mem>>) src(%dma_wait3A_582 : memref<5120xf32, #tpu.memory_space<hbm>>) dst(%arg17 : memref<5120xf32, #tpu.memory_space<vmem>>)
    %add3A_583 = arith.constant 102400 : i32
    %add3A_584 = arith.addi %add3A_5, %add3A_583 : i32
    %dma_start3A_585 = tpu.memref_slice %arg2[%add3A_584] : memref<4915200xi32, #tpu.memory_space<hbm>> -> memref<5120xi32, #tpu.memory_space<hbm>>
    %dma_start3A_586 = tpu.memref_slice %arg2[%add3A_584] : memref<4915200xi32, #tpu.memory_space<hbm>> -> memref<5120xi32, #tpu.memory_space<hbm>>
    tpu.enqueue_dma source(%dma_start3A_586 : memref<5120xi32, #tpu.memory_space<hbm>>) target(%arg8 : memref<5120xi32, #tpu.memory_space<vmem>>) target_semaphore(%arg19 : memref<!tpu.dma_semaphore, #tpu.memory_space<semaphore_mem>>)
    %dma_start3A_587 = tpu.memref_slice %arg3[%add3A_584] : memref<4915200xf32, #tpu.memory_space<hbm>> -> memref<5120xf32, #tpu.memory_space<hbm>>
    %dma_start3A_588 = tpu.memref_slice %arg3[%add3A_584] : memref<4915200xf32, #tpu.memory_space<hbm>> -> memref<5120xf32, #tpu.memory_space<hbm>>
    tpu.enqueue_dma source(%dma_start3A_588 : memref<5120xf32, #tpu.memory_space<hbm>>) target(%arg10 : memref<5120xf32, #tpu.memory_space<vmem>>) target_semaphore(%arg19 : memref<!tpu.dma_semaphore, #tpu.memory_space<semaphore_mem>>)
    %dma_start3A_589 = tpu.memref_slice %arg4[%add3A_584] : memref<4915200xf32, #tpu.memory_space<hbm>> -> memref<5120xf32, #tpu.memory_space<hbm>>
    %dma_start3A_590 = tpu.memref_slice %arg4[%add3A_584] : memref<4915200xf32, #tpu.memory_space<hbm>> -> memref<5120xf32, #tpu.memory_space<hbm>>
    tpu.enqueue_dma source(%dma_start3A_590 : memref<5120xf32, #tpu.memory_space<hbm>>) target(%arg12 : memref<5120xf32, #tpu.memory_space<vmem>>) target_semaphore(%arg19 : memref<!tpu.dma_semaphore, #tpu.memory_space<semaphore_mem>>)
    %dma_start3A_591 = tpu.memref_slice %arg5[%add3A_584] : memref<4915200xf32, #tpu.memory_space<hbm>> -> memref<5120xf32, #tpu.memory_space<hbm>>
    %dma_start3A_592 = tpu.memref_slice %arg5[%add3A_584] : memref<4915200xf32, #tpu.memory_space<hbm>> -> memref<5120xf32, #tpu.memory_space<hbm>>
    tpu.enqueue_dma source(%dma_start3A_592 : memref<5120xf32, #tpu.memory_space<hbm>>) target(%arg14 : memref<5120xf32, #tpu.memory_space<vmem>>) target_semaphore(%arg19 : memref<!tpu.dma_semaphore, #tpu.memory_space<semaphore_mem>>)
    %dma_start3A_593 = tpu.memref_slice %arg6[%add3A_584] : memref<4915200xf32, #tpu.memory_space<hbm>> -> memref<5120xf32, #tpu.memory_space<hbm>>
    %dma_start3A_594 = tpu.memref_slice %arg6[%add3A_584] : memref<4915200xf32, #tpu.memory_space<hbm>> -> memref<5120xf32, #tpu.memory_space<hbm>>
    tpu.enqueue_dma source(%dma_start3A_594 : memref<5120xf32, #tpu.memory_space<hbm>>) target(%arg16 : memref<5120xf32, #tpu.memory_space<vmem>>) target_semaphore(%arg19 : memref<!tpu.dma_semaphore, #tpu.memory_space<semaphore_mem>>)
    %scan3A_595 = arith.constant 0 : i32
    %scan3A_596 = arith.constant 0 : i32
    %scan3A_597 = arith.constant 320 : i32
    %scan3A_598 = arith.addi %scan3A_596, %scan3A_597 : i32
    %scan3A_599 = arith.constant 1 : i32
    %scan3A_600 = scf.for %scan3A_887 = %scan3A_596 to %scan3A_598 step %scan3A_599 iter_args(%scan3A_888 = %scan3A_595) -> (i32)  : i32 {
      %mul3A_889 = arith.constant 16 : i32
      %mul3A_890 = arith.muli %scan3A_887, %mul3A_889 : i32
      %get3A = arith.index_cast %mul3A_890 : i32 to index
      %get3A_891 = tpu.vector_load %arg9[%get3A] {strides = array<i32>} : memref<5120xi32, #tpu.memory_space<vmem>>, vector<16xi32>,
      %get3A_892 = arith.index_cast %mul3A_890 : i32 to index
      %get3A_893 = tpu.vector_load %arg11[%get3A_892] {strides = array<i32>} : memref<5120xf32, #tpu.memory_space<vmem>>, vector<16xf32>,
      %get3A_894 = arith.index_cast %mul3A_890 : i32 to index
      %get3A_895 = tpu.vector_load %arg13[%get3A_894] {strides = array<i32>} : memref<5120xf32, #tpu.memory_space<vmem>>, vector<16xf32>,
      %get3A_896 = arith.index_cast %mul3A_890 : i32 to index
      %get3A_897 = tpu.vector_load %arg15[%get3A_896] {strides = array<i32>} : memref<5120xf32, #tpu.memory_space<vmem>>, vector<16xf32>,
      %get3A_898 = arith.index_cast %mul3A_890 : i32 to index
      %get3A_899 = tpu.vector_load %arg17[%get3A_898] {strides = array<i32>} : memref<5120xf32, #tpu.memory_space<vmem>>, vector<16xf32>,
      tpu.vector_store_idx %arg18[%get3A_891], %get3A_893 {add = true} : memref<66304xf32, #tpu.memory_space<vmem>>[vector<16xi32>], vector<16xf32>,
      %add3A_900 = arith.constant 1 : i32
      %add3A_901 = vector.broadcast %add3A_900 : i32 to vector<16xi32>
      %add3A_902 = arith.addi %get3A_891, %add3A_901 : vector<16xi32>
      tpu.vector_store_idx %arg18[%add3A_902], %get3A_895 {add = true} : memref<66304xf32, #tpu.memory_space<vmem>>[vector<16xi32>], vector<16xf32>,
      %add3A_903 = arith.constant 128 : i32
      %add3A_904 = vector.broadcast %add3A_903 : i32 to vector<16xi32>
      %add3A_905 = arith.addi %get3A_891, %add3A_904 : vector<16xi32>
      tpu.vector_store_idx %arg18[%add3A_905], %get3A_897 {add = true} : memref<66304xf32, #tpu.memory_space<vmem>>[vector<16xi32>], vector<16xf32>,
      %add3A_906 = arith.constant 129 : i32
      %add3A_907 = vector.broadcast %add3A_906 : i32 to vector<16xi32>
      %add3A_908 = arith.addi %get3A_891, %add3A_907 : vector<16xi32>
      tpu.vector_store_idx %arg18[%add3A_908], %get3A_899 {add = true} : memref<66304xf32, #tpu.memory_space<vmem>>[vector<16xi32>], vector<16xf32>,
      %scan3A_909 = arith.constant 0 : i32
      scf.yield %scan3A_909 : i32
    }
    %scan3A_601 = arith.constant 320 : i32
    %dma_wait3A_602 = tpu.memref_slice %arg2[%add3A_584] : memref<4915200xi32, #tpu.memory_space<hbm>> -> memref<5120xi32, #tpu.memory_space<hbm>>
    %dma_wait3A_603 = tpu.memref_slice %arg2[%add3A_584] : memref<4915200xi32, #tpu.memory_space<hbm>> -> memref<5120xi32, #tpu.memory_space<hbm>>
    tpu.wait_dma2 semaphore(%arg19 : memref<!tpu.dma_semaphore, #tpu.memory_space<semaphore_mem>>) src(%dma_wait3A_603 : memref<5120xi32, #tpu.memory_space<hbm>>) dst(%arg8 : memref<5120xi32, #tpu.memory_space<vmem>>)
    %dma_wait3A_604 = tpu.memref_slice %arg3[%add3A_584] : memref<4915200xf32, #tpu.memory_space<hbm>> -> memref<5120xf32, #tpu.memory_space<hbm>>
    %dma_wait3A_605 = tpu.memref_slice %arg3[%add3A_584] : memref<4915200xf32, #tpu.memory_space<hbm>> -> memref<5120xf32, #tpu.memory_space<hbm>>
    tpu.wait_dma2 semaphore(%arg19 : memref<!tpu.dma_semaphore, #tpu.memory_space<semaphore_mem>>) src(%dma_wait3A_605 : memref<5120xf32, #tpu.memory_space<hbm>>) dst(%arg10 : memref<5120xf32, #tpu.memory_space<vmem>>)
    %dma_wait3A_606 = tpu.memref_slice %arg4[%add3A_584] : memref<4915200xf32, #tpu.memory_space<hbm>> -> memref<5120xf32, #tpu.memory_space<hbm>>
    %dma_wait3A_607 = tpu.memref_slice %arg4[%add3A_584] : memref<4915200xf32, #tpu.memory_space<hbm>> -> memref<5120xf32, #tpu.memory_space<hbm>>
    tpu.wait_dma2 semaphore(%arg19 : memref<!tpu.dma_semaphore, #tpu.memory_space<semaphore_mem>>) src(%dma_wait3A_607 : memref<5120xf32, #tpu.memory_space<hbm>>) dst(%arg12 : memref<5120xf32, #tpu.memory_space<vmem>>)
    %dma_wait3A_608 = tpu.memref_slice %arg5[%add3A_584] : memref<4915200xf32, #tpu.memory_space<hbm>> -> memref<5120xf32, #tpu.memory_space<hbm>>
    %dma_wait3A_609 = tpu.memref_slice %arg5[%add3A_584] : memref<4915200xf32, #tpu.memory_space<hbm>> -> memref<5120xf32, #tpu.memory_space<hbm>>
    tpu.wait_dma2 semaphore(%arg19 : memref<!tpu.dma_semaphore, #tpu.memory_space<semaphore_mem>>) src(%dma_wait3A_609 : memref<5120xf32, #tpu.memory_space<hbm>>) dst(%arg14 : memref<5120xf32, #tpu.memory_space<vmem>>)
    %dma_wait3A_610 = tpu.memref_slice %arg6[%add3A_584] : memref<4915200xf32, #tpu.memory_space<hbm>> -> memref<5120xf32, #tpu.memory_space<hbm>>
    %dma_wait3A_611 = tpu.memref_slice %arg6[%add3A_584] : memref<4915200xf32, #tpu.memory_space<hbm>> -> memref<5120xf32, #tpu.memory_space<hbm>>
    tpu.wait_dma2 semaphore(%arg19 : memref<!tpu.dma_semaphore, #tpu.memory_space<semaphore_mem>>) src(%dma_wait3A_611 : memref<5120xf32, #tpu.memory_space<hbm>>) dst(%arg16 : memref<5120xf32, #tpu.memory_space<vmem>>)
    %add3A_612 = arith.constant 107520 : i32
    %add3A_613 = arith.addi %add3A_5, %add3A_612 : i32
    %dma_start3A_614 = tpu.memref_slice %arg2[%add3A_613] : memref<4915200xi32, #tpu.memory_space<hbm>> -> memref<5120xi32, #tpu.memory_space<hbm>>
    %dma_start3A_615 = tpu.memref_slice %arg2[%add3A_613] : memref<4915200xi32, #tpu.memory_space<hbm>> -> memref<5120xi32, #tpu.memory_space<hbm>>
    tpu.enqueue_dma source(%dma_start3A_615 : memref<5120xi32, #tpu.memory_space<hbm>>) target(%arg9 : memref<5120xi32, #tpu.memory_space<vmem>>) target_semaphore(%arg20 : memref<!tpu.dma_semaphore, #tpu.memory_space<semaphore_mem>>)
    %dma_start3A_616 = tpu.memref_slice %arg3[%add3A_613] : memref<4915200xf32, #tpu.memory_space<hbm>> -> memref<5120xf32, #tpu.memory_space<hbm>>
    %dma_start3A_617 = tpu.memref_slice %arg3[%add3A_613] : memref<4915200xf32, #tpu.memory_space<hbm>> -> memref<5120xf32, #tpu.memory_space<hbm>>
    tpu.enqueue_dma source(%dma_start3A_617 : memref<5120xf32, #tpu.memory_space<hbm>>) target(%arg11 : memref<5120xf32, #tpu.memory_space<vmem>>) target_semaphore(%arg20 : memref<!tpu.dma_semaphore, #tpu.memory_space<semaphore_mem>>)
    %dma_start3A_618 = tpu.memref_slice %arg4[%add3A_613] : memref<4915200xf32, #tpu.memory_space<hbm>> -> memref<5120xf32, #tpu.memory_space<hbm>>
    %dma_start3A_619 = tpu.memref_slice %arg4[%add3A_613] : memref<4915200xf32, #tpu.memory_space<hbm>> -> memref<5120xf32, #tpu.memory_space<hbm>>
    tpu.enqueue_dma source(%dma_start3A_619 : memref<5120xf32, #tpu.memory_space<hbm>>) target(%arg13 : memref<5120xf32, #tpu.memory_space<vmem>>) target_semaphore(%arg20 : memref<!tpu.dma_semaphore, #tpu.memory_space<semaphore_mem>>)
    %dma_start3A_620 = tpu.memref_slice %arg5[%add3A_613] : memref<4915200xf32, #tpu.memory_space<hbm>> -> memref<5120xf32, #tpu.memory_space<hbm>>
    %dma_start3A_621 = tpu.memref_slice %arg5[%add3A_613] : memref<4915200xf32, #tpu.memory_space<hbm>> -> memref<5120xf32, #tpu.memory_space<hbm>>
    tpu.enqueue_dma source(%dma_start3A_621 : memref<5120xf32, #tpu.memory_space<hbm>>) target(%arg15 : memref<5120xf32, #tpu.memory_space<vmem>>) target_semaphore(%arg20 : memref<!tpu.dma_semaphore, #tpu.memory_space<semaphore_mem>>)
    %dma_start3A_622 = tpu.memref_slice %arg6[%add3A_613] : memref<4915200xf32, #tpu.memory_space<hbm>> -> memref<5120xf32, #tpu.memory_space<hbm>>
    %dma_start3A_623 = tpu.memref_slice %arg6[%add3A_613] : memref<4915200xf32, #tpu.memory_space<hbm>> -> memref<5120xf32, #tpu.memory_space<hbm>>
    tpu.enqueue_dma source(%dma_start3A_623 : memref<5120xf32, #tpu.memory_space<hbm>>) target(%arg17 : memref<5120xf32, #tpu.memory_space<vmem>>) target_semaphore(%arg20 : memref<!tpu.dma_semaphore, #tpu.memory_space<semaphore_mem>>)
    %scan3A_624 = arith.constant 0 : i32
    %scan3A_625 = arith.constant 0 : i32
    %scan3A_626 = arith.constant 320 : i32
    %scan3A_627 = arith.addi %scan3A_625, %scan3A_626 : i32
    %scan3A_628 = arith.constant 1 : i32
    %scan3A_629 = scf.for %scan3A_887 = %scan3A_625 to %scan3A_627 step %scan3A_628 iter_args(%scan3A_888 = %scan3A_624) -> (i32)  : i32 {
      %mul3A_889 = arith.constant 16 : i32
      %mul3A_890 = arith.muli %scan3A_887, %mul3A_889 : i32
      %get3A = arith.index_cast %mul3A_890 : i32 to index
      %get3A_891 = tpu.vector_load %arg8[%get3A] {strides = array<i32>} : memref<5120xi32, #tpu.memory_space<vmem>>, vector<16xi32>,
      %get3A_892 = arith.index_cast %mul3A_890 : i32 to index
      %get3A_893 = tpu.vector_load %arg10[%get3A_892] {strides = array<i32>} : memref<5120xf32, #tpu.memory_space<vmem>>, vector<16xf32>,
      %get3A_894 = arith.index_cast %mul3A_890 : i32 to index
      %get3A_895 = tpu.vector_load %arg12[%get3A_894] {strides = array<i32>} : memref<5120xf32, #tpu.memory_space<vmem>>, vector<16xf32>,
      %get3A_896 = arith.index_cast %mul3A_890 : i32 to index
      %get3A_897 = tpu.vector_load %arg14[%get3A_896] {strides = array<i32>} : memref<5120xf32, #tpu.memory_space<vmem>>, vector<16xf32>,
      %get3A_898 = arith.index_cast %mul3A_890 : i32 to index
      %get3A_899 = tpu.vector_load %arg16[%get3A_898] {strides = array<i32>} : memref<5120xf32, #tpu.memory_space<vmem>>, vector<16xf32>,
      tpu.vector_store_idx %arg18[%get3A_891], %get3A_893 {add = true} : memref<66304xf32, #tpu.memory_space<vmem>>[vector<16xi32>], vector<16xf32>,
      %add3A_900 = arith.constant 1 : i32
      %add3A_901 = vector.broadcast %add3A_900 : i32 to vector<16xi32>
      %add3A_902 = arith.addi %get3A_891, %add3A_901 : vector<16xi32>
      tpu.vector_store_idx %arg18[%add3A_902], %get3A_895 {add = true} : memref<66304xf32, #tpu.memory_space<vmem>>[vector<16xi32>], vector<16xf32>,
      %add3A_903 = arith.constant 128 : i32
      %add3A_904 = vector.broadcast %add3A_903 : i32 to vector<16xi32>
      %add3A_905 = arith.addi %get3A_891, %add3A_904 : vector<16xi32>
      tpu.vector_store_idx %arg18[%add3A_905], %get3A_897 {add = true} : memref<66304xf32, #tpu.memory_space<vmem>>[vector<16xi32>], vector<16xf32>,
      %add3A_906 = arith.constant 129 : i32
      %add3A_907 = vector.broadcast %add3A_906 : i32 to vector<16xi32>
      %add3A_908 = arith.addi %get3A_891, %add3A_907 : vector<16xi32>
      tpu.vector_store_idx %arg18[%add3A_908], %get3A_899 {add = true} : memref<66304xf32, #tpu.memory_space<vmem>>[vector<16xi32>], vector<16xf32>,
      %scan3A_909 = arith.constant 0 : i32
      scf.yield %scan3A_909 : i32
    }
    %scan3A_630 = arith.constant 320 : i32
    %dma_wait3A_631 = tpu.memref_slice %arg2[%add3A_613] : memref<4915200xi32, #tpu.memory_space<hbm>> -> memref<5120xi32, #tpu.memory_space<hbm>>
    %dma_wait3A_632 = tpu.memref_slice %arg2[%add3A_613] : memref<4915200xi32, #tpu.memory_space<hbm>> -> memref<5120xi32, #tpu.memory_space<hbm>>
    tpu.wait_dma2 semaphore(%arg20 : memref<!tpu.dma_semaphore, #tpu.memory_space<semaphore_mem>>) src(%dma_wait3A_632 : memref<5120xi32, #tpu.memory_space<hbm>>) dst(%arg9 : memref<5120xi32, #tpu.memory_space<vmem>>)
    %dma_wait3A_633 = tpu.memref_slice %arg3[%add3A_613] : memref<4915200xf32, #tpu.memory_space<hbm>> -> memref<5120xf32, #tpu.memory_space<hbm>>
    %dma_wait3A_634 = tpu.memref_slice %arg3[%add3A_613] : memref<4915200xf32, #tpu.memory_space<hbm>> -> memref<5120xf32, #tpu.memory_space<hbm>>
    tpu.wait_dma2 semaphore(%arg20 : memref<!tpu.dma_semaphore, #tpu.memory_space<semaphore_mem>>) src(%dma_wait3A_634 : memref<5120xf32, #tpu.memory_space<hbm>>) dst(%arg11 : memref<5120xf32, #tpu.memory_space<vmem>>)
    %dma_wait3A_635 = tpu.memref_slice %arg4[%add3A_613] : memref<4915200xf32, #tpu.memory_space<hbm>> -> memref<5120xf32, #tpu.memory_space<hbm>>
    %dma_wait3A_636 = tpu.memref_slice %arg4[%add3A_613] : memref<4915200xf32, #tpu.memory_space<hbm>> -> memref<5120xf32, #tpu.memory_space<hbm>>
    tpu.wait_dma2 semaphore(%arg20 : memref<!tpu.dma_semaphore, #tpu.memory_space<semaphore_mem>>) src(%dma_wait3A_636 : memref<5120xf32, #tpu.memory_space<hbm>>) dst(%arg13 : memref<5120xf32, #tpu.memory_space<vmem>>)
    %dma_wait3A_637 = tpu.memref_slice %arg5[%add3A_613] : memref<4915200xf32, #tpu.memory_space<hbm>> -> memref<5120xf32, #tpu.memory_space<hbm>>
    %dma_wait3A_638 = tpu.memref_slice %arg5[%add3A_613] : memref<4915200xf32, #tpu.memory_space<hbm>> -> memref<5120xf32, #tpu.memory_space<hbm>>
    tpu.wait_dma2 semaphore(%arg20 : memref<!tpu.dma_semaphore, #tpu.memory_space<semaphore_mem>>) src(%dma_wait3A_638 : memref<5120xf32, #tpu.memory_space<hbm>>) dst(%arg15 : memref<5120xf32, #tpu.memory_space<vmem>>)
    %dma_wait3A_639 = tpu.memref_slice %arg6[%add3A_613] : memref<4915200xf32, #tpu.memory_space<hbm>> -> memref<5120xf32, #tpu.memory_space<hbm>>
    %dma_wait3A_640 = tpu.memref_slice %arg6[%add3A_613] : memref<4915200xf32, #tpu.memory_space<hbm>> -> memref<5120xf32, #tpu.memory_space<hbm>>
    tpu.wait_dma2 semaphore(%arg20 : memref<!tpu.dma_semaphore, #tpu.memory_space<semaphore_mem>>) src(%dma_wait3A_640 : memref<5120xf32, #tpu.memory_space<hbm>>) dst(%arg17 : memref<5120xf32, #tpu.memory_space<vmem>>)
    %add3A_641 = arith.constant 112640 : i32
    %add3A_642 = arith.addi %add3A_5, %add3A_641 : i32
    %dma_start3A_643 = tpu.memref_slice %arg2[%add3A_642] : memref<4915200xi32, #tpu.memory_space<hbm>> -> memref<5120xi32, #tpu.memory_space<hbm>>
    %dma_start3A_644 = tpu.memref_slice %arg2[%add3A_642] : memref<4915200xi32, #tpu.memory_space<hbm>> -> memref<5120xi32, #tpu.memory_space<hbm>>
    tpu.enqueue_dma source(%dma_start3A_644 : memref<5120xi32, #tpu.memory_space<hbm>>) target(%arg8 : memref<5120xi32, #tpu.memory_space<vmem>>) target_semaphore(%arg19 : memref<!tpu.dma_semaphore, #tpu.memory_space<semaphore_mem>>)
    %dma_start3A_645 = tpu.memref_slice %arg3[%add3A_642] : memref<4915200xf32, #tpu.memory_space<hbm>> -> memref<5120xf32, #tpu.memory_space<hbm>>
    %dma_start3A_646 = tpu.memref_slice %arg3[%add3A_642] : memref<4915200xf32, #tpu.memory_space<hbm>> -> memref<5120xf32, #tpu.memory_space<hbm>>
    tpu.enqueue_dma source(%dma_start3A_646 : memref<5120xf32, #tpu.memory_space<hbm>>) target(%arg10 : memref<5120xf32, #tpu.memory_space<vmem>>) target_semaphore(%arg19 : memref<!tpu.dma_semaphore, #tpu.memory_space<semaphore_mem>>)
    %dma_start3A_647 = tpu.memref_slice %arg4[%add3A_642] : memref<4915200xf32, #tpu.memory_space<hbm>> -> memref<5120xf32, #tpu.memory_space<hbm>>
    %dma_start3A_648 = tpu.memref_slice %arg4[%add3A_642] : memref<4915200xf32, #tpu.memory_space<hbm>> -> memref<5120xf32, #tpu.memory_space<hbm>>
    tpu.enqueue_dma source(%dma_start3A_648 : memref<5120xf32, #tpu.memory_space<hbm>>) target(%arg12 : memref<5120xf32, #tpu.memory_space<vmem>>) target_semaphore(%arg19 : memref<!tpu.dma_semaphore, #tpu.memory_space<semaphore_mem>>)
    %dma_start3A_649 = tpu.memref_slice %arg5[%add3A_642] : memref<4915200xf32, #tpu.memory_space<hbm>> -> memref<5120xf32, #tpu.memory_space<hbm>>
    %dma_start3A_650 = tpu.memref_slice %arg5[%add3A_642] : memref<4915200xf32, #tpu.memory_space<hbm>> -> memref<5120xf32, #tpu.memory_space<hbm>>
    tpu.enqueue_dma source(%dma_start3A_650 : memref<5120xf32, #tpu.memory_space<hbm>>) target(%arg14 : memref<5120xf32, #tpu.memory_space<vmem>>) target_semaphore(%arg19 : memref<!tpu.dma_semaphore, #tpu.memory_space<semaphore_mem>>)
    %dma_start3A_651 = tpu.memref_slice %arg6[%add3A_642] : memref<4915200xf32, #tpu.memory_space<hbm>> -> memref<5120xf32, #tpu.memory_space<hbm>>
    %dma_start3A_652 = tpu.memref_slice %arg6[%add3A_642] : memref<4915200xf32, #tpu.memory_space<hbm>> -> memref<5120xf32, #tpu.memory_space<hbm>>
    tpu.enqueue_dma source(%dma_start3A_652 : memref<5120xf32, #tpu.memory_space<hbm>>) target(%arg16 : memref<5120xf32, #tpu.memory_space<vmem>>) target_semaphore(%arg19 : memref<!tpu.dma_semaphore, #tpu.memory_space<semaphore_mem>>)
    %scan3A_653 = arith.constant 0 : i32
    %scan3A_654 = arith.constant 0 : i32
    %scan3A_655 = arith.constant 320 : i32
    %scan3A_656 = arith.addi %scan3A_654, %scan3A_655 : i32
    %scan3A_657 = arith.constant 1 : i32
    %scan3A_658 = scf.for %scan3A_887 = %scan3A_654 to %scan3A_656 step %scan3A_657 iter_args(%scan3A_888 = %scan3A_653) -> (i32)  : i32 {
      %mul3A_889 = arith.constant 16 : i32
      %mul3A_890 = arith.muli %scan3A_887, %mul3A_889 : i32
      %get3A = arith.index_cast %mul3A_890 : i32 to index
      %get3A_891 = tpu.vector_load %arg9[%get3A] {strides = array<i32>} : memref<5120xi32, #tpu.memory_space<vmem>>, vector<16xi32>,
      %get3A_892 = arith.index_cast %mul3A_890 : i32 to index
      %get3A_893 = tpu.vector_load %arg11[%get3A_892] {strides = array<i32>} : memref<5120xf32, #tpu.memory_space<vmem>>, vector<16xf32>,
      %get3A_894 = arith.index_cast %mul3A_890 : i32 to index
      %get3A_895 = tpu.vector_load %arg13[%get3A_894] {strides = array<i32>} : memref<5120xf32, #tpu.memory_space<vmem>>, vector<16xf32>,
      %get3A_896 = arith.index_cast %mul3A_890 : i32 to index
      %get3A_897 = tpu.vector_load %arg15[%get3A_896] {strides = array<i32>} : memref<5120xf32, #tpu.memory_space<vmem>>, vector<16xf32>,
      %get3A_898 = arith.index_cast %mul3A_890 : i32 to index
      %get3A_899 = tpu.vector_load %arg17[%get3A_898] {strides = array<i32>} : memref<5120xf32, #tpu.memory_space<vmem>>, vector<16xf32>,
      tpu.vector_store_idx %arg18[%get3A_891], %get3A_893 {add = true} : memref<66304xf32, #tpu.memory_space<vmem>>[vector<16xi32>], vector<16xf32>,
      %add3A_900 = arith.constant 1 : i32
      %add3A_901 = vector.broadcast %add3A_900 : i32 to vector<16xi32>
      %add3A_902 = arith.addi %get3A_891, %add3A_901 : vector<16xi32>
      tpu.vector_store_idx %arg18[%add3A_902], %get3A_895 {add = true} : memref<66304xf32, #tpu.memory_space<vmem>>[vector<16xi32>], vector<16xf32>,
      %add3A_903 = arith.constant 128 : i32
      %add3A_904 = vector.broadcast %add3A_903 : i32 to vector<16xi32>
      %add3A_905 = arith.addi %get3A_891, %add3A_904 : vector<16xi32>
      tpu.vector_store_idx %arg18[%add3A_905], %get3A_897 {add = true} : memref<66304xf32, #tpu.memory_space<vmem>>[vector<16xi32>], vector<16xf32>,
      %add3A_906 = arith.constant 129 : i32
      %add3A_907 = vector.broadcast %add3A_906 : i32 to vector<16xi32>
      %add3A_908 = arith.addi %get3A_891, %add3A_907 : vector<16xi32>
      tpu.vector_store_idx %arg18[%add3A_908], %get3A_899 {add = true} : memref<66304xf32, #tpu.memory_space<vmem>>[vector<16xi32>], vector<16xf32>,
      %scan3A_909 = arith.constant 0 : i32
      scf.yield %scan3A_909 : i32
    }
    %scan3A_659 = arith.constant 320 : i32
    %dma_wait3A_660 = tpu.memref_slice %arg2[%add3A_642] : memref<4915200xi32, #tpu.memory_space<hbm>> -> memref<5120xi32, #tpu.memory_space<hbm>>
    %dma_wait3A_661 = tpu.memref_slice %arg2[%add3A_642] : memref<4915200xi32, #tpu.memory_space<hbm>> -> memref<5120xi32, #tpu.memory_space<hbm>>
    tpu.wait_dma2 semaphore(%arg19 : memref<!tpu.dma_semaphore, #tpu.memory_space<semaphore_mem>>) src(%dma_wait3A_661 : memref<5120xi32, #tpu.memory_space<hbm>>) dst(%arg8 : memref<5120xi32, #tpu.memory_space<vmem>>)
    %dma_wait3A_662 = tpu.memref_slice %arg3[%add3A_642] : memref<4915200xf32, #tpu.memory_space<hbm>> -> memref<5120xf32, #tpu.memory_space<hbm>>
    %dma_wait3A_663 = tpu.memref_slice %arg3[%add3A_642] : memref<4915200xf32, #tpu.memory_space<hbm>> -> memref<5120xf32, #tpu.memory_space<hbm>>
    tpu.wait_dma2 semaphore(%arg19 : memref<!tpu.dma_semaphore, #tpu.memory_space<semaphore_mem>>) src(%dma_wait3A_663 : memref<5120xf32, #tpu.memory_space<hbm>>) dst(%arg10 : memref<5120xf32, #tpu.memory_space<vmem>>)
    %dma_wait3A_664 = tpu.memref_slice %arg4[%add3A_642] : memref<4915200xf32, #tpu.memory_space<hbm>> -> memref<5120xf32, #tpu.memory_space<hbm>>
    %dma_wait3A_665 = tpu.memref_slice %arg4[%add3A_642] : memref<4915200xf32, #tpu.memory_space<hbm>> -> memref<5120xf32, #tpu.memory_space<hbm>>
    tpu.wait_dma2 semaphore(%arg19 : memref<!tpu.dma_semaphore, #tpu.memory_space<semaphore_mem>>) src(%dma_wait3A_665 : memref<5120xf32, #tpu.memory_space<hbm>>) dst(%arg12 : memref<5120xf32, #tpu.memory_space<vmem>>)
    %dma_wait3A_666 = tpu.memref_slice %arg5[%add3A_642] : memref<4915200xf32, #tpu.memory_space<hbm>> -> memref<5120xf32, #tpu.memory_space<hbm>>
    %dma_wait3A_667 = tpu.memref_slice %arg5[%add3A_642] : memref<4915200xf32, #tpu.memory_space<hbm>> -> memref<5120xf32, #tpu.memory_space<hbm>>
    tpu.wait_dma2 semaphore(%arg19 : memref<!tpu.dma_semaphore, #tpu.memory_space<semaphore_mem>>) src(%dma_wait3A_667 : memref<5120xf32, #tpu.memory_space<hbm>>) dst(%arg14 : memref<5120xf32, #tpu.memory_space<vmem>>)
    %dma_wait3A_668 = tpu.memref_slice %arg6[%add3A_642] : memref<4915200xf32, #tpu.memory_space<hbm>> -> memref<5120xf32, #tpu.memory_space<hbm>>
    %dma_wait3A_669 = tpu.memref_slice %arg6[%add3A_642] : memref<4915200xf32, #tpu.memory_space<hbm>> -> memref<5120xf32, #tpu.memory_space<hbm>>
    tpu.wait_dma2 semaphore(%arg19 : memref<!tpu.dma_semaphore, #tpu.memory_space<semaphore_mem>>) src(%dma_wait3A_669 : memref<5120xf32, #tpu.memory_space<hbm>>) dst(%arg16 : memref<5120xf32, #tpu.memory_space<vmem>>)
    %add3A_670 = arith.constant 117760 : i32
    %add3A_671 = arith.addi %add3A_5, %add3A_670 : i32
    %dma_start3A_672 = tpu.memref_slice %arg2[%add3A_671] : memref<4915200xi32, #tpu.memory_space<hbm>> -> memref<5120xi32, #tpu.memory_space<hbm>>
    %dma_start3A_673 = tpu.memref_slice %arg2[%add3A_671] : memref<4915200xi32, #tpu.memory_space<hbm>> -> memref<5120xi32, #tpu.memory_space<hbm>>
    tpu.enqueue_dma source(%dma_start3A_673 : memref<5120xi32, #tpu.memory_space<hbm>>) target(%arg9 : memref<5120xi32, #tpu.memory_space<vmem>>) target_semaphore(%arg20 : memref<!tpu.dma_semaphore, #tpu.memory_space<semaphore_mem>>)
    %dma_start3A_674 = tpu.memref_slice %arg3[%add3A_671] : memref<4915200xf32, #tpu.memory_space<hbm>> -> memref<5120xf32, #tpu.memory_space<hbm>>
    %dma_start3A_675 = tpu.memref_slice %arg3[%add3A_671] : memref<4915200xf32, #tpu.memory_space<hbm>> -> memref<5120xf32, #tpu.memory_space<hbm>>
    tpu.enqueue_dma source(%dma_start3A_675 : memref<5120xf32, #tpu.memory_space<hbm>>) target(%arg11 : memref<5120xf32, #tpu.memory_space<vmem>>) target_semaphore(%arg20 : memref<!tpu.dma_semaphore, #tpu.memory_space<semaphore_mem>>)
    %dma_start3A_676 = tpu.memref_slice %arg4[%add3A_671] : memref<4915200xf32, #tpu.memory_space<hbm>> -> memref<5120xf32, #tpu.memory_space<hbm>>
    %dma_start3A_677 = tpu.memref_slice %arg4[%add3A_671] : memref<4915200xf32, #tpu.memory_space<hbm>> -> memref<5120xf32, #tpu.memory_space<hbm>>
    tpu.enqueue_dma source(%dma_start3A_677 : memref<5120xf32, #tpu.memory_space<hbm>>) target(%arg13 : memref<5120xf32, #tpu.memory_space<vmem>>) target_semaphore(%arg20 : memref<!tpu.dma_semaphore, #tpu.memory_space<semaphore_mem>>)
    %dma_start3A_678 = tpu.memref_slice %arg5[%add3A_671] : memref<4915200xf32, #tpu.memory_space<hbm>> -> memref<5120xf32, #tpu.memory_space<hbm>>
    %dma_start3A_679 = tpu.memref_slice %arg5[%add3A_671] : memref<4915200xf32, #tpu.memory_space<hbm>> -> memref<5120xf32, #tpu.memory_space<hbm>>
    tpu.enqueue_dma source(%dma_start3A_679 : memref<5120xf32, #tpu.memory_space<hbm>>) target(%arg15 : memref<5120xf32, #tpu.memory_space<vmem>>) target_semaphore(%arg20 : memref<!tpu.dma_semaphore, #tpu.memory_space<semaphore_mem>>)
    %dma_start3A_680 = tpu.memref_slice %arg6[%add3A_671] : memref<4915200xf32, #tpu.memory_space<hbm>> -> memref<5120xf32, #tpu.memory_space<hbm>>
    %dma_start3A_681 = tpu.memref_slice %arg6[%add3A_671] : memref<4915200xf32, #tpu.memory_space<hbm>> -> memref<5120xf32, #tpu.memory_space<hbm>>
    tpu.enqueue_dma source(%dma_start3A_681 : memref<5120xf32, #tpu.memory_space<hbm>>) target(%arg17 : memref<5120xf32, #tpu.memory_space<vmem>>) target_semaphore(%arg20 : memref<!tpu.dma_semaphore, #tpu.memory_space<semaphore_mem>>)
    %scan3A_682 = arith.constant 0 : i32
    %scan3A_683 = arith.constant 0 : i32
    %scan3A_684 = arith.constant 320 : i32
    %scan3A_685 = arith.addi %scan3A_683, %scan3A_684 : i32
    %scan3A_686 = arith.constant 1 : i32
    %scan3A_687 = scf.for %scan3A_887 = %scan3A_683 to %scan3A_685 step %scan3A_686 iter_args(%scan3A_888 = %scan3A_682) -> (i32)  : i32 {
      %mul3A_889 = arith.constant 16 : i32
      %mul3A_890 = arith.muli %scan3A_887, %mul3A_889 : i32
      %get3A = arith.index_cast %mul3A_890 : i32 to index
      %get3A_891 = tpu.vector_load %arg8[%get3A] {strides = array<i32>} : memref<5120xi32, #tpu.memory_space<vmem>>, vector<16xi32>,
      %get3A_892 = arith.index_cast %mul3A_890 : i32 to index
      %get3A_893 = tpu.vector_load %arg10[%get3A_892] {strides = array<i32>} : memref<5120xf32, #tpu.memory_space<vmem>>, vector<16xf32>,
      %get3A_894 = arith.index_cast %mul3A_890 : i32 to index
      %get3A_895 = tpu.vector_load %arg12[%get3A_894] {strides = array<i32>} : memref<5120xf32, #tpu.memory_space<vmem>>, vector<16xf32>,
      %get3A_896 = arith.index_cast %mul3A_890 : i32 to index
      %get3A_897 = tpu.vector_load %arg14[%get3A_896] {strides = array<i32>} : memref<5120xf32, #tpu.memory_space<vmem>>, vector<16xf32>,
      %get3A_898 = arith.index_cast %mul3A_890 : i32 to index
      %get3A_899 = tpu.vector_load %arg16[%get3A_898] {strides = array<i32>} : memref<5120xf32, #tpu.memory_space<vmem>>, vector<16xf32>,
      tpu.vector_store_idx %arg18[%get3A_891], %get3A_893 {add = true} : memref<66304xf32, #tpu.memory_space<vmem>>[vector<16xi32>], vector<16xf32>,
      %add3A_900 = arith.constant 1 : i32
      %add3A_901 = vector.broadcast %add3A_900 : i32 to vector<16xi32>
      %add3A_902 = arith.addi %get3A_891, %add3A_901 : vector<16xi32>
      tpu.vector_store_idx %arg18[%add3A_902], %get3A_895 {add = true} : memref<66304xf32, #tpu.memory_space<vmem>>[vector<16xi32>], vector<16xf32>,
      %add3A_903 = arith.constant 128 : i32
      %add3A_904 = vector.broadcast %add3A_903 : i32 to vector<16xi32>
      %add3A_905 = arith.addi %get3A_891, %add3A_904 : vector<16xi32>
      tpu.vector_store_idx %arg18[%add3A_905], %get3A_897 {add = true} : memref<66304xf32, #tpu.memory_space<vmem>>[vector<16xi32>], vector<16xf32>,
      %add3A_906 = arith.constant 129 : i32
      %add3A_907 = vector.broadcast %add3A_906 : i32 to vector<16xi32>
      %add3A_908 = arith.addi %get3A_891, %add3A_907 : vector<16xi32>
      tpu.vector_store_idx %arg18[%add3A_908], %get3A_899 {add = true} : memref<66304xf32, #tpu.memory_space<vmem>>[vector<16xi32>], vector<16xf32>,
      %scan3A_909 = arith.constant 0 : i32
      scf.yield %scan3A_909 : i32
    }
    %scan3A_688 = arith.constant 320 : i32
    %dma_wait3A_689 = tpu.memref_slice %arg2[%add3A_671] : memref<4915200xi32, #tpu.memory_space<hbm>> -> memref<5120xi32, #tpu.memory_space<hbm>>
    %dma_wait3A_690 = tpu.memref_slice %arg2[%add3A_671] : memref<4915200xi32, #tpu.memory_space<hbm>> -> memref<5120xi32, #tpu.memory_space<hbm>>
    tpu.wait_dma2 semaphore(%arg20 : memref<!tpu.dma_semaphore, #tpu.memory_space<semaphore_mem>>) src(%dma_wait3A_690 : memref<5120xi32, #tpu.memory_space<hbm>>) dst(%arg9 : memref<5120xi32, #tpu.memory_space<vmem>>)
    %dma_wait3A_691 = tpu.memref_slice %arg3[%add3A_671] : memref<4915200xf32, #tpu.memory_space<hbm>> -> memref<5120xf32, #tpu.memory_space<hbm>>
    %dma_wait3A_692 = tpu.memref_slice %arg3[%add3A_671] : memref<4915200xf32, #tpu.memory_space<hbm>> -> memref<5120xf32, #tpu.memory_space<hbm>>
    tpu.wait_dma2 semaphore(%arg20 : memref<!tpu.dma_semaphore, #tpu.memory_space<semaphore_mem>>) src(%dma_wait3A_692 : memref<5120xf32, #tpu.memory_space<hbm>>) dst(%arg11 : memref<5120xf32, #tpu.memory_space<vmem>>)
    %dma_wait3A_693 = tpu.memref_slice %arg4[%add3A_671] : memref<4915200xf32, #tpu.memory_space<hbm>> -> memref<5120xf32, #tpu.memory_space<hbm>>
    %dma_wait3A_694 = tpu.memref_slice %arg4[%add3A_671] : memref<4915200xf32, #tpu.memory_space<hbm>> -> memref<5120xf32, #tpu.memory_space<hbm>>
    tpu.wait_dma2 semaphore(%arg20 : memref<!tpu.dma_semaphore, #tpu.memory_space<semaphore_mem>>) src(%dma_wait3A_694 : memref<5120xf32, #tpu.memory_space<hbm>>) dst(%arg13 : memref<5120xf32, #tpu.memory_space<vmem>>)
    %dma_wait3A_695 = tpu.memref_slice %arg5[%add3A_671] : memref<4915200xf32, #tpu.memory_space<hbm>> -> memref<5120xf32, #tpu.memory_space<hbm>>
    %dma_wait3A_696 = tpu.memref_slice %arg5[%add3A_671] : memref<4915200xf32, #tpu.memory_space<hbm>> -> memref<5120xf32, #tpu.memory_space<hbm>>
    tpu.wait_dma2 semaphore(%arg20 : memref<!tpu.dma_semaphore, #tpu.memory_space<semaphore_mem>>) src(%dma_wait3A_696 : memref<5120xf32, #tpu.memory_space<hbm>>) dst(%arg15 : memref<5120xf32, #tpu.memory_space<vmem>>)
    %dma_wait3A_697 = tpu.memref_slice %arg6[%add3A_671] : memref<4915200xf32, #tpu.memory_space<hbm>> -> memref<5120xf32, #tpu.memory_space<hbm>>
    %dma_wait3A_698 = tpu.memref_slice %arg6[%add3A_671] : memref<4915200xf32, #tpu.memory_space<hbm>> -> memref<5120xf32, #tpu.memory_space<hbm>>
    tpu.wait_dma2 semaphore(%arg20 : memref<!tpu.dma_semaphore, #tpu.memory_space<semaphore_mem>>) src(%dma_wait3A_698 : memref<5120xf32, #tpu.memory_space<hbm>>) dst(%arg17 : memref<5120xf32, #tpu.memory_space<vmem>>)
    %add3A_699 = arith.constant 122880 : i32
    %add3A_700 = arith.addi %add3A_5, %add3A_699 : i32
    %dma_start3A_701 = tpu.memref_slice %arg2[%add3A_700] : memref<4915200xi32, #tpu.memory_space<hbm>> -> memref<5120xi32, #tpu.memory_space<hbm>>
    %dma_start3A_702 = tpu.memref_slice %arg2[%add3A_700] : memref<4915200xi32, #tpu.memory_space<hbm>> -> memref<5120xi32, #tpu.memory_space<hbm>>
    tpu.enqueue_dma source(%dma_start3A_702 : memref<5120xi32, #tpu.memory_space<hbm>>) target(%arg8 : memref<5120xi32, #tpu.memory_space<vmem>>) target_semaphore(%arg19 : memref<!tpu.dma_semaphore, #tpu.memory_space<semaphore_mem>>)
    %dma_start3A_703 = tpu.memref_slice %arg3[%add3A_700] : memref<4915200xf32, #tpu.memory_space<hbm>> -> memref<5120xf32, #tpu.memory_space<hbm>>
    %dma_start3A_704 = tpu.memref_slice %arg3[%add3A_700] : memref<4915200xf32, #tpu.memory_space<hbm>> -> memref<5120xf32, #tpu.memory_space<hbm>>
    tpu.enqueue_dma source(%dma_start3A_704 : memref<5120xf32, #tpu.memory_space<hbm>>) target(%arg10 : memref<5120xf32, #tpu.memory_space<vmem>>) target_semaphore(%arg19 : memref<!tpu.dma_semaphore, #tpu.memory_space<semaphore_mem>>)
    %dma_start3A_705 = tpu.memref_slice %arg4[%add3A_700] : memref<4915200xf32, #tpu.memory_space<hbm>> -> memref<5120xf32, #tpu.memory_space<hbm>>
    %dma_start3A_706 = tpu.memref_slice %arg4[%add3A_700] : memref<4915200xf32, #tpu.memory_space<hbm>> -> memref<5120xf32, #tpu.memory_space<hbm>>
    tpu.enqueue_dma source(%dma_start3A_706 : memref<5120xf32, #tpu.memory_space<hbm>>) target(%arg12 : memref<5120xf32, #tpu.memory_space<vmem>>) target_semaphore(%arg19 : memref<!tpu.dma_semaphore, #tpu.memory_space<semaphore_mem>>)
    %dma_start3A_707 = tpu.memref_slice %arg5[%add3A_700] : memref<4915200xf32, #tpu.memory_space<hbm>> -> memref<5120xf32, #tpu.memory_space<hbm>>
    %dma_start3A_708 = tpu.memref_slice %arg5[%add3A_700] : memref<4915200xf32, #tpu.memory_space<hbm>> -> memref<5120xf32, #tpu.memory_space<hbm>>
    tpu.enqueue_dma source(%dma_start3A_708 : memref<5120xf32, #tpu.memory_space<hbm>>) target(%arg14 : memref<5120xf32, #tpu.memory_space<vmem>>) target_semaphore(%arg19 : memref<!tpu.dma_semaphore, #tpu.memory_space<semaphore_mem>>)
    %dma_start3A_709 = tpu.memref_slice %arg6[%add3A_700] : memref<4915200xf32, #tpu.memory_space<hbm>> -> memref<5120xf32, #tpu.memory_space<hbm>>
    %dma_start3A_710 = tpu.memref_slice %arg6[%add3A_700] : memref<4915200xf32, #tpu.memory_space<hbm>> -> memref<5120xf32, #tpu.memory_space<hbm>>
    tpu.enqueue_dma source(%dma_start3A_710 : memref<5120xf32, #tpu.memory_space<hbm>>) target(%arg16 : memref<5120xf32, #tpu.memory_space<vmem>>) target_semaphore(%arg19 : memref<!tpu.dma_semaphore, #tpu.memory_space<semaphore_mem>>)
    %scan3A_711 = arith.constant 0 : i32
    %scan3A_712 = arith.constant 0 : i32
    %scan3A_713 = arith.constant 320 : i32
    %scan3A_714 = arith.addi %scan3A_712, %scan3A_713 : i32
    %scan3A_715 = arith.constant 1 : i32
    %scan3A_716 = scf.for %scan3A_887 = %scan3A_712 to %scan3A_714 step %scan3A_715 iter_args(%scan3A_888 = %scan3A_711) -> (i32)  : i32 {
      %mul3A_889 = arith.constant 16 : i32
      %mul3A_890 = arith.muli %scan3A_887, %mul3A_889 : i32
      %get3A = arith.index_cast %mul3A_890 : i32 to index
      %get3A_891 = tpu.vector_load %arg9[%get3A] {strides = array<i32>} : memref<5120xi32, #tpu.memory_space<vmem>>, vector<16xi32>,
      %get3A_892 = arith.index_cast %mul3A_890 : i32 to index
      %get3A_893 = tpu.vector_load %arg11[%get3A_892] {strides = array<i32>} : memref<5120xf32, #tpu.memory_space<vmem>>, vector<16xf32>,
      %get3A_894 = arith.index_cast %mul3A_890 : i32 to index
      %get3A_895 = tpu.vector_load %arg13[%get3A_894] {strides = array<i32>} : memref<5120xf32, #tpu.memory_space<vmem>>, vector<16xf32>,
      %get3A_896 = arith.index_cast %mul3A_890 : i32 to index
      %get3A_897 = tpu.vector_load %arg15[%get3A_896] {strides = array<i32>} : memref<5120xf32, #tpu.memory_space<vmem>>, vector<16xf32>,
      %get3A_898 = arith.index_cast %mul3A_890 : i32 to index
      %get3A_899 = tpu.vector_load %arg17[%get3A_898] {strides = array<i32>} : memref<5120xf32, #tpu.memory_space<vmem>>, vector<16xf32>,
      tpu.vector_store_idx %arg18[%get3A_891], %get3A_893 {add = true} : memref<66304xf32, #tpu.memory_space<vmem>>[vector<16xi32>], vector<16xf32>,
      %add3A_900 = arith.constant 1 : i32
      %add3A_901 = vector.broadcast %add3A_900 : i32 to vector<16xi32>
      %add3A_902 = arith.addi %get3A_891, %add3A_901 : vector<16xi32>
      tpu.vector_store_idx %arg18[%add3A_902], %get3A_895 {add = true} : memref<66304xf32, #tpu.memory_space<vmem>>[vector<16xi32>], vector<16xf32>,
      %add3A_903 = arith.constant 128 : i32
      %add3A_904 = vector.broadcast %add3A_903 : i32 to vector<16xi32>
      %add3A_905 = arith.addi %get3A_891, %add3A_904 : vector<16xi32>
      tpu.vector_store_idx %arg18[%add3A_905], %get3A_897 {add = true} : memref<66304xf32, #tpu.memory_space<vmem>>[vector<16xi32>], vector<16xf32>,
      %add3A_906 = arith.constant 129 : i32
      %add3A_907 = vector.broadcast %add3A_906 : i32 to vector<16xi32>
      %add3A_908 = arith.addi %get3A_891, %add3A_907 : vector<16xi32>
      tpu.vector_store_idx %arg18[%add3A_908], %get3A_899 {add = true} : memref<66304xf32, #tpu.memory_space<vmem>>[vector<16xi32>], vector<16xf32>,
      %scan3A_909 = arith.constant 0 : i32
      scf.yield %scan3A_909 : i32
    }
    %scan3A_717 = arith.constant 320 : i32
    %dma_wait3A_718 = tpu.memref_slice %arg2[%add3A_700] : memref<4915200xi32, #tpu.memory_space<hbm>> -> memref<5120xi32, #tpu.memory_space<hbm>>
    %dma_wait3A_719 = tpu.memref_slice %arg2[%add3A_700] : memref<4915200xi32, #tpu.memory_space<hbm>> -> memref<5120xi32, #tpu.memory_space<hbm>>
    tpu.wait_dma2 semaphore(%arg19 : memref<!tpu.dma_semaphore, #tpu.memory_space<semaphore_mem>>) src(%dma_wait3A_719 : memref<5120xi32, #tpu.memory_space<hbm>>) dst(%arg8 : memref<5120xi32, #tpu.memory_space<vmem>>)
    %dma_wait3A_720 = tpu.memref_slice %arg3[%add3A_700] : memref<4915200xf32, #tpu.memory_space<hbm>> -> memref<5120xf32, #tpu.memory_space<hbm>>
    %dma_wait3A_721 = tpu.memref_slice %arg3[%add3A_700] : memref<4915200xf32, #tpu.memory_space<hbm>> -> memref<5120xf32, #tpu.memory_space<hbm>>
    tpu.wait_dma2 semaphore(%arg19 : memref<!tpu.dma_semaphore, #tpu.memory_space<semaphore_mem>>) src(%dma_wait3A_721 : memref<5120xf32, #tpu.memory_space<hbm>>) dst(%arg10 : memref<5120xf32, #tpu.memory_space<vmem>>)
    %dma_wait3A_722 = tpu.memref_slice %arg4[%add3A_700] : memref<4915200xf32, #tpu.memory_space<hbm>> -> memref<5120xf32, #tpu.memory_space<hbm>>
    %dma_wait3A_723 = tpu.memref_slice %arg4[%add3A_700] : memref<4915200xf32, #tpu.memory_space<hbm>> -> memref<5120xf32, #tpu.memory_space<hbm>>
    tpu.wait_dma2 semaphore(%arg19 : memref<!tpu.dma_semaphore, #tpu.memory_space<semaphore_mem>>) src(%dma_wait3A_723 : memref<5120xf32, #tpu.memory_space<hbm>>) dst(%arg12 : memref<5120xf32, #tpu.memory_space<vmem>>)
    %dma_wait3A_724 = tpu.memref_slice %arg5[%add3A_700] : memref<4915200xf32, #tpu.memory_space<hbm>> -> memref<5120xf32, #tpu.memory_space<hbm>>
    %dma_wait3A_725 = tpu.memref_slice %arg5[%add3A_700] : memref<4915200xf32, #tpu.memory_space<hbm>> -> memref<5120xf32, #tpu.memory_space<hbm>>
    tpu.wait_dma2 semaphore(%arg19 : memref<!tpu.dma_semaphore, #tpu.memory_space<semaphore_mem>>) src(%dma_wait3A_725 : memref<5120xf32, #tpu.memory_space<hbm>>) dst(%arg14 : memref<5120xf32, #tpu.memory_space<vmem>>)
    %dma_wait3A_726 = tpu.memref_slice %arg6[%add3A_700] : memref<4915200xf32, #tpu.memory_space<hbm>> -> memref<5120xf32, #tpu.memory_space<hbm>>
    %dma_wait3A_727 = tpu.memref_slice %arg6[%add3A_700] : memref<4915200xf32, #tpu.memory_space<hbm>> -> memref<5120xf32, #tpu.memory_space<hbm>>
    tpu.wait_dma2 semaphore(%arg19 : memref<!tpu.dma_semaphore, #tpu.memory_space<semaphore_mem>>) src(%dma_wait3A_727 : memref<5120xf32, #tpu.memory_space<hbm>>) dst(%arg16 : memref<5120xf32, #tpu.memory_space<vmem>>)
    %add3A_728 = arith.constant 128000 : i32
    %add3A_729 = arith.addi %add3A_5, %add3A_728 : i32
    %dma_start3A_730 = tpu.memref_slice %arg2[%add3A_729] : memref<4915200xi32, #tpu.memory_space<hbm>> -> memref<5120xi32, #tpu.memory_space<hbm>>
    %dma_start3A_731 = tpu.memref_slice %arg2[%add3A_729] : memref<4915200xi32, #tpu.memory_space<hbm>> -> memref<5120xi32, #tpu.memory_space<hbm>>
    tpu.enqueue_dma source(%dma_start3A_731 : memref<5120xi32, #tpu.memory_space<hbm>>) target(%arg9 : memref<5120xi32, #tpu.memory_space<vmem>>) target_semaphore(%arg20 : memref<!tpu.dma_semaphore, #tpu.memory_space<semaphore_mem>>)
    %dma_start3A_732 = tpu.memref_slice %arg3[%add3A_729] : memref<4915200xf32, #tpu.memory_space<hbm>> -> memref<5120xf32, #tpu.memory_space<hbm>>
    %dma_start3A_733 = tpu.memref_slice %arg3[%add3A_729] : memref<4915200xf32, #tpu.memory_space<hbm>> -> memref<5120xf32, #tpu.memory_space<hbm>>
    tpu.enqueue_dma source(%dma_start3A_733 : memref<5120xf32, #tpu.memory_space<hbm>>) target(%arg11 : memref<5120xf32, #tpu.memory_space<vmem>>) target_semaphore(%arg20 : memref<!tpu.dma_semaphore, #tpu.memory_space<semaphore_mem>>)
    %dma_start3A_734 = tpu.memref_slice %arg4[%add3A_729] : memref<4915200xf32, #tpu.memory_space<hbm>> -> memref<5120xf32, #tpu.memory_space<hbm>>
    %dma_start3A_735 = tpu.memref_slice %arg4[%add3A_729] : memref<4915200xf32, #tpu.memory_space<hbm>> -> memref<5120xf32, #tpu.memory_space<hbm>>
    tpu.enqueue_dma source(%dma_start3A_735 : memref<5120xf32, #tpu.memory_space<hbm>>) target(%arg13 : memref<5120xf32, #tpu.memory_space<vmem>>) target_semaphore(%arg20 : memref<!tpu.dma_semaphore, #tpu.memory_space<semaphore_mem>>)
    %dma_start3A_736 = tpu.memref_slice %arg5[%add3A_729] : memref<4915200xf32, #tpu.memory_space<hbm>> -> memref<5120xf32, #tpu.memory_space<hbm>>
    %dma_start3A_737 = tpu.memref_slice %arg5[%add3A_729] : memref<4915200xf32, #tpu.memory_space<hbm>> -> memref<5120xf32, #tpu.memory_space<hbm>>
    tpu.enqueue_dma source(%dma_start3A_737 : memref<5120xf32, #tpu.memory_space<hbm>>) target(%arg15 : memref<5120xf32, #tpu.memory_space<vmem>>) target_semaphore(%arg20 : memref<!tpu.dma_semaphore, #tpu.memory_space<semaphore_mem>>)
    %dma_start3A_738 = tpu.memref_slice %arg6[%add3A_729] : memref<4915200xf32, #tpu.memory_space<hbm>> -> memref<5120xf32, #tpu.memory_space<hbm>>
    %dma_start3A_739 = tpu.memref_slice %arg6[%add3A_729] : memref<4915200xf32, #tpu.memory_space<hbm>> -> memref<5120xf32, #tpu.memory_space<hbm>>
    tpu.enqueue_dma source(%dma_start3A_739 : memref<5120xf32, #tpu.memory_space<hbm>>) target(%arg17 : memref<5120xf32, #tpu.memory_space<vmem>>) target_semaphore(%arg20 : memref<!tpu.dma_semaphore, #tpu.memory_space<semaphore_mem>>)
    %scan3A_740 = arith.constant 0 : i32
    %scan3A_741 = arith.constant 0 : i32
    %scan3A_742 = arith.constant 320 : i32
    %scan3A_743 = arith.addi %scan3A_741, %scan3A_742 : i32
    %scan3A_744 = arith.constant 1 : i32
    %scan3A_745 = scf.for %scan3A_887 = %scan3A_741 to %scan3A_743 step %scan3A_744 iter_args(%scan3A_888 = %scan3A_740) -> (i32)  : i32 {
      %mul3A_889 = arith.constant 16 : i32
      %mul3A_890 = arith.muli %scan3A_887, %mul3A_889 : i32
      %get3A = arith.index_cast %mul3A_890 : i32 to index
      %get3A_891 = tpu.vector_load %arg8[%get3A] {strides = array<i32>} : memref<5120xi32, #tpu.memory_space<vmem>>, vector<16xi32>,
      %get3A_892 = arith.index_cast %mul3A_890 : i32 to index
      %get3A_893 = tpu.vector_load %arg10[%get3A_892] {strides = array<i32>} : memref<5120xf32, #tpu.memory_space<vmem>>, vector<16xf32>,
      %get3A_894 = arith.index_cast %mul3A_890 : i32 to index
      %get3A_895 = tpu.vector_load %arg12[%get3A_894] {strides = array<i32>} : memref<5120xf32, #tpu.memory_space<vmem>>, vector<16xf32>,
      %get3A_896 = arith.index_cast %mul3A_890 : i32 to index
      %get3A_897 = tpu.vector_load %arg14[%get3A_896] {strides = array<i32>} : memref<5120xf32, #tpu.memory_space<vmem>>, vector<16xf32>,
      %get3A_898 = arith.index_cast %mul3A_890 : i32 to index
      %get3A_899 = tpu.vector_load %arg16[%get3A_898] {strides = array<i32>} : memref<5120xf32, #tpu.memory_space<vmem>>, vector<16xf32>,
      tpu.vector_store_idx %arg18[%get3A_891], %get3A_893 {add = true} : memref<66304xf32, #tpu.memory_space<vmem>>[vector<16xi32>], vector<16xf32>,
      %add3A_900 = arith.constant 1 : i32
      %add3A_901 = vector.broadcast %add3A_900 : i32 to vector<16xi32>
      %add3A_902 = arith.addi %get3A_891, %add3A_901 : vector<16xi32>
      tpu.vector_store_idx %arg18[%add3A_902], %get3A_895 {add = true} : memref<66304xf32, #tpu.memory_space<vmem>>[vector<16xi32>], vector<16xf32>,
      %add3A_903 = arith.constant 128 : i32
      %add3A_904 = vector.broadcast %add3A_903 : i32 to vector<16xi32>
      %add3A_905 = arith.addi %get3A_891, %add3A_904 : vector<16xi32>
      tpu.vector_store_idx %arg18[%add3A_905], %get3A_897 {add = true} : memref<66304xf32, #tpu.memory_space<vmem>>[vector<16xi32>], vector<16xf32>,
      %add3A_906 = arith.constant 129 : i32
      %add3A_907 = vector.broadcast %add3A_906 : i32 to vector<16xi32>
      %add3A_908 = arith.addi %get3A_891, %add3A_907 : vector<16xi32>
      tpu.vector_store_idx %arg18[%add3A_908], %get3A_899 {add = true} : memref<66304xf32, #tpu.memory_space<vmem>>[vector<16xi32>], vector<16xf32>,
      %scan3A_909 = arith.constant 0 : i32
      scf.yield %scan3A_909 : i32
    }
    %scan3A_746 = arith.constant 320 : i32
    %dma_wait3A_747 = tpu.memref_slice %arg2[%add3A_729] : memref<4915200xi32, #tpu.memory_space<hbm>> -> memref<5120xi32, #tpu.memory_space<hbm>>
    %dma_wait3A_748 = tpu.memref_slice %arg2[%add3A_729] : memref<4915200xi32, #tpu.memory_space<hbm>> -> memref<5120xi32, #tpu.memory_space<hbm>>
    tpu.wait_dma2 semaphore(%arg20 : memref<!tpu.dma_semaphore, #tpu.memory_space<semaphore_mem>>) src(%dma_wait3A_748 : memref<5120xi32, #tpu.memory_space<hbm>>) dst(%arg9 : memref<5120xi32, #tpu.memory_space<vmem>>)
    %dma_wait3A_749 = tpu.memref_slice %arg3[%add3A_729] : memref<4915200xf32, #tpu.memory_space<hbm>> -> memref<5120xf32, #tpu.memory_space<hbm>>
    %dma_wait3A_750 = tpu.memref_slice %arg3[%add3A_729] : memref<4915200xf32, #tpu.memory_space<hbm>> -> memref<5120xf32, #tpu.memory_space<hbm>>
    tpu.wait_dma2 semaphore(%arg20 : memref<!tpu.dma_semaphore, #tpu.memory_space<semaphore_mem>>) src(%dma_wait3A_750 : memref<5120xf32, #tpu.memory_space<hbm>>) dst(%arg11 : memref<5120xf32, #tpu.memory_space<vmem>>)
    %dma_wait3A_751 = tpu.memref_slice %arg4[%add3A_729] : memref<4915200xf32, #tpu.memory_space<hbm>> -> memref<5120xf32, #tpu.memory_space<hbm>>
    %dma_wait3A_752 = tpu.memref_slice %arg4[%add3A_729] : memref<4915200xf32, #tpu.memory_space<hbm>> -> memref<5120xf32, #tpu.memory_space<hbm>>
    tpu.wait_dma2 semaphore(%arg20 : memref<!tpu.dma_semaphore, #tpu.memory_space<semaphore_mem>>) src(%dma_wait3A_752 : memref<5120xf32, #tpu.memory_space<hbm>>) dst(%arg13 : memref<5120xf32, #tpu.memory_space<vmem>>)
    %dma_wait3A_753 = tpu.memref_slice %arg5[%add3A_729] : memref<4915200xf32, #tpu.memory_space<hbm>> -> memref<5120xf32, #tpu.memory_space<hbm>>
    %dma_wait3A_754 = tpu.memref_slice %arg5[%add3A_729] : memref<4915200xf32, #tpu.memory_space<hbm>> -> memref<5120xf32, #tpu.memory_space<hbm>>
    tpu.wait_dma2 semaphore(%arg20 : memref<!tpu.dma_semaphore, #tpu.memory_space<semaphore_mem>>) src(%dma_wait3A_754 : memref<5120xf32, #tpu.memory_space<hbm>>) dst(%arg15 : memref<5120xf32, #tpu.memory_space<vmem>>)
    %dma_wait3A_755 = tpu.memref_slice %arg6[%add3A_729] : memref<4915200xf32, #tpu.memory_space<hbm>> -> memref<5120xf32, #tpu.memory_space<hbm>>
    %dma_wait3A_756 = tpu.memref_slice %arg6[%add3A_729] : memref<4915200xf32, #tpu.memory_space<hbm>> -> memref<5120xf32, #tpu.memory_space<hbm>>
    tpu.wait_dma2 semaphore(%arg20 : memref<!tpu.dma_semaphore, #tpu.memory_space<semaphore_mem>>) src(%dma_wait3A_756 : memref<5120xf32, #tpu.memory_space<hbm>>) dst(%arg17 : memref<5120xf32, #tpu.memory_space<vmem>>)
    %add3A_757 = arith.constant 133120 : i32
    %add3A_758 = arith.addi %add3A_5, %add3A_757 : i32
    %dma_start3A_759 = tpu.memref_slice %arg2[%add3A_758] : memref<4915200xi32, #tpu.memory_space<hbm>> -> memref<5120xi32, #tpu.memory_space<hbm>>
    %dma_start3A_760 = tpu.memref_slice %arg2[%add3A_758] : memref<4915200xi32, #tpu.memory_space<hbm>> -> memref<5120xi32, #tpu.memory_space<hbm>>
    tpu.enqueue_dma source(%dma_start3A_760 : memref<5120xi32, #tpu.memory_space<hbm>>) target(%arg8 : memref<5120xi32, #tpu.memory_space<vmem>>) target_semaphore(%arg19 : memref<!tpu.dma_semaphore, #tpu.memory_space<semaphore_mem>>)
    %dma_start3A_761 = tpu.memref_slice %arg3[%add3A_758] : memref<4915200xf32, #tpu.memory_space<hbm>> -> memref<5120xf32, #tpu.memory_space<hbm>>
    %dma_start3A_762 = tpu.memref_slice %arg3[%add3A_758] : memref<4915200xf32, #tpu.memory_space<hbm>> -> memref<5120xf32, #tpu.memory_space<hbm>>
    tpu.enqueue_dma source(%dma_start3A_762 : memref<5120xf32, #tpu.memory_space<hbm>>) target(%arg10 : memref<5120xf32, #tpu.memory_space<vmem>>) target_semaphore(%arg19 : memref<!tpu.dma_semaphore, #tpu.memory_space<semaphore_mem>>)
    %dma_start3A_763 = tpu.memref_slice %arg4[%add3A_758] : memref<4915200xf32, #tpu.memory_space<hbm>> -> memref<5120xf32, #tpu.memory_space<hbm>>
    %dma_start3A_764 = tpu.memref_slice %arg4[%add3A_758] : memref<4915200xf32, #tpu.memory_space<hbm>> -> memref<5120xf32, #tpu.memory_space<hbm>>
    tpu.enqueue_dma source(%dma_start3A_764 : memref<5120xf32, #tpu.memory_space<hbm>>) target(%arg12 : memref<5120xf32, #tpu.memory_space<vmem>>) target_semaphore(%arg19 : memref<!tpu.dma_semaphore, #tpu.memory_space<semaphore_mem>>)
    %dma_start3A_765 = tpu.memref_slice %arg5[%add3A_758] : memref<4915200xf32, #tpu.memory_space<hbm>> -> memref<5120xf32, #tpu.memory_space<hbm>>
    %dma_start3A_766 = tpu.memref_slice %arg5[%add3A_758] : memref<4915200xf32, #tpu.memory_space<hbm>> -> memref<5120xf32, #tpu.memory_space<hbm>>
    tpu.enqueue_dma source(%dma_start3A_766 : memref<5120xf32, #tpu.memory_space<hbm>>) target(%arg14 : memref<5120xf32, #tpu.memory_space<vmem>>) target_semaphore(%arg19 : memref<!tpu.dma_semaphore, #tpu.memory_space<semaphore_mem>>)
    %dma_start3A_767 = tpu.memref_slice %arg6[%add3A_758] : memref<4915200xf32, #tpu.memory_space<hbm>> -> memref<5120xf32, #tpu.memory_space<hbm>>
    %dma_start3A_768 = tpu.memref_slice %arg6[%add3A_758] : memref<4915200xf32, #tpu.memory_space<hbm>> -> memref<5120xf32, #tpu.memory_space<hbm>>
    tpu.enqueue_dma source(%dma_start3A_768 : memref<5120xf32, #tpu.memory_space<hbm>>) target(%arg16 : memref<5120xf32, #tpu.memory_space<vmem>>) target_semaphore(%arg19 : memref<!tpu.dma_semaphore, #tpu.memory_space<semaphore_mem>>)
    %scan3A_769 = arith.constant 0 : i32
    %scan3A_770 = arith.constant 0 : i32
    %scan3A_771 = arith.constant 320 : i32
    %scan3A_772 = arith.addi %scan3A_770, %scan3A_771 : i32
    %scan3A_773 = arith.constant 1 : i32
    %scan3A_774 = scf.for %scan3A_887 = %scan3A_770 to %scan3A_772 step %scan3A_773 iter_args(%scan3A_888 = %scan3A_769) -> (i32)  : i32 {
      %mul3A_889 = arith.constant 16 : i32
      %mul3A_890 = arith.muli %scan3A_887, %mul3A_889 : i32
      %get3A = arith.index_cast %mul3A_890 : i32 to index
      %get3A_891 = tpu.vector_load %arg9[%get3A] {strides = array<i32>} : memref<5120xi32, #tpu.memory_space<vmem>>, vector<16xi32>,
      %get3A_892 = arith.index_cast %mul3A_890 : i32 to index
      %get3A_893 = tpu.vector_load %arg11[%get3A_892] {strides = array<i32>} : memref<5120xf32, #tpu.memory_space<vmem>>, vector<16xf32>,
      %get3A_894 = arith.index_cast %mul3A_890 : i32 to index
      %get3A_895 = tpu.vector_load %arg13[%get3A_894] {strides = array<i32>} : memref<5120xf32, #tpu.memory_space<vmem>>, vector<16xf32>,
      %get3A_896 = arith.index_cast %mul3A_890 : i32 to index
      %get3A_897 = tpu.vector_load %arg15[%get3A_896] {strides = array<i32>} : memref<5120xf32, #tpu.memory_space<vmem>>, vector<16xf32>,
      %get3A_898 = arith.index_cast %mul3A_890 : i32 to index
      %get3A_899 = tpu.vector_load %arg17[%get3A_898] {strides = array<i32>} : memref<5120xf32, #tpu.memory_space<vmem>>, vector<16xf32>,
      tpu.vector_store_idx %arg18[%get3A_891], %get3A_893 {add = true} : memref<66304xf32, #tpu.memory_space<vmem>>[vector<16xi32>], vector<16xf32>,
      %add3A_900 = arith.constant 1 : i32
      %add3A_901 = vector.broadcast %add3A_900 : i32 to vector<16xi32>
      %add3A_902 = arith.addi %get3A_891, %add3A_901 : vector<16xi32>
      tpu.vector_store_idx %arg18[%add3A_902], %get3A_895 {add = true} : memref<66304xf32, #tpu.memory_space<vmem>>[vector<16xi32>], vector<16xf32>,
      %add3A_903 = arith.constant 128 : i32
      %add3A_904 = vector.broadcast %add3A_903 : i32 to vector<16xi32>
      %add3A_905 = arith.addi %get3A_891, %add3A_904 : vector<16xi32>
      tpu.vector_store_idx %arg18[%add3A_905], %get3A_897 {add = true} : memref<66304xf32, #tpu.memory_space<vmem>>[vector<16xi32>], vector<16xf32>,
      %add3A_906 = arith.constant 129 : i32
      %add3A_907 = vector.broadcast %add3A_906 : i32 to vector<16xi32>
      %add3A_908 = arith.addi %get3A_891, %add3A_907 : vector<16xi32>
      tpu.vector_store_idx %arg18[%add3A_908], %get3A_899 {add = true} : memref<66304xf32, #tpu.memory_space<vmem>>[vector<16xi32>], vector<16xf32>,
      %scan3A_909 = arith.constant 0 : i32
      scf.yield %scan3A_909 : i32
    }
    %scan3A_775 = arith.constant 320 : i32
    %dma_wait3A_776 = tpu.memref_slice %arg2[%add3A_758] : memref<4915200xi32, #tpu.memory_space<hbm>> -> memref<5120xi32, #tpu.memory_space<hbm>>
    %dma_wait3A_777 = tpu.memref_slice %arg2[%add3A_758] : memref<4915200xi32, #tpu.memory_space<hbm>> -> memref<5120xi32, #tpu.memory_space<hbm>>
    tpu.wait_dma2 semaphore(%arg19 : memref<!tpu.dma_semaphore, #tpu.memory_space<semaphore_mem>>) src(%dma_wait3A_777 : memref<5120xi32, #tpu.memory_space<hbm>>) dst(%arg8 : memref<5120xi32, #tpu.memory_space<vmem>>)
    %dma_wait3A_778 = tpu.memref_slice %arg3[%add3A_758] : memref<4915200xf32, #tpu.memory_space<hbm>> -> memref<5120xf32, #tpu.memory_space<hbm>>
    %dma_wait3A_779 = tpu.memref_slice %arg3[%add3A_758] : memref<4915200xf32, #tpu.memory_space<hbm>> -> memref<5120xf32, #tpu.memory_space<hbm>>
    tpu.wait_dma2 semaphore(%arg19 : memref<!tpu.dma_semaphore, #tpu.memory_space<semaphore_mem>>) src(%dma_wait3A_779 : memref<5120xf32, #tpu.memory_space<hbm>>) dst(%arg10 : memref<5120xf32, #tpu.memory_space<vmem>>)
    %dma_wait3A_780 = tpu.memref_slice %arg4[%add3A_758] : memref<4915200xf32, #tpu.memory_space<hbm>> -> memref<5120xf32, #tpu.memory_space<hbm>>
    %dma_wait3A_781 = tpu.memref_slice %arg4[%add3A_758] : memref<4915200xf32, #tpu.memory_space<hbm>> -> memref<5120xf32, #tpu.memory_space<hbm>>
    tpu.wait_dma2 semaphore(%arg19 : memref<!tpu.dma_semaphore, #tpu.memory_space<semaphore_mem>>) src(%dma_wait3A_781 : memref<5120xf32, #tpu.memory_space<hbm>>) dst(%arg12 : memref<5120xf32, #tpu.memory_space<vmem>>)
    %dma_wait3A_782 = tpu.memref_slice %arg5[%add3A_758] : memref<4915200xf32, #tpu.memory_space<hbm>> -> memref<5120xf32, #tpu.memory_space<hbm>>
    %dma_wait3A_783 = tpu.memref_slice %arg5[%add3A_758] : memref<4915200xf32, #tpu.memory_space<hbm>> -> memref<5120xf32, #tpu.memory_space<hbm>>
    tpu.wait_dma2 semaphore(%arg19 : memref<!tpu.dma_semaphore, #tpu.memory_space<semaphore_mem>>) src(%dma_wait3A_783 : memref<5120xf32, #tpu.memory_space<hbm>>) dst(%arg14 : memref<5120xf32, #tpu.memory_space<vmem>>)
    %dma_wait3A_784 = tpu.memref_slice %arg6[%add3A_758] : memref<4915200xf32, #tpu.memory_space<hbm>> -> memref<5120xf32, #tpu.memory_space<hbm>>
    %dma_wait3A_785 = tpu.memref_slice %arg6[%add3A_758] : memref<4915200xf32, #tpu.memory_space<hbm>> -> memref<5120xf32, #tpu.memory_space<hbm>>
    tpu.wait_dma2 semaphore(%arg19 : memref<!tpu.dma_semaphore, #tpu.memory_space<semaphore_mem>>) src(%dma_wait3A_785 : memref<5120xf32, #tpu.memory_space<hbm>>) dst(%arg16 : memref<5120xf32, #tpu.memory_space<vmem>>)
    %add3A_786 = arith.constant 138240 : i32
    %add3A_787 = arith.addi %add3A_5, %add3A_786 : i32
    %dma_start3A_788 = tpu.memref_slice %arg2[%add3A_787] : memref<4915200xi32, #tpu.memory_space<hbm>> -> memref<5120xi32, #tpu.memory_space<hbm>>
    %dma_start3A_789 = tpu.memref_slice %arg2[%add3A_787] : memref<4915200xi32, #tpu.memory_space<hbm>> -> memref<5120xi32, #tpu.memory_space<hbm>>
    tpu.enqueue_dma source(%dma_start3A_789 : memref<5120xi32, #tpu.memory_space<hbm>>) target(%arg9 : memref<5120xi32, #tpu.memory_space<vmem>>) target_semaphore(%arg20 : memref<!tpu.dma_semaphore, #tpu.memory_space<semaphore_mem>>)
    %dma_start3A_790 = tpu.memref_slice %arg3[%add3A_787] : memref<4915200xf32, #tpu.memory_space<hbm>> -> memref<5120xf32, #tpu.memory_space<hbm>>
    %dma_start3A_791 = tpu.memref_slice %arg3[%add3A_787] : memref<4915200xf32, #tpu.memory_space<hbm>> -> memref<5120xf32, #tpu.memory_space<hbm>>
    tpu.enqueue_dma source(%dma_start3A_791 : memref<5120xf32, #tpu.memory_space<hbm>>) target(%arg11 : memref<5120xf32, #tpu.memory_space<vmem>>) target_semaphore(%arg20 : memref<!tpu.dma_semaphore, #tpu.memory_space<semaphore_mem>>)
    %dma_start3A_792 = tpu.memref_slice %arg4[%add3A_787] : memref<4915200xf32, #tpu.memory_space<hbm>> -> memref<5120xf32, #tpu.memory_space<hbm>>
    %dma_start3A_793 = tpu.memref_slice %arg4[%add3A_787] : memref<4915200xf32, #tpu.memory_space<hbm>> -> memref<5120xf32, #tpu.memory_space<hbm>>
    tpu.enqueue_dma source(%dma_start3A_793 : memref<5120xf32, #tpu.memory_space<hbm>>) target(%arg13 : memref<5120xf32, #tpu.memory_space<vmem>>) target_semaphore(%arg20 : memref<!tpu.dma_semaphore, #tpu.memory_space<semaphore_mem>>)
    %dma_start3A_794 = tpu.memref_slice %arg5[%add3A_787] : memref<4915200xf32, #tpu.memory_space<hbm>> -> memref<5120xf32, #tpu.memory_space<hbm>>
    %dma_start3A_795 = tpu.memref_slice %arg5[%add3A_787] : memref<4915200xf32, #tpu.memory_space<hbm>> -> memref<5120xf32, #tpu.memory_space<hbm>>
    tpu.enqueue_dma source(%dma_start3A_795 : memref<5120xf32, #tpu.memory_space<hbm>>) target(%arg15 : memref<5120xf32, #tpu.memory_space<vmem>>) target_semaphore(%arg20 : memref<!tpu.dma_semaphore, #tpu.memory_space<semaphore_mem>>)
    %dma_start3A_796 = tpu.memref_slice %arg6[%add3A_787] : memref<4915200xf32, #tpu.memory_space<hbm>> -> memref<5120xf32, #tpu.memory_space<hbm>>
    %dma_start3A_797 = tpu.memref_slice %arg6[%add3A_787] : memref<4915200xf32, #tpu.memory_space<hbm>> -> memref<5120xf32, #tpu.memory_space<hbm>>
    tpu.enqueue_dma source(%dma_start3A_797 : memref<5120xf32, #tpu.memory_space<hbm>>) target(%arg17 : memref<5120xf32, #tpu.memory_space<vmem>>) target_semaphore(%arg20 : memref<!tpu.dma_semaphore, #tpu.memory_space<semaphore_mem>>)
    %scan3A_798 = arith.constant 0 : i32
    %scan3A_799 = arith.constant 0 : i32
    %scan3A_800 = arith.constant 320 : i32
    %scan3A_801 = arith.addi %scan3A_799, %scan3A_800 : i32
    %scan3A_802 = arith.constant 1 : i32
    %scan3A_803 = scf.for %scan3A_887 = %scan3A_799 to %scan3A_801 step %scan3A_802 iter_args(%scan3A_888 = %scan3A_798) -> (i32)  : i32 {
      %mul3A_889 = arith.constant 16 : i32
      %mul3A_890 = arith.muli %scan3A_887, %mul3A_889 : i32
      %get3A = arith.index_cast %mul3A_890 : i32 to index
      %get3A_891 = tpu.vector_load %arg8[%get3A] {strides = array<i32>} : memref<5120xi32, #tpu.memory_space<vmem>>, vector<16xi32>,
      %get3A_892 = arith.index_cast %mul3A_890 : i32 to index
      %get3A_893 = tpu.vector_load %arg10[%get3A_892] {strides = array<i32>} : memref<5120xf32, #tpu.memory_space<vmem>>, vector<16xf32>,
      %get3A_894 = arith.index_cast %mul3A_890 : i32 to index
      %get3A_895 = tpu.vector_load %arg12[%get3A_894] {strides = array<i32>} : memref<5120xf32, #tpu.memory_space<vmem>>, vector<16xf32>,
      %get3A_896 = arith.index_cast %mul3A_890 : i32 to index
      %get3A_897 = tpu.vector_load %arg14[%get3A_896] {strides = array<i32>} : memref<5120xf32, #tpu.memory_space<vmem>>, vector<16xf32>,
      %get3A_898 = arith.index_cast %mul3A_890 : i32 to index
      %get3A_899 = tpu.vector_load %arg16[%get3A_898] {strides = array<i32>} : memref<5120xf32, #tpu.memory_space<vmem>>, vector<16xf32>,
      tpu.vector_store_idx %arg18[%get3A_891], %get3A_893 {add = true} : memref<66304xf32, #tpu.memory_space<vmem>>[vector<16xi32>], vector<16xf32>,
      %add3A_900 = arith.constant 1 : i32
      %add3A_901 = vector.broadcast %add3A_900 : i32 to vector<16xi32>
      %add3A_902 = arith.addi %get3A_891, %add3A_901 : vector<16xi32>
      tpu.vector_store_idx %arg18[%add3A_902], %get3A_895 {add = true} : memref<66304xf32, #tpu.memory_space<vmem>>[vector<16xi32>], vector<16xf32>,
      %add3A_903 = arith.constant 128 : i32
      %add3A_904 = vector.broadcast %add3A_903 : i32 to vector<16xi32>
      %add3A_905 = arith.addi %get3A_891, %add3A_904 : vector<16xi32>
      tpu.vector_store_idx %arg18[%add3A_905], %get3A_897 {add = true} : memref<66304xf32, #tpu.memory_space<vmem>>[vector<16xi32>], vector<16xf32>,
      %add3A_906 = arith.constant 129 : i32
      %add3A_907 = vector.broadcast %add3A_906 : i32 to vector<16xi32>
      %add3A_908 = arith.addi %get3A_891, %add3A_907 : vector<16xi32>
      tpu.vector_store_idx %arg18[%add3A_908], %get3A_899 {add = true} : memref<66304xf32, #tpu.memory_space<vmem>>[vector<16xi32>], vector<16xf32>,
      %scan3A_909 = arith.constant 0 : i32
      scf.yield %scan3A_909 : i32
    }
    %scan3A_804 = arith.constant 320 : i32
    %dma_wait3A_805 = tpu.memref_slice %arg2[%add3A_787] : memref<4915200xi32, #tpu.memory_space<hbm>> -> memref<5120xi32, #tpu.memory_space<hbm>>
    %dma_wait3A_806 = tpu.memref_slice %arg2[%add3A_787] : memref<4915200xi32, #tpu.memory_space<hbm>> -> memref<5120xi32, #tpu.memory_space<hbm>>
    tpu.wait_dma2 semaphore(%arg20 : memref<!tpu.dma_semaphore, #tpu.memory_space<semaphore_mem>>) src(%dma_wait3A_806 : memref<5120xi32, #tpu.memory_space<hbm>>) dst(%arg9 : memref<5120xi32, #tpu.memory_space<vmem>>)
    %dma_wait3A_807 = tpu.memref_slice %arg3[%add3A_787] : memref<4915200xf32, #tpu.memory_space<hbm>> -> memref<5120xf32, #tpu.memory_space<hbm>>
    %dma_wait3A_808 = tpu.memref_slice %arg3[%add3A_787] : memref<4915200xf32, #tpu.memory_space<hbm>> -> memref<5120xf32, #tpu.memory_space<hbm>>
    tpu.wait_dma2 semaphore(%arg20 : memref<!tpu.dma_semaphore, #tpu.memory_space<semaphore_mem>>) src(%dma_wait3A_808 : memref<5120xf32, #tpu.memory_space<hbm>>) dst(%arg11 : memref<5120xf32, #tpu.memory_space<vmem>>)
    %dma_wait3A_809 = tpu.memref_slice %arg4[%add3A_787] : memref<4915200xf32, #tpu.memory_space<hbm>> -> memref<5120xf32, #tpu.memory_space<hbm>>
    %dma_wait3A_810 = tpu.memref_slice %arg4[%add3A_787] : memref<4915200xf32, #tpu.memory_space<hbm>> -> memref<5120xf32, #tpu.memory_space<hbm>>
    tpu.wait_dma2 semaphore(%arg20 : memref<!tpu.dma_semaphore, #tpu.memory_space<semaphore_mem>>) src(%dma_wait3A_810 : memref<5120xf32, #tpu.memory_space<hbm>>) dst(%arg13 : memref<5120xf32, #tpu.memory_space<vmem>>)
    %dma_wait3A_811 = tpu.memref_slice %arg5[%add3A_787] : memref<4915200xf32, #tpu.memory_space<hbm>> -> memref<5120xf32, #tpu.memory_space<hbm>>
    %dma_wait3A_812 = tpu.memref_slice %arg5[%add3A_787] : memref<4915200xf32, #tpu.memory_space<hbm>> -> memref<5120xf32, #tpu.memory_space<hbm>>
    tpu.wait_dma2 semaphore(%arg20 : memref<!tpu.dma_semaphore, #tpu.memory_space<semaphore_mem>>) src(%dma_wait3A_812 : memref<5120xf32, #tpu.memory_space<hbm>>) dst(%arg15 : memref<5120xf32, #tpu.memory_space<vmem>>)
    %dma_wait3A_813 = tpu.memref_slice %arg6[%add3A_787] : memref<4915200xf32, #tpu.memory_space<hbm>> -> memref<5120xf32, #tpu.memory_space<hbm>>
    %dma_wait3A_814 = tpu.memref_slice %arg6[%add3A_787] : memref<4915200xf32, #tpu.memory_space<hbm>> -> memref<5120xf32, #tpu.memory_space<hbm>>
    tpu.wait_dma2 semaphore(%arg20 : memref<!tpu.dma_semaphore, #tpu.memory_space<semaphore_mem>>) src(%dma_wait3A_814 : memref<5120xf32, #tpu.memory_space<hbm>>) dst(%arg17 : memref<5120xf32, #tpu.memory_space<vmem>>)
    %add3A_815 = arith.constant 143360 : i32
    %add3A_816 = arith.addi %add3A_5, %add3A_815 : i32
    %dma_start3A_817 = tpu.memref_slice %arg2[%add3A_816] : memref<4915200xi32, #tpu.memory_space<hbm>> -> memref<5120xi32, #tpu.memory_space<hbm>>
    %dma_start3A_818 = tpu.memref_slice %arg2[%add3A_816] : memref<4915200xi32, #tpu.memory_space<hbm>> -> memref<5120xi32, #tpu.memory_space<hbm>>
    tpu.enqueue_dma source(%dma_start3A_818 : memref<5120xi32, #tpu.memory_space<hbm>>) target(%arg8 : memref<5120xi32, #tpu.memory_space<vmem>>) target_semaphore(%arg19 : memref<!tpu.dma_semaphore, #tpu.memory_space<semaphore_mem>>)
    %dma_start3A_819 = tpu.memref_slice %arg3[%add3A_816] : memref<4915200xf32, #tpu.memory_space<hbm>> -> memref<5120xf32, #tpu.memory_space<hbm>>
    %dma_start3A_820 = tpu.memref_slice %arg3[%add3A_816] : memref<4915200xf32, #tpu.memory_space<hbm>> -> memref<5120xf32, #tpu.memory_space<hbm>>
    tpu.enqueue_dma source(%dma_start3A_820 : memref<5120xf32, #tpu.memory_space<hbm>>) target(%arg10 : memref<5120xf32, #tpu.memory_space<vmem>>) target_semaphore(%arg19 : memref<!tpu.dma_semaphore, #tpu.memory_space<semaphore_mem>>)
    %dma_start3A_821 = tpu.memref_slice %arg4[%add3A_816] : memref<4915200xf32, #tpu.memory_space<hbm>> -> memref<5120xf32, #tpu.memory_space<hbm>>
    %dma_start3A_822 = tpu.memref_slice %arg4[%add3A_816] : memref<4915200xf32, #tpu.memory_space<hbm>> -> memref<5120xf32, #tpu.memory_space<hbm>>
    tpu.enqueue_dma source(%dma_start3A_822 : memref<5120xf32, #tpu.memory_space<hbm>>) target(%arg12 : memref<5120xf32, #tpu.memory_space<vmem>>) target_semaphore(%arg19 : memref<!tpu.dma_semaphore, #tpu.memory_space<semaphore_mem>>)
    %dma_start3A_823 = tpu.memref_slice %arg5[%add3A_816] : memref<4915200xf32, #tpu.memory_space<hbm>> -> memref<5120xf32, #tpu.memory_space<hbm>>
    %dma_start3A_824 = tpu.memref_slice %arg5[%add3A_816] : memref<4915200xf32, #tpu.memory_space<hbm>> -> memref<5120xf32, #tpu.memory_space<hbm>>
    tpu.enqueue_dma source(%dma_start3A_824 : memref<5120xf32, #tpu.memory_space<hbm>>) target(%arg14 : memref<5120xf32, #tpu.memory_space<vmem>>) target_semaphore(%arg19 : memref<!tpu.dma_semaphore, #tpu.memory_space<semaphore_mem>>)
    %dma_start3A_825 = tpu.memref_slice %arg6[%add3A_816] : memref<4915200xf32, #tpu.memory_space<hbm>> -> memref<5120xf32, #tpu.memory_space<hbm>>
    %dma_start3A_826 = tpu.memref_slice %arg6[%add3A_816] : memref<4915200xf32, #tpu.memory_space<hbm>> -> memref<5120xf32, #tpu.memory_space<hbm>>
    tpu.enqueue_dma source(%dma_start3A_826 : memref<5120xf32, #tpu.memory_space<hbm>>) target(%arg16 : memref<5120xf32, #tpu.memory_space<vmem>>) target_semaphore(%arg19 : memref<!tpu.dma_semaphore, #tpu.memory_space<semaphore_mem>>)
    %scan3A_827 = arith.constant 0 : i32
    %scan3A_828 = arith.constant 0 : i32
    %scan3A_829 = arith.constant 320 : i32
    %scan3A_830 = arith.addi %scan3A_828, %scan3A_829 : i32
    %scan3A_831 = arith.constant 1 : i32
    %scan3A_832 = scf.for %scan3A_887 = %scan3A_828 to %scan3A_830 step %scan3A_831 iter_args(%scan3A_888 = %scan3A_827) -> (i32)  : i32 {
      %mul3A_889 = arith.constant 16 : i32
      %mul3A_890 = arith.muli %scan3A_887, %mul3A_889 : i32
      %get3A = arith.index_cast %mul3A_890 : i32 to index
      %get3A_891 = tpu.vector_load %arg9[%get3A] {strides = array<i32>} : memref<5120xi32, #tpu.memory_space<vmem>>, vector<16xi32>,
      %get3A_892 = arith.index_cast %mul3A_890 : i32 to index
      %get3A_893 = tpu.vector_load %arg11[%get3A_892] {strides = array<i32>} : memref<5120xf32, #tpu.memory_space<vmem>>, vector<16xf32>,
      %get3A_894 = arith.index_cast %mul3A_890 : i32 to index
      %get3A_895 = tpu.vector_load %arg13[%get3A_894] {strides = array<i32>} : memref<5120xf32, #tpu.memory_space<vmem>>, vector<16xf32>,
      %get3A_896 = arith.index_cast %mul3A_890 : i32 to index
      %get3A_897 = tpu.vector_load %arg15[%get3A_896] {strides = array<i32>} : memref<5120xf32, #tpu.memory_space<vmem>>, vector<16xf32>,
      %get3A_898 = arith.index_cast %mul3A_890 : i32 to index
      %get3A_899 = tpu.vector_load %arg17[%get3A_898] {strides = array<i32>} : memref<5120xf32, #tpu.memory_space<vmem>>, vector<16xf32>,
      tpu.vector_store_idx %arg18[%get3A_891], %get3A_893 {add = true} : memref<66304xf32, #tpu.memory_space<vmem>>[vector<16xi32>], vector<16xf32>,
      %add3A_900 = arith.constant 1 : i32
      %add3A_901 = vector.broadcast %add3A_900 : i32 to vector<16xi32>
      %add3A_902 = arith.addi %get3A_891, %add3A_901 : vector<16xi32>
      tpu.vector_store_idx %arg18[%add3A_902], %get3A_895 {add = true} : memref<66304xf32, #tpu.memory_space<vmem>>[vector<16xi32>], vector<16xf32>,
      %add3A_903 = arith.constant 128 : i32
      %add3A_904 = vector.broadcast %add3A_903 : i32 to vector<16xi32>
      %add3A_905 = arith.addi %get3A_891, %add3A_904 : vector<16xi32>
      tpu.vector_store_idx %arg18[%add3A_905], %get3A_897 {add = true} : memref<66304xf32, #tpu.memory_space<vmem>>[vector<16xi32>], vector<16xf32>,
      %add3A_906 = arith.constant 129 : i32
      %add3A_907 = vector.broadcast %add3A_906 : i32 to vector<16xi32>
      %add3A_908 = arith.addi %get3A_891, %add3A_907 : vector<16xi32>
      tpu.vector_store_idx %arg18[%add3A_908], %get3A_899 {add = true} : memref<66304xf32, #tpu.memory_space<vmem>>[vector<16xi32>], vector<16xf32>,
      %scan3A_909 = arith.constant 0 : i32
      scf.yield %scan3A_909 : i32
    }
    %scan3A_833 = arith.constant 320 : i32
    %dma_wait3A_834 = tpu.memref_slice %arg2[%add3A_816] : memref<4915200xi32, #tpu.memory_space<hbm>> -> memref<5120xi32, #tpu.memory_space<hbm>>
    %dma_wait3A_835 = tpu.memref_slice %arg2[%add3A_816] : memref<4915200xi32, #tpu.memory_space<hbm>> -> memref<5120xi32, #tpu.memory_space<hbm>>
    tpu.wait_dma2 semaphore(%arg19 : memref<!tpu.dma_semaphore, #tpu.memory_space<semaphore_mem>>) src(%dma_wait3A_835 : memref<5120xi32, #tpu.memory_space<hbm>>) dst(%arg8 : memref<5120xi32, #tpu.memory_space<vmem>>)
    %dma_wait3A_836 = tpu.memref_slice %arg3[%add3A_816] : memref<4915200xf32, #tpu.memory_space<hbm>> -> memref<5120xf32, #tpu.memory_space<hbm>>
    %dma_wait3A_837 = tpu.memref_slice %arg3[%add3A_816] : memref<4915200xf32, #tpu.memory_space<hbm>> -> memref<5120xf32, #tpu.memory_space<hbm>>
    tpu.wait_dma2 semaphore(%arg19 : memref<!tpu.dma_semaphore, #tpu.memory_space<semaphore_mem>>) src(%dma_wait3A_837 : memref<5120xf32, #tpu.memory_space<hbm>>) dst(%arg10 : memref<5120xf32, #tpu.memory_space<vmem>>)
    %dma_wait3A_838 = tpu.memref_slice %arg4[%add3A_816] : memref<4915200xf32, #tpu.memory_space<hbm>> -> memref<5120xf32, #tpu.memory_space<hbm>>
    %dma_wait3A_839 = tpu.memref_slice %arg4[%add3A_816] : memref<4915200xf32, #tpu.memory_space<hbm>> -> memref<5120xf32, #tpu.memory_space<hbm>>
    tpu.wait_dma2 semaphore(%arg19 : memref<!tpu.dma_semaphore, #tpu.memory_space<semaphore_mem>>) src(%dma_wait3A_839 : memref<5120xf32, #tpu.memory_space<hbm>>) dst(%arg12 : memref<5120xf32, #tpu.memory_space<vmem>>)
    %dma_wait3A_840 = tpu.memref_slice %arg5[%add3A_816] : memref<4915200xf32, #tpu.memory_space<hbm>> -> memref<5120xf32, #tpu.memory_space<hbm>>
    %dma_wait3A_841 = tpu.memref_slice %arg5[%add3A_816] : memref<4915200xf32, #tpu.memory_space<hbm>> -> memref<5120xf32, #tpu.memory_space<hbm>>
    tpu.wait_dma2 semaphore(%arg19 : memref<!tpu.dma_semaphore, #tpu.memory_space<semaphore_mem>>) src(%dma_wait3A_841 : memref<5120xf32, #tpu.memory_space<hbm>>) dst(%arg14 : memref<5120xf32, #tpu.memory_space<vmem>>)
    %dma_wait3A_842 = tpu.memref_slice %arg6[%add3A_816] : memref<4915200xf32, #tpu.memory_space<hbm>> -> memref<5120xf32, #tpu.memory_space<hbm>>
    %dma_wait3A_843 = tpu.memref_slice %arg6[%add3A_816] : memref<4915200xf32, #tpu.memory_space<hbm>> -> memref<5120xf32, #tpu.memory_space<hbm>>
    tpu.wait_dma2 semaphore(%arg19 : memref<!tpu.dma_semaphore, #tpu.memory_space<semaphore_mem>>) src(%dma_wait3A_843 : memref<5120xf32, #tpu.memory_space<hbm>>) dst(%arg16 : memref<5120xf32, #tpu.memory_space<vmem>>)
    %add3A_844 = arith.constant 148480 : i32
    %add3A_845 = arith.addi %add3A_5, %add3A_844 : i32
    %dma_start3A_846 = tpu.memref_slice %arg2[%add3A_845] : memref<4915200xi32, #tpu.memory_space<hbm>> -> memref<5120xi32, #tpu.memory_space<hbm>>
    %dma_start3A_847 = tpu.memref_slice %arg2[%add3A_845] : memref<4915200xi32, #tpu.memory_space<hbm>> -> memref<5120xi32, #tpu.memory_space<hbm>>
    tpu.enqueue_dma source(%dma_start3A_847 : memref<5120xi32, #tpu.memory_space<hbm>>) target(%arg9 : memref<5120xi32, #tpu.memory_space<vmem>>) target_semaphore(%arg20 : memref<!tpu.dma_semaphore, #tpu.memory_space<semaphore_mem>>)
    %dma_start3A_848 = tpu.memref_slice %arg3[%add3A_845] : memref<4915200xf32, #tpu.memory_space<hbm>> -> memref<5120xf32, #tpu.memory_space<hbm>>
    %dma_start3A_849 = tpu.memref_slice %arg3[%add3A_845] : memref<4915200xf32, #tpu.memory_space<hbm>> -> memref<5120xf32, #tpu.memory_space<hbm>>
    tpu.enqueue_dma source(%dma_start3A_849 : memref<5120xf32, #tpu.memory_space<hbm>>) target(%arg11 : memref<5120xf32, #tpu.memory_space<vmem>>) target_semaphore(%arg20 : memref<!tpu.dma_semaphore, #tpu.memory_space<semaphore_mem>>)
    %dma_start3A_850 = tpu.memref_slice %arg4[%add3A_845] : memref<4915200xf32, #tpu.memory_space<hbm>> -> memref<5120xf32, #tpu.memory_space<hbm>>
    %dma_start3A_851 = tpu.memref_slice %arg4[%add3A_845] : memref<4915200xf32, #tpu.memory_space<hbm>> -> memref<5120xf32, #tpu.memory_space<hbm>>
    tpu.enqueue_dma source(%dma_start3A_851 : memref<5120xf32, #tpu.memory_space<hbm>>) target(%arg13 : memref<5120xf32, #tpu.memory_space<vmem>>) target_semaphore(%arg20 : memref<!tpu.dma_semaphore, #tpu.memory_space<semaphore_mem>>)
    %dma_start3A_852 = tpu.memref_slice %arg5[%add3A_845] : memref<4915200xf32, #tpu.memory_space<hbm>> -> memref<5120xf32, #tpu.memory_space<hbm>>
    %dma_start3A_853 = tpu.memref_slice %arg5[%add3A_845] : memref<4915200xf32, #tpu.memory_space<hbm>> -> memref<5120xf32, #tpu.memory_space<hbm>>
    tpu.enqueue_dma source(%dma_start3A_853 : memref<5120xf32, #tpu.memory_space<hbm>>) target(%arg15 : memref<5120xf32, #tpu.memory_space<vmem>>) target_semaphore(%arg20 : memref<!tpu.dma_semaphore, #tpu.memory_space<semaphore_mem>>)
    %dma_start3A_854 = tpu.memref_slice %arg6[%add3A_845] : memref<4915200xf32, #tpu.memory_space<hbm>> -> memref<5120xf32, #tpu.memory_space<hbm>>
    %dma_start3A_855 = tpu.memref_slice %arg6[%add3A_845] : memref<4915200xf32, #tpu.memory_space<hbm>> -> memref<5120xf32, #tpu.memory_space<hbm>>
    tpu.enqueue_dma source(%dma_start3A_855 : memref<5120xf32, #tpu.memory_space<hbm>>) target(%arg17 : memref<5120xf32, #tpu.memory_space<vmem>>) target_semaphore(%arg20 : memref<!tpu.dma_semaphore, #tpu.memory_space<semaphore_mem>>)
    %scan3A_856 = arith.constant 0 : i32
    %scan3A_857 = arith.constant 0 : i32
    %scan3A_858 = arith.constant 320 : i32
    %scan3A_859 = arith.addi %scan3A_857, %scan3A_858 : i32
    %scan3A_860 = arith.constant 1 : i32
    %scan3A_861 = scf.for %scan3A_887 = %scan3A_857 to %scan3A_859 step %scan3A_860 iter_args(%scan3A_888 = %scan3A_856) -> (i32)  : i32 {
      %mul3A_889 = arith.constant 16 : i32
      %mul3A_890 = arith.muli %scan3A_887, %mul3A_889 : i32
      %get3A = arith.index_cast %mul3A_890 : i32 to index
      %get3A_891 = tpu.vector_load %arg8[%get3A] {strides = array<i32>} : memref<5120xi32, #tpu.memory_space<vmem>>, vector<16xi32>,
      %get3A_892 = arith.index_cast %mul3A_890 : i32 to index
      %get3A_893 = tpu.vector_load %arg10[%get3A_892] {strides = array<i32>} : memref<5120xf32, #tpu.memory_space<vmem>>, vector<16xf32>,
      %get3A_894 = arith.index_cast %mul3A_890 : i32 to index
      %get3A_895 = tpu.vector_load %arg12[%get3A_894] {strides = array<i32>} : memref<5120xf32, #tpu.memory_space<vmem>>, vector<16xf32>,
      %get3A_896 = arith.index_cast %mul3A_890 : i32 to index
      %get3A_897 = tpu.vector_load %arg14[%get3A_896] {strides = array<i32>} : memref<5120xf32, #tpu.memory_space<vmem>>, vector<16xf32>,
      %get3A_898 = arith.index_cast %mul3A_890 : i32 to index
      %get3A_899 = tpu.vector_load %arg16[%get3A_898] {strides = array<i32>} : memref<5120xf32, #tpu.memory_space<vmem>>, vector<16xf32>,
      tpu.vector_store_idx %arg18[%get3A_891], %get3A_893 {add = true} : memref<66304xf32, #tpu.memory_space<vmem>>[vector<16xi32>], vector<16xf32>,
      %add3A_900 = arith.constant 1 : i32
      %add3A_901 = vector.broadcast %add3A_900 : i32 to vector<16xi32>
      %add3A_902 = arith.addi %get3A_891, %add3A_901 : vector<16xi32>
      tpu.vector_store_idx %arg18[%add3A_902], %get3A_895 {add = true} : memref<66304xf32, #tpu.memory_space<vmem>>[vector<16xi32>], vector<16xf32>,
      %add3A_903 = arith.constant 128 : i32
      %add3A_904 = vector.broadcast %add3A_903 : i32 to vector<16xi32>
      %add3A_905 = arith.addi %get3A_891, %add3A_904 : vector<16xi32>
      tpu.vector_store_idx %arg18[%add3A_905], %get3A_897 {add = true} : memref<66304xf32, #tpu.memory_space<vmem>>[vector<16xi32>], vector<16xf32>,
      %add3A_906 = arith.constant 129 : i32
      %add3A_907 = vector.broadcast %add3A_906 : i32 to vector<16xi32>
      %add3A_908 = arith.addi %get3A_891, %add3A_907 : vector<16xi32>
      tpu.vector_store_idx %arg18[%add3A_908], %get3A_899 {add = true} : memref<66304xf32, #tpu.memory_space<vmem>>[vector<16xi32>], vector<16xf32>,
      %scan3A_909 = arith.constant 0 : i32
      scf.yield %scan3A_909 : i32
    }
    %scan3A_862 = arith.constant 320 : i32
    %dma_wait3A_863 = tpu.memref_slice %arg2[%add3A_845] : memref<4915200xi32, #tpu.memory_space<hbm>> -> memref<5120xi32, #tpu.memory_space<hbm>>
    %dma_wait3A_864 = tpu.memref_slice %arg2[%add3A_845] : memref<4915200xi32, #tpu.memory_space<hbm>> -> memref<5120xi32, #tpu.memory_space<hbm>>
    tpu.wait_dma2 semaphore(%arg20 : memref<!tpu.dma_semaphore, #tpu.memory_space<semaphore_mem>>) src(%dma_wait3A_864 : memref<5120xi32, #tpu.memory_space<hbm>>) dst(%arg9 : memref<5120xi32, #tpu.memory_space<vmem>>)
    %dma_wait3A_865 = tpu.memref_slice %arg3[%add3A_845] : memref<4915200xf32, #tpu.memory_space<hbm>> -> memref<5120xf32, #tpu.memory_space<hbm>>
    %dma_wait3A_866 = tpu.memref_slice %arg3[%add3A_845] : memref<4915200xf32, #tpu.memory_space<hbm>> -> memref<5120xf32, #tpu.memory_space<hbm>>
    tpu.wait_dma2 semaphore(%arg20 : memref<!tpu.dma_semaphore, #tpu.memory_space<semaphore_mem>>) src(%dma_wait3A_866 : memref<5120xf32, #tpu.memory_space<hbm>>) dst(%arg11 : memref<5120xf32, #tpu.memory_space<vmem>>)
    %dma_wait3A_867 = tpu.memref_slice %arg4[%add3A_845] : memref<4915200xf32, #tpu.memory_space<hbm>> -> memref<5120xf32, #tpu.memory_space<hbm>>
    %dma_wait3A_868 = tpu.memref_slice %arg4[%add3A_845] : memref<4915200xf32, #tpu.memory_space<hbm>> -> memref<5120xf32, #tpu.memory_space<hbm>>
    tpu.wait_dma2 semaphore(%arg20 : memref<!tpu.dma_semaphore, #tpu.memory_space<semaphore_mem>>) src(%dma_wait3A_868 : memref<5120xf32, #tpu.memory_space<hbm>>) dst(%arg13 : memref<5120xf32, #tpu.memory_space<vmem>>)
    %dma_wait3A_869 = tpu.memref_slice %arg5[%add3A_845] : memref<4915200xf32, #tpu.memory_space<hbm>> -> memref<5120xf32, #tpu.memory_space<hbm>>
    %dma_wait3A_870 = tpu.memref_slice %arg5[%add3A_845] : memref<4915200xf32, #tpu.memory_space<hbm>> -> memref<5120xf32, #tpu.memory_space<hbm>>
    tpu.wait_dma2 semaphore(%arg20 : memref<!tpu.dma_semaphore, #tpu.memory_space<semaphore_mem>>) src(%dma_wait3A_870 : memref<5120xf32, #tpu.memory_space<hbm>>) dst(%arg15 : memref<5120xf32, #tpu.memory_space<vmem>>)
    %dma_wait3A_871 = tpu.memref_slice %arg6[%add3A_845] : memref<4915200xf32, #tpu.memory_space<hbm>> -> memref<5120xf32, #tpu.memory_space<hbm>>
    %dma_wait3A_872 = tpu.memref_slice %arg6[%add3A_845] : memref<4915200xf32, #tpu.memory_space<hbm>> -> memref<5120xf32, #tpu.memory_space<hbm>>
    tpu.wait_dma2 semaphore(%arg20 : memref<!tpu.dma_semaphore, #tpu.memory_space<semaphore_mem>>) src(%dma_wait3A_872 : memref<5120xf32, #tpu.memory_space<hbm>>) dst(%arg17 : memref<5120xf32, #tpu.memory_space<vmem>>)
    %scan3A_873 = arith.constant 0 : i32
    %scan3A_874 = arith.constant 0 : i32
    %scan3A_875 = arith.constant 320 : i32
    %scan3A_876 = arith.addi %scan3A_874, %scan3A_875 : i32
    %scan3A_877 = arith.constant 1 : i32
    %scan3A_878 = scf.for %scan3A_887 = %scan3A_874 to %scan3A_876 step %scan3A_877 iter_args(%scan3A_888 = %scan3A_873) -> (i32)  : i32 {
      %mul3A_889 = arith.constant 16 : i32
      %mul3A_890 = arith.muli %scan3A_887, %mul3A_889 : i32
      %get3A = arith.index_cast %mul3A_890 : i32 to index
      %get3A_891 = tpu.vector_load %arg9[%get3A] {strides = array<i32>} : memref<5120xi32, #tpu.memory_space<vmem>>, vector<16xi32>,
      %get3A_892 = arith.index_cast %mul3A_890 : i32 to index
      %get3A_893 = tpu.vector_load %arg11[%get3A_892] {strides = array<i32>} : memref<5120xf32, #tpu.memory_space<vmem>>, vector<16xf32>,
      %get3A_894 = arith.index_cast %mul3A_890 : i32 to index
      %get3A_895 = tpu.vector_load %arg13[%get3A_894] {strides = array<i32>} : memref<5120xf32, #tpu.memory_space<vmem>>, vector<16xf32>,
      %get3A_896 = arith.index_cast %mul3A_890 : i32 to index
      %get3A_897 = tpu.vector_load %arg15[%get3A_896] {strides = array<i32>} : memref<5120xf32, #tpu.memory_space<vmem>>, vector<16xf32>,
      %get3A_898 = arith.index_cast %mul3A_890 : i32 to index
      %get3A_899 = tpu.vector_load %arg17[%get3A_898] {strides = array<i32>} : memref<5120xf32, #tpu.memory_space<vmem>>, vector<16xf32>,
      tpu.vector_store_idx %arg18[%get3A_891], %get3A_893 {add = true} : memref<66304xf32, #tpu.memory_space<vmem>>[vector<16xi32>], vector<16xf32>,
      %add3A_900 = arith.constant 1 : i32
      %add3A_901 = vector.broadcast %add3A_900 : i32 to vector<16xi32>
      %add3A_902 = arith.addi %get3A_891, %add3A_901 : vector<16xi32>
      tpu.vector_store_idx %arg18[%add3A_902], %get3A_895 {add = true} : memref<66304xf32, #tpu.memory_space<vmem>>[vector<16xi32>], vector<16xf32>,
      %add3A_903 = arith.constant 128 : i32
      %add3A_904 = vector.broadcast %add3A_903 : i32 to vector<16xi32>
      %add3A_905 = arith.addi %get3A_891, %add3A_904 : vector<16xi32>
      tpu.vector_store_idx %arg18[%add3A_905], %get3A_897 {add = true} : memref<66304xf32, #tpu.memory_space<vmem>>[vector<16xi32>], vector<16xf32>,
      %add3A_906 = arith.constant 129 : i32
      %add3A_907 = vector.broadcast %add3A_906 : i32 to vector<16xi32>
      %add3A_908 = arith.addi %get3A_891, %add3A_907 : vector<16xi32>
      tpu.vector_store_idx %arg18[%add3A_908], %get3A_899 {add = true} : memref<66304xf32, #tpu.memory_space<vmem>>[vector<16xi32>], vector<16xf32>,
      %scan3A_909 = arith.constant 0 : i32
      scf.yield %scan3A_909 : i32
    }
    %scan3A_879 = arith.constant 320 : i32
    %scan3A_880 = arith.constant 0 : i32
    %scan3A_881 = arith.constant 0 : i32
    %scan3A_882 = arith.constant 1024 : i32
    %scan3A_883 = arith.addi %scan3A_881, %scan3A_882 : i32
    %scan3A_884 = arith.constant 1 : i32
    %scan3A_885 = scf.for %scan3A_887 = %scan3A_881 to %scan3A_883 step %scan3A_884 iter_args(%scan3A_888 = %scan3A_880) -> (i32)  : i32 {
      %mul3A_889 = arith.constant 16 : i32
      %mul3A_890 = arith.muli %scan3A_887, %mul3A_889 : i32
      %get3A = arith.index_cast %mul3A_890 : i32 to index
      %get3A_891 = tpu.vector_load %arg18[%get3A] {strides = array<i32>} : memref<66304xf32, #tpu.memory_space<vmem>>, vector<16xf32>,
      %add3A_892 = arith.constant 16576 : i32
      %add3A_893 = arith.addi %mul3A_890, %add3A_892 : i32
      %get3A_894 = arith.index_cast %add3A_893 : i32 to index
      %get3A_895 = tpu.vector_load %arg18[%get3A_894] {strides = array<i32>} : memref<66304xf32, #tpu.memory_space<vmem>>, vector<16xf32>,
      %add3A_896 = arith.addf %get3A_891, %get3A_895 : vector<16xf32>
      %add3A_897 = arith.constant 33152 : i32
      %add3A_898 = arith.addi %mul3A_890, %add3A_897 : i32
      %get3A_899 = arith.index_cast %add3A_898 : i32 to index
      %get3A_900 = tpu.vector_load %arg18[%get3A_899] {strides = array<i32>} : memref<66304xf32, #tpu.memory_space<vmem>>, vector<16xf32>,
      %add3A_901 = arith.addf %add3A_896, %get3A_900 : vector<16xf32>
      %add3A_902 = arith.constant 49728 : i32
      %add3A_903 = arith.addi %mul3A_890, %add3A_902 : i32
      %get3A_904 = arith.index_cast %add3A_903 : i32 to index
      %get3A_905 = tpu.vector_load %arg18[%get3A_904] {strides = array<i32>} : memref<66304xf32, #tpu.memory_space<vmem>>, vector<16xf32>,
      %add3A_906 = arith.addf %add3A_901, %get3A_905 : vector<16xf32>
      %swap3A = arith.index_cast %mul3A_890 : i32 to index
      %swap3A_907 = tpu.vector_load %arg18[%swap3A] {strides = array<i32>} : memref<66304xf32, #tpu.memory_space<vmem>>, vector<16xf32>,
      tpu.vector_store %arg18[%swap3A], %add3A_906 {strides = array<i32>} : memref<66304xf32, #tpu.memory_space<vmem>>, vector<16xf32>,
      %scan3A_908 = arith.constant 0 : i32
      scf.yield %scan3A_908 : i32
    }
    %scan3A_886 = arith.constant 1024 : i32
    "tpu.region"() ({
      %run_scoped3A = tpu.sem_alloc : memref<!tpu.dma_semaphore, #tpu.memory_space<semaphore_mem>>
      %dma_start3A_887 = arith.constant 0 : i32
      %dma_start3A_888 = tpu.memref_slice %arg18[%dma_start3A_887] : memref<66304xf32, #tpu.memory_space<vmem>> -> memref<16384xf32, #tpu.memory_space<vmem>>
      %dma_start3A_889 = arith.constant 0 : i32
      %dma_start3A_890 = tpu.memref_slice %arg7[%add3A, %dma_start3A_889] : memref<32x16384xf32, #tpu.memory_space<hbm>> -> memref<1x16384xf32, #tpu.memory_space<hbm>>
      %dma_start3A_891 = tpu.memref_squeeze %dma_start3A_890 : memref<1x16384xf32, #tpu.memory_space<hbm>> -> memref<16384xf32, #tpu.memory_space<hbm>>
      %dma_start3A_892 = arith.constant 0 : i32
      %dma_start3A_893 = tpu.memref_slice %arg7[%add3A, %dma_start3A_892] : memref<32x16384xf32, #tpu.memory_space<hbm>> -> memref<1x16384xf32, #tpu.memory_space<hbm>>
      %dma_start3A_894 = tpu.memref_squeeze %dma_start3A_893 : memref<1x16384xf32, #tpu.memory_space<hbm>> -> memref<16384xf32, #tpu.memory_space<hbm>>
      %dma_start3A_895 = arith.constant 0 : i32
      %dma_start3A_896 = tpu.memref_slice %arg18[%dma_start3A_895] : memref<66304xf32, #tpu.memory_space<vmem>> -> memref<16384xf32, #tpu.memory_space<vmem>>
      tpu.enqueue_dma source(%dma_start3A_896 : memref<16384xf32, #tpu.memory_space<vmem>>) target(%dma_start3A_894 : memref<16384xf32, #tpu.memory_space<hbm>>) target_semaphore(%run_scoped3A : memref<!tpu.dma_semaphore, #tpu.memory_space<semaphore_mem>>)
      %dma_wait3A_897 = arith.constant 0 : i32
      %dma_wait3A_898 = tpu.memref_slice %arg18[%dma_wait3A_897] : memref<66304xf32, #tpu.memory_space<vmem>> -> memref<16384xf32, #tpu.memory_space<vmem>>
      %dma_wait3A_899 = arith.constant 0 : i32
      %dma_wait3A_900 = tpu.memref_slice %arg7[%add3A, %dma_wait3A_899] : memref<32x16384xf32, #tpu.memory_space<hbm>> -> memref<1x16384xf32, #tpu.memory_space<hbm>>
      %dma_wait3A_901 = tpu.memref_squeeze %dma_wait3A_900 : memref<1x16384xf32, #tpu.memory_space<hbm>> -> memref<16384xf32, #tpu.memory_space<hbm>>
      %dma_wait3A_902 = arith.constant 0 : i32
      %dma_wait3A_903 = tpu.memref_slice %arg7[%add3A, %dma_wait3A_902] : memref<32x16384xf32, #tpu.memory_space<hbm>> -> memref<1x16384xf32, #tpu.memory_space<hbm>>
      %dma_wait3A_904 = tpu.memref_squeeze %dma_wait3A_903 : memref<1x16384xf32, #tpu.memory_space<hbm>> -> memref<16384xf32, #tpu.memory_space<hbm>>
      %dma_wait3A_905 = arith.constant 0 : i32
      %dma_wait3A_906 = tpu.memref_slice %arg18[%dma_wait3A_905] : memref<66304xf32, #tpu.memory_space<vmem>> -> memref<16384xf32, #tpu.memory_space<vmem>>
      tpu.wait_dma2 semaphore(%run_scoped3A : memref<!tpu.dma_semaphore, #tpu.memory_space<semaphore_mem>>) src(%dma_wait3A_906 : memref<16384xf32, #tpu.memory_space<vmem>>) dst(%dma_wait3A_904 : memref<16384xf32, #tpu.memory_space<hbm>>)
      tpu.yield
    }) : () -> ()
    return
  }
}

module attributes {stable_mosaic.version = 14 : i64} {
  func.func @_stage_a_body(%arg0: i32, %arg1: memref<16x8xf32, #tpu.memory_space<vmem>>, %arg2: memref<16x64xf32, #tpu.memory_space<vmem>>, %arg3: memref<64x64xf32, #tpu.memory_space<vmem>>, %arg4: memref<64x64xf32, #tpu.memory_space<vmem>>, %arg5: memref<64x64xf32, #tpu.memory_space<vmem>>, %arg6: memref<64x64xf32, #tpu.memory_space<vmem>>, %arg7: memref<8x64xf32, #tpu.memory_space<vmem>>, %arg8: memref<8x6144xf32, #tpu.memory_space<vmem>>, %arg9: memref<64x6144xf32, #tpu.memory_space<vmem>>, %arg10: memref<16x6144xi32, #tpu.memory_space<vmem>>, %arg11: memref<16x6144xf32, #tpu.memory_space<vmem>>, %arg12: memref<16x6144xf32, #tpu.memory_space<vmem>>, %arg13: memref<16x6144xf32, #tpu.memory_space<vmem>>, %arg14: memref<16x6144xf32, #tpu.memory_space<vmem>>) attributes {dimension_semantics = [#tpu.dimension_semantics<arbitrary>], iteration_bounds = array<i64: 50>, scalar_prefetch = 0 : i64, scratch_operands = 0 : i64, tpu.core_type = #tpu.core_type<tc>, window_params = [{pipeline_mode = #tpu.pipeline_mode<synchronous>, transform_indices = @transform_0, window_bounds = array<i64: 16, 8>}, {pipeline_mode = #tpu.pipeline_mode<synchronous>, transform_indices = @transform_1, window_bounds = array<i64: 16, 64>}, {pipeline_mode = #tpu.pipeline_mode<synchronous>, transform_indices = @transform_2, window_bounds = array<i64: 64, 64>}, {pipeline_mode = #tpu.pipeline_mode<synchronous>, transform_indices = @transform_3, window_bounds = array<i64: 64, 64>}, {pipeline_mode = #tpu.pipeline_mode<synchronous>, transform_indices = @transform_4, window_bounds = array<i64: 64, 64>}, {pipeline_mode = #tpu.pipeline_mode<synchronous>, transform_indices = @transform_5, window_bounds = array<i64: 64, 64>}, {pipeline_mode = #tpu.pipeline_mode<synchronous>, transform_indices = @transform_6, window_bounds = array<i64: 8, 64>}, {transform_indices = @transform_7, window_bounds = array<i64: 8, 6144>}, {transform_indices = @transform_8, window_bounds = array<i64: 64, 6144>}, {transform_indices = @transform_9, window_bounds = array<i64: 16, 6144>}, {transform_indices = @transform_10, window_bounds = array<i64: 16, 6144>}, {transform_indices = @transform_11, window_bounds = array<i64: 16, 6144>}, {transform_indices = @transform_12, window_bounds = array<i64: 16, 6144>}, {transform_indices = @transform_13, window_bounds = array<i64: 16, 6144>}]} {
    %get3A = arith.constant 0 : index
    %get3A_0 = arith.constant 0 : index
    %get3A_1 = vector.load %arg1[%get3A, %get3A_0] : memref<16x8xf32, #tpu.memory_space<vmem>>, vector<16x8xf32>
    %slice3A = vector.extract_strided_slice %get3A_1 {offsets = [0, 0], sizes = [16, 1], strides = [1, 1]} : vector<16x8xf32> to vector<16x1xf32>
    %slice3A_2 = vector.extract_strided_slice %get3A_1 {offsets = [0, 1], sizes = [16, 1], strides = [1, 1]} : vector<16x8xf32> to vector<16x1xf32>
    %slice3A_3 = vector.extract_strided_slice %get3A_1 {offsets = [0, 2], sizes = [16, 1], strides = [1, 1]} : vector<16x8xf32> to vector<16x1xf32>
    %cos3A = math.cos %slice3A : vector<16x1xf32>
    %sin3A = math.sin %slice3A : vector<16x1xf32>
    %cos3A_4 = math.cos %slice3A_2 : vector<16x1xf32>
    %sin3A_5 = math.sin %slice3A_2 : vector<16x1xf32>
    %cos3A_6 = math.cos %slice3A_3 : vector<16x1xf32>
    %sin3A_7 = math.sin %slice3A_3 : vector<16x1xf32>
    %mul3A = arith.mulf %cos3A_6, %cos3A_4 : vector<16x1xf32>
    %mul3A_8 = arith.mulf %mul3A, %cos3A : vector<16x1xf32>
    %mul3A_9 = arith.mulf %sin3A_7, %sin3A : vector<16x1xf32>
    %sub3A = arith.subf %mul3A_8, %mul3A_9 : vector<16x1xf32>
    %mul3A_10 = arith.mulf %cos3A_6, %cos3A_4 : vector<16x1xf32>
    %mul3A_11 = arith.mulf %mul3A_10, %sin3A : vector<16x1xf32>
    %mul3A_12 = arith.mulf %sin3A_7, %cos3A : vector<16x1xf32>
    %add3A = arith.addf %mul3A_11, %mul3A_12 : vector<16x1xf32>
    %neg3A = arith.constant 0.000000e+00 : f32
    %neg3A_13 = vector.broadcast %neg3A : f32 to vector<16x1xf32>
    %neg3A_14 = arith.subf %neg3A_13, %cos3A_6 : vector<16x1xf32>
    %mul3A_15 = arith.mulf %neg3A_14, %sin3A_5 : vector<16x1xf32>
    %neg3A_16 = arith.constant 0.000000e+00 : f32
    %neg3A_17 = vector.broadcast %neg3A_16 : f32 to vector<16x1xf32>
    %neg3A_18 = arith.subf %neg3A_17, %sin3A_7 : vector<16x1xf32>
    %mul3A_19 = arith.mulf %neg3A_18, %cos3A_4 : vector<16x1xf32>
    %mul3A_20 = arith.mulf %mul3A_19, %cos3A : vector<16x1xf32>
    %mul3A_21 = arith.mulf %cos3A_6, %sin3A : vector<16x1xf32>
    %sub3A_22 = arith.subf %mul3A_20, %mul3A_21 : vector<16x1xf32>
    %neg3A_23 = arith.constant 0.000000e+00 : f32
    %neg3A_24 = vector.broadcast %neg3A_23 : f32 to vector<16x1xf32>
    %neg3A_25 = arith.subf %neg3A_24, %sin3A_7 : vector<16x1xf32>
    %mul3A_26 = arith.mulf %neg3A_25, %cos3A_4 : vector<16x1xf32>
    %mul3A_27 = arith.mulf %mul3A_26, %sin3A : vector<16x1xf32>
    %mul3A_28 = arith.mulf %cos3A_6, %cos3A : vector<16x1xf32>
    %add3A_29 = arith.addf %mul3A_27, %mul3A_28 : vector<16x1xf32>
    %mul3A_30 = arith.mulf %sin3A_7, %sin3A_5 : vector<16x1xf32>
    %slice3A_31 = vector.extract_strided_slice %get3A_1 {offsets = [0, 3], sizes = [16, 1], strides = [1, 1]} : vector<16x8xf32> to vector<16x1xf32>
    %slice3A_32 = vector.extract_strided_slice %get3A_1 {offsets = [0, 4], sizes = [16, 1], strides = [1, 1]} : vector<16x8xf32> to vector<16x1xf32>
    %get3A_33 = arith.constant 0 : index
    %get3A_34 = arith.constant 0 : index
    %get3A_35 = vector.load %arg2[%get3A_33, %get3A_34] : memref<16x64xf32, #tpu.memory_space<vmem>>, vector<16x64xf32>
    %get3A_36 = arith.constant 0 : index
    %get3A_37 = arith.constant 0 : index
    %get3A_38 = vector.load %arg3[%get3A_36, %get3A_37] : memref<64x64xf32, #tpu.memory_space<vmem>>, vector<64x64xf32>
    %dot_general3A = arith.constant dense<0.000000e+00> : vector<16x64xf32>
    %dot_general3A_39 = tpu.matmul %get3A_35, %get3A_38, %dot_general3A {dimension_numbers = #tpu.dot_dimension_numbers<[1], [0], [0], [1], [0, 0, 1, 1], [], []>, transpose_lhs_hint = false} : vector<16x64xf32>, vector<64x64xf32>, vector<16x64xf32> -> vector<16x64xf32>
    %get3A_40 = arith.constant 0 : index
    %get3A_41 = arith.constant 0 : index
    %get3A_42 = vector.load %arg7[%get3A_40, %get3A_41] : memref<8x64xf32, #tpu.memory_space<vmem>>, vector<1x64xf32>
    %add3A_43 = vector.broadcast %get3A_42 : vector<1x64xf32> to vector<16x64xf32>
    %add3A_44 = arith.addf %dot_general3A_39, %add3A_43 : vector<16x64xf32>
    %mul3A_45 = arith.constant 3.000000e+01 : f32
    %mul3A_46 = vector.broadcast %mul3A_45 : f32 to vector<16x64xf32>
    %mul3A_47 = arith.mulf %mul3A_46, %add3A_44 : vector<16x64xf32>
    %sin3A_48 = math.sin %mul3A_47 : vector<16x64xf32>
    %get3A_49 = arith.constant 0 : index
    %get3A_50 = arith.constant 0 : index
    %get3A_51 = vector.load %arg4[%get3A_49, %get3A_50] : memref<64x64xf32, #tpu.memory_space<vmem>>, vector<64x64xf32>
    %dot_general3A_52 = arith.constant dense<0.000000e+00> : vector<16x64xf32>
    %dot_general3A_53 = tpu.matmul %sin3A_48, %get3A_51, %dot_general3A_52 {dimension_numbers = #tpu.dot_dimension_numbers<[1], [0], [0], [1], [0, 0, 1, 1], [], []>, transpose_lhs_hint = false} : vector<16x64xf32>, vector<64x64xf32>, vector<16x64xf32> -> vector<16x64xf32>
    %get3A_54 = arith.constant 1 : index
    %get3A_55 = arith.constant 0 : index
    %get3A_56 = vector.load %arg7[%get3A_54, %get3A_55] : memref<8x64xf32, #tpu.memory_space<vmem>>, vector<1x64xf32>
    %add3A_57 = vector.broadcast %get3A_56 : vector<1x64xf32> to vector<16x64xf32>
    %add3A_58 = arith.addf %dot_general3A_53, %add3A_57 : vector<16x64xf32>
    %sin3A_59 = math.sin %add3A_58 : vector<16x64xf32>
    %add3A_60 = arith.addf %sin3A_48, %sin3A_59 : vector<16x64xf32>
    %get3A_61 = arith.constant 0 : index
    %get3A_62 = arith.constant 0 : index
    %get3A_63 = vector.load %arg5[%get3A_61, %get3A_62] : memref<64x64xf32, #tpu.memory_space<vmem>>, vector<64x64xf32>
    %dot_general3A_64 = arith.constant dense<0.000000e+00> : vector<16x64xf32>
    %dot_general3A_65 = tpu.matmul %add3A_60, %get3A_63, %dot_general3A_64 {dimension_numbers = #tpu.dot_dimension_numbers<[1], [0], [0], [1], [0, 0, 1, 1], [], []>, transpose_lhs_hint = false} : vector<16x64xf32>, vector<64x64xf32>, vector<16x64xf32> -> vector<16x64xf32>
    %get3A_66 = arith.constant 2 : index
    %get3A_67 = arith.constant 0 : index
    %get3A_68 = vector.load %arg7[%get3A_66, %get3A_67] : memref<8x64xf32, #tpu.memory_space<vmem>>, vector<1x64xf32>
    %add3A_69 = vector.broadcast %get3A_68 : vector<1x64xf32> to vector<16x64xf32>
    %add3A_70 = arith.addf %dot_general3A_65, %add3A_69 : vector<16x64xf32>
    %sin3A_71 = math.sin %add3A_70 : vector<16x64xf32>
    %add3A_72 = arith.addf %add3A_60, %sin3A_71 : vector<16x64xf32>
    %get3A_73 = arith.constant 0 : index
    %get3A_74 = arith.constant 0 : index
    %get3A_75 = vector.load %arg6[%get3A_73, %get3A_74] : memref<64x64xf32, #tpu.memory_space<vmem>>, vector<64x64xf32>
    %dot_general3A_76 = arith.constant dense<0.000000e+00> : vector<16x64xf32>
    %dot_general3A_77 = tpu.matmul %add3A_72, %get3A_75, %dot_general3A_76 {dimension_numbers = #tpu.dot_dimension_numbers<[1], [0], [0], [1], [0, 0, 1, 1], [], []>, transpose_lhs_hint = false} : vector<16x64xf32>, vector<64x64xf32>, vector<16x64xf32> -> vector<16x64xf32>
    %get3A_78 = arith.constant 3 : index
    %get3A_79 = arith.constant 0 : index
    %get3A_80 = vector.load %arg7[%get3A_78, %get3A_79] : memref<8x64xf32, #tpu.memory_space<vmem>>, vector<1x64xf32>
    %add3A_81 = vector.broadcast %get3A_80 : vector<1x64xf32> to vector<16x64xf32>
    %add3A_82 = arith.addf %dot_general3A_77, %add3A_81 : vector<16x64xf32>
    %sin3A_83 = math.sin %add3A_82 : vector<16x64xf32>
    %add3A_84 = arith.addf %add3A_72, %sin3A_83 : vector<16x64xf32>
    %get3A_85 = arith.constant 0 : index
    %get3A_86 = arith.constant 0 : index
    %get3A_87 = vector.load %arg9[%get3A_85, %get3A_86] : memref<64x6144xf32, #tpu.memory_space<vmem>>, vector<64x6144xf32>
    %dot_general3A_88 = arith.constant dense<0.000000e+00> : vector<16x6144xf32>
    %dot_general3A_89 = tpu.matmul %add3A_84, %get3A_87, %dot_general3A_88 {dimension_numbers = #tpu.dot_dimension_numbers<[1], [0], [0], [1], [0, 0, 1, 1], [], []>, transpose_lhs_hint = false} : vector<16x64xf32>, vector<64x6144xf32>, vector<16x6144xf32> -> vector<16x6144xf32>
    %get3A_90 = arith.constant 4 : index
    %get3A_91 = arith.constant 0 : index
    %get3A_92 = vector.load %arg8[%get3A_90, %get3A_91] : memref<8x6144xf32, #tpu.memory_space<vmem>>, vector<1x6144xf32>
    %add3A_93 = vector.broadcast %get3A_92 : vector<1x6144xf32> to vector<16x6144xf32>
    %add3A_94 = arith.addf %dot_general3A_89, %add3A_93 : vector<16x6144xf32>
    %get3A_95 = arith.constant 3 : index
    %get3A_96 = arith.constant 0 : index
    %get3A_97 = vector.load %arg8[%get3A_95, %get3A_96] : memref<8x6144xf32, #tpu.memory_space<vmem>>, vector<1x6144xf32>
    %add3A_98 = vector.broadcast %get3A_97 : vector<1x6144xf32> to vector<16x6144xf32>
    %add3A_99 = arith.addf %add3A_94, %add3A_98 : vector<16x6144xf32>
    %concatenate3A = tpu.concatenate %sub3A, %add3A, %mul3A_15 in 1 : vector<16x1xf32>, vector<16x1xf32>, vector<16x1xf32> -> vector<16x3xf32>
    %concatenate3A_100 = tpu.concatenate %sub3A_22, %add3A_29, %mul3A_30 in 1 : vector<16x1xf32>, vector<16x1xf32>, vector<16x1xf32> -> vector<16x3xf32>
    %concatenate3A_101 = tpu.concatenate %concatenate3A, %concatenate3A_100 in 0 : vector<16x3xf32>, vector<16x3xf32> -> vector<32x3xf32>
    %get3A_102 = arith.constant 0 : index
    %get3A_103 = arith.constant 0 : index
    %get3A_104 = vector.load %arg8[%get3A_102, %get3A_103] : memref<8x6144xf32, #tpu.memory_space<vmem>>, vector<3x6144xf32>
    %dot_general3A_105 = arith.constant dense<0.000000e+00> : vector<32x6144xf32>
    %dot_general3A_106 = tpu.matmul %concatenate3A_101, %get3A_104, %dot_general3A_105 {dimension_numbers = #tpu.dot_dimension_numbers<[1], [0], [0], [1], [0, 0, 1, 1], [], []>, transpose_lhs_hint = false} : vector<32x3xf32>, vector<3x6144xf32>, vector<32x6144xf32> -> vector<32x6144xf32>
    %slice3A_107 = vector.extract_strided_slice %dot_general3A_106 {offsets = [0, 0], sizes = [16, 6144], strides = [1, 1]} : vector<32x6144xf32> to vector<16x6144xf32>
    %add3A_108 = vector.broadcast %slice3A_31 : vector<16x1xf32> to vector<16x6144xf32>
    %add3A_109 = arith.addf %slice3A_107, %add3A_108 : vector<16x6144xf32>
    %add3A_110 = arith.constant 6.400000e+01 : f32
    %add3A_111 = vector.broadcast %add3A_110 : f32 to vector<16x6144xf32>
    %add3A_112 = arith.addf %add3A_109, %add3A_111 : vector<16x6144xf32>
    %slice3A_113 = vector.extract_strided_slice %dot_general3A_106 {offsets = [16, 0], sizes = [16, 6144], strides = [1, 1]} : vector<32x6144xf32> to vector<16x6144xf32>
    %add3A_114 = vector.broadcast %slice3A_32 : vector<16x1xf32> to vector<16x6144xf32>
    %add3A_115 = arith.addf %slice3A_113, %add3A_114 : vector<16x6144xf32>
    %add3A_116 = arith.constant 6.400000e+01 : f32
    %add3A_117 = vector.broadcast %add3A_116 : f32 to vector<16x6144xf32>
    %add3A_118 = arith.addf %add3A_115, %add3A_117 : vector<16x6144xf32>
    %floor3A = math.floor %add3A_112 : vector<16x6144xf32>
    %floor3A_119 = math.floor %add3A_118 : vector<16x6144xf32>
    %sub3A_120 = arith.subf %add3A_112, %floor3A : vector<16x6144xf32>
    %sub3A_121 = arith.subf %add3A_118, %floor3A_119 : vector<16x6144xf32>
    %convert_element_type3A = arith.fptosi %floor3A : vector<16x6144xf32> to vector<16x6144xi32>
    %jit3A = arith.constant 0 : i32
    %jit3A_122 = arith.constant 127 : i32
    %max3A = vector.broadcast %jit3A : i32 to vector<16x6144xi32>
    %max3A_123 = arith.maxsi %max3A, %convert_element_type3A : vector<16x6144xi32>
    %min3A = vector.broadcast %jit3A_122 : i32 to vector<16x6144xi32>
    %min3A_124 = arith.minsi %min3A, %max3A_123 : vector<16x6144xi32>
    %convert_element_type3A_125 = arith.fptosi %floor3A_119 : vector<16x6144xf32> to vector<16x6144xi32>
    %jit3A_126 = arith.constant 0 : i32
    %jit3A_127 = arith.constant 127 : i32
    %max3A_128 = vector.broadcast %jit3A_126 : i32 to vector<16x6144xi32>
    %max3A_129 = arith.maxsi %max3A_128, %convert_element_type3A_125 : vector<16x6144xi32>
    %min3A_130 = vector.broadcast %jit3A_127 : i32 to vector<16x6144xi32>
    %min3A_131 = arith.minsi %min3A_130, %max3A_129 : vector<16x6144xi32>
    %sub3A_132 = arith.constant 1.000000e+00 : f32
    %sub3A_133 = vector.broadcast %sub3A_132 : f32 to vector<16x6144xf32>
    %sub3A_134 = arith.subf %sub3A_133, %sub3A_120 : vector<16x6144xf32>
    %sub3A_135 = arith.constant 1.000000e+00 : f32
    %sub3A_136 = vector.broadcast %sub3A_135 : f32 to vector<16x6144xf32>
    %sub3A_137 = arith.subf %sub3A_136, %sub3A_121 : vector<16x6144xf32>
    %mul3A_138 = arith.mulf %sub3A_134, %sub3A_137 : vector<16x6144xf32>
    %sub3A_139 = arith.constant 1.000000e+00 : f32
    %sub3A_140 = vector.broadcast %sub3A_139 : f32 to vector<16x6144xf32>
    %sub3A_141 = arith.subf %sub3A_140, %sub3A_121 : vector<16x6144xf32>
    %mul3A_142 = arith.mulf %sub3A_120, %sub3A_141 : vector<16x6144xf32>
    %sub3A_143 = arith.constant 1.000000e+00 : f32
    %sub3A_144 = vector.broadcast %sub3A_143 : f32 to vector<16x6144xf32>
    %sub3A_145 = arith.subf %sub3A_144, %sub3A_120 : vector<16x6144xf32>
    %mul3A_146 = arith.mulf %sub3A_145, %sub3A_121 : vector<16x6144xf32>
    %mul3A_147 = arith.mulf %sub3A_120, %sub3A_121 : vector<16x6144xf32>
    %lt3A = arith.constant 127 : i32
    %lt3A_148 = vector.broadcast %lt3A : i32 to vector<16x6144xi32>
    %lt3A_149 = arith.cmpi slt, %min3A_124, %lt3A_148 : vector<16x6144xi32>
    %convert_element_type3A_150 = arith.extui %lt3A_149 : vector<16x6144xi1> to vector<16x6144xi32>
    %convert_element_type3A_151 = arith.sitofp %convert_element_type3A_150 : vector<16x6144xi32> to vector<16x6144xf32>
    %lt3A_152 = arith.constant 127 : i32
    %lt3A_153 = vector.broadcast %lt3A_152 : i32 to vector<16x6144xi32>
    %lt3A_154 = arith.cmpi slt, %min3A_131, %lt3A_153 : vector<16x6144xi32>
    %convert_element_type3A_155 = arith.extui %lt3A_154 : vector<16x6144xi1> to vector<16x6144xi32>
    %convert_element_type3A_156 = arith.sitofp %convert_element_type3A_155 : vector<16x6144xi32> to vector<16x6144xf32>
    %sub3A_157 = arith.constant 1.000000e+00 : f32
    %sub3A_158 = vector.broadcast %sub3A_157 : f32 to vector<16x6144xf32>
    %sub3A_159 = arith.subf %sub3A_158, %convert_element_type3A_151 : vector<16x6144xf32>
    %sub3A_160 = arith.constant 1.000000e+00 : f32
    %sub3A_161 = vector.broadcast %sub3A_160 : f32 to vector<16x6144xf32>
    %sub3A_162 = arith.subf %sub3A_161, %convert_element_type3A_156 : vector<16x6144xf32>
    %mul3A_163 = arith.mulf %sub3A_159, %mul3A_142 : vector<16x6144xf32>
    %add3A_164 = arith.addf %mul3A_138, %mul3A_163 : vector<16x6144xf32>
    %mul3A_165 = arith.mulf %sub3A_162, %mul3A_146 : vector<16x6144xf32>
    %add3A_166 = arith.addf %add3A_164, %mul3A_165 : vector<16x6144xf32>
    %mul3A_167 = arith.mulf %sub3A_159, %sub3A_162 : vector<16x6144xf32>
    %mul3A_168 = arith.mulf %mul3A_167, %mul3A_147 : vector<16x6144xf32>
    %add3A_169 = arith.addf %add3A_166, %mul3A_168 : vector<16x6144xf32>
    %mul3A_170 = arith.mulf %sub3A_162, %mul3A_147 : vector<16x6144xf32>
    %add3A_171 = arith.addf %mul3A_142, %mul3A_170 : vector<16x6144xf32>
    %mul3A_172 = arith.mulf %convert_element_type3A_151, %add3A_171 : vector<16x6144xf32>
    %mul3A_173 = arith.mulf %sub3A_159, %mul3A_147 : vector<16x6144xf32>
    %add3A_174 = arith.addf %mul3A_146, %mul3A_173 : vector<16x6144xf32>
    %mul3A_175 = arith.mulf %convert_element_type3A_156, %add3A_174 : vector<16x6144xf32>
    %mul3A_176 = arith.mulf %convert_element_type3A_151, %convert_element_type3A_156 : vector<16x6144xf32>
    %mul3A_177 = arith.mulf %mul3A_176, %mul3A_147 : vector<16x6144xf32>
    %mul3A_178 = arith.constant 128 : i32
    %mul3A_179 = vector.broadcast %mul3A_178 : i32 to vector<16x6144xi32>
    %mul3A_180 = arith.muli %min3A_131, %mul3A_179 : vector<16x6144xi32>
    %add3A_181 = arith.addi %mul3A_180, %min3A_124 : vector<16x6144xi32>
    %mul3A_182 = arith.mulf %add3A_99, %add3A_169 : vector<16x6144xf32>
    %mul3A_183 = arith.mulf %add3A_99, %mul3A_172 : vector<16x6144xf32>
    %mul3A_184 = arith.mulf %add3A_99, %mul3A_175 : vector<16x6144xf32>
    %mul3A_185 = arith.mulf %add3A_99, %mul3A_177 : vector<16x6144xf32>
    %iota3A = tpu.iota {dimensions = array<i32: 1>} : vector<16x6144xi32>
    %and3A = arith.constant 3 : i32
    %and3A_186 = vector.broadcast %and3A : i32 to vector<16x6144xi32>
    %and3A_187 = arith.andi %iota3A, %and3A_186 : vector<16x6144xi32>
    %slice3A_188 = vector.extract_strided_slice %add3A_181 {offsets = [0, 1], sizes = [16, 6143], strides = [1, 1]} : vector<16x6144xi32> to vector<16x6143xi32>
    %slice3A_189 = vector.extract_strided_slice %add3A_181 {offsets = [0, 0], sizes = [16, 1], strides = [1, 1]} : vector<16x6144xi32> to vector<16x1xi32>
    %concatenate3A_190 = tpu.concatenate %slice3A_188, %slice3A_189 in 1 : vector<16x6143xi32>, vector<16x1xi32> -> vector<16x6144xi32>
    %slice3A_191 = vector.extract_strided_slice %add3A_181 {offsets = [0, 6143], sizes = [16, 1], strides = [1, 1]} : vector<16x6144xi32> to vector<16x1xi32>
    %slice3A_192 = vector.extract_strided_slice %add3A_181 {offsets = [0, 0], sizes = [16, 6143], strides = [1, 1]} : vector<16x6144xi32> to vector<16x6143xi32>
    %concatenate3A_193 = tpu.concatenate %slice3A_191, %slice3A_192 in 1 : vector<16x1xi32>, vector<16x6143xi32> -> vector<16x6144xi32>
    %le3A = arith.constant 2 : i32
    %le3A_194 = vector.broadcast %le3A : i32 to vector<16x6144xi32>
    %le3A_195 = arith.cmpi sle, %and3A_187, %le3A_194 : vector<16x6144xi32>
    %eq3A = arith.cmpi eq, %add3A_181, %concatenate3A_190 : vector<16x6144xi32>
    %and3A_196 = arith.andi %le3A_195, %eq3A : vector<16x6144xi1>
    %ge3A = arith.constant 1 : i32
    %ge3A_197 = vector.broadcast %ge3A : i32 to vector<16x6144xi32>
    %ge3A_198 = arith.cmpi sge, %and3A_187, %ge3A_197 : vector<16x6144xi32>
    %eq3A_199 = arith.cmpi eq, %add3A_181, %concatenate3A_193 : vector<16x6144xi32>
    %and3A_200 = arith.andi %ge3A_198, %eq3A_199 : vector<16x6144xi1>
    %convert_element_type3A_201 = arith.extui %and3A_196 : vector<16x6144xi1> to vector<16x6144xi32>
    %convert_element_type3A_202 = arith.sitofp %convert_element_type3A_201 : vector<16x6144xi32> to vector<16x6144xf32>
    %slice3A_203 = vector.extract_strided_slice %mul3A_182 {offsets = [0, 1], sizes = [16, 6143], strides = [1, 1]} : vector<16x6144xf32> to vector<16x6143xf32>
    %slice3A_204 = vector.extract_strided_slice %mul3A_182 {offsets = [0, 0], sizes = [16, 1], strides = [1, 1]} : vector<16x6144xf32> to vector<16x1xf32>
    %concatenate3A_205 = tpu.concatenate %slice3A_203, %slice3A_204 in 1 : vector<16x6143xf32>, vector<16x1xf32> -> vector<16x6144xf32>
    %mul3A_206 = arith.mulf %convert_element_type3A_202, %concatenate3A_205 : vector<16x6144xf32>
    %add3A_207 = arith.addf %mul3A_182, %mul3A_206 : vector<16x6144xf32>
    %slice3A_208 = vector.extract_strided_slice %mul3A_183 {offsets = [0, 1], sizes = [16, 6143], strides = [1, 1]} : vector<16x6144xf32> to vector<16x6143xf32>
    %slice3A_209 = vector.extract_strided_slice %mul3A_183 {offsets = [0, 0], sizes = [16, 1], strides = [1, 1]} : vector<16x6144xf32> to vector<16x1xf32>
    %concatenate3A_210 = tpu.concatenate %slice3A_208, %slice3A_209 in 1 : vector<16x6143xf32>, vector<16x1xf32> -> vector<16x6144xf32>
    %mul3A_211 = arith.mulf %convert_element_type3A_202, %concatenate3A_210 : vector<16x6144xf32>
    %add3A_212 = arith.addf %mul3A_183, %mul3A_211 : vector<16x6144xf32>
    %slice3A_213 = vector.extract_strided_slice %mul3A_184 {offsets = [0, 1], sizes = [16, 6143], strides = [1, 1]} : vector<16x6144xf32> to vector<16x6143xf32>
    %slice3A_214 = vector.extract_strided_slice %mul3A_184 {offsets = [0, 0], sizes = [16, 1], strides = [1, 1]} : vector<16x6144xf32> to vector<16x1xf32>
    %concatenate3A_215 = tpu.concatenate %slice3A_213, %slice3A_214 in 1 : vector<16x6143xf32>, vector<16x1xf32> -> vector<16x6144xf32>
    %mul3A_216 = arith.mulf %convert_element_type3A_202, %concatenate3A_215 : vector<16x6144xf32>
    %add3A_217 = arith.addf %mul3A_184, %mul3A_216 : vector<16x6144xf32>
    %slice3A_218 = vector.extract_strided_slice %mul3A_185 {offsets = [0, 1], sizes = [16, 6143], strides = [1, 1]} : vector<16x6144xf32> to vector<16x6143xf32>
    %slice3A_219 = vector.extract_strided_slice %mul3A_185 {offsets = [0, 0], sizes = [16, 1], strides = [1, 1]} : vector<16x6144xf32> to vector<16x1xf32>
    %concatenate3A_220 = tpu.concatenate %slice3A_218, %slice3A_219 in 1 : vector<16x6143xf32>, vector<16x1xf32> -> vector<16x6144xf32>
    %mul3A_221 = arith.mulf %convert_element_type3A_202, %concatenate3A_220 : vector<16x6144xf32>
    %add3A_222 = arith.addf %mul3A_185, %mul3A_221 : vector<16x6144xf32>
    %slice3A_223 = vector.extract_strided_slice %add3A_181 {offsets = [0, 2], sizes = [16, 6142], strides = [1, 1]} : vector<16x6144xi32> to vector<16x6142xi32>
    %slice3A_224 = vector.extract_strided_slice %add3A_181 {offsets = [0, 0], sizes = [16, 2], strides = [1, 1]} : vector<16x6144xi32> to vector<16x2xi32>
    %concatenate3A_225 = tpu.concatenate %slice3A_223, %slice3A_224 in 1 : vector<16x6142xi32>, vector<16x2xi32> -> vector<16x6144xi32>
    %slice3A_226 = vector.extract_strided_slice %add3A_181 {offsets = [0, 6142], sizes = [16, 2], strides = [1, 1]} : vector<16x6144xi32> to vector<16x2xi32>
    %slice3A_227 = vector.extract_strided_slice %add3A_181 {offsets = [0, 0], sizes = [16, 6142], strides = [1, 1]} : vector<16x6144xi32> to vector<16x6142xi32>
    %concatenate3A_228 = tpu.concatenate %slice3A_226, %slice3A_227 in 1 : vector<16x2xi32>, vector<16x6142xi32> -> vector<16x6144xi32>
    %le3A_229 = arith.constant 1 : i32
    %le3A_230 = vector.broadcast %le3A_229 : i32 to vector<16x6144xi32>
    %le3A_231 = arith.cmpi sle, %and3A_187, %le3A_230 : vector<16x6144xi32>
    %eq3A_232 = arith.cmpi eq, %add3A_181, %concatenate3A_225 : vector<16x6144xi32>
    %and3A_233 = arith.andi %le3A_231, %eq3A_232 : vector<16x6144xi1>
    %ge3A_234 = arith.constant 2 : i32
    %ge3A_235 = vector.broadcast %ge3A_234 : i32 to vector<16x6144xi32>
    %ge3A_236 = arith.cmpi sge, %and3A_187, %ge3A_235 : vector<16x6144xi32>
    %eq3A_237 = arith.cmpi eq, %add3A_181, %concatenate3A_228 : vector<16x6144xi32>
    %and3A_238 = arith.andi %ge3A_236, %eq3A_237 : vector<16x6144xi1>
    %or3A = arith.ori %and3A_200, %and3A_238 : vector<16x6144xi1>
    %convert_element_type3A_239 = arith.extui %and3A_233 : vector<16x6144xi1> to vector<16x6144xi32>
    %convert_element_type3A_240 = arith.sitofp %convert_element_type3A_239 : vector<16x6144xi32> to vector<16x6144xf32>
    %slice3A_241 = vector.extract_strided_slice %mul3A_182 {offsets = [0, 2], sizes = [16, 6142], strides = [1, 1]} : vector<16x6144xf32> to vector<16x6142xf32>
    %slice3A_242 = vector.extract_strided_slice %mul3A_182 {offsets = [0, 0], sizes = [16, 2], strides = [1, 1]} : vector<16x6144xf32> to vector<16x2xf32>
    %concatenate3A_243 = tpu.concatenate %slice3A_241, %slice3A_242 in 1 : vector<16x6142xf32>, vector<16x2xf32> -> vector<16x6144xf32>
    %mul3A_244 = arith.mulf %convert_element_type3A_240, %concatenate3A_243 : vector<16x6144xf32>
    %add3A_245 = arith.addf %add3A_207, %mul3A_244 : vector<16x6144xf32>
    %slice3A_246 = vector.extract_strided_slice %mul3A_183 {offsets = [0, 2], sizes = [16, 6142], strides = [1, 1]} : vector<16x6144xf32> to vector<16x6142xf32>
    %slice3A_247 = vector.extract_strided_slice %mul3A_183 {offsets = [0, 0], sizes = [16, 2], strides = [1, 1]} : vector<16x6144xf32> to vector<16x2xf32>
    %concatenate3A_248 = tpu.concatenate %slice3A_246, %slice3A_247 in 1 : vector<16x6142xf32>, vector<16x2xf32> -> vector<16x6144xf32>
    %mul3A_249 = arith.mulf %convert_element_type3A_240, %concatenate3A_248 : vector<16x6144xf32>
    %add3A_250 = arith.addf %add3A_212, %mul3A_249 : vector<16x6144xf32>
    %slice3A_251 = vector.extract_strided_slice %mul3A_184 {offsets = [0, 2], sizes = [16, 6142], strides = [1, 1]} : vector<16x6144xf32> to vector<16x6142xf32>
    %slice3A_252 = vector.extract_strided_slice %mul3A_184 {offsets = [0, 0], sizes = [16, 2], strides = [1, 1]} : vector<16x6144xf32> to vector<16x2xf32>
    %concatenate3A_253 = tpu.concatenate %slice3A_251, %slice3A_252 in 1 : vector<16x6142xf32>, vector<16x2xf32> -> vector<16x6144xf32>
    %mul3A_254 = arith.mulf %convert_element_type3A_240, %concatenate3A_253 : vector<16x6144xf32>
    %add3A_255 = arith.addf %add3A_217, %mul3A_254 : vector<16x6144xf32>
    %slice3A_256 = vector.extract_strided_slice %mul3A_185 {offsets = [0, 2], sizes = [16, 6142], strides = [1, 1]} : vector<16x6144xf32> to vector<16x6142xf32>
    %slice3A_257 = vector.extract_strided_slice %mul3A_185 {offsets = [0, 0], sizes = [16, 2], strides = [1, 1]} : vector<16x6144xf32> to vector<16x2xf32>
    %concatenate3A_258 = tpu.concatenate %slice3A_256, %slice3A_257 in 1 : vector<16x6142xf32>, vector<16x2xf32> -> vector<16x6144xf32>
    %mul3A_259 = arith.mulf %convert_element_type3A_240, %concatenate3A_258 : vector<16x6144xf32>
    %add3A_260 = arith.addf %add3A_222, %mul3A_259 : vector<16x6144xf32>
    %slice3A_261 = vector.extract_strided_slice %add3A_181 {offsets = [0, 3], sizes = [16, 6141], strides = [1, 1]} : vector<16x6144xi32> to vector<16x6141xi32>
    %slice3A_262 = vector.extract_strided_slice %add3A_181 {offsets = [0, 0], sizes = [16, 3], strides = [1, 1]} : vector<16x6144xi32> to vector<16x3xi32>
    %concatenate3A_263 = tpu.concatenate %slice3A_261, %slice3A_262 in 1 : vector<16x6141xi32>, vector<16x3xi32> -> vector<16x6144xi32>
    %slice3A_264 = vector.extract_strided_slice %add3A_181 {offsets = [0, 6141], sizes = [16, 3], strides = [1, 1]} : vector<16x6144xi32> to vector<16x3xi32>
    %slice3A_265 = vector.extract_strided_slice %add3A_181 {offsets = [0, 0], sizes = [16, 6141], strides = [1, 1]} : vector<16x6144xi32> to vector<16x6141xi32>
    %concatenate3A_266 = tpu.concatenate %slice3A_264, %slice3A_265 in 1 : vector<16x3xi32>, vector<16x6141xi32> -> vector<16x6144xi32>
    %le3A_267 = arith.constant 0 : i32
    %le3A_268 = vector.broadcast %le3A_267 : i32 to vector<16x6144xi32>
    %le3A_269 = arith.cmpi sle, %and3A_187, %le3A_268 : vector<16x6144xi32>
    %eq3A_270 = arith.cmpi eq, %add3A_181, %concatenate3A_263 : vector<16x6144xi32>
    %and3A_271 = arith.andi %le3A_269, %eq3A_270 : vector<16x6144xi1>
    %ge3A_272 = arith.constant 3 : i32
    %ge3A_273 = vector.broadcast %ge3A_272 : i32 to vector<16x6144xi32>
    %ge3A_274 = arith.cmpi sge, %and3A_187, %ge3A_273 : vector<16x6144xi32>
    %eq3A_275 = arith.cmpi eq, %add3A_181, %concatenate3A_266 : vector<16x6144xi32>
    %and3A_276 = arith.andi %ge3A_274, %eq3A_275 : vector<16x6144xi1>
    %or3A_277 = arith.ori %or3A, %and3A_276 : vector<16x6144xi1>
    %convert_element_type3A_278 = arith.extui %and3A_271 : vector<16x6144xi1> to vector<16x6144xi32>
    %convert_element_type3A_279 = arith.sitofp %convert_element_type3A_278 : vector<16x6144xi32> to vector<16x6144xf32>
    %slice3A_280 = vector.extract_strided_slice %mul3A_182 {offsets = [0, 3], sizes = [16, 6141], strides = [1, 1]} : vector<16x6144xf32> to vector<16x6141xf32>
    %slice3A_281 = vector.extract_strided_slice %mul3A_182 {offsets = [0, 0], sizes = [16, 3], strides = [1, 1]} : vector<16x6144xf32> to vector<16x3xf32>
    %concatenate3A_282 = tpu.concatenate %slice3A_280, %slice3A_281 in 1 : vector<16x6141xf32>, vector<16x3xf32> -> vector<16x6144xf32>
    %mul3A_283 = arith.mulf %convert_element_type3A_279, %concatenate3A_282 : vector<16x6144xf32>
    %add3A_284 = arith.addf %add3A_245, %mul3A_283 : vector<16x6144xf32>
    %slice3A_285 = vector.extract_strided_slice %mul3A_183 {offsets = [0, 3], sizes = [16, 6141], strides = [1, 1]} : vector<16x6144xf32> to vector<16x6141xf32>
    %slice3A_286 = vector.extract_strided_slice %mul3A_183 {offsets = [0, 0], sizes = [16, 3], strides = [1, 1]} : vector<16x6144xf32> to vector<16x3xf32>
    %concatenate3A_287 = tpu.concatenate %slice3A_285, %slice3A_286 in 1 : vector<16x6141xf32>, vector<16x3xf32> -> vector<16x6144xf32>
    %mul3A_288 = arith.mulf %convert_element_type3A_279, %concatenate3A_287 : vector<16x6144xf32>
    %add3A_289 = arith.addf %add3A_250, %mul3A_288 : vector<16x6144xf32>
    %slice3A_290 = vector.extract_strided_slice %mul3A_184 {offsets = [0, 3], sizes = [16, 6141], strides = [1, 1]} : vector<16x6144xf32> to vector<16x6141xf32>
    %slice3A_291 = vector.extract_strided_slice %mul3A_184 {offsets = [0, 0], sizes = [16, 3], strides = [1, 1]} : vector<16x6144xf32> to vector<16x3xf32>
    %concatenate3A_292 = tpu.concatenate %slice3A_290, %slice3A_291 in 1 : vector<16x6141xf32>, vector<16x3xf32> -> vector<16x6144xf32>
    %mul3A_293 = arith.mulf %convert_element_type3A_279, %concatenate3A_292 : vector<16x6144xf32>
    %add3A_294 = arith.addf %add3A_255, %mul3A_293 : vector<16x6144xf32>
    %slice3A_295 = vector.extract_strided_slice %mul3A_185 {offsets = [0, 3], sizes = [16, 6141], strides = [1, 1]} : vector<16x6144xf32> to vector<16x6141xf32>
    %slice3A_296 = vector.extract_strided_slice %mul3A_185 {offsets = [0, 0], sizes = [16, 3], strides = [1, 1]} : vector<16x6144xf32> to vector<16x3xf32>
    %concatenate3A_297 = tpu.concatenate %slice3A_295, %slice3A_296 in 1 : vector<16x6141xf32>, vector<16x3xf32> -> vector<16x6144xf32>
    %mul3A_298 = arith.mulf %convert_element_type3A_279, %concatenate3A_297 : vector<16x6144xf32>
    %add3A_299 = arith.addf %add3A_260, %mul3A_298 : vector<16x6144xf32>
    %jit3A_300 = arith.constant 16392 : i32
    %broadcast_in_dim3A = vector.broadcast %jit3A_300 : i32 to vector<16x6144xi32>
    %select_n3A = arith.select %or3A_277, %broadcast_in_dim3A, %add3A_181 : vector<16x6144xi1>, vector<16x6144xi32>
    %iota3A_301 = tpu.iota {dimensions = array<i32: 1>} : vector<16x6144xi32>
    %shift_right_arithmetic3A = arith.constant 2 : i32
    %shift_right_arithmetic3A_302 = vector.broadcast %shift_right_arithmetic3A : i32 to vector<16x6144xi32>
    %shift_right_arithmetic3A_303 = arith.shrsi %iota3A_301, %shift_right_arithmetic3A_302 : vector<16x6144xi32>
    %and3A_304 = arith.constant 3 : i32
    %and3A_305 = vector.broadcast %and3A_304 : i32 to vector<16x6144xi32>
    %and3A_306 = arith.andi %shift_right_arithmetic3A_303, %and3A_305 : vector<16x6144xi32>
    %mul3A_307 = arith.constant 16576 : i32
    %mul3A_308 = vector.broadcast %mul3A_307 : i32 to vector<16x6144xi32>
    %mul3A_309 = arith.muli %and3A_306, %mul3A_308 : vector<16x6144xi32>
    %add3A_310 = arith.addi %select_n3A, %mul3A_309 : vector<16x6144xi32>
    %swap3A = arith.constant 0 : index
    %swap3A_311 = arith.constant 0 : index
    %swap3A_312 = vector.load %arg10[%swap3A, %swap3A_311] : memref<16x6144xi32, #tpu.memory_space<vmem>>, vector<16x6144xi32>
    tpu.vector_store %arg10[%swap3A, %swap3A_311], %add3A_310 {strides = array<i32>} : memref<16x6144xi32, #tpu.memory_space<vmem>>, vector<16x6144xi32>,
    %jit3A_313 = arith.constant 0.000000e+00 : f32
    %broadcast_in_dim3A_314 = vector.broadcast %jit3A_313 : f32 to vector<16x6144xf32>
    %select_n3A_315 = arith.select %or3A_277, %broadcast_in_dim3A_314, %add3A_284 : vector<16x6144xi1>, vector<16x6144xf32>
    %swap3A_316 = arith.constant 0 : index
    %swap3A_317 = arith.constant 0 : index
    %swap3A_318 = vector.load %arg11[%swap3A_316, %swap3A_317] : memref<16x6144xf32, #tpu.memory_space<vmem>>, vector<16x6144xf32>
    tpu.vector_store %arg11[%swap3A_316, %swap3A_317], %select_n3A_315 {strides = array<i32>} : memref<16x6144xf32, #tpu.memory_space<vmem>>, vector<16x6144xf32>,
    %jit3A_319 = arith.constant 0.000000e+00 : f32
    %broadcast_in_dim3A_320 = vector.broadcast %jit3A_319 : f32 to vector<16x6144xf32>
    %select_n3A_321 = arith.select %or3A_277, %broadcast_in_dim3A_320, %add3A_289 : vector<16x6144xi1>, vector<16x6144xf32>
    %swap3A_322 = arith.constant 0 : index
    %swap3A_323 = arith.constant 0 : index
    %swap3A_324 = vector.load %arg12[%swap3A_322, %swap3A_323] : memref<16x6144xf32, #tpu.memory_space<vmem>>, vector<16x6144xf32>
    tpu.vector_store %arg12[%swap3A_322, %swap3A_323], %select_n3A_321 {strides = array<i32>} : memref<16x6144xf32, #tpu.memory_space<vmem>>, vector<16x6144xf32>,
    %jit3A_325 = arith.constant 0.000000e+00 : f32
    %broadcast_in_dim3A_326 = vector.broadcast %jit3A_325 : f32 to vector<16x6144xf32>
    %select_n3A_327 = arith.select %or3A_277, %broadcast_in_dim3A_326, %add3A_294 : vector<16x6144xi1>, vector<16x6144xf32>
    %swap3A_328 = arith.constant 0 : index
    %swap3A_329 = arith.constant 0 : index
    %swap3A_330 = vector.load %arg13[%swap3A_328, %swap3A_329] : memref<16x6144xf32, #tpu.memory_space<vmem>>, vector<16x6144xf32>
    tpu.vector_store %arg13[%swap3A_328, %swap3A_329], %select_n3A_327 {strides = array<i32>} : memref<16x6144xf32, #tpu.memory_space<vmem>>, vector<16x6144xf32>,
    %jit3A_331 = arith.constant 0.000000e+00 : f32
    %broadcast_in_dim3A_332 = vector.broadcast %jit3A_331 : f32 to vector<16x6144xf32>
    %select_n3A_333 = arith.select %or3A_277, %broadcast_in_dim3A_332, %add3A_299 : vector<16x6144xi1>, vector<16x6144xf32>
    %swap3A_334 = arith.constant 0 : index
    %swap3A_335 = arith.constant 0 : index
    %swap3A_336 = vector.load %arg14[%swap3A_334, %swap3A_335] : memref<16x6144xf32, #tpu.memory_space<vmem>>, vector<16x6144xf32>
    tpu.vector_store %arg14[%swap3A_334, %swap3A_335], %select_n3A_333 {strides = array<i32>} : memref<16x6144xf32, #tpu.memory_space<vmem>>, vector<16x6144xf32>,
    return
  }
  func.func @transform_0(%arg0: i32) -> (i32, i32) {
    %c0_i32 = arith.constant 0 : i32
    %c0_i32_0 = arith.constant 0 : i32
    %c0_i32_1 = arith.constant 0 : i32
    return %c0_i32, %c0_i32_0 : i32, i32
  }
  func.func @transform_1(%arg0: i32) -> (i32, i32) {
    %c0_i32 = arith.constant 0 : i32
    %c0_i32_0 = arith.constant 0 : i32
    %c0_i32_1 = arith.constant 0 : i32
    return %c0_i32, %c0_i32_0 : i32, i32
  }
  func.func @transform_2(%arg0: i32) -> (i32, i32) {
    %c0_i32 = arith.constant 0 : i32
    %c0_i32_0 = arith.constant 0 : i32
    %c0_i32_1 = arith.constant 0 : i32
    return %c0_i32, %c0_i32_0 : i32, i32
  }
  func.func @transform_3(%arg0: i32) -> (i32, i32) {
    %c0_i32 = arith.constant 0 : i32
    %c0_i32_0 = arith.constant 0 : i32
    %c0_i32_1 = arith.constant 0 : i32
    return %c0_i32, %c0_i32_0 : i32, i32
  }
  func.func @transform_4(%arg0: i32) -> (i32, i32) {
    %c0_i32 = arith.constant 0 : i32
    %c0_i32_0 = arith.constant 0 : i32
    %c0_i32_1 = arith.constant 0 : i32
    return %c0_i32, %c0_i32_0 : i32, i32
  }
  func.func @transform_5(%arg0: i32) -> (i32, i32) {
    %c0_i32 = arith.constant 0 : i32
    %c0_i32_0 = arith.constant 0 : i32
    %c0_i32_1 = arith.constant 0 : i32
    return %c0_i32, %c0_i32_0 : i32, i32
  }
  func.func @transform_6(%arg0: i32) -> (i32, i32) {
    %c0_i32 = arith.constant 0 : i32
    %c0_i32_0 = arith.constant 0 : i32
    %c0_i32_1 = arith.constant 0 : i32
    return %c0_i32, %c0_i32_0 : i32, i32
  }
  func.func @transform_7(%arg0: i32) -> (i32, i32) {
    %c0_i32 = arith.constant 0 : i32
    %c0_i32_0 = arith.constant 0 : i32
    return %c0_i32, %arg0 : i32, i32
  }
  func.func @transform_8(%arg0: i32) -> (i32, i32) {
    %c0_i32 = arith.constant 0 : i32
    %c0_i32_0 = arith.constant 0 : i32
    return %c0_i32, %arg0 : i32, i32
  }
  func.func @transform_9(%arg0: i32) -> (i32, i32) {
    %c0_i32 = arith.constant 0 : i32
    %c0_i32_0 = arith.constant 0 : i32
    return %c0_i32, %arg0 : i32, i32
  }
  func.func @transform_10(%arg0: i32) -> (i32, i32) {
    %c0_i32 = arith.constant 0 : i32
    %c0_i32_0 = arith.constant 0 : i32
    return %c0_i32, %arg0 : i32, i32
  }
  func.func @transform_11(%arg0: i32) -> (i32, i32) {
    %c0_i32 = arith.constant 0 : i32
    %c0_i32_0 = arith.constant 0 : i32
    return %c0_i32, %arg0 : i32, i32
  }
  func.func @transform_12(%arg0: i32) -> (i32, i32) {
    %c0_i32 = arith.constant 0 : i32
    %c0_i32_0 = arith.constant 0 : i32
    return %c0_i32, %arg0 : i32, i32
  }
  func.func @transform_13(%arg0: i32) -> (i32, i32) {
    %c0_i32 = arith.constant 0 : i32
    %c0_i32_0 = arith.constant 0 : i32
    return %c0_i32, %arg0 : i32, i32
  }
}

module attributes {stable_mosaic.version = 14 : i64} {
  func.func @_stage_c_body(%arg0: i32, %arg1: memref<1x2x128x128xf32, #tpu.memory_space<vmem>>, %arg2: memref<128x128xf32, #tpu.memory_space<vmem>>, %arg3: memref<128x128xf32, #tpu.memory_space<vmem>>, %arg4: memref<128x128xf32, #tpu.memory_space<vmem>>, %arg5: memref<128x128xf32, #tpu.memory_space<vmem>>, %arg6: memref<128x128xf32, #tpu.memory_space<vmem>>, %arg7: memref<128x128xf32, #tpu.memory_space<vmem>>, %arg8: memref<128x128xf32, #tpu.memory_space<vmem>>, %arg9: memref<128x128xf32, #tpu.memory_space<vmem>>, %arg10: memref<128x128xf32, #tpu.memory_space<vmem>>, %arg11: memref<1x128x128xf32, #tpu.memory_space<vmem>>) attributes {dimension_semantics = [#tpu.dimension_semantics<arbitrary>], iteration_bounds = array<i64: 16>, scalar_prefetch = 0 : i64, scratch_operands = 0 : i64, tpu.core_type = #tpu.core_type<tc>, window_params = [{transform_indices = @transform_0, window_bounds = array<i64: 1, 2, 128, 128>}, {pipeline_mode = #tpu.pipeline_mode<synchronous>, transform_indices = @transform_1, window_bounds = array<i64: 128, 128>}, {pipeline_mode = #tpu.pipeline_mode<synchronous>, transform_indices = @transform_2, window_bounds = array<i64: 128, 128>}, {pipeline_mode = #tpu.pipeline_mode<synchronous>, transform_indices = @transform_3, window_bounds = array<i64: 128, 128>}, {pipeline_mode = #tpu.pipeline_mode<synchronous>, transform_indices = @transform_4, window_bounds = array<i64: 128, 128>}, {pipeline_mode = #tpu.pipeline_mode<synchronous>, transform_indices = @transform_5, window_bounds = array<i64: 128, 128>}, {pipeline_mode = #tpu.pipeline_mode<synchronous>, transform_indices = @transform_6, window_bounds = array<i64: 128, 128>}, {pipeline_mode = #tpu.pipeline_mode<synchronous>, transform_indices = @transform_7, window_bounds = array<i64: 128, 128>}, {pipeline_mode = #tpu.pipeline_mode<synchronous>, transform_indices = @transform_8, window_bounds = array<i64: 128, 128>}, {pipeline_mode = #tpu.pipeline_mode<synchronous>, transform_indices = @transform_9, window_bounds = array<i64: 128, 128>}, {transform_indices = @transform_10, window_bounds = array<i64: 1, 128, 128>}]} {
    %get3A = arith.constant 0 : index
    %get3A_0 = arith.constant 0 : index
    %get3A_1 = arith.constant 0 : index
    %get3A_2 = arith.constant 0 : index
    %get3A_3 = vector.load %arg1[%get3A, %get3A_0, %get3A_1, %get3A_2] : memref<1x2x128x128xf32, #tpu.memory_space<vmem>>, vector<1x1x128x128xf32>
    %get3A_4 = vector.shape_cast %get3A_3 : vector<1x1x128x128xf32> to vector<128x128xf32>
    %get3A_5 = arith.constant 0 : index
    %get3A_6 = arith.constant 1 : index
    %get3A_7 = arith.constant 0 : index
    %get3A_8 = arith.constant 0 : index
    %get3A_9 = vector.load %arg1[%get3A_5, %get3A_6, %get3A_7, %get3A_8] : memref<1x2x128x128xf32, #tpu.memory_space<vmem>>, vector<1x1x128x128xf32>
    %get3A_10 = vector.shape_cast %get3A_9 : vector<1x1x128x128xf32> to vector<128x128xf32>
    %add3A = arith.addf %get3A_4, %get3A_10 : vector<128x128xf32>
    %get3A_11 = arith.constant 0 : index
    %get3A_12 = arith.constant 0 : index
    %get3A_13 = vector.load %arg2[%get3A_11, %get3A_12] : memref<128x128xf32, #tpu.memory_space<vmem>>, vector<128x128xf32>
    %dot_general3A = arith.constant dense<0.000000e+00> : vector<128x128xf32>
    %dot_general3A_14 = tpu.matmul %get3A_13, %add3A, %dot_general3A {dimension_numbers = #tpu.dot_dimension_numbers<[1], [0], [0], [1], [0, 0, 1, 1], [], []>, precision = #tpu.contract_precision<fp32>, transpose_lhs_hint = false} : vector<128x128xf32>, vector<128x128xf32>, vector<128x128xf32> -> vector<128x128xf32>
    %get3A_15 = arith.constant 0 : index
    %get3A_16 = arith.constant 0 : index
    %get3A_17 = vector.load %arg3[%get3A_15, %get3A_16] : memref<128x128xf32, #tpu.memory_space<vmem>>, vector<128x128xf32>
    %dot_general3A_18 = arith.constant dense<0.000000e+00> : vector<128x128xf32>
    %dot_general3A_19 = tpu.matmul %get3A_17, %add3A, %dot_general3A_18 {dimension_numbers = #tpu.dot_dimension_numbers<[1], [0], [0], [1], [0, 0, 1, 1], [], []>, precision = #tpu.contract_precision<fp32>, transpose_lhs_hint = false} : vector<128x128xf32>, vector<128x128xf32>, vector<128x128xf32> -> vector<128x128xf32>
    %get3A_20 = arith.constant 0 : index
    %get3A_21 = arith.constant 0 : index
    %get3A_22 = vector.load %arg4[%get3A_20, %get3A_21] : memref<128x128xf32, #tpu.memory_space<vmem>>, vector<128x128xf32>
    %dot_general3A_23 = arith.constant dense<0.000000e+00> : vector<128x128xf32>
    %dot_general3A_24 = tpu.matmul %dot_general3A_14, %get3A_22, %dot_general3A_23 {dimension_numbers = #tpu.dot_dimension_numbers<[1], [0], [0], [1], [0, 0, 1, 1], [], []>, precision = #tpu.contract_precision<fp32>, transpose_lhs_hint = false} : vector<128x128xf32>, vector<128x128xf32>, vector<128x128xf32> -> vector<128x128xf32>
    %get3A_25 = arith.constant 0 : index
    %get3A_26 = arith.constant 0 : index
    %get3A_27 = vector.load %arg5[%get3A_25, %get3A_26] : memref<128x128xf32, #tpu.memory_space<vmem>>, vector<128x128xf32>
    %dot_general3A_28 = arith.constant dense<0.000000e+00> : vector<128x128xf32>
    %dot_general3A_29 = tpu.matmul %dot_general3A_19, %get3A_27, %dot_general3A_28 {dimension_numbers = #tpu.dot_dimension_numbers<[1], [0], [0], [1], [0, 0, 1, 1], [], []>, precision = #tpu.contract_precision<fp32>, transpose_lhs_hint = false} : vector<128x128xf32>, vector<128x128xf32>, vector<128x128xf32> -> vector<128x128xf32>
    %sub3A = arith.subf %dot_general3A_24, %dot_general3A_29 : vector<128x128xf32>
    %get3A_30 = arith.constant 0 : index
    %get3A_31 = arith.constant 0 : index
    %get3A_32 = vector.load %arg5[%get3A_30, %get3A_31] : memref<128x128xf32, #tpu.memory_space<vmem>>, vector<128x128xf32>
    %dot_general3A_33 = arith.constant dense<0.000000e+00> : vector<128x128xf32>
    %dot_general3A_34 = tpu.matmul %dot_general3A_14, %get3A_32, %dot_general3A_33 {dimension_numbers = #tpu.dot_dimension_numbers<[1], [0], [0], [1], [0, 0, 1, 1], [], []>, precision = #tpu.contract_precision<fp32>, transpose_lhs_hint = false} : vector<128x128xf32>, vector<128x128xf32>, vector<128x128xf32> -> vector<128x128xf32>
    %get3A_35 = arith.constant 0 : index
    %get3A_36 = arith.constant 0 : index
    %get3A_37 = vector.load %arg4[%get3A_35, %get3A_36] : memref<128x128xf32, #tpu.memory_space<vmem>>, vector<128x128xf32>
    %dot_general3A_38 = arith.constant dense<0.000000e+00> : vector<128x128xf32>
    %dot_general3A_39 = tpu.matmul %dot_general3A_19, %get3A_37, %dot_general3A_38 {dimension_numbers = #tpu.dot_dimension_numbers<[1], [0], [0], [1], [0, 0, 1, 1], [], []>, precision = #tpu.contract_precision<fp32>, transpose_lhs_hint = false} : vector<128x128xf32>, vector<128x128xf32>, vector<128x128xf32> -> vector<128x128xf32>
    %add3A_40 = arith.addf %dot_general3A_34, %dot_general3A_39 : vector<128x128xf32>
    %get3A_41 = arith.constant 0 : index
    %get3A_42 = arith.constant 0 : index
    %get3A_43 = vector.load %arg10[%get3A_41, %get3A_42] : memref<128x128xf32, #tpu.memory_space<vmem>>, vector<128x128xf32>
    %mul3A = arith.mulf %sub3A, %get3A_43 : vector<128x128xf32>
    %mul3A_44 = arith.mulf %add3A_40, %get3A_43 : vector<128x128xf32>
    %get3A_45 = arith.constant 0 : index
    %get3A_46 = arith.constant 0 : index
    %get3A_47 = vector.load %arg6[%get3A_45, %get3A_46] : memref<128x128xf32, #tpu.memory_space<vmem>>, vector<128x128xf32>
    %dot_general3A_48 = arith.constant dense<0.000000e+00> : vector<128x128xf32>
    %dot_general3A_49 = tpu.matmul %get3A_47, %mul3A, %dot_general3A_48 {dimension_numbers = #tpu.dot_dimension_numbers<[1], [0], [0], [1], [0, 0, 1, 1], [], []>, precision = #tpu.contract_precision<fp32>, transpose_lhs_hint = false} : vector<128x128xf32>, vector<128x128xf32>, vector<128x128xf32> -> vector<128x128xf32>
    %get3A_50 = arith.constant 0 : index
    %get3A_51 = arith.constant 0 : index
    %get3A_52 = vector.load %arg7[%get3A_50, %get3A_51] : memref<128x128xf32, #tpu.memory_space<vmem>>, vector<128x128xf32>
    %dot_general3A_53 = arith.constant dense<0.000000e+00> : vector<128x128xf32>
    %dot_general3A_54 = tpu.matmul %get3A_52, %mul3A_44, %dot_general3A_53 {dimension_numbers = #tpu.dot_dimension_numbers<[1], [0], [0], [1], [0, 0, 1, 1], [], []>, precision = #tpu.contract_precision<fp32>, transpose_lhs_hint = false} : vector<128x128xf32>, vector<128x128xf32>, vector<128x128xf32> -> vector<128x128xf32>
    %sub3A_55 = arith.subf %dot_general3A_49, %dot_general3A_54 : vector<128x128xf32>
    %get3A_56 = arith.constant 0 : index
    %get3A_57 = arith.constant 0 : index
    %get3A_58 = vector.load %arg6[%get3A_56, %get3A_57] : memref<128x128xf32, #tpu.memory_space<vmem>>, vector<128x128xf32>
    %dot_general3A_59 = arith.constant dense<0.000000e+00> : vector<128x128xf32>
    %dot_general3A_60 = tpu.matmul %get3A_58, %mul3A_44, %dot_general3A_59 {dimension_numbers = #tpu.dot_dimension_numbers<[1], [0], [0], [1], [0, 0, 1, 1], [], []>, precision = #tpu.contract_precision<fp32>, transpose_lhs_hint = false} : vector<128x128xf32>, vector<128x128xf32>, vector<128x128xf32> -> vector<128x128xf32>
    %get3A_61 = arith.constant 0 : index
    %get3A_62 = arith.constant 0 : index
    %get3A_63 = vector.load %arg7[%get3A_61, %get3A_62] : memref<128x128xf32, #tpu.memory_space<vmem>>, vector<128x128xf32>
    %dot_general3A_64 = arith.constant dense<0.000000e+00> : vector<128x128xf32>
    %dot_general3A_65 = tpu.matmul %get3A_63, %mul3A, %dot_general3A_64 {dimension_numbers = #tpu.dot_dimension_numbers<[1], [0], [0], [1], [0, 0, 1, 1], [], []>, precision = #tpu.contract_precision<fp32>, transpose_lhs_hint = false} : vector<128x128xf32>, vector<128x128xf32>, vector<128x128xf32> -> vector<128x128xf32>
    %add3A_66 = arith.addf %dot_general3A_60, %dot_general3A_65 : vector<128x128xf32>
    %get3A_67 = arith.constant 0 : index
    %get3A_68 = arith.constant 0 : index
    %get3A_69 = vector.load %arg8[%get3A_67, %get3A_68] : memref<128x128xf32, #tpu.memory_space<vmem>>, vector<128x128xf32>
    %dot_general3A_70 = arith.constant dense<0.000000e+00> : vector<128x128xf32>
    %dot_general3A_71 = tpu.matmul %sub3A_55, %get3A_69, %dot_general3A_70 {dimension_numbers = #tpu.dot_dimension_numbers<[1], [0], [0], [1], [0, 0, 1, 1], [], []>, precision = #tpu.contract_precision<fp32>, transpose_lhs_hint = false} : vector<128x128xf32>, vector<128x128xf32>, vector<128x128xf32> -> vector<128x128xf32>
    %get3A_72 = arith.constant 0 : index
    %get3A_73 = arith.constant 0 : index
    %get3A_74 = vector.load %arg9[%get3A_72, %get3A_73] : memref<128x128xf32, #tpu.memory_space<vmem>>, vector<128x128xf32>
    %dot_general3A_75 = arith.constant dense<0.000000e+00> : vector<128x128xf32>
    %dot_general3A_76 = tpu.matmul %add3A_66, %get3A_74, %dot_general3A_75 {dimension_numbers = #tpu.dot_dimension_numbers<[1], [0], [0], [1], [0, 0, 1, 1], [], []>, precision = #tpu.contract_precision<fp32>, transpose_lhs_hint = false} : vector<128x128xf32>, vector<128x128xf32>, vector<128x128xf32> -> vector<128x128xf32>
    %sub3A_77 = arith.subf %dot_general3A_71, %dot_general3A_76 : vector<128x128xf32>
    %swap3A = arith.constant 0 : index
    %swap3A_78 = arith.constant 0 : index
    %swap3A_79 = arith.constant 0 : index
    %swap3A_80 = vector.load %arg11[%swap3A, %swap3A_78, %swap3A_79] : memref<1x128x128xf32, #tpu.memory_space<vmem>>, vector<1x128x128xf32>
    %swap3A_81 = vector.shape_cast %swap3A_80 : vector<1x128x128xf32> to vector<128x128xf32>
    %swap3A_82 = vector.shape_cast %sub3A_77 : vector<128x128xf32> to vector<1x128x128xf32>
    tpu.vector_store %arg11[%swap3A, %swap3A_78, %swap3A_79], %swap3A_82 {strides = array<i32>} : memref<1x128x128xf32, #tpu.memory_space<vmem>>, vector<1x128x128xf32>,
    return
  }
  func.func @transform_0(%arg0: i32) -> (i32, i32, i32, i32) {
    %c0_i32 = arith.constant 0 : i32
    %c0_i32_0 = arith.constant 0 : i32
    %c0_i32_1 = arith.constant 0 : i32
    %c0_i32_2 = arith.constant 0 : i32
    return %arg0, %c0_i32, %c0_i32_0, %c0_i32_1 : i32, i32, i32, i32
  }
  func.func @transform_1(%arg0: i32) -> (i32, i32) {
    %c0_i32 = arith.constant 0 : i32
    %c0_i32_0 = arith.constant 0 : i32
    %c0_i32_1 = arith.constant 0 : i32
    return %c0_i32, %c0_i32_0 : i32, i32
  }
  func.func @transform_2(%arg0: i32) -> (i32, i32) {
    %c0_i32 = arith.constant 0 : i32
    %c0_i32_0 = arith.constant 0 : i32
    %c0_i32_1 = arith.constant 0 : i32
    return %c0_i32, %c0_i32_0 : i32, i32
  }
  func.func @transform_3(%arg0: i32) -> (i32, i32) {
    %c0_i32 = arith.constant 0 : i32
    %c0_i32_0 = arith.constant 0 : i32
    %c0_i32_1 = arith.constant 0 : i32
    return %c0_i32, %c0_i32_0 : i32, i32
  }
  func.func @transform_4(%arg0: i32) -> (i32, i32) {
    %c0_i32 = arith.constant 0 : i32
    %c0_i32_0 = arith.constant 0 : i32
    %c0_i32_1 = arith.constant 0 : i32
    return %c0_i32, %c0_i32_0 : i32, i32
  }
  func.func @transform_5(%arg0: i32) -> (i32, i32) {
    %c0_i32 = arith.constant 0 : i32
    %c0_i32_0 = arith.constant 0 : i32
    %c0_i32_1 = arith.constant 0 : i32
    return %c0_i32, %c0_i32_0 : i32, i32
  }
  func.func @transform_6(%arg0: i32) -> (i32, i32) {
    %c0_i32 = arith.constant 0 : i32
    %c0_i32_0 = arith.constant 0 : i32
    %c0_i32_1 = arith.constant 0 : i32
    return %c0_i32, %c0_i32_0 : i32, i32
  }
  func.func @transform_7(%arg0: i32) -> (i32, i32) {
    %c0_i32 = arith.constant 0 : i32
    %c0_i32_0 = arith.constant 0 : i32
    %c0_i32_1 = arith.constant 0 : i32
    return %c0_i32, %c0_i32_0 : i32, i32
  }
  func.func @transform_8(%arg0: i32) -> (i32, i32) {
    %c0_i32 = arith.constant 0 : i32
    %c0_i32_0 = arith.constant 0 : i32
    %c0_i32_1 = arith.constant 0 : i32
    return %c0_i32, %c0_i32_0 : i32, i32
  }
  func.func @transform_9(%arg0: i32) -> (i32, i32) {
    %c0_i32 = arith.constant 0 : i32
    %c0_i32_0 = arith.constant 0 : i32
    %c0_i32_1 = arith.constant 0 : i32
    return %c0_i32, %c0_i32_0 : i32, i32
  }
  func.func @transform_10(%arg0: i32) -> (i32, i32, i32) {
    %c0_i32 = arith.constant 0 : i32
    %c0_i32_0 = arith.constant 0 : i32
    %c0_i32_1 = arith.constant 0 : i32
    return %arg0, %c0_i32, %c0_i32_0 : i32, i32, i32
  }
}

</mosaic_0001>

<sc_bundles>
// kernel: kernel.5.cloned.1.call-start
scs
__scs_entry_jumppad:
0x0: {  	(pc) =	sbr.rel $0x88, $3  }
0x1: {  	(tag) =	ssettag $0x0;
	lr =	simm.s32 $0x1  }
0x2: {  	[smem:$0x3F91] =	sst lr;
	_ =	strace $0xD0000000  }
0x3: {  	_ = 	snop  }
0x4: {  	_ = 	snop  }
0x5: {  	_ = 	snop  }
0x6: {  	_ = 	snop  }
0x7: {  	_ = 	snop  }
__scs_overlays_trampoline_lowered:
0x8: {  	[smem:$0x3FA0] =	sst s0  }
0x9: {  	[smem:$0x3FA1] =	sst s1  }
0xa: {  	[smem:$0x3FA2] =	sst s2  }
0xb: {  	[smem:$0x3FA3] =	sst s3  }
0xc: {  	[smem:$0x3FA4] =	sst s4  }
0xd: {  	[smem:$0x3FA5] =	sst s5  }
0xe: {  	[smem:$0x3FA6] =	sst s6  }
0xf: {  	[smem:$0x3FA7] =	sst s7  }
0x10: {  	[smem:$0x3FA8] =	sst s8  }
0x11: {  	[smem:$0x3FA9] =	sst s9;
	s0 =	simm.s32 @!p0 $0x0  }
0x12: {  	s1 =	sld [smem:$0x3F8F];
	s0 =	simm.s32 @p0 $0x1  }
0x13: {  	[smem:$0x3FAA] =	sst s0;
	s0 =	simm.s32 @!p1 $0x0  }
0x14: {  	s2 =	sld [smem:$0x3F8E];
	s0 =	simm.s32 @p1 $0x1  }
0x15: {  	[smem:$0x3FAB] =	sst s0;
	s0 =	simm.s32 @!p2 $0x0  }
0x16: {  	s3 =	sld [smem:$0x3FDB];
	s0 =	simm.s32 @p2 $0x1  }
0x17: {  	s4 =	simm.s32 $0x1BF5;
	[smem:$0x3FAD] =	sst s0  }
0x18: {  	s0 =	sld [smem:$0x3F90];
	_ =	swait.ge [sflag:s4], $0x0  }
0x19: {  	s7 =	sld [smem:$0x3F91]  }
0x1a: {  	s8 =	sadd.s32 $0xFFFFE003, lr  }
0x1b: {  	s9 =	sadd.s32 $0xFFFFFEF7, lr;
	s5 =	simm.s32 $0xFFFFFFFF;
	p2 =	slt.u32 s8, $0xFFFFF086  }
0x1c: {  	p1 =	slt.u32 s9, $0xF7A;
	s5 =	simm.s32 @!p2 $0x0  }
0x1d: {  	s5 =	simm.s32 @p1 $0x1;
	p0 =	seq.s32 s7, s2  }
0x1e: {  	s7 =	smul.u32 @!p0 $0xF7A, s2;
	p2 =	seq.s32 @!p0 s5, $0x0  }
0x1f: {  	s9 =	smul.u32 $0xF7A, s1;
	s8 =	simm.s32 @!p0 $0x1BF5;
	p2 =	por !p2, p0  }
0x20: {  	[sflag:s8] =	ssyncset.s32 @!p0 $0xFFFFF086;
	s6 =	sadd.s32 @!p0 s3, s7;
	s7 =	simm.s32 @!p0 $0x108  }
0x21: {  	s3 =	sadd.s32 s3, s9;
	s6 =	sadd.s32 @!p0 $0x88, s6;
	s7 =	simm.s32 @p2 $0x1082  }
0x22: {  	[simem:s7], [sflag:s8] =	dma.local @!p0 [hbm:s6], $0xF7A  }
0x23: {  	s9 =	sor.u32 $0xD0000000, s2;
	s6 =	simm.s32 $0x108;
	_ =	swait.ge @!p0 [sflag:s8], $0x0  }
0x24: {  	s3 =	sadd.s32 $0x88, s3;
	s6 =	simm.s32 @!p1 $0x1082;
	[sflag:s4] =	ssyncset.s32 $0xFFFFF086  }
0x25: {  	[simem:s6], [sflag:s4] =	dma.local [hbm:s3], $0xF7A  }
0x26: {  	[smem:$0x3F91] =	sst s1;
	(tag) =	ssettag s2;
	_ =	strace s9  }
0x27: {  	s1 =	sld [smem:$0x3FA1]  }
0x28: {  	s2 =	sld [smem:$0x3FA2]  }
0x29: {  	s4 =	sld [smem:$0x3FA4]  }
0x2a: {  	p0 =	seq.s32 s5, $0x0;
	s5 =	sld [smem:$0x3FA5]  }
0x2b: {  	s6 =	sld [smem:$0x3FA6]  }
0x2c: {  	s7 =	sld [smem:$0x3FA7]  }
0x2d: {  	s3 =	simm.s32 $0x108;
	s8 =	sld [smem:$0x3FA8]  }
0x2e: {  	s3 =	simm.s32 @!p0 $0x1082;
	s9 =	sld [smem:$0x3FA9]  }
0x2f: {  	lr =	sadd.s32 s0, s3;
	s0 =	sld [smem:$0x3FA0]  }
0x30: {  	s3 =	sld [smem:$0x3FA3]  }
0x31: {  	[smem:$0x3FAC] =	sst s10  }
0x32: {  	s10 =	sld [smem:$0x3FAA];
	_ =	sdelay $0x3  }
0x33: {  	p0 =	seq.s32 s10, $0x1;
	s10 =	sld [smem:$0x3FAC];
	_ =	sdelay $0x3  }
0x34: {  	[smem:$0x3FAC] =	sst s10  }
0x35: {  	s10 =	sld [smem:$0x3FAB];
	_ =	sdelay $0x3  }
0x36: {  	p1 =	seq.s32 s10, $0x1;
	s10 =	sld [smem:$0x3FAC];
	_ =	sdelay $0x3  }
0x37: {  	[smem:$0x3FAC] =	sst s10  }
0x38: {  	s10 =	sld [smem:$0x3FAD]  }
0x39: {  	_ = 	snop;
	(pc) =	sbr.ind lr, $3  }
0x3a: {  	_ = 	snop  }
0x3b: {  	_ = 	snop  }
0x3c: {  	p2 =	seq.s32 s10, $0x1;
	s10 =	sld [smem:$0x3FAC]  }
0x3d: {  	_ =	shalt  }
0x3e: {  	_ =	shalt  }
0x3f: {  	_ =	shalt  }
0x40: {  	_ =	shalt  }
0x41: {  	_ =	shalt  }
0x42: {  	_ =	shalt  }
0x43: {  	_ =	shalt  }
0x44: {  	_ =	shalt  }
0x45: {  	_ =	shalt  }
0x46: {  	_ =	shalt  }
0x47: {  	_ =	shalt  }
0x48: {  	_ =	shalt  }
0x49: {  	_ =	shalt  }
0x4a: {  	_ =	shalt  }
0x4b: {  	_ =	shalt  }
0x4c: {  	_ =	shalt  }
0x4d: {  	_ =	shalt  }
0x4e: {  	_ =	shalt  }
0x4f: {  	_ =	shalt  }
0x50: {  	_ =	shalt  }
0x51: {  	_ =	shalt  }
0x52: {  	_ =	shalt  }
0x53: {  	_ =	shalt  }
0x54: {  	_ =	shalt  }
0x55: {  	_ =	shalt  }
0x56: {  	_ =	shalt  }
0x57: {  	_ =	shalt  }
0x58: {  	_ =	shalt  }
0x59: {  	_ =	shalt  }
0x5a: {  	_ =	shalt  }
0x5b: {  	_ =	shalt  }
0x5c: {  	_ =	shalt  }
0x5d: {  	_ =	shalt  }
0x5e: {  	_ =	shalt  }
0x5f: {  	_ =	shalt  }
0x60: {  	_ =	shalt  }
0x61: {  	_ =	shalt  }
0x62: {  	_ =	shalt  }
0x63: {  	_ =	shalt  }
0x64: {  	_ =	shalt  }
0x65: {  	_ =	shalt  }
0x66: {  	_ =	shalt  }
0x67: {  	_ =	shalt  }
0x68: {  	_ =	shalt  }
0x69: {  	_ =	shalt  }
0x6a: {  	_ =	shalt  }
0x6b: {  	_ =	shalt  }
0x6c: {  	_ =	shalt  }
0x6d: {  	_ =	shalt  }
0x6e: {  	_ =	shalt  }
0x6f: {  	_ =	shalt  }
0x70: {  	_ =	shalt  }
0x71: {  	_ =	shalt  }
0x72: {  	_ =	shalt  }
0x73: {  	_ =	shalt  }
0x74: {  	_ =	shalt  }
0x75: {  	_ =	shalt  }
0x76: {  	_ =	shalt  }
0x77: {  	_ =	shalt  }
0x78: {  	_ =	shalt  }
0x79: {  	_ =	shalt  }
0x7a: {  	_ =	shalt  }
0x7b: {  	_ =	shalt  }
0x7c: {  	_ =	shalt  }
0x7d: {  	_ =	shalt  }
0x7e: {  	_ =	shalt  }
0x7f: {  	_ =	shalt  }
0x80: {  	_ =	shalt  }
0x81: {  	_ =	shalt  }
0x82: {  	_ =	shalt  }
0x83: {  	_ =	shalt  }
0x84: {  	_ =	shalt  }
0x85: {  	_ =	shalt  }
0x86: {  	_ =	shalt  }
0x87: {  	_ =	shalt  }
.Lfunc_end0:
.L_simem_size_0:
called_computation_lowered:
.L_overlay_start_0:
0x88: {  	s2 =	sld [smem:$0x3FD9]  }
0x89: {  	s3 =	sld [smem:$0x3FFE];
	_ =	sdelay $0x1  }
0x8a: {  	s1 =	srdreg.scid  }
0x8b: {  	s0 =	sand.u32 $0x1, s1  }
0x8c: {  	s16 =	sshll.u32 s0, $0xA;
	s2 =	sadd.s32 s3, s2  }
0x8d: {  	s2 =	sadd.s32 s2, s16  }
0x8e: {  	[smem:$0x3FB8] =	sst s2  }
0x8f: {  	_ = 	snop  }
0x90: {  	(tm) =	ssettm $0x1  }
0x91: {  	s17 =	sld [smem:$0x3FFB];
	_ =	sdelay $0x3  }
0x92: {  	_ =	strace s17  }
0x93: {  	s2 =	sld [smem:$0x3FFC];
	_ =	sdelay $0x3  }
0x94: {  	_ =	strace s2  }
0x95: {  	s2 =	sld [smem:$0x3FFD];
	_ =	sdelay $0x3  }
0x96: {  	_ =	strace s2  }
0x97: {  	_ =	strace $0x8FFFFFFF  }
0x98: {  	s18 =	sld [smem:$0x3FDB];
	_ =	sdelay $0x1  }
0x99: {  	s19 =	simm.s32 $_scs_section_size  }
0x9a: {  	s4 =	simm.s32 $_size__tile_overlayer_lowered;
	s5 =	simm.s32 $_tile_overlayer_lowered  }
0x9b: {  	s22 =	simm.s32 $0x1BFF;
	s21 =	sshll.u32 s5, $0x1;
	s2 =	sadd.s32 s19, s18  }
0x9c: {  	s6 =	simm.s32 $0x0;
	s20 =	sshll.u32 s4, $0x1;
	s4 =	sadd.s32 s21, s2  }
0x9d: {  	[timem:s6], [sflag:s22] =	dma.local [hbm:s4], s20  }
0x9e: {  	_ =	swait.ge [sflag:s22], s20  }
0x9f: {  	s3 =	ssub.s32 $0x0, s20;
	[sflag:s22] =	ssyncset.done $0x0  }
0xa0: {  	[sflag:s22] =	ssyncadd.s32 s3;
	_ =	sdelay $0x1  }
0xa1: {  	s23 =	simm.s32 $0x1B8B  }
0xa2: {  	_ =	swait.ge [sflag:s23], $0x1  }
0xa3: {  	[sflag:s23] =	ssyncset.done $0x0  }
0xa4: {  	s25 =	simm.s32 $0x1B8E;
	s24 =	sld [smem:$0x3FFE];
	[sflag:s23] =	ssyncadd.s32 $0xFFFFFFFF  }
0xa5: {  	s26 =	simm.s32 $execute0_lowered;
	[smem:$0x3FD2] =	sst s25  }
0xa6: {  	s4 =	sshll.u32 s26, $0x1;
	_ =	strace $0x80000046;
	[dreg:$0x1] =	wrdreg $0xFFFFFFFF  }
0xa7: {  	s28 =	simm.s32 $_size_execute0_lowered;
	s2 =	sadd.s32 s2, s4;
	[dreg:$0x0] =	wrdreg $0x0  }
0xa8: {  	s4 =	sshll.u32 s28, $0x1;
	[dreg:$0x2] =	wrdreg s2  }
0xa9: {  	[dreg:$0x3] =	wrdreg s4  }
0xaa: {  	[dreg:$0x4] =	wrdreg $0xC0  }
0xab: {  	_ =	task [dreg:s6], $0x5FFFF  }
0xac: {  	[dreg:$0x1] =	wrdreg $0xFFFFFFFF  }
0xad: {  	[dreg:$0x0] =	wrdreg $0x60  }
0xae: {  	[dreg:$0x2] =	wrdreg s24  }
0xaf: {  	[dreg:$0x3] =	wrdreg $0x9  }
0xb0: {  	_ =	task.clear_ibuf [dreg:s6], $0x4FFFF;
	_ =	strace $0x90000046  }
0xb1: {  	s29 =	simm.s32 $0x9;
	_ =	strace $0x80000048  }
0xb2: {  	_ =	swait.ge [sflag:s29], $0x1  }
0xb3: {  	[sflag:s29] =	ssyncadd.s32 $0xFFFFFFFF  }
0xb4: {  	_ =	strace $0x90000048  }
0xb5: {  	_ =	sfence  }
0xb6: {  	s30 =	sld [smem:$0x0];
	_ =	sdelay $0x2  }
0xb7: {  	s31 =	sshll.u32 s1, $0xD;
	s1 =	sshrl.u32 s1, $0x2  }
0xb8: {  	s3 =	sand.u32 $0x4000, s31;
	s1 =	sadd.s32 s1, s30  }
0xb9: {  	s0 =	sor.u32 s3, s0;
	s1 =	sshll.u32 s1, $0x11  }
0xba: {  	s0 =	sor.u32 s1, s0  }
0xbb: {  	s0 =	sadd.s32 $0x8F2B, s0  }
0xbc: {  	[sflag:s0] =	ssyncadd.remote.s32 $0x1  }
0xbd: {  	_ =	sfence.sel $0xFFFF  }
0xbe: {  	[dreg:$0x0] =	wrdreg $0xFFFFFFFF;
	(pc) =	sbr.abs _section_cstart, $3  }
0xbf: {  	[dreg:$0x1] =	wrdreg $0xFFFFFFFF  }
0xc0: {  	_ =	task.clear_ibuf [dreg:s6], $0x2FFFF;
	_ =	strace $0x9FFFFFFF  }
0xc1: {  	(tm) =	ssettm $0x7FFFFFFF  }
tec
execute0_lowered:
.L_overlay_start_1:
0x0: {  	(tag) =	ssettag $0x1  }
0x1: {  	s0 =	srdreg.scid;
	s11 =	stileid.u32  }
0x2: {  	s7 =	sand.u32 $0x1, s0;
	s8 =	smul.u32 $0x4B000, s11  }
0x3: {  	s9 =	smul.u32 $0x25800, s7;
	_ =	sdelay $0x1  }
0x4: {  	s6 =	rddreg [dreg:$0x0];
	s8 =	sadd.s32 s9, s8  }
0x5: {  	s26 =	sshll.u32 s7, $0x4;
	s10 =	ssub.s32 $0x2, s7;
	s7 =	sshrl.u32 s8, $0x3  }
0x6: {  	s1 =	simm.s32 $0x0;
	s4 =	sadd.s32 $0x7000, s6;
	s13 =	sadd.s32 $0x280, s7  }
0x7: {  	[smem:$0x7FF] =	sst s1;
	s5 =	sadd.s32 $0x9D000, s6;
	s14 =	sadd.s32 s4, s13  }
0x8: {  	s2 =	sadd.s32 $0x133000, s6;
	s15 =	sadd.s32 s5, s13;
	[dreg:$0x2] =	wrdreg s14  }
0x9: {  	s3 =	sadd.s32 $0x1C9000, s6;
	s16 =	sadd.s32 s2, s13;
	[dreg:$0x3] =	wrdreg s15  }
0xa: {  	s0 =	sadd.s32 $0x25F000, s6;
	s17 =	sadd.s32 s3, s13;
	[dreg:$0x4] =	wrdreg s16  }
0xb: {  	s18 =	sadd.s32 $0x500, s7;
	s9 =	sadd.s32 s0, s13;
	[dreg:$0x5] =	wrdreg s17  }
0xc: {  	s19 =	sadd.s32 s4, s18;
	[dreg:$0x6] =	wrdreg s9  }
0xd: {  	s12 =	sshrl.u32 s10, $0x1;
	s20 =	sadd.s32 s5, s18;
	[dreg:$0x7] =	wrdreg s19  }
0xe: {  	s8 =	sadd.s32 s26, s6;
	s21 =	sadd.s32 s2, s18;
	[dreg:$0x8] =	wrdreg s20  }
0xf: {  	s6 =	ssub.s32 s10, s12;
	s22 =	sadd.s32 s3, s18;
	[dreg:$0x9] =	wrdreg s21  }
0x10: {  	s23 =	sadd.s32 $0x780, s7;
	s10 =	sadd.s32 s0, s18;
	[dreg:$0xa] =	wrdreg s22  }
0x11: {  	s24 =	sadd.s32 s4, s23;
	[dreg:$0xb] =	wrdreg s10  }
0x12: {  	s12 =	sadd.s32 s5, s23;
	[dreg:$0xc] =	wrdreg s24  }
0x13: {  	s26 =	sadd.s32 s2, s23;
	[dreg:$0xd] =	wrdreg s12  }
0x14: {  	s13 =	sadd.s32 s3, s23;
	[dreg:$0xe] =	wrdreg s26  }
0x15: {  	[dreg:$0xf] =	wrdreg s13;
	s14 =	sadd.s32 $0xA00, s7;
	s9 =	sadd.s32 s0, s23  }
0x16: {  	[dreg:$0x10] =	wrdreg s9;
	s15 =	sadd.s32 s4, s14  }
0x17: {  	s25 =	sshll.u32 s11, $0x5;
	s16 =	sadd.s32 s5, s14;
	[dreg:$0x11] =	wrdreg s15  }
0x18: {  	s10 =	sand.u32 $0x60, s25;
	s17 =	sadd.s32 s2, s14;
	[dreg:$0x12] =	wrdreg s16  }
0x19: {  	s19 =	sadd.s32 $0xC80, s7;
	s18 =	sadd.s32 s3, s14;
	[dreg:$0x13] =	wrdreg s17  }
0x1a: {  	s8 =	sadd.s32 s10, s8;
	s10 =	sadd.s32 s0, s14;
	[dreg:$0x14] =	wrdreg s18  }
0x1b: {  	s20 =	sadd.s32 s4, s19;
	[dreg:$0x15] =	wrdreg s10  }
0x1c: {  	s21 =	sadd.s32 s5, s19;
	[dreg:$0x16] =	wrdreg s20  }
0x1d: {  	s22 =	sadd.s32 s2, s19;
	[dreg:$0x17] =	wrdreg s21  }
0x1e: {  	s23 =	sadd.s32 s3, s19;
	[dreg:$0x18] =	wrdreg s22  }
0x1f: {  	s24 =	sadd.s32 $0xF00, s7;
	s9 =	sadd.s32 s0, s19;
	[dreg:$0x19] =	wrdreg s23  }
0x20: {  	s25 =	sadd.s32 s4, s24;
	[dreg:$0x1a] =	wrdreg s9  }
0x21: {  	s26 =	sadd.s32 s5, s24;
	[dreg:$0x1b] =	wrdreg s25  }
0x22: {  	s12 =	sadd.s32 s2, s24;
	[dreg:$0x1c] =	wrdreg s26  }
0x23: {  	s13 =	sadd.s32 s3, s24;
	[dreg:$0x1d] =	wrdreg s12  }
0x24: {  	s14 =	sadd.s32 $0x1180, s7;
	[dreg:$0x1e] =	wrdreg s13;
	s10 =	sadd.s32 s0, s24  }
0x25: {  	s15 =	sadd.s32 s4, s14;
	[dreg:$0x1f] =	wrdreg s10  }
0x26: {  	s16 =	sadd.s32 s5, s14;
	[smem:$0x790] =	sst s15  }
0x27: {  	s17 =	sadd.s32 s2, s14;
	[smem:$0x791] =	sst s16  }
0x28: {  	s18 =	sadd.s32 s3, s14;
	[smem:$0x792] =	sst s17  }
0x29: {  	s19 =	sadd.s32 $0x1400, s7;
	s9 =	sadd.s32 s0, s14;
	[smem:$0x793] =	sst s18  }
0x2a: {  	s20 =	sadd.s32 s4, s19;
	[smem:$0x794] =	sst s9  }
0x2b: {  	s21 =	sadd.s32 s5, s19;
	[smem:$0x795] =	sst s20  }
0x2c: {  	s22 =	sadd.s32 s2, s19;
	[smem:$0x796] =	sst s21  }
0x2d: {  	s23 =	sadd.s32 s3, s19;
	[smem:$0x797] =	sst s22  }
0x2e: {  	s24 =	sadd.s32 $0x1680, s7;
	[smem:$0x798] =	sst s23;
	s10 =	sadd.s32 s0, s19  }
0x2f: {  	s25 =	sadd.s32 s4, s24;
	[smem:$0x799] =	sst s10  }
0x30: {  	s26 =	sadd.s32 s5, s24;
	[smem:$0x79A] =	sst s25  }
0x31: {  	s12 =	sadd.s32 s2, s24;
	[smem:$0x79B] =	sst s26  }
0x32: {  	s13 =	sadd.s32 s3, s24;
	[smem:$0x79C] =	sst s12  }
0x33: {  	s14 =	sadd.s32 $0x1900, s7;
	s9 =	sadd.s32 s0, s24;
	[smem:$0x79D] =	sst s13  }
0x34: {  	s15 =	sadd.s32 s4, s14;
	[smem:$0x79E] =	sst s9  }
0x35: {  	s16 =	sadd.s32 s5, s14;
	[smem:$0x79F] =	sst s15  }
0x36: {  	s17 =	sadd.s32 s2, s14;
	[smem:$0x7A0] =	sst s16  }
0x37: {  	s18 =	sadd.s32 s3, s14;
	[smem:$0x7A1] =	sst s17  }
0x38: {  	s19 =	sadd.s32 $0x1B80, s7;
	[smem:$0x7A2] =	sst s18;
	s10 =	sadd.s32 s0, s14  }
0x39: {  	s20 =	sadd.s32 s4, s19;
	[smem:$0x7A3] =	sst s10  }
0x3a: {  	s21 =	sadd.s32 s5, s19;
	[smem:$0x7A4] =	sst s20  }
0x3b: {  	s22 =	sadd.s32 s2, s19;
	[smem:$0x7A5] =	sst s21  }
0x3c: {  	s23 =	sadd.s32 s3, s19;
	[smem:$0x7A6] =	sst s22  }
0x3d: {  	s24 =	sadd.s32 $0x1E00, s7;
	s9 =	sadd.s32 s0, s19;
	[smem:$0x7A7] =	sst s23  }
0x3e: {  	s25 =	sadd.s32 s4, s24;
	[smem:$0x7A8] =	sst s9  }
0x3f: {  	s26 =	sadd.s32 s5, s24;
	[smem:$0x7A9] =	sst s25  }
0x40: {  	s12 =	sadd.s32 s2, s24;
	[smem:$0x7AA] =	sst s26  }
0x41: {  	s13 =	sadd.s32 s3, s24;
	[smem:$0x7AB] =	sst s12  }
0x42: {  	s14 =	sadd.s32 $0x2080, s7;
	[smem:$0x7AC] =	sst s13;
	s10 =	sadd.s32 s0, s24  }
0x43: {  	s15 =	sadd.s32 s4, s14;
	[smem:$0x7AD] =	sst s10  }
0x44: {  	s16 =	sadd.s32 s5, s14;
	[smem:$0x7AE] =	sst s15  }
0x45: {  	s17 =	sadd.s32 s2, s14;
	[smem:$0x7AF] =	sst s16  }
0x46: {  	s18 =	sadd.s32 s3, s14;
	[smem:$0x7B0] =	sst s17  }
0x47: {  	s19 =	sadd.s32 $0x2300, s7;
	s9 =	sadd.s32 s0, s14;
	[smem:$0x7B1] =	sst s18  }
0x48: {  	s20 =	sadd.s32 s4, s19;
	[smem:$0x7B2] =	sst s9  }
0x49: {  	s21 =	sadd.s32 s5, s19;
	[smem:$0x7B3] =	sst s20  }
0x4a: {  	s22 =	sadd.s32 s2, s19;
	[smem:$0x7B4] =	sst s21  }
0x4b: {  	s23 =	sadd.s32 s3, s19;
	[smem:$0x7B5] =	sst s22  }
0x4c: {  	s24 =	sadd.s32 $0x2580, s7;
	[smem:$0x7B6] =	sst s23;
	s10 =	sadd.s32 s0, s19  }
0x4d: {  	s25 =	sadd.s32 s4, s24;
	[smem:$0x7B7] =	sst s10  }
0x4e: {  	s26 =	sadd.s32 s5, s24;
	[smem:$0x7B8] =	sst s25  }
0x4f: {  	s12 =	sadd.s32 s2, s24;
	[smem:$0x7B9] =	sst s26  }
0x50: {  	s13 =	sadd.s32 s3, s24;
	[smem:$0x7BA] =	sst s12  }
0x51: {  	s14 =	sadd.s32 $0x2800, s7;
	s9 =	sadd.s32 s0, s24;
	[smem:$0x7BB] =	sst s13  }
0x52: {  	s15 =	sadd.s32 s4, s14;
	[smem:$0x7BC] =	sst s9  }
0x53: {  	s16 =	sadd.s32 s5, s14;
	[smem:$0x7BD] =	sst s15  }
0x54: {  	s17 =	sadd.s32 s2, s14;
	[smem:$0x7BE] =	sst s16  }
0x55: {  	s18 =	sadd.s32 s3, s14;
	[smem:$0x7BF] =	sst s17  }
0x56: {  	s19 =	sadd.s32 $0x2A80, s7;
	[smem:$0x7C0] =	sst s18;
	s10 =	sadd.s32 s0, s14  }
0x57: {  	s20 =	sadd.s32 s4, s19;
	[smem:$0x7C1] =	sst s10  }
0x58: {  	s21 =	sadd.s32 s5, s19;
	[smem:$0x7C2] =	sst s20  }
0x59: {  	s22 =	sadd.s32 s2, s19;
	[smem:$0x7C3] =	sst s21  }
0x5a: {  	s23 =	sadd.s32 s3, s19;
	[smem:$0x7C4] =	sst s22  }
0x5b: {  	s24 =	sadd.s32 $0x2D00, s7;
	s9 =	sadd.s32 s0, s19;
	[smem:$0x7C5] =	sst s23  }
0x5c: {  	s25 =	sadd.s32 s4, s24;
	[smem:$0x7C6] =	sst s9  }
0x5d: {  	s26 =	sadd.s32 s5, s24;
	[smem:$0x7C7] =	sst s25  }
0x5e: {  	s12 =	sadd.s32 s2, s24;
	[smem:$0x7C8] =	sst s26  }
0x5f: {  	s13 =	sadd.s32 s3, s24;
	[smem:$0x7C9] =	sst s12  }
0x60: {  	s14 =	sadd.s32 $0x2F80, s7;
	[smem:$0x7CA] =	sst s13;
	s10 =	sadd.s32 s0, s24  }
0x61: {  	s15 =	sadd.s32 s4, s14;
	[smem:$0x7CB] =	sst s10  }
0x62: {  	s16 =	sadd.s32 s5, s14;
	[smem:$0x7CC] =	sst s15  }
0x63: {  	s17 =	sadd.s32 s2, s14;
	[smem:$0x7CD] =	sst s16  }
0x64: {  	s18 =	sadd.s32 s3, s14;
	[smem:$0x7CE] =	sst s17  }
0x65: {  	s19 =	sadd.s32 $0x3200, s7;
	s9 =	sadd.s32 s0, s14;
	[smem:$0x7CF] =	sst s18  }
0x66: {  	s20 =	sadd.s32 s4, s19;
	[smem:$0x7D0] =	sst s9  }
0x67: {  	s21 =	sadd.s32 s5, s19;
	[smem:$0x7D1] =	sst s20  }
0x68: {  	s22 =	sadd.s32 s2, s19;
	[smem:$0x7D2] =	sst s21  }
0x69: {  	s23 =	sadd.s32 s3, s19;
	[smem:$0x7D3] =	sst s22  }
0x6a: {  	s24 =	sadd.s32 $0x3480, s7;
	[smem:$0x7D4] =	sst s23;
	s10 =	sadd.s32 s0, s19  }
0x6b: {  	s25 =	sadd.s32 s4, s24;
	[smem:$0x7D5] =	sst s10  }
0x6c: {  	s26 =	sadd.s32 s5, s24;
	[smem:$0x7D6] =	sst s25  }
0x6d: {  	s12 =	sadd.s32 s2, s24;
	[smem:$0x7D7] =	sst s26  }
0x6e: {  	s13 =	sadd.s32 s3, s24;
	[smem:$0x7D8] =	sst s12  }
0x6f: {  	s14 =	sadd.s32 $0x3700, s7;
	s9 =	sadd.s32 s0, s24;
	[smem:$0x7D9] =	sst s13  }
0x70: {  	s15 =	sadd.s32 s4, s14;
	[smem:$0x7DA] =	sst s9  }
0x71: {  	s16 =	sadd.s32 s5, s14;
	[smem:$0x7DB] =	sst s15  }
0x72: {  	s17 =	sadd.s32 s2, s14;
	[smem:$0x7DC] =	sst s16  }
0x73: {  	s18 =	sadd.s32 s3, s14;
	[smem:$0x7DD] =	sst s17  }
0x74: {  	s19 =	sadd.s32 $0x3980, s7;
	[smem:$0x7DE] =	sst s18;
	s10 =	sadd.s32 s0, s14  }
0x75: {  	s20 =	sadd.s32 s4, s19;
	[smem:$0x7DF] =	sst s10  }
0x76: {  	s21 =	sadd.s32 s5, s19;
	[smem:$0x7E0] =	sst s20  }
0x77: {  	s22 =	sadd.s32 s2, s19;
	[smem:$0x7E1] =	sst s21  }
0x78: {  	s23 =	sadd.s32 s3, s19;
	[smem:$0x7E2] =	sst s22  }
0x79: {  	s24 =	sadd.s32 $0x3C00, s7;
	s9 =	sadd.s32 s0, s19;
	[smem:$0x7E3] =	sst s23  }
0x7a: {  	s25 =	sadd.s32 s4, s24;
	[smem:$0x7E4] =	sst s9  }
0x7b: {  	s26 =	sadd.s32 s5, s24;
	[smem:$0x7E5] =	sst s25  }
0x7c: {  	s12 =	sadd.s32 s2, s24;
	[smem:$0x7E6] =	sst s26  }
0x7d: {  	s13 =	sadd.s32 s3, s24;
	[smem:$0x7E7] =	sst s12  }
0x7e: {  	s14 =	sadd.s32 $0x3E80, s7;
	[smem:$0x7E8] =	sst s13;
	s10 =	sadd.s32 s0, s24  }
0x7f: {  	s15 =	sadd.s32 s4, s14;
	[smem:$0x7E9] =	sst s10  }
0x80: {  	s16 =	sadd.s32 s5, s14;
	[smem:$0x7EA] =	sst s15  }
0x81: {  	s17 =	sadd.s32 s2, s14;
	[smem:$0x7EB] =	sst s16  }
0x82: {  	s18 =	sadd.s32 s3, s14;
	[smem:$0x7EC] =	sst s17  }
0x83: {  	s19 =	sadd.s32 $0x4100, s7;
	s9 =	sadd.s32 s0, s14;
	[smem:$0x7ED] =	sst s18  }
0x84: {  	s20 =	sadd.s32 s4, s19;
	[smem:$0x7EE] =	sst s9  }
0x85: {  	s21 =	sadd.s32 s5, s19;
	[smem:$0x7EF] =	sst s20  }
0x86: {  	s22 =	sadd.s32 s2, s19;
	[smem:$0x7F0] =	sst s21  }
0x87: {  	s23 =	sadd.s32 s3, s19;
	[smem:$0x7F1] =	sst s22  }
0x88: {  	s24 =	sadd.s32 $0x4380, s7;
	[smem:$0x7F2] =	sst s23;
	s10 =	sadd.s32 s0, s19  }
0x89: {  	s25 =	sadd.s32 s4, s24;
	[smem:$0x7F3] =	sst s10  }
0x8a: {  	s26 =	sadd.s32 s5, s24;
	[smem:$0x7F4] =	sst s25  }
0x8b: {  	s12 =	sadd.s32 s2, s24;
	[smem:$0x7F5] =	sst s26  }
0x8c: {  	s13 =	sadd.s32 s3, s24;
	[smem:$0x7F6] =	sst s12  }
0x8d: {  	s14 =	sadd.s32 $0x4600, s7;
	s9 =	sadd.s32 s0, s24;
	[smem:$0x7F7] =	sst s13  }
0x8e: {  	s15 =	sadd.s32 s4, s14;
	[smem:$0x7F8] =	sst s9  }
0x8f: {  	s16 =	sadd.s32 s5, s14;
	s17 =	sadd.s32 s2, s14;
	[smem:$0x7F9] =	sst s15  }
0x90: {  	s18 =	sadd.s32 s3, s14;
	s19 =	sadd.s32 s0, s14;
	[smem:$0x7FA] =	sst s16  }
0x91: {  	s22 =	sadd.s32 s4, s7;
	s23 =	sadd.s32 s5, s7;
	[smem:$0x7FB] =	sst s17  }
0x92: {  	s24 =	sadd.s32 s2, s7;
	s20 =	sshll.u32 s11, $0xC;
	[smem:$0x7FC] =	sst s18  }
0x93: {  	s11 =	simm.s32 $0x6400;
	s14 =	simm.s32 $0xC800;
	[smem:$0x7FD] =	sst s19  }
0x94: {  	s25 =	sadd.s32 s3, s7;
	s26 =	sadd.s32 s0, s7;
	s7 =	sadd.s32 $0x4880, s7  }
0x95: {  	s21 =	sand.u32 $0xC000, s20;
	s9 =	simm.s32 $0x1400;
	s10 =	simm.s32 $0x3C00  }
0x96: {  	s12 =	simm.s32 $0x8C00;
	s13 =	simm.s32 $0xB400;
	s15 =	simm.s32 $0x2  }
0x97: {  	s16 =	simm.s32 $0x3;
	s28 =	sadd.s32 s4, s7;
	s29 =	sadd.s32 s5, s7  }
0x98: {  	s30 =	sadd.s32 s2, s7;
	s31 =	sadd.s32 s3, s7;
	s0 =	sadd.s32 s0, s7  }
0x99: {  	s2 =	sadd.s32 s21, s8;
	_ =	strace $0x80000047;
	s3 =	smax.u32 s6, $0x1  }
0x9a: {  	s4 =	simm.s32 $0x2800;
	s5 =	simm.s32 $0x5000;
	s6 =	simm.s32 $0x7800  }
0x9b: {  	v0 =	vimm.f32 $0.0e+00;
	s7 =	simm.s32 $0xA000;
	s8 =	simm.s32 $0x1;
	s2 =	sadd.s32 $0x2F5000, s2  }
.LBB2_1:
0x9c: {  	s17 =	simm.s32 $0x40;
	s18 =	simm.s32 $0x0  }
.LBB2_2:
0x9d: {  	p0 =	sne.s32 s17, $0x40BC0;
	[tilespmem:s18+$0xC800] =	vst v0;
	s18 =	smov.u32 s17;
	s17 =	sadd.s32 $0x40, s17  }
.Ltmp0:
0x9e: {  	(pc) =	sbr.rel @p0 .LBB2_2-.Ltmp0, $2  }
0x9f: {  	_ =	sdelay $0x2  }
0xa0: {  	s18 =	sshra.s32 s18, $0x2  }
0xa1: {  	[tilespmem:s18+$0xC800] =	vst v0;
	s17 =	simm.s32 $0x0  }
0xa2: {  	[tilespmem:s17], [sflag:$0x1] =	stream.linear.gather [hbm4b:s22+s17], $0x1400, $0x38;
	[tilespmem:$0x1CB00] =	vst v63  }
0xa3: {  	_ = 	snop  }
0xa4: {  	[tilespmem:s4], [sflag:$0x1] =	stream.linear.gather [hbm4b:s23+s17], $0x1400, $0x38;
	[tilespmem:$0x1CB00] =	vst v63  }
0xa5: {  	_ = 	snop  }
0xa6: {  	[tilespmem:s5], [sflag:$0x1] =	stream.linear.gather [hbm4b:s24+s17], $0x1400, $0x38;
	[tilespmem:$0x1CB00] =	vst v63  }
0xa7: {  	_ = 	snop  }
0xa8: {  	[tilespmem:s6], [sflag:$0x1] =	stream.linear.gather [hbm4b:s25+s17], $0x1400, $0x38;
	[tilespmem:$0x1CB00] =	vst v63  }
0xa9: {  	_ = 	snop  }
0xaa: {  	[tilespmem:s7], [sflag:$0x1] =	stream.linear.gather [hbm4b:s26+s17], $0x1400, $0x38;
	[tilespmem:$0x1CB00] =	vst v63  }
0xab: {  	_ =	swait.ge [sflag:s8], $0x1400  }
0xac: {  	[sflag:s8] =	ssyncset.done $0x0  }
0xad: {  	[sflag:s8] =	ssyncadd.s32 $0xFFFFEC00  }
0xae: {  	_ =	swait.ge [sflag:s8], $0x1400  }
0xaf: {  	[sflag:s8] =	ssyncset.done $0x0  }
0xb0: {  	[sflag:s8] =	ssyncadd.s32 $0xFFFFEC00  }
0xb1: {  	_ =	swait.ge [sflag:s8], $0x1400  }
0xb2: {  	[sflag:s8] =	ssyncset.done $0x0  }
0xb3: {  	[sflag:s8] =	ssyncadd.s32 $0xFFFFEC00  }
0xb4: {  	_ =	swait.ge [sflag:s8], $0x1400  }
0xb5: {  	[sflag:s8] =	ssyncset.done $0x0  }
0xb6: {  	[sflag:s8] =	ssyncadd.s32 $0xFFFFEC00  }
0xb7: {  	_ =	swait.ge [sflag:s8], $0x1400  }
0xb8: {  	[sflag:s8] =	ssyncset.done $0x0  }
0xb9: {  	s20 =	rddreg [dreg:$0x2];
	[sflag:s8] =	ssyncadd.s32 $0xFFFFEC00  }
0xba: {  	[tilespmem:s9], [sflag:$0x2] =	stream.linear.gather [hbm4b:s20+s17], $0x1400, $0x38;
	[tilespmem:$0x1CB00] =	vst v63  }
0xbb: {  	s21 =	rddreg [dreg:$0x3]  }
0xbc: {  	[tilespmem:s10], [sflag:$0x2] =	stream.linear.gather [hbm4b:s21+s17], $0x1400, $0x38;
	[tilespmem:$0x1CB00] =	vst v63  }
0xbd: {  	s19 =	rddreg [dreg:$0x4]  }
0xbe: {  	[tilespmem:s11], [sflag:$0x2] =	stream.linear.gather [hbm4b:s19+s17], $0x1400, $0x38;
	[tilespmem:$0x1CB00] =	vst v63  }
0xbf: {  	s20 =	rddreg [dreg:$0x5]  }
0xc0: {  	[tilespmem:s12], [sflag:$0x2] =	stream.linear.gather [hbm4b:s20+s17], $0x1400, $0x38;
	[tilespmem:$0x1CB00] =	vst v63  }
0xc1: {  	s18 =	simm.s32 $0x0;
	s21 =	rddreg [dreg:$0x6]  }
0xc2: {  	[tilespmem:s13], [sflag:$0x2] =	stream.linear.gather [hbm4b:s21+s17], $0x1400, $0x38;
	[tilespmem:$0x1CB00] =	vst v63  }
0xc3: {  	v2 =	vld [tilespmem:s18+$0x0]  }
0xc4: {  	s17 =	simm.s32 $0x40;
	v1 =	vld [tilespmem:s18+$0xA000]  }
.LBB2_4:
0xc5: {  	p0 =	sne.s32 s17, $0x4FC0;
	v3 =	vld [tilespmem:s18+$0x7800]  }
0xc6: {  	v4 =	vld [tilespmem:s18+$0x5000]  }
0xc7: {  	v5 =	vld [tilespmem:s18+$0x2800]  }
0xc8: {  	v6 =	vadd.s32 $0x1, v2  }
0xc9: {  	v7 =	vadd.s32 $0x80, v2  }
0xca: {  	v8 =	vadd.s32 $0x81, v2;
	_ =	sdelay $0x1  }
0xcb: {  	[tilespmem:v2+s14+$0x0] =	vst.idx.add.f32.msk $0xffff, v5  }
.Ltmp1:
0xcc: {  	[tilespmem:v6+s14+$0x0] =	vst.idx.add.f32.msk $0xffff, v4;
	(pc) =	sbr.rel @p0 .LBB2_4-.Ltmp1, $4  }
0xcd: {  	[tilespmem:v7+s14+$0x0] =	vst.idx.add.f32.msk $0xffff, v3  }
0xce: {  	s18 =	sshra.s32 s17, $0x2;
	[tilespmem:v8+s14+$0x0] =	vst.idx.add.f32.msk $0xffff, v1  }
0xcf: {  	v2 =	vld [tilespmem:s18+$0x0]  }
0xd0: {  	s17 =	sadd.s32 $0x40, s17;
	v1 =	vld [tilespmem:s18+$0xA000]  }
0xd1: {  	_ =	sdelay $0x1  }
0xd2: {  	v3 =	vld [tilespmem:s18+$0x2800]  }
0xd3: {  	v4 =	vld [tilespmem:s18+$0x5000];
	v5 =	vadd.s32 $0x1, v2  }
0xd4: {  	v6 =	vld [tilespmem:s18+$0x7800];
	v7 =	vadd.s32 $0x80, v2  }
0xd5: {  	v8 =	vadd.s32 $0x81, v2;
	_ =	sdelay $0x1  }
0xd6: {  	[tilespmem:v2+s14+$0x0] =	vst.idx.add.f32.msk $0xffff, v3  }
0xd7: {  	[tilespmem:v5+s14+$0x0] =	vst.idx.add.f32.msk $0xffff, v4  }
0xd8: {  	[tilespmem:v7+s14+$0x0] =	vst.idx.add.f32.msk $0xffff, v6  }
0xd9: {  	[tilespmem:v8+s14+$0x0] =	vst.idx.add.f32.msk $0xffff, v1  }
0xda: {  	_ =	swait.ge [sflag:s15], $0x1400  }
0xdb: {  	[sflag:s15] =	ssyncset.done $0x0  }
0xdc: {  	[sflag:s15] =	ssyncadd.s32 $0xFFFFEC00  }
0xdd: {  	_ =	swait.ge [sflag:s15], $0x1400  }
0xde: {  	[sflag:s15] =	ssyncset.done $0x0  }
0xdf: {  	[sflag:s15] =	ssyncadd.s32 $0xFFFFEC00  }
0xe0: {  	_ =	swait.ge [sflag:s15], $0x1400  }
0xe1: {  	[sflag:s15] =	ssyncset.done $0x0  }
0xe2: {  	[sflag:s15] =	ssyncadd.s32 $0xFFFFEC00  }
0xe3: {  	_ =	swait.ge [sflag:s15], $0x1400  }
0xe4: {  	[sflag:s15] =	ssyncset.done $0x0  }
0xe5: {  	[sflag:s15] =	ssyncadd.s32 $0xFFFFEC00  }
0xe6: {  	_ =	swait.ge [sflag:s15], $0x1400  }
0xe7: {  	[sflag:s15] =	ssyncset.done $0x0  }
0xe8: {  	s17 =	simm.s32 $0x0;
	s20 =	rddreg [dreg:$0x7];
	[sflag:s15] =	ssyncadd.s32 $0xFFFFEC00  }
0xe9: {  	[tilespmem:s17], [sflag:$0x1] =	stream.linear.gather [hbm4b:s20+s17], $0x1400, $0x38;
	[tilespmem:$0x1CB00] =	vst v63  }
0xea: {  	s21 =	rddreg [dreg:$0x8]  }
0xeb: {  	[tilespmem:s4], [sflag:$0x1] =	stream.linear.gather [hbm4b:s21+s17], $0x1400, $0x38;
	[tilespmem:$0x1CB00] =	vst v63  }
0xec: {  	s19 =	rddreg [dreg:$0x9]  }
0xed: {  	[tilespmem:s5], [sflag:$0x1] =	stream.linear.gather [hbm4b:s19+s17], $0x1400, $0x38;
	[tilespmem:$0x1CB00] =	vst v63  }
0xee: {  	s20 =	rddreg [dreg:$0xa]  }
0xef: {  	[tilespmem:s6], [sflag:$0x1] =	stream.linear.gather [hbm4b:s20+s17], $0x1400, $0x38;
	[tilespmem:$0x1CB00] =	vst v63  }
0xf0: {  	s18 =	simm.s32 $0x0;
	s21 =	rddreg [dreg:$0xb]  }
0xf1: {  	[tilespmem:s7], [sflag:$0x1] =	stream.linear.gather [hbm4b:s21+s17], $0x1400, $0x38;
	[tilespmem:$0x1CB00] =	vst v63  }
0xf2: {  	v2 =	vld [tilespmem:s18+$0x1400]  }
0xf3: {  	s17 =	simm.s32 $0x40;
	v1 =	vld [tilespmem:s18+$0xB400]  }
.LBB2_6:
0xf4: {  	p0 =	sne.s32 s17, $0x4FC0;
	v3 =	vld [tilespmem:s18+$0x8C00]  }
0xf5: {  	v4 =	vld [tilespmem:s18+$0x6400]  }
0xf6: {  	v5 =	vld [tilespmem:s18+$0x3C00]  }
0xf7: {  	v6 =	vadd.s32 $0x1, v2  }
0xf8: {  	v7 =	vadd.s32 $0x80, v2  }
0xf9: {  	v8 =	vadd.s32 $0x81, v2;
	_ =	sdelay $0x1  }
0xfa: {  	[tilespmem:v2+s14+$0x0] =	vst.idx.add.f32.msk $0xffff, v5  }
.Ltmp2:
0xfb: {  	[tilespmem:v6+s14+$0x0] =	vst.idx.add.f32.msk $0xffff, v4;
	(pc) =	sbr.rel @p0 .LBB2_6-.Ltmp2, $4  }
0xfc: {  	[tilespmem:v7+s14+$0x0] =	vst.idx.add.f32.msk $0xffff, v3  }
0xfd: {  	s18 =	sshra.s32 s17, $0x2;
	[tilespmem:v8+s14+$0x0] =	vst.idx.add.f32.msk $0xffff, v1  }
0xfe: {  	v2 =	vld [tilespmem:s18+$0x1400]  }
0xff: {  	s17 =	sadd.s32 $0x40, s17;
	v1 =	vld [tilespmem:s18+$0xB400]  }
0x100: {  	_ =	sdelay $0x1  }
0x101: {  	v3 =	vld [tilespmem:s18+$0x3C00]  }
0x102: {  	v4 =	vld [tilespmem:s18+$0x6400];
	v5 =	vadd.s32 $0x1, v2  }
0x103: {  	v6 =	vld [tilespmem:s18+$0x8C00];
	v7 =	vadd.s32 $0x80, v2  }
0x104: {  	v8 =	vadd.s32 $0x81, v2;
	_ =	sdelay $0x1  }
0x105: {  	[tilespmem:v2+s14+$0x0] =	vst.idx.add.f32.msk $0xffff, v3  }
0x106: {  	[tilespmem:v5+s14+$0x0] =	vst.idx.add.f32.msk $0xffff, v4  }
0x107: {  	[tilespmem:v7+s14+$0x0] =	vst.idx.add.f32.msk $0xffff, v6  }
0x108: {  	[tilespmem:v8+s14+$0x0] =	vst.idx.add.f32.msk $0xffff, v1  }
0x109: {  	_ =	swait.ge [sflag:s8], $0x1400  }
0x10a: {  	[sflag:s8] =	ssyncset.done $0x0  }
0x10b: {  	[sflag:s8] =	ssyncadd.s32 $0xFFFFEC00  }
0x10c: {  	_ =	swait.ge [sflag:s8], $0x1400  }
0x10d: {  	[sflag:s8] =	ssyncset.done $0x0  }
0x10e: {  	[sflag:s8] =	ssyncadd.s32 $0xFFFFEC00  }
0x10f: {  	_ =	swait.ge [sflag:s8], $0x1400  }
0x110: {  	[sflag:s8] =	ssyncset.done $0x0  }
0x111: {  	[sflag:s8] =	ssyncadd.s32 $0xFFFFEC00  }
0x112: {  	_ =	swait.ge [sflag:s8], $0x1400  }
0x113: {  	[sflag:s8] =	ssyncset.done $0x0  }
0x114: {  	[sflag:s8] =	ssyncadd.s32 $0xFFFFEC00  }
0x115: {  	_ =	swait.ge [sflag:s8], $0x1400  }
0x116: {  	[sflag:s8] =	ssyncset.done $0x0  }
0x117: {  	s17 =	simm.s32 $0x0;
	s20 =	rddreg [dreg:$0xc];
	[sflag:s8] =	ssyncadd.s32 $0xFFFFEC00  }
0x118: {  	[tilespmem:s9], [sflag:$0x2] =	stream.linear.gather [hbm4b:s20+s17], $0x1400, $0x38;
	[tilespmem:$0x1CB00] =	vst v63  }
0x119: {  	s21 =	rddreg [dreg:$0xd]  }
0x11a: {  	[tilespmem:s10], [sflag:$0x2] =	stream.linear.gather [hbm4b:s21+s17], $0x1400, $0x38;
	[tilespmem:$0x1CB00] =	vst v63  }
0x11b: {  	s19 =	rddreg [dreg:$0xe]  }
0x11c: {  	[tilespmem:s11], [sflag:$0x2] =	stream.linear.gather [hbm4b:s19+s17], $0x1400, $0x38;
	[tilespmem:$0x1CB00] =	vst v63  }
0x11d: {  	s20 =	rddreg [dreg:$0xf]  }
0x11e: {  	[tilespmem:s12], [sflag:$0x2] =	stream.linear.gather [hbm4b:s20+s17], $0x1400, $0x38;
	[tilespmem:$0x1CB00] =	vst v63  }
0x11f: {  	s18 =	simm.s32 $0x0;
	s21 =	rddreg [dreg:$0x10]  }
0x120: {  	[tilespmem:s13], [sflag:$0x2] =	stream.linear.gather [hbm4b:s21+s17], $0x1400, $0x38;
	[tilespmem:$0x1CB00] =	vst v63  }
0x121: {  	v2 =	vld [tilespmem:s18+$0x0]  }
0x122: {  	s17 =	simm.s32 $0x40;
	v1 =	vld [tilespmem:s18+$0xA000]  }
.LBB2_8:
0x123: {  	p0 =	sne.s32 s17, $0x4FC0;
	v3 =	vld [tilespmem:s18+$0x7800]  }
0x124: {  	v4 =	vld [tilespmem:s18+$0x5000]  }
0x125: {  	v5 =	vld [tilespmem:s18+$0x2800]  }
0x126: {  	v6 =	vadd.s32 $0x1, v2  }
0x127: {  	v7 =	vadd.s32 $0x80, v2  }
0x128: {  	v8 =	vadd.s32 $0x81, v2;
	_ =	sdelay $0x1  }
0x129: {  	[tilespmem:v2+s14+$0x0] =	vst.idx.add.f32.msk $0xffff, v5  }
.Ltmp3:
0x12a: {  	[tilespmem:v6+s14+$0x0] =	vst.idx.add.f32.msk $0xffff, v4;
	(pc) =	sbr.rel @p0 .LBB2_8-.Ltmp3, $4  }
0x12b: {  	[tilespmem:v7+s14+$0x0] =	vst.idx.add.f32.msk $0xffff, v3  }
0x12c: {  	s18 =	sshra.s32 s17, $0x2;
	[tilespmem:v8+s14+$0x0] =	vst.idx.add.f32.msk $0xffff, v1  }
0x12d: {  	v2 =	vld [tilespmem:s18+$0x0]  }
0x12e: {  	s17 =	sadd.s32 $0x40, s17;
	v1 =	vld [tilespmem:s18+$0xA000]  }
0x12f: {  	_ =	sdelay $0x1  }
0x130: {  	v3 =	vld [tilespmem:s18+$0x2800]  }
0x131: {  	v4 =	vld [tilespmem:s18+$0x5000];
	v5 =	vadd.s32 $0x1, v2  }
0x132: {  	v6 =	vld [tilespmem:s18+$0x7800];
	v7 =	vadd.s32 $0x80, v2  }
0x133: {  	v8 =	vadd.s32 $0x81, v2;
	_ =	sdelay $0x1  }
0x134: {  	[tilespmem:v2+s14+$0x0] =	vst.idx.add.f32.msk $0xffff, v3  }
0x135: {  	[tilespmem:v5+s14+$0x0] =	vst.idx.add.f32.msk $0xffff, v4  }
0x136: {  	[tilespmem:v7+s14+$0x0] =	vst.idx.add.f32.msk $0xffff, v6  }
0x137: {  	[tilespmem:v8+s14+$0x0] =	vst.idx.add.f32.msk $0xffff, v1  }
0x138: {  	_ =	swait.ge [sflag:s15], $0x1400  }
0x139: {  	[sflag:s15] =	ssyncset.done $0x0  }
0x13a: {  	[sflag:s15] =	ssyncadd.s32 $0xFFFFEC00  }
0x13b: {  	_ =	swait.ge [sflag:s15], $0x1400  }
0x13c: {  	[sflag:s15] =	ssyncset.done $0x0  }
0x13d: {  	[sflag:s15] =	ssyncadd.s32 $0xFFFFEC00  }
0x13e: {  	_ =	swait.ge [sflag:s15], $0x1400  }
0x13f: {  	[sflag:s15] =	ssyncset.done $0x0  }
0x140: {  	[sflag:s15] =	ssyncadd.s32 $0xFFFFEC00  }
0x141: {  	_ =	swait.ge [sflag:s15], $0x1400  }
0x142: {  	[sflag:s15] =	ssyncset.done $0x0  }
0x143: {  	[sflag:s15] =	ssyncadd.s32 $0xFFFFEC00  }
0x144: {  	_ =	swait.ge [sflag:s15], $0x1400  }
0x145: {  	[sflag:s15] =	ssyncset.done $0x0  }
0x146: {  	s17 =	simm.s32 $0x0;
	s20 =	rddreg [dreg:$0x11];
	[sflag:s15] =	ssyncadd.s32 $0xFFFFEC00  }
0x147: {  	[tilespmem:s17], [sflag:$0x1] =	stream.linear.gather [hbm4b:s20+s17], $0x1400, $0x38;
	[tilespmem:$0x1CB00] =	vst v63  }
0x148: {  	s21 =	rddreg [dreg:$0x12]  }
0x149: {  	[tilespmem:s4], [sflag:$0x1] =	stream.linear.gather [hbm4b:s21+s17], $0x1400, $0x38;
	[tilespmem:$0x1CB00] =	vst v63  }
0x14a: {  	s19 =	rddreg [dreg:$0x13]  }
0x14b: {  	[tilespmem:s5], [sflag:$0x1] =	stream.linear.gather [hbm4b:s19+s17], $0x1400, $0x38;
	[tilespmem:$0x1CB00] =	vst v63  }
0x14c: {  	s20 =	rddreg [dreg:$0x14]  }
0x14d: {  	[tilespmem:s6], [sflag:$0x1] =	stream.linear.gather [hbm4b:s20+s17], $0x1400, $0x38;
	[tilespmem:$0x1CB00] =	vst v63  }
0x14e: {  	s18 =	simm.s32 $0x0;
	s21 =	rddreg [dreg:$0x15]  }
0x14f: {  	[tilespmem:s7], [sflag:$0x1] =	stream.linear.gather [hbm4b:s21+s17], $0x1400, $0x38;
	[tilespmem:$0x1CB00] =	vst v63  }
0x150: {  	v2 =	vld [tilespmem:s18+$0x1400]  }
0x151: {  	s17 =	simm.s32 $0x40;
	v1 =	vld [tilespmem:s18+$0xB400]  }
.LBB2_10:
0x152: {  	p0 =	sne.s32 s17, $0x4FC0;
	v3 =	vld [tilespmem:s18+$0x8C00]  }
0x153: {  	v4 =	vld [tilespmem:s18+$0x6400]  }
0x154: {  	v5 =	vld [tilespmem:s18+$0x3C00]  }
0x155: {  	v6 =	vadd.s32 $0x1, v2  }
0x156: {  	v7 =	vadd.s32 $0x80, v2  }
0x157: {  	v8 =	vadd.s32 $0x81, v2;
	_ =	sdelay $0x1  }
0x158: {  	[tilespmem:v2+s14+$0x0] =	vst.idx.add.f32.msk $0xffff, v5  }
.Ltmp4:
0x159: {  	[tilespmem:v6+s14+$0x0] =	vst.idx.add.f32.msk $0xffff, v4;
	(pc) =	sbr.rel @p0 .LBB2_10-.Ltmp4, $4  }
0x15a: {  	[tilespmem:v7+s14+$0x0] =	vst.idx.add.f32.msk $0xffff, v3  }
0x15b: {  	s18 =	sshra.s32 s17, $0x2;
	[tilespmem:v8+s14+$0x0] =	vst.idx.add.f32.msk $0xffff, v1  }
0x15c: {  	v2 =	vld [tilespmem:s18+$0x1400]  }
0x15d: {  	s17 =	sadd.s32 $0x40, s17;
	v1 =	vld [tilespmem:s18+$0xB400]  }
0x15e: {  	_ =	sdelay $0x1  }
0x15f: {  	v3 =	vld [tilespmem:s18+$0x3C00]  }
0x160: {  	v4 =	vld [tilespmem:s18+$0x6400];
	v5 =	vadd.s32 $0x1, v2  }
0x161: {  	v6 =	vld [tilespmem:s18+$0x8C00];
	v7 =	vadd.s32 $0x80, v2  }
0x162: {  	v8 =	vadd.s32 $0x81, v2;
	_ =	sdelay $0x1  }
0x163: {  	[tilespmem:v2+s14+$0x0] =	vst.idx.add.f32.msk $0xffff, v3  }
0x164: {  	[tilespmem:v5+s14+$0x0] =	vst.idx.add.f32.msk $0xffff, v4  }
0x165: {  	[tilespmem:v7+s14+$0x0] =	vst.idx.add.f32.msk $0xffff, v6  }
0x166: {  	[tilespmem:v8+s14+$0x0] =	vst.idx.add.f32.msk $0xffff, v1  }
0x167: {  	_ =	swait.ge [sflag:s8], $0x1400  }
0x168: {  	[sflag:s8] =	ssyncset.done $0x0  }
0x169: {  	[sflag:s8] =	ssyncadd.s32 $0xFFFFEC00  }
0x16a: {  	_ =	swait.ge [sflag:s8], $0x1400  }
0x16b: {  	[sflag:s8] =	ssyncset.done $0x0  }
0x16c: {  	[sflag:s8] =	ssyncadd.s32 $0xFFFFEC00  }
0x16d: {  	_ =	swait.ge [sflag:s8], $0x1400  }
0x16e: {  	[sflag:s8] =	ssyncset.done $0x0  }
0x16f: {  	[sflag:s8] =	ssyncadd.s32 $0xFFFFEC00  }
0x170: {  	_ =	swait.ge [sflag:s8], $0x1400  }
0x171: {  	[sflag:s8] =	ssyncset.done $0x0  }
0x172: {  	[sflag:s8] =	ssyncadd.s32 $0xFFFFEC00  }
0x173: {  	_ =	swait.ge [sflag:s8], $0x1400  }
0x174: {  	[sflag:s8] =	ssyncset.done $0x0  }
0x175: {  	s17 =	simm.s32 $0x0;
	s20 =	rddreg [dreg:$0x16];
	[sflag:s8] =	ssyncadd.s32 $0xFFFFEC00  }
0x176: {  	[tilespmem:s9], [sflag:$0x2] =	stream.linear.gather [hbm4b:s20+s17], $0x1400, $0x38;
	[tilespmem:$0x1CB00] =	vst v63  }
0x177: {  	s21 =	rddreg [dreg:$0x17]  }
0x178: {  	[tilespmem:s10], [sflag:$0x2] =	stream.linear.gather [hbm4b:s21+s17], $0x1400, $0x38;
	[tilespmem:$0x1CB00] =	vst v63  }
0x179: {  	s19 =	rddreg [dreg:$0x18]  }
0x17a: {  	[tilespmem:s11], [sflag:$0x2] =	stream.linear.gather [hbm4b:s19+s17], $0x1400, $0x38;
	[tilespmem:$0x1CB00] =	vst v63  }
0x17b: {  	s20 =	rddreg [dreg:$0x19]  }
0x17c: {  	[tilespmem:s12], [sflag:$0x2] =	stream.linear.gather [hbm4b:s20+s17], $0x1400, $0x38;
	[tilespmem:$0x1CB00] =	vst v63  }
0x17d: {  	s18 =	simm.s32 $0x0;
	s21 =	rddreg [dreg:$0x1a]  }
0x17e: {  	[tilespmem:s13], [sflag:$0x2] =	stream.linear.gather [hbm4b:s21+s17], $0x1400, $0x38;
	[tilespmem:$0x1CB00] =	vst v63  }
0x17f: {  	v2 =	vld [tilespmem:s18+$0x0]  }
0x180: {  	s17 =	simm.s32 $0x40;
	v1 =	vld [tilespmem:s18+$0xA000]  }
.LBB2_12:
0x181: {  	p0 =	sne.s32 s17, $0x4FC0;
	v3 =	vld [tilespmem:s18+$0x7800]  }
0x182: {  	v4 =	vld [tilespmem:s18+$0x5000]  }
0x183: {  	v5 =	vld [tilespmem:s18+$0x2800]  }
0x184: {  	v6 =	vadd.s32 $0x1, v2  }
0x185: {  	v7 =	vadd.s32 $0x80, v2  }
0x186: {  	v8 =	vadd.s32 $0x81, v2;
	_ =	sdelay $0x1  }
0x187: {  	[tilespmem:v2+s14+$0x0] =	vst.idx.add.f32.msk $0xffff, v5  }
.Ltmp5:
0x188: {  	[tilespmem:v6+s14+$0x0] =	vst.idx.add.f32.msk $0xffff, v4;
	(pc) =	sbr.rel @p0 .LBB2_12-.Ltmp5, $4  }
0x189: {  	[tilespmem:v7+s14+$0x0] =	vst.idx.add.f32.msk $0xffff, v3  }
0x18a: {  	s18 =	sshra.s32 s17, $0x2;
	[tilespmem:v8+s14+$0x0] =	vst.idx.add.f32.msk $0xffff, v1  }
0x18b: {  	v2 =	vld [tilespmem:s18+$0x0]  }
0x18c: {  	s17 =	sadd.s32 $0x40, s17;
	v1 =	vld [tilespmem:s18+$0xA000]  }
0x18d: {  	_ =	sdelay $0x1  }
0x18e: {  	v3 =	vld [tilespmem:s18+$0x2800]  }
0x18f: {  	v4 =	vld [tilespmem:s18+$0x5000];
	v5 =	vadd.s32 $0x1, v2  }
0x190: {  	v6 =	vld [tilespmem:s18+$0x7800];
	v7 =	vadd.s32 $0x80, v2  }
0x191: {  	v8 =	vadd.s32 $0x81, v2;
	_ =	sdelay $0x1  }
0x192: {  	[tilespmem:v2+s14+$0x0] =	vst.idx.add.f32.msk $0xffff, v3  }
0x193: {  	[tilespmem:v5+s14+$0x0] =	vst.idx.add.f32.msk $0xffff, v4  }
0x194: {  	[tilespmem:v7+s14+$0x0] =	vst.idx.add.f32.msk $0xffff, v6  }
0x195: {  	[tilespmem:v8+s14+$0x0] =	vst.idx.add.f32.msk $0xffff, v1  }
0x196: {  	_ =	swait.ge [sflag:s15], $0x1400  }
0x197: {  	[sflag:s15] =	ssyncset.done $0x0  }
0x198: {  	[sflag:s15] =	ssyncadd.s32 $0xFFFFEC00  }
0x199: {  	_ =	swait.ge [sflag:s15], $0x1400  }
0x19a: {  	[sflag:s15] =	ssyncset.done $0x0  }
0x19b: {  	[sflag:s15] =	ssyncadd.s32 $0xFFFFEC00  }
0x19c: {  	_ =	swait.ge [sflag:s15], $0x1400  }
0x19d: {  	[sflag:s15] =	ssyncset.done $0x0  }
0x19e: {  	[sflag:s15] =	ssyncadd.s32 $0xFFFFEC00  }
0x19f: {  	_ =	swait.ge [sflag:s15], $0x1400  }
0x1a0: {  	[sflag:s15] =	ssyncset.done $0x0  }
0x1a1: {  	[sflag:s15] =	ssyncadd.s32 $0xFFFFEC00  }
0x1a2: {  	_ =	swait.ge [sflag:s15], $0x1400  }
0x1a3: {  	[sflag:s15] =	ssyncset.done $0x0  }
0x1a4: {  	s17 =	simm.s32 $0x0;
	s20 =	rddreg [dreg:$0x1b];
	[sflag:s15] =	ssyncadd.s32 $0xFFFFEC00  }
0x1a5: {  	[tilespmem:s17], [sflag:$0x1] =	stream.linear.gather [hbm4b:s20+s17], $0x1400, $0x38;
	[tilespmem:$0x1CB00] =	vst v63  }
0x1a6: {  	s21 =	rddreg [dreg:$0x1c]  }
0x1a7: {  	[tilespmem:s4], [sflag:$0x1] =	stream.linear.gather [hbm4b:s21+s17], $0x1400, $0x38;
	[tilespmem:$0x1CB00] =	vst v63  }
0x1a8: {  	s19 =	rddreg [dreg:$0x1d]  }
0x1a9: {  	[tilespmem:s5], [sflag:$0x1] =	stream.linear.gather [hbm4b:s19+s17], $0x1400, $0x38;
	[tilespmem:$0x1CB00] =	vst v63  }
0x1aa: {  	s20 =	rddreg [dreg:$0x1e]  }
0x1ab: {  	[tilespmem:s6], [sflag:$0x1] =	stream.linear.gather [hbm4b:s20+s17], $0x1400, $0x38;
	[tilespmem:$0x1CB00] =	vst v63  }
0x1ac: {  	s18 =	simm.s32 $0x0;
	s21 =	rddreg [dreg:$0x1f]  }
0x1ad: {  	[tilespmem:s7], [sflag:$0x1] =	stream.linear.gather [hbm4b:s21+s17], $0x1400, $0x38;
	[tilespmem:$0x1CB00] =	vst v63  }
0x1ae: {  	v2 =	vld [tilespmem:s18+$0x1400]  }
0x1af: {  	s17 =	simm.s32 $0x40;
	v1 =	vld [tilespmem:s18+$0xB400]  }
.LBB2_14:
0x1b0: {  	p0 =	sne.s32 s17, $0x4FC0;
	v3 =	vld [tilespmem:s18+$0x8C00]  }
0x1b1: {  	v4 =	vld [tilespmem:s18+$0x6400]  }
0x1b2: {  	v5 =	vld [tilespmem:s18+$0x3C00]  }
0x1b3: {  	v6 =	vadd.s32 $0x1, v2  }
0x1b4: {  	v7 =	vadd.s32 $0x80, v2  }
0x1b5: {  	v8 =	vadd.s32 $0x81, v2;
	_ =	sdelay $0x1  }
0x1b6: {  	[tilespmem:v2+s14+$0x0] =	vst.idx.add.f32.msk $0xffff, v5  }
.Ltmp6:
0x1b7: {  	[tilespmem:v6+s14+$0x0] =	vst.idx.add.f32.msk $0xffff, v4;
	(pc) =	sbr.rel @p0 .LBB2_14-.Ltmp6, $4  }
0x1b8: {  	[tilespmem:v7+s14+$0x0] =	vst.idx.add.f32.msk $0xffff, v3  }
0x1b9: {  	s18 =	sshra.s32 s17, $0x2;
	[tilespmem:v8+s14+$0x0] =	vst.idx.add.f32.msk $0xffff, v1  }
0x1ba: {  	v2 =	vld [tilespmem:s18+$0x1400]  }
0x1bb: {  	s17 =	sadd.s32 $0x40, s17;
	v1 =	vld [tilespmem:s18+$0xB400]  }
0x1bc: {  	_ =	sdelay $0x1  }
0x1bd: {  	v3 =	vld [tilespmem:s18+$0x3C00]  }
0x1be: {  	v4 =	vld [tilespmem:s18+$0x6400];
	v5 =	vadd.s32 $0x1, v2  }
0x1bf: {  	v6 =	vld [tilespmem:s18+$0x8C00];
	v7 =	vadd.s32 $0x80, v2  }
0x1c0: {  	v8 =	vadd.s32 $0x81, v2;
	_ =	sdelay $0x1  }
0x1c1: {  	[tilespmem:v2+s14+$0x0] =	vst.idx.add.f32.msk $0xffff, v3  }
0x1c2: {  	[tilespmem:v5+s14+$0x0] =	vst.idx.add.f32.msk $0xffff, v4  }
0x1c3: {  	[tilespmem:v7+s14+$0x0] =	vst.idx.add.f32.msk $0xffff, v6  }
0x1c4: {  	[tilespmem:v8+s14+$0x0] =	vst.idx.add.f32.msk $0xffff, v1  }
0x1c5: {  	_ =	swait.ge [sflag:s8], $0x1400  }
0x1c6: {  	[sflag:s8] =	ssyncset.done $0x0  }
0x1c7: {  	[sflag:s8] =	ssyncadd.s32 $0xFFFFEC00  }
0x1c8: {  	_ =	swait.ge [sflag:s8], $0x1400  }
0x1c9: {  	[sflag:s8] =	ssyncset.done $0x0  }
0x1ca: {  	[sflag:s8] =	ssyncadd.s32 $0xFFFFEC00  }
0x1cb: {  	_ =	swait.ge [sflag:s8], $0x1400  }
0x1cc: {  	[sflag:s8] =	ssyncset.done $0x0  }
0x1cd: {  	[sflag:s8] =	ssyncadd.s32 $0xFFFFEC00  }
0x1ce: {  	_ =	swait.ge [sflag:s8], $0x1400  }
0x1cf: {  	[sflag:s8] =	ssyncset.done $0x0  }
0x1d0: {  	[sflag:s8] =	ssyncadd.s32 $0xFFFFEC00  }
0x1d1: {  	_ =	swait.ge [sflag:s8], $0x1400  }
0x1d2: {  	s20 =	sld [smem:$0x790]  }
0x1d3: {  	[sflag:s8] =	ssyncset.done $0x0  }
0x1d4: {  	s17 =	simm.s32 $0x0;
	s21 =	sld [smem:$0x791];
	[sflag:s8] =	ssyncadd.s32 $0xFFFFEC00  }
0x1d5: {  	[tilespmem:s9], [sflag:$0x2] =	stream.linear.gather [hbm4b:s20+s17], $0x1400, $0x38;
	[tilespmem:$0x1CB00] =	vst v63  }
0x1d6: {  	s19 =	sld [smem:$0x792]  }
0x1d7: {  	[tilespmem:s10], [sflag:$0x2] =	stream.linear.gather [hbm4b:s21+s17], $0x1400, $0x38;
	[tilespmem:$0x1CB00] =	vst v63  }
0x1d8: {  	s20 =	sld [smem:$0x793]  }
0x1d9: {  	[tilespmem:s11], [sflag:$0x2] =	stream.linear.gather [hbm4b:s19+s17], $0x1400, $0x38;
	[tilespmem:$0x1CB00] =	vst v63  }
0x1da: {  	s21 =	sld [smem:$0x794]  }
0x1db: {  	[tilespmem:s12], [sflag:$0x2] =	stream.linear.gather [hbm4b:s20+s17], $0x1400, $0x38;
	[tilespmem:$0x1CB00] =	vst v63  }
0x1dc: {  	s18 =	simm.s32 $0x0  }
0x1dd: {  	[tilespmem:s13], [sflag:$0x2] =	stream.linear.gather [hbm4b:s21+s17], $0x1400, $0x38;
	[tilespmem:$0x1CB00] =	vst v63  }
0x1de: {  	v2 =	vld [tilespmem:s18+$0x0]  }
0x1df: {  	s17 =	simm.s32 $0x40;
	v1 =	vld [tilespmem:s18+$0xA000]  }
.LBB2_16:
0x1e0: {  	p0 =	sne.s32 s17, $0x4FC0;
	v3 =	vld [tilespmem:s18+$0x7800]  }
0x1e1: {  	v4 =	vld [tilespmem:s18+$0x5000]  }
0x1e2: {  	v5 =	vld [tilespmem:s18+$0x2800]  }
0x1e3: {  	v6 =	vadd.s32 $0x1, v2  }
0x1e4: {  	v7 =	vadd.s32 $0x80, v2  }
0x1e5: {  	v8 =	vadd.s32 $0x81, v2;
	_ =	sdelay $0x1  }
0x1e6: {  	[tilespmem:v2+s14+$0x0] =	vst.idx.add.f32.msk $0xffff, v5  }
.Ltmp7:
0x1e7: {  	[tilespmem:v6+s14+$0x0] =	vst.idx.add.f32.msk $0xffff, v4;
	(pc) =	sbr.rel @p0 .LBB2_16-.Ltmp7, $4  }
0x1e8: {  	[tilespmem:v7+s14+$0x0] =	vst.idx.add.f32.msk $0xffff, v3  }
0x1e9: {  	s18 =	sshra.s32 s17, $0x2;
	[tilespmem:v8+s14+$0x0] =	vst.idx.add.f32.msk $0xffff, v1  }
0x1ea: {  	v2 =	vld [tilespmem:s18+$0x0]  }
0x1eb: {  	s17 =	sadd.s32 $0x40, s17;
	v1 =	vld [tilespmem:s18+$0xA000]  }
0x1ec: {  	_ =	sdelay $0x1  }
0x1ed: {  	v3 =	vld [tilespmem:s18+$0x2800]  }
0x1ee: {  	v4 =	vld [tilespmem:s18+$0x5000];
	v5 =	vadd.s32 $0x1, v2  }
0x1ef: {  	v6 =	vld [tilespmem:s18+$0x7800];
	v7 =	vadd.s32 $0x80, v2  }
0x1f0: {  	v8 =	vadd.s32 $0x81, v2;
	_ =	sdelay $0x1  }
0x1f1: {  	[tilespmem:v2+s14+$0x0] =	vst.idx.add.f32.msk $0xffff, v3  }
0x1f2: {  	[tilespmem:v5+s14+$0x0] =	vst.idx.add.f32.msk $0xffff, v4  }
0x1f3: {  	[tilespmem:v7+s14+$0x0] =	vst.idx.add.f32.msk $0xffff, v6  }
0x1f4: {  	[tilespmem:v8+s14+$0x0] =	vst.idx.add.f32.msk $0xffff, v1  }
0x1f5: {  	_ =	swait.ge [sflag:s15], $0x1400  }
0x1f6: {  	[sflag:s15] =	ssyncset.done $0x0  }
0x1f7: {  	[sflag:s15] =	ssyncadd.s32 $0xFFFFEC00  }
0x1f8: {  	_ =	swait.ge [sflag:s15], $0x1400  }
0x1f9: {  	[sflag:s15] =	ssyncset.done $0x0  }
0x1fa: {  	[sflag:s15] =	ssyncadd.s32 $0xFFFFEC00  }
0x1fb: {  	_ =	swait.ge [sflag:s15], $0x1400  }
0x1fc: {  	[sflag:s15] =	ssyncset.done $0x0  }
0x1fd: {  	[sflag:s15] =	ssyncadd.s32 $0xFFFFEC00  }
0x1fe: {  	_ =	swait.ge [sflag:s15], $0x1400  }
0x1ff: {  	[sflag:s15] =	ssyncset.done $0x0  }
0x200: {  	[sflag:s15] =	ssyncadd.s32 $0xFFFFEC00  }
0x201: {  	_ =	swait.ge [sflag:s15], $0x1400  }
0x202: {  	s20 =	sld [smem:$0x795]  }
0x203: {  	[sflag:s15] =	ssyncset.done $0x0  }
0x204: {  	s17 =	simm.s32 $0x0;
	s21 =	sld [smem:$0x796];
	[sflag:s15] =	ssyncadd.s32 $0xFFFFEC00  }
0x205: {  	[tilespmem:s17], [sflag:$0x1] =	stream.linear.gather [hbm4b:s20+s17], $0x1400, $0x38;
	[tilespmem:$0x1CB00] =	vst v63  }
0x206: {  	s19 =	sld [smem:$0x797]  }
0x207: {  	[tilespmem:s4], [sflag:$0x1] =	stream.linear.gather [hbm4b:s21+s17], $0x1400, $0x38;
	[tilespmem:$0x1CB00] =	vst v63  }
0x208: {  	s20 =	sld [smem:$0x798]  }
0x209: {  	[tilespmem:s5], [sflag:$0x1] =	stream.linear.gather [hbm4b:s19+s17], $0x1400, $0x38;
	[tilespmem:$0x1CB00] =	vst v63  }
0x20a: {  	s21 =	sld [smem:$0x799]  }
0x20b: {  	[tilespmem:s6], [sflag:$0x1] =	stream.linear.gather [hbm4b:s20+s17], $0x1400, $0x38;
	[tilespmem:$0x1CB00] =	vst v63  }
0x20c: {  	s18 =	simm.s32 $0x0  }
0x20d: {  	[tilespmem:s7], [sflag:$0x1] =	stream.linear.gather [hbm4b:s21+s17], $0x1400, $0x38;
	[tilespmem:$0x1CB00] =	vst v63  }
0x20e: {  	v2 =	vld [tilespmem:s18+$0x1400]  }
0x20f: {  	s17 =	simm.s32 $0x40;
	v1 =	vld [tilespmem:s18+$0xB400]  }
.LBB2_18:
0x210: {  	p0 =	sne.s32 s17, $0x4FC0;
	v3 =	vld [tilespmem:s18+$0x8C00]  }
0x211: {  	v4 =	vld [tilespmem:s18+$0x6400]  }
0x212: {  	v5 =	vld [tilespmem:s18+$0x3C00]  }
0x213: {  	v6 =	vadd.s32 $0x1, v2  }
0x214: {  	v7 =	vadd.s32 $0x80, v2  }
0x215: {  	v8 =	vadd.s32 $0x81, v2;
	_ =	sdelay $0x1  }
0x216: {  	[tilespmem:v2+s14+$0x0] =	vst.idx.add.f32.msk $0xffff, v5  }
.Ltmp8:
0x217: {  	[tilespmem:v6+s14+$0x0] =	vst.idx.add.f32.msk $0xffff, v4;
	(pc) =	sbr.rel @p0 .LBB2_18-.Ltmp8, $4  }
0x218: {  	[tilespmem:v7+s14+$0x0] =	vst.idx.add.f32.msk $0xffff, v3  }
0x219: {  	s18 =	sshra.s32 s17, $0x2;
	[tilespmem:v8+s14+$0x0] =	vst.idx.add.f32.msk $0xffff, v1  }
0x21a: {  	v2 =	vld [tilespmem:s18+$0x1400]  }
0x21b: {  	s17 =	sadd.s32 $0x40, s17;
	v1 =	vld [tilespmem:s18+$0xB400]  }
0x21c: {  	_ =	sdelay $0x1  }
0x21d: {  	v3 =	vld [tilespmem:s18+$0x3C00]  }
0x21e: {  	v4 =	vld [tilespmem:s18+$0x6400];
	v5 =	vadd.s32 $0x1, v2  }
0x21f: {  	v6 =	vld [tilespmem:s18+$0x8C00];
	v7 =	vadd.s32 $0x80, v2  }
0x220: {  	v8 =	vadd.s32 $0x81, v2;
	_ =	sdelay $0x1  }
0x221: {  	[tilespmem:v2+s14+$0x0] =	vst.idx.add.f32.msk $0xffff, v3  }
0x222: {  	[tilespmem:v5+s14+$0x0] =	vst.idx.add.f32.msk $0xffff, v4  }
0x223: {  	[tilespmem:v7+s14+$0x0] =	vst.idx.add.f32.msk $0xffff, v6  }
0x224: {  	[tilespmem:v8+s14+$0x0] =	vst.idx.add.f32.msk $0xffff, v1  }
0x225: {  	_ =	swait.ge [sflag:s8], $0x1400  }
0x226: {  	[sflag:s8] =	ssyncset.done $0x0  }
0x227: {  	[sflag:s8] =	ssyncadd.s32 $0xFFFFEC00  }
0x228: {  	_ =	swait.ge [sflag:s8], $0x1400  }
0x229: {  	[sflag:s8] =	ssyncset.done $0x0  }
0x22a: {  	[sflag:s8] =	ssyncadd.s32 $0xFFFFEC00  }
0x22b: {  	_ =	swait.ge [sflag:s8], $0x1400  }
0x22c: {  	[sflag:s8] =	ssyncset.done $0x0  }
0x22d: {  	[sflag:s8] =	ssyncadd.s32 $0xFFFFEC00  }
0x22e: {  	_ =	swait.ge [sflag:s8], $0x1400  }
0x22f: {  	[sflag:s8] =	ssyncset.done $0x0  }
0x230: {  	[sflag:s8] =	ssyncadd.s32 $0xFFFFEC00  }
0x231: {  	_ =	swait.ge [sflag:s8], $0x1400  }
0x232: {  	s20 =	sld [smem:$0x79A]  }
0x233: {  	[sflag:s8] =	ssyncset.done $0x0  }
0x234: {  	s17 =	simm.s32 $0x0;
	s21 =	sld [smem:$0x79B];
	[sflag:s8] =	ssyncadd.s32 $0xFFFFEC00  }
0x235: {  	[tilespmem:s9], [sflag:$0x2] =	stream.linear.gather [hbm4b:s20+s17], $0x1400, $0x38;
	[tilespmem:$0x1CB00] =	vst v63  }
0x236: {  	s19 =	sld [smem:$0x79C]  }
0x237: {  	[tilespmem:s10], [sflag:$0x2] =	stream.linear.gather [hbm4b:s21+s17], $0x1400, $0x38;
	[tilespmem:$0x1CB00] =	vst v63  }
0x238: {  	s20 =	sld [smem:$0x79D]  }
0x239: {  	[tilespmem:s11], [sflag:$0x2] =	stream.linear.gather [hbm4b:s19+s17], $0x1400, $0x38;
	[tilespmem:$0x1CB00] =	vst v63  }
0x23a: {  	s21 =	sld [smem:$0x79E]  }
0x23b: {  	[tilespmem:s12], [sflag:$0x2] =	stream.linear.gather [hbm4b:s20+s17], $0x1400, $0x38;
	[tilespmem:$0x1CB00] =	vst v63  }
0x23c: {  	s18 =	simm.s32 $0x0  }
0x23d: {  	[tilespmem:s13], [sflag:$0x2] =	stream.linear.gather [hbm4b:s21+s17], $0x1400, $0x38;
	[tilespmem:$0x1CB00] =	vst v63  }
0x23e: {  	v2 =	vld [tilespmem:s18+$0x0]  }
0x23f: {  	s17 =	simm.s32 $0x40;
	v1 =	vld [tilespmem:s18+$0xA000]  }
.LBB2_20:
0x240: {  	p0 =	sne.s32 s17, $0x4FC0;
	v3 =	vld [tilespmem:s18+$0x7800]  }
0x241: {  	v4 =	vld [tilespmem:s18+$0x5000]  }
0x242: {  	v5 =	vld [tilespmem:s18+$0x2800]  }
0x243: {  	v6 =	vadd.s32 $0x1, v2  }
0x244: {  	v7 =	vadd.s32 $0x80, v2  }
0x245: {  	v8 =	vadd.s32 $0x81, v2;
	_ =	sdelay $0x1  }
0x246: {  	[tilespmem:v2+s14+$0x0] =	vst.idx.add.f32.msk $0xffff, v5  }
.Ltmp9:
0x247: {  	[tilespmem:v6+s14+$0x0] =	vst.idx.add.f32.msk $0xffff, v4;
	(pc) =	sbr.rel @p0 .LBB2_20-.Ltmp9, $4  }
0x248: {  	[tilespmem:v7+s14+$0x0] =	vst.idx.add.f32.msk $0xffff, v3  }
0x249: {  	s18 =	sshra.s32 s17, $0x2;
	[tilespmem:v8+s14+$0x0] =	vst.idx.add.f32.msk $0xffff, v1  }
0x24a: {  	v2 =	vld [tilespmem:s18+$0x0]  }
0x24b: {  	s17 =	sadd.s32 $0x40, s17;
	v1 =	vld [tilespmem:s18+$0xA000]  }
0x24c: {  	_ =	sdelay $0x1  }
0x24d: {  	v3 =	vld [tilespmem:s18+$0x2800]  }
0x24e: {  	v4 =	vld [tilespmem:s18+$0x5000];
	v5 =	vadd.s32 $0x1, v2  }
0x24f: {  	v6 =	vld [tilespmem:s18+$0x7800];
	v7 =	vadd.s32 $0x80, v2  }
0x250: {  	v8 =	vadd.s32 $0x81, v2;
	_ =	sdelay $0x1  }
0x251: {  	[tilespmem:v2+s14+$0x0] =	vst.idx.add.f32.msk $0xffff, v3  }
0x252: {  	[tilespmem:v5+s14+$0x0] =	vst.idx.add.f32.msk $0xffff, v4  }
0x253: {  	[tilespmem:v7+s14+$0x0] =	vst.idx.add.f32.msk $0xffff, v6  }
0x254: {  	[tilespmem:v8+s14+$0x0] =	vst.idx.add.f32.msk $0xffff, v1  }
0x255: {  	_ =	swait.ge [sflag:s15], $0x1400  }
0x256: {  	[sflag:s15] =	ssyncset.done $0x0  }
0x257: {  	[sflag:s15] =	ssyncadd.s32 $0xFFFFEC00  }
0x258: {  	_ =	swait.ge [sflag:s15], $0x1400  }
0x259: {  	[sflag:s15] =	ssyncset.done $0x0  }
0x25a: {  	[sflag:s15] =	ssyncadd.s32 $0xFFFFEC00  }
0x25b: {  	_ =	swait.ge [sflag:s15], $0x1400  }
0x25c: {  	[sflag:s15] =	ssyncset.done $0x0  }
0x25d: {  	[sflag:s15] =	ssyncadd.s32 $0xFFFFEC00  }
0x25e: {  	_ =	swait.ge [sflag:s15], $0x1400  }
0x25f: {  	[sflag:s15] =	ssyncset.done $0x0  }
0x260: {  	[sflag:s15] =	ssyncadd.s32 $0xFFFFEC00  }
0x261: {  	_ =	swait.ge [sflag:s15], $0x1400  }
0x262: {  	s20 =	sld [smem:$0x79F]  }
0x263: {  	[sflag:s15] =	ssyncset.done $0x0  }
0x264: {  	s17 =	simm.s32 $0x0;
	s21 =	sld [smem:$0x7A0];
	[sflag:s15] =	ssyncadd.s32 $0xFFFFEC00  }
0x265: {  	[tilespmem:s17], [sflag:$0x1] =	stream.linear.gather [hbm4b:s20+s17], $0x1400, $0x38;
	[tilespmem:$0x1CB00] =	vst v63  }
0x266: {  	s19 =	sld [smem:$0x7A1]  }
0x267: {  	[tilespmem:s4], [sflag:$0x1] =	stream.linear.gather [hbm4b:s21+s17], $0x1400, $0x38;
	[tilespmem:$0x1CB00] =	vst v63  }
0x268: {  	s20 =	sld [smem:$0x7A2]  }
0x269: {  	[tilespmem:s5], [sflag:$0x1] =	stream.linear.gather [hbm4b:s19+s17], $0x1400, $0x38;
	[tilespmem:$0x1CB00] =	vst v63  }
0x26a: {  	s21 =	sld [smem:$0x7A3]  }
0x26b: {  	[tilespmem:s6], [sflag:$0x1] =	stream.linear.gather [hbm4b:s20+s17], $0x1400, $0x38;
	[tilespmem:$0x1CB00] =	vst v63  }
0x26c: {  	s18 =	simm.s32 $0x0  }
0x26d: {  	[tilespmem:s7], [sflag:$0x1] =	stream.linear.gather [hbm4b:s21+s17], $0x1400, $0x38;
	[tilespmem:$0x1CB00] =	vst v63  }
0x26e: {  	v2 =	vld [tilespmem:s18+$0x1400]  }
0x26f: {  	s17 =	simm.s32 $0x40;
	v1 =	vld [tilespmem:s18+$0xB400]  }
.LBB2_22:
0x270: {  	p0 =	sne.s32 s17, $0x4FC0;
	v3 =	vld [tilespmem:s18+$0x8C00]  }
0x271: {  	v4 =	vld [tilespmem:s18+$0x6400]  }
0x272: {  	v5 =	vld [tilespmem:s18+$0x3C00]  }
0x273: {  	v6 =	vadd.s32 $0x1, v2  }
0x274: {  	v7 =	vadd.s32 $0x80, v2  }
0x275: {  	v8 =	vadd.s32 $0x81, v2;
	_ =	sdelay $0x1  }
0x276: {  	[tilespmem:v2+s14+$0x0] =	vst.idx.add.f32.msk $0xffff, v5  }
.Ltmp10:
0x277: {  	[tilespmem:v6+s14+$0x0] =	vst.idx.add.f32.msk $0xffff, v4;
	(pc) =	sbr.rel @p0 .LBB2_22-.Ltmp10, $4  }
0x278: {  	[tilespmem:v7+s14+$0x0] =	vst.idx.add.f32.msk $0xffff, v3  }
0x279: {  	s18 =	sshra.s32 s17, $0x2;
	[tilespmem:v8+s14+$0x0] =	vst.idx.add.f32.msk $0xffff, v1  }
0x27a: {  	v2 =	vld [tilespmem:s18+$0x1400]  }
0x27b: {  	s17 =	sadd.s32 $0x40, s17;
	v1 =	vld [tilespmem:s18+$0xB400]  }
0x27c: {  	_ =	sdelay $0x1  }
0x27d: {  	v3 =	vld [tilespmem:s18+$0x3C00]  }
0x27e: {  	v4 =	vld [tilespmem:s18+$0x6400];
	v5 =	vadd.s32 $0x1, v2  }
0x27f: {  	v6 =	vld [tilespmem:s18+$0x8C00];
	v7 =	vadd.s32 $0x80, v2  }
0x280: {  	v8 =	vadd.s32 $0x81, v2;
	_ =	sdelay $0x1  }
0x281: {  	[tilespmem:v2+s14+$0x0] =	vst.idx.add.f32.msk $0xffff, v3  }
0x282: {  	[tilespmem:v5+s14+$0x0] =	vst.idx.add.f32.msk $0xffff, v4  }
0x283: {  	[tilespmem:v7+s14+$0x0] =	vst.idx.add.f32.msk $0xffff, v6  }
0x284: {  	[tilespmem:v8+s14+$0x0] =	vst.idx.add.f32.msk $0xffff, v1  }
0x285: {  	_ =	swait.ge [sflag:s8], $0x1400  }
0x286: {  	[sflag:s8] =	ssyncset.done $0x0  }
0x287: {  	[sflag:s8] =	ssyncadd.s32 $0xFFFFEC00  }
0x288: {  	_ =	swait.ge [sflag:s8], $0x1400  }
0x289: {  	[sflag:s8] =	ssyncset.done $0x0  }
0x28a: {  	[sflag:s8] =	ssyncadd.s32 $0xFFFFEC00  }
0x28b: {  	_ =	swait.ge [sflag:s8], $0x1400  }
0x28c: {  	[sflag:s8] =	ssyncset.done $0x0  }
0x28d: {  	[sflag:s8] =	ssyncadd.s32 $0xFFFFEC00  }
0x28e: {  	_ =	swait.ge [sflag:s8], $0x1400  }
0x28f: {  	[sflag:s8] =	ssyncset.done $0x0  }
0x290: {  	[sflag:s8] =	ssyncadd.s32 $0xFFFFEC00  }
0x291: {  	_ =	swait.ge [sflag:s8], $0x1400  }
0x292: {  	s20 =	sld [smem:$0x7A4]  }
0x293: {  	[sflag:s8] =	ssyncset.done $0x0  }
0x294: {  	s17 =	simm.s32 $0x0;
	s21 =	sld [smem:$0x7A5];
	[sflag:s8] =	ssyncadd.s32 $0xFFFFEC00  }
0x295: {  	[tilespmem:s9], [sflag:$0x2] =	stream.linear.gather [hbm4b:s20+s17], $0x1400, $0x38;
	[tilespmem:$0x1CB00] =	vst v63  }
0x296: {  	s19 =	sld [smem:$0x7A6]  }
0x297: {  	[tilespmem:s10], [sflag:$0x2] =	stream.linear.gather [hbm4b:s21+s17], $0x1400, $0x38;
	[tilespmem:$0x1CB00] =	vst v63  }
0x298: {  	s20 =	sld [smem:$0x7A7]  }
0x299: {  	[tilespmem:s11], [sflag:$0x2] =	stream.linear.gather [hbm4b:s19+s17], $0x1400, $0x38;
	[tilespmem:$0x1CB00] =	vst v63  }
0x29a: {  	s21 =	sld [smem:$0x7A8]  }
0x29b: {  	[tilespmem:s12], [sflag:$0x2] =	stream.linear.gather [hbm4b:s20+s17], $0x1400, $0x38;
	[tilespmem:$0x1CB00] =	vst v63  }
0x29c: {  	s18 =	simm.s32 $0x0  }
0x29d: {  	[tilespmem:s13], [sflag:$0x2] =	stream.linear.gather [hbm4b:s21+s17], $0x1400, $0x38;
	[tilespmem:$0x1CB00] =	vst v63  }
0x29e: {  	v2 =	vld [tilespmem:s18+$0x0]  }
0x29f: {  	s17 =	simm.s32 $0x40;
	v1 =	vld [tilespmem:s18+$0xA000]  }
.LBB2_24:
0x2a0: {  	p0 =	sne.s32 s17, $0x4FC0;
	v3 =	vld [tilespmem:s18+$0x7800]  }
0x2a1: {  	v4 =	vld [tilespmem:s18+$0x5000]  }
0x2a2: {  	v5 =	vld [tilespmem:s18+$0x2800]  }
0x2a3: {  	v6 =	vadd.s32 $0x1, v2  }
0x2a4: {  	v7 =	vadd.s32 $0x80, v2  }
0x2a5: {  	v8 =	vadd.s32 $0x81, v2;
	_ =	sdelay $0x1  }
0x2a6: {  	[tilespmem:v2+s14+$0x0] =	vst.idx.add.f32.msk $0xffff, v5  }
.Ltmp11:
0x2a7: {  	[tilespmem:v6+s14+$0x0] =	vst.idx.add.f32.msk $0xffff, v4;
	(pc) =	sbr.rel @p0 .LBB2_24-.Ltmp11, $4  }
0x2a8: {  	[tilespmem:v7+s14+$0x0] =	vst.idx.add.f32.msk $0xffff, v3  }
0x2a9: {  	s18 =	sshra.s32 s17, $0x2;
	[tilespmem:v8+s14+$0x0] =	vst.idx.add.f32.msk $0xffff, v1  }
0x2aa: {  	v2 =	vld [tilespmem:s18+$0x0]  }
0x2ab: {  	s17 =	sadd.s32 $0x40, s17;
	v1 =	vld [tilespmem:s18+$0xA000]  }
0x2ac: {  	_ =	sdelay $0x1  }
0x2ad: {  	v3 =	vld [tilespmem:s18+$0x2800]  }
0x2ae: {  	v4 =	vld [tilespmem:s18+$0x5000];
	v5 =	vadd.s32 $0x1, v2  }
0x2af: {  	v6 =	vld [tilespmem:s18+$0x7800];
	v7 =	vadd.s32 $0x80, v2  }
0x2b0: {  	v8 =	vadd.s32 $0x81, v2;
	_ =	sdelay $0x1  }
0x2b1: {  	[tilespmem:v2+s14+$0x0] =	vst.idx.add.f32.msk $0xffff, v3  }
0x2b2: {  	[tilespmem:v5+s14+$0x0] =	vst.idx.add.f32.msk $0xffff, v4  }
0x2b3: {  	[tilespmem:v7+s14+$0x0] =	vst.idx.add.f32.msk $0xffff, v6  }
0x2b4: {  	[tilespmem:v8+s14+$0x0] =	vst.idx.add.f32.msk $0xffff, v1  }
0x2b5: {  	_ =	swait.ge [sflag:s15], $0x1400  }
0x2b6: {  	[sflag:s15] =	ssyncset.done $0x0  }
0x2b7: {  	[sflag:s15] =	ssyncadd.s32 $0xFFFFEC00  }
0x2b8: {  	_ =	swait.ge [sflag:s15], $0x1400  }
0x2b9: {  	[sflag:s15] =	ssyncset.done $0x0  }
0x2ba: {  	[sflag:s15] =	ssyncadd.s32 $0xFFFFEC00  }
0x2bb: {  	_ =	swait.ge [sflag:s15], $0x1400  }
0x2bc: {  	[sflag:s15] =	ssyncset.done $0x0  }
0x2bd: {  	[sflag:s15] =	ssyncadd.s32 $0xFFFFEC00  }
0x2be: {  	_ =	swait.ge [sflag:s15], $0x1400  }
0x2bf: {  	[sflag:s15] =	ssyncset.done $0x0  }
0x2c0: {  	[sflag:s15] =	ssyncadd.s32 $0xFFFFEC00  }
0x2c1: {  	_ =	swait.ge [sflag:s15], $0x1400  }
0x2c2: {  	s20 =	sld [smem:$0x7A9]  }
0x2c3: {  	[sflag:s15] =	ssyncset.done $0x0  }
0x2c4: {  	s17 =	simm.s32 $0x0;
	s21 =	sld [smem:$0x7AA];
	[sflag:s15] =	ssyncadd.s32 $0xFFFFEC00  }
0x2c5: {  	[tilespmem:s17], [sflag:$0x1] =	stream.linear.gather [hbm4b:s20+s17], $0x1400, $0x38;
	[tilespmem:$0x1CB00] =	vst v63  }
0x2c6: {  	s19 =	sld [smem:$0x7AB]  }
0x2c7: {  	[tilespmem:s4], [sflag:$0x1] =	stream.linear.gather [hbm4b:s21+s17], $0x1400, $0x38;
	[tilespmem:$0x1CB00] =	vst v63  }
0x2c8: {  	s20 =	sld [smem:$0x7AC]  }
0x2c9: {  	[tilespmem:s5], [sflag:$0x1] =	stream.linear.gather [hbm4b:s19+s17], $0x1400, $0x38;
	[tilespmem:$0x1CB00] =	vst v63  }
0x2ca: {  	s21 =	sld [smem:$0x7AD]  }
0x2cb: {  	[tilespmem:s6], [sflag:$0x1] =	stream.linear.gather [hbm4b:s20+s17], $0x1400, $0x38;
	[tilespmem:$0x1CB00] =	vst v63  }
0x2cc: {  	s18 =	simm.s32 $0x0  }
0x2cd: {  	[tilespmem:s7], [sflag:$0x1] =	stream.linear.gather [hbm4b:s21+s17], $0x1400, $0x38;
	[tilespmem:$0x1CB00] =	vst v63  }
0x2ce: {  	v2 =	vld [tilespmem:s18+$0x1400]  }
0x2cf: {  	s17 =	simm.s32 $0x40;
	v1 =	vld [tilespmem:s18+$0xB400]  }
.LBB2_26:
0x2d0: {  	p0 =	sne.s32 s17, $0x4FC0;
	v3 =	vld [tilespmem:s18+$0x8C00]  }
0x2d1: {  	v4 =	vld [tilespmem:s18+$0x6400]  }
0x2d2: {  	v5 =	vld [tilespmem:s18+$0x3C00]  }
0x2d3: {  	v6 =	vadd.s32 $0x1, v2  }
0x2d4: {  	v7 =	vadd.s32 $0x80, v2  }
0x2d5: {  	v8 =	vadd.s32 $0x81, v2;
	_ =	sdelay $0x1  }
0x2d6: {  	[tilespmem:v2+s14+$0x0] =	vst.idx.add.f32.msk $0xffff, v5  }
.Ltmp12:
0x2d7: {  	[tilespmem:v6+s14+$0x0] =	vst.idx.add.f32.msk $0xffff, v4;
	(pc) =	sbr.rel @p0 .LBB2_26-.Ltmp12, $4  }
0x2d8: {  	[tilespmem:v7+s14+$0x0] =	vst.idx.add.f32.msk $0xffff, v3  }
0x2d9: {  	s18 =	sshra.s32 s17, $0x2;
	[tilespmem:v8+s14+$0x0] =	vst.idx.add.f32.msk $0xffff, v1  }
0x2da: {  	v2 =	vld [tilespmem:s18+$0x1400]  }
0x2db: {  	s17 =	sadd.s32 $0x40, s17;
	v1 =	vld [tilespmem:s18+$0xB400]  }
0x2dc: {  	_ =	sdelay $0x1  }
0x2dd: {  	v3 =	vld [tilespmem:s18+$0x3C00]  }
0x2de: {  	v4 =	vld [tilespmem:s18+$0x6400];
	v5 =	vadd.s32 $0x1, v2  }
0x2df: {  	v6 =	vld [tilespmem:s18+$0x8C00];
	v7 =	vadd.s32 $0x80, v2  }
0x2e0: {  	v8 =	vadd.s32 $0x81, v2;
	_ =	sdelay $0x1  }
0x2e1: {  	[tilespmem:v2+s14+$0x0] =	vst.idx.add.f32.msk $0xffff, v3  }
0x2e2: {  	[tilespmem:v5+s14+$0x0] =	vst.idx.add.f32.msk $0xffff, v4  }
0x2e3: {  	[tilespmem:v7+s14+$0x0] =	vst.idx.add.f32.msk $0xffff, v6  }
0x2e4: {  	[tilespmem:v8+s14+$0x0] =	vst.idx.add.f32.msk $0xffff, v1  }
0x2e5: {  	_ =	swait.ge [sflag:s8], $0x1400  }
0x2e6: {  	[sflag:s8] =	ssyncset.done $0x0  }
0x2e7: {  	[sflag:s8] =	ssyncadd.s32 $0xFFFFEC00  }
0x2e8: {  	_ =	swait.ge [sflag:s8], $0x1400  }
0x2e9: {  	[sflag:s8] =	ssyncset.done $0x0  }
0x2ea: {  	[sflag:s8] =	ssyncadd.s32 $0xFFFFEC00  }
0x2eb: {  	_ =	swait.ge [sflag:s8], $0x1400  }
0x2ec: {  	[sflag:s8] =	ssyncset.done $0x0  }
0x2ed: {  	[sflag:s8] =	ssyncadd.s32 $0xFFFFEC00  }
0x2ee: {  	_ =	swait.ge [sflag:s8], $0x1400  }
0x2ef: {  	[sflag:s8] =	ssyncset.done $0x0  }
0x2f0: {  	[sflag:s8] =	ssyncadd.s32 $0xFFFFEC00  }
0x2f1: {  	_ =	swait.ge [sflag:s8], $0x1400  }
0x2f2: {  	s20 =	sld [smem:$0x7AE]  }
0x2f3: {  	[sflag:s8] =	ssyncset.done $0x0  }
0x2f4: {  	s17 =	simm.s32 $0x0;
	s21 =	sld [smem:$0x7AF];
	[sflag:s8] =	ssyncadd.s32 $0xFFFFEC00  }
0x2f5: {  	[tilespmem:s9], [sflag:$0x2] =	stream.linear.gather [hbm4b:s20+s17], $0x1400, $0x38;
	[tilespmem:$0x1CB00] =	vst v63  }
0x2f6: {  	s19 =	sld [smem:$0x7B0]  }
0x2f7: {  	[tilespmem:s10], [sflag:$0x2] =	stream.linear.gather [hbm4b:s21+s17], $0x1400, $0x38;
	[tilespmem:$0x1CB00] =	vst v63  }
0x2f8: {  	s20 =	sld [smem:$0x7B1]  }
0x2f9: {  	[tilespmem:s11], [sflag:$0x2] =	stream.linear.gather [hbm4b:s19+s17], $0x1400, $0x38;
	[tilespmem:$0x1CB00] =	vst v63  }
0x2fa: {  	s21 =	sld [smem:$0x7B2]  }
0x2fb: {  	[tilespmem:s12], [sflag:$0x2] =	stream.linear.gather [hbm4b:s20+s17], $0x1400, $0x38;
	[tilespmem:$0x1CB00] =	vst v63  }
0x2fc: {  	s18 =	simm.s32 $0x0  }
0x2fd: {  	[tilespmem:s13], [sflag:$0x2] =	stream.linear.gather [hbm4b:s21+s17], $0x1400, $0x38;
	[tilespmem:$0x1CB00] =	vst v63  }
0x2fe: {  	v2 =	vld [tilespmem:s18+$0x0]  }
0x2ff: {  	s17 =	simm.s32 $0x40;
	v1 =	vld [tilespmem:s18+$0xA000]  }
.LBB2_28:
0x300: {  	p0 =	sne.s32 s17, $0x4FC0;
	v3 =	vld [tilespmem:s18+$0x7800]  }
0x301: {  	v4 =	vld [tilespmem:s18+$0x5000]  }
0x302: {  	v5 =	vld [tilespmem:s18+$0x2800]  }
0x303: {  	v6 =	vadd.s32 $0x1, v2  }
0x304: {  	v7 =	vadd.s32 $0x80, v2  }
0x305: {  	v8 =	vadd.s32 $0x81, v2;
	_ =	sdelay $0x1  }
0x306: {  	[tilespmem:v2+s14+$0x0] =	vst.idx.add.f32.msk $0xffff, v5  }
.Ltmp13:
0x307: {  	[tilespmem:v6+s14+$0x0] =	vst.idx.add.f32.msk $0xffff, v4;
	(pc) =	sbr.rel @p0 .LBB2_28-.Ltmp13, $4  }
0x308: {  	[tilespmem:v7+s14+$0x0] =	vst.idx.add.f32.msk $0xffff, v3  }
0x309: {  	s18 =	sshra.s32 s17, $0x2;
	[tilespmem:v8+s14+$0x0] =	vst.idx.add.f32.msk $0xffff, v1  }
0x30a: {  	v2 =	vld [tilespmem:s18+$0x0]  }
0x30b: {  	s17 =	sadd.s32 $0x40, s17;
	v1 =	vld [tilespmem:s18+$0xA000]  }
0x30c: {  	_ =	sdelay $0x1  }
0x30d: {  	v3 =	vld [tilespmem:s18+$0x2800]  }
0x30e: {  	v4 =	vld [tilespmem:s18+$0x5000];
	v5 =	vadd.s32 $0x1, v2  }
0x30f: {  	v6 =	vld [tilespmem:s18+$0x7800];
	v7 =	vadd.s32 $0x80, v2  }
0x310: {  	v8 =	vadd.s32 $0x81, v2;
	_ =	sdelay $0x1  }
0x311: {  	[tilespmem:v2+s14+$0x0] =	vst.idx.add.f32.msk $0xffff, v3  }
0x312: {  	[tilespmem:v5+s14+$0x0] =	vst.idx.add.f32.msk $0xffff, v4  }
0x313: {  	[tilespmem:v7+s14+$0x0] =	vst.idx.add.f32.msk $0xffff, v6  }
0x314: {  	[tilespmem:v8+s14+$0x0] =	vst.idx.add.f32.msk $0xffff, v1  }
0x315: {  	_ =	swait.ge [sflag:s15], $0x1400  }
0x316: {  	[sflag:s15] =	ssyncset.done $0x0  }
0x317: {  	[sflag:s15] =	ssyncadd.s32 $0xFFFFEC00  }
0x318: {  	_ =	swait.ge [sflag:s15], $0x1400  }
0x319: {  	[sflag:s15] =	ssyncset.done $0x0  }
0x31a: {  	[sflag:s15] =	ssyncadd.s32 $0xFFFFEC00  }
0x31b: {  	_ =	swait.ge [sflag:s15], $0x1400  }
0x31c: {  	[sflag:s15] =	ssyncset.done $0x0  }
0x31d: {  	[sflag:s15] =	ssyncadd.s32 $0xFFFFEC00  }
0x31e: {  	_ =	swait.ge [sflag:s15], $0x1400  }
0x31f: {  	[sflag:s15] =	ssyncset.done $0x0  }
0x320: {  	[sflag:s15] =	ssyncadd.s32 $0xFFFFEC00  }
0x321: {  	_ =	swait.ge [sflag:s15], $0x1400  }
0x322: {  	s20 =	sld [smem:$0x7B3]  }
0x323: {  	[sflag:s15] =	ssyncset.done $0x0  }
0x324: {  	s17 =	simm.s32 $0x0;
	s21 =	sld [smem:$0x7B4];
	[sflag:s15] =	ssyncadd.s32 $0xFFFFEC00  }
0x325: {  	[tilespmem:s17], [sflag:$0x1] =	stream.linear.gather [hbm4b:s20+s17], $0x1400, $0x38;
	[tilespmem:$0x1CB00] =	vst v63  }
0x326: {  	s19 =	sld [smem:$0x7B5]  }
0x327: {  	[tilespmem:s4], [sflag:$0x1] =	stream.linear.gather [hbm4b:s21+s17], $0x1400, $0x38;
	[tilespmem:$0x1CB00] =	vst v63  }
0x328: {  	s20 =	sld [smem:$0x7B6]  }
0x329: {  	[tilespmem:s5], [sflag:$0x1] =	stream.linear.gather [hbm4b:s19+s17], $0x1400, $0x38;
	[tilespmem:$0x1CB00] =	vst v63  }
0x32a: {  	s21 =	sld [smem:$0x7B7]  }
0x32b: {  	[tilespmem:s6], [sflag:$0x1] =	stream.linear.gather [hbm4b:s20+s17], $0x1400, $0x38;
	[tilespmem:$0x1CB00] =	vst v63  }
0x32c: {  	s18 =	simm.s32 $0x0  }
0x32d: {  	[tilespmem:s7], [sflag:$0x1] =	stream.linear.gather [hbm4b:s21+s17], $0x1400, $0x38;
	[tilespmem:$0x1CB00] =	vst v63  }
0x32e: {  	v2 =	vld [tilespmem:s18+$0x1400]  }
0x32f: {  	s17 =	simm.s32 $0x40;
	v1 =	vld [tilespmem:s18+$0xB400]  }
.LBB2_30:
0x330: {  	p0 =	sne.s32 s17, $0x4FC0;
	v3 =	vld [tilespmem:s18+$0x8C00]  }
0x331: {  	v4 =	vld [tilespmem:s18+$0x6400]  }
0x332: {  	v5 =	vld [tilespmem:s18+$0x3C00]  }
0x333: {  	v6 =	vadd.s32 $0x1, v2  }
0x334: {  	v7 =	vadd.s32 $0x80, v2  }
0x335: {  	v8 =	vadd.s32 $0x81, v2;
	_ =	sdelay $0x1  }
0x336: {  	[tilespmem:v2+s14+$0x0] =	vst.idx.add.f32.msk $0xffff, v5  }
.Ltmp14:
0x337: {  	[tilespmem:v6+s14+$0x0] =	vst.idx.add.f32.msk $0xffff, v4;
	(pc) =	sbr.rel @p0 .LBB2_30-.Ltmp14, $4  }
0x338: {  	[tilespmem:v7+s14+$0x0] =	vst.idx.add.f32.msk $0xffff, v3  }
0x339: {  	s18 =	sshra.s32 s17, $0x2;
	[tilespmem:v8+s14+$0x0] =	vst.idx.add.f32.msk $0xffff, v1  }
0x33a: {  	v2 =	vld [tilespmem:s18+$0x1400]  }
0x33b: {  	s17 =	sadd.s32 $0x40, s17;
	v1 =	vld [tilespmem:s18+$0xB400]  }
0x33c: {  	_ =	sdelay $0x1  }
0x33d: {  	v3 =	vld [tilespmem:s18+$0x3C00]  }
0x33e: {  	v4 =	vld [tilespmem:s18+$0x6400];
	v5 =	vadd.s32 $0x1, v2  }
0x33f: {  	v6 =	vld [tilespmem:s18+$0x8C00];
	v7 =	vadd.s32 $0x80, v2  }
0x340: {  	v8 =	vadd.s32 $0x81, v2;
	_ =	sdelay $0x1  }
0x341: {  	[tilespmem:v2+s14+$0x0] =	vst.idx.add.f32.msk $0xffff, v3  }
0x342: {  	[tilespmem:v5+s14+$0x0] =	vst.idx.add.f32.msk $0xffff, v4  }
0x343: {  	[tilespmem:v7+s14+$0x0] =	vst.idx.add.f32.msk $0xffff, v6  }
0x344: {  	[tilespmem:v8+s14+$0x0] =	vst.idx.add.f32.msk $0xffff, v1  }
0x345: {  	_ =	swait.ge [sflag:s8], $0x1400  }
0x346: {  	[sflag:s8] =	ssyncset.done $0x0  }
0x347: {  	[sflag:s8] =	ssyncadd.s32 $0xFFFFEC00  }
0x348: {  	_ =	swait.ge [sflag:s8], $0x1400  }
0x349: {  	[sflag:s8] =	ssyncset.done $0x0  }
0x34a: {  	[sflag:s8] =	ssyncadd.s32 $0xFFFFEC00  }
0x34b: {  	_ =	swait.ge [sflag:s8], $0x1400  }
0x34c: {  	[sflag:s8] =	ssyncset.done $0x0  }
0x34d: {  	[sflag:s8] =	ssyncadd.s32 $0xFFFFEC00  }
0x34e: {  	_ =	swait.ge [sflag:s8], $0x1400  }
0x34f: {  	[sflag:s8] =	ssyncset.done $0x0  }
0x350: {  	[sflag:s8] =	ssyncadd.s32 $0xFFFFEC00  }
0x351: {  	_ =	swait.ge [sflag:s8], $0x1400  }
0x352: {  	s20 =	sld [smem:$0x7B8]  }
0x353: {  	[sflag:s8] =	ssyncset.done $0x0  }
0x354: {  	s17 =	simm.s32 $0x0;
	s21 =	sld [smem:$0x7B9];
	[sflag:s8] =	ssyncadd.s32 $0xFFFFEC00  }
0x355: {  	[tilespmem:s9], [sflag:$0x2] =	stream.linear.gather [hbm4b:s20+s17], $0x1400, $0x38;
	[tilespmem:$0x1CB00] =	vst v63  }
0x356: {  	s19 =	sld [smem:$0x7BA]  }
0x357: {  	[tilespmem:s10], [sflag:$0x2] =	stream.linear.gather [hbm4b:s21+s17], $0x1400, $0x38;
	[tilespmem:$0x1CB00] =	vst v63  }
0x358: {  	s20 =	sld [smem:$0x7BB]  }
0x359: {  	[tilespmem:s11], [sflag:$0x2] =	stream.linear.gather [hbm4b:s19+s17], $0x1400, $0x38;
	[tilespmem:$0x1CB00] =	vst v63  }
0x35a: {  	s21 =	sld [smem:$0x7BC]  }
0x35b: {  	[tilespmem:s12], [sflag:$0x2] =	stream.linear.gather [hbm4b:s20+s17], $0x1400, $0x38;
	[tilespmem:$0x1CB00] =	vst v63  }
0x35c: {  	s18 =	simm.s32 $0x0  }
0x35d: {  	[tilespmem:s13], [sflag:$0x2] =	stream.linear.gather [hbm4b:s21+s17], $0x1400, $0x38;
	[tilespmem:$0x1CB00] =	vst v63  }
0x35e: {  	v2 =	vld [tilespmem:s18+$0x0]  }
0x35f: {  	s17 =	simm.s32 $0x40;
	v1 =	vld [tilespmem:s18+$0xA000]  }
.LBB2_32:
0x360: {  	p0 =	sne.s32 s17, $0x4FC0;
	v3 =	vld [tilespmem:s18+$0x7800]  }
0x361: {  	v4 =	vld [tilespmem:s18+$0x5000]  }
0x362: {  	v5 =	vld [tilespmem:s18+$0x2800]  }
0x363: {  	v6 =	vadd.s32 $0x1, v2  }
0x364: {  	v7 =	vadd.s32 $0x80, v2  }
0x365: {  	v8 =	vadd.s32 $0x81, v2;
	_ =	sdelay $0x1  }
0x366: {  	[tilespmem:v2+s14+$0x0] =	vst.idx.add.f32.msk $0xffff, v5  }
.Ltmp15:
0x367: {  	[tilespmem:v6+s14+$0x0] =	vst.idx.add.f32.msk $0xffff, v4;
	(pc) =	sbr.rel @p0 .LBB2_32-.Ltmp15, $4  }
0x368: {  	[tilespmem:v7+s14+$0x0] =	vst.idx.add.f32.msk $0xffff, v3  }
0x369: {  	s18 =	sshra.s32 s17, $0x2;
	[tilespmem:v8+s14+$0x0] =	vst.idx.add.f32.msk $0xffff, v1  }
0x36a: {  	v2 =	vld [tilespmem:s18+$0x0]  }
0x36b: {  	s17 =	sadd.s32 $0x40, s17;
	v1 =	vld [tilespmem:s18+$0xA000]  }
0x36c: {  	_ =	sdelay $0x1  }
0x36d: {  	v3 =	vld [tilespmem:s18+$0x2800]  }
0x36e: {  	v4 =	vld [tilespmem:s18+$0x5000];
	v5 =	vadd.s32 $0x1, v2  }
0x36f: {  	v6 =	vld [tilespmem:s18+$0x7800];
	v7 =	vadd.s32 $0x80, v2  }
0x370: {  	v8 =	vadd.s32 $0x81, v2;
	_ =	sdelay $0x1  }
0x371: {  	[tilespmem:v2+s14+$0x0] =	vst.idx.add.f32.msk $0xffff, v3  }
0x372: {  	[tilespmem:v5+s14+$0x0] =	vst.idx.add.f32.msk $0xffff, v4  }
0x373: {  	[tilespmem:v7+s14+$0x0] =	vst.idx.add.f32.msk $0xffff, v6  }
0x374: {  	[tilespmem:v8+s14+$0x0] =	vst.idx.add.f32.msk $0xffff, v1  }
0x375: {  	_ =	swait.ge [sflag:s15], $0x1400  }
0x376: {  	[sflag:s15] =	ssyncset.done $0x0  }
0x377: {  	[sflag:s15] =	ssyncadd.s32 $0xFFFFEC00  }
0x378: {  	_ =	swait.ge [sflag:s15], $0x1400  }
0x379: {  	[sflag:s15] =	ssyncset.done $0x0  }
0x37a: {  	[sflag:s15] =	ssyncadd.s32 $0xFFFFEC00  }
0x37b: {  	_ =	swait.ge [sflag:s15], $0x1400  }
0x37c: {  	[sflag:s15] =	ssyncset.done $0x0  }
0x37d: {  	[sflag:s15] =	ssyncadd.s32 $0xFFFFEC00  }
0x37e: {  	_ =	swait.ge [sflag:s15], $0x1400  }
0x37f: {  	[sflag:s15] =	ssyncset.done $0x0  }
0x380: {  	[sflag:s15] =	ssyncadd.s32 $0xFFFFEC00  }
0x381: {  	_ =	swait.ge [sflag:s15], $0x1400  }
0x382: {  	s20 =	sld [smem:$0x7BD]  }
0x383: {  	[sflag:s15] =	ssyncset.done $0x0  }
0x384: {  	s17 =	simm.s32 $0x0;
	s21 =	sld [smem:$0x7BE];
	[sflag:s15] =	ssyncadd.s32 $0xFFFFEC00  }
0x385: {  	[tilespmem:s17], [sflag:$0x1] =	stream.linear.gather [hbm4b:s20+s17], $0x1400, $0x38;
	[tilespmem:$0x1CB00] =	vst v63  }
0x386: {  	s19 =	sld [smem:$0x7BF]  }
0x387: {  	[tilespmem:s4], [sflag:$0x1] =	stream.linear.gather [hbm4b:s21+s17], $0x1400, $0x38;
	[tilespmem:$0x1CB00] =	vst v63  }
0x388: {  	s20 =	sld [smem:$0x7C0]  }
0x389: {  	[tilespmem:s5], [sflag:$0x1] =	stream.linear.gather [hbm4b:s19+s17], $0x1400, $0x38;
	[tilespmem:$0x1CB00] =	vst v63  }
0x38a: {  	s21 =	sld [smem:$0x7C1]  }
0x38b: {  	[tilespmem:s6], [sflag:$0x1] =	stream.linear.gather [hbm4b:s20+s17], $0x1400, $0x38;
	[tilespmem:$0x1CB00] =	vst v63  }
0x38c: {  	s18 =	simm.s32 $0x0  }
0x38d: {  	[tilespmem:s7], [sflag:$0x1] =	stream.linear.gather [hbm4b:s21+s17], $0x1400, $0x38;
	[tilespmem:$0x1CB00] =	vst v63  }
0x38e: {  	v2 =	vld [tilespmem:s18+$0x1400]  }
0x38f: {  	s17 =	simm.s32 $0x40;
	v1 =	vld [tilespmem:s18+$0xB400]  }
.LBB2_34:
0x390: {  	p0 =	sne.s32 s17, $0x4FC0;
	v3 =	vld [tilespmem:s18+$0x8C00]  }
0x391: {  	v4 =	vld [tilespmem:s18+$0x6400]  }
0x392: {  	v5 =	vld [tilespmem:s18+$0x3C00]  }
0x393: {  	v6 =	vadd.s32 $0x1, v2  }
0x394: {  	v7 =	vadd.s32 $0x80, v2  }
0x395: {  	v8 =	vadd.s32 $0x81, v2;
	_ =	sdelay $0x1  }
0x396: {  	[tilespmem:v2+s14+$0x0] =	vst.idx.add.f32.msk $0xffff, v5  }
.Ltmp16:
0x397: {  	[tilespmem:v6+s14+$0x0] =	vst.idx.add.f32.msk $0xffff, v4;
	(pc) =	sbr.rel @p0 .LBB2_34-.Ltmp16, $4  }
0x398: {  	[tilespmem:v7+s14+$0x0] =	vst.idx.add.f32.msk $0xffff, v3  }
0x399: {  	s18 =	sshra.s32 s17, $0x2;
	[tilespmem:v8+s14+$0x0] =	vst.idx.add.f32.msk $0xffff, v1  }
0x39a: {  	v2 =	vld [tilespmem:s18+$0x1400]  }
0x39b: {  	s17 =	sadd.s32 $0x40, s17;
	v1 =	vld [tilespmem:s18+$0xB400]  }
0x39c: {  	_ =	sdelay $0x1  }
0x39d: {  	v3 =	vld [tilespmem:s18+$0x3C00]  }
0x39e: {  	v4 =	vld [tilespmem:s18+$0x6400];
	v5 =	vadd.s32 $0x1, v2  }
0x39f: {  	v6 =	vld [tilespmem:s18+$0x8C00];
	v7 =	vadd.s32 $0x80, v2  }
0x3a0: {  	v8 =	vadd.s32 $0x81, v2;
	_ =	sdelay $0x1  }
0x3a1: {  	[tilespmem:v2+s14+$0x0] =	vst.idx.add.f32.msk $0xffff, v3  }
0x3a2: {  	[tilespmem:v5+s14+$0x0] =	vst.idx.add.f32.msk $0xffff, v4  }
0x3a3: {  	[tilespmem:v7+s14+$0x0] =	vst.idx.add.f32.msk $0xffff, v6  }
0x3a4: {  	[tilespmem:v8+s14+$0x0] =	vst.idx.add.f32.msk $0xffff, v1  }
0x3a5: {  	_ =	swait.ge [sflag:s8], $0x1400  }
0x3a6: {  	[sflag:s8] =	ssyncset.done $0x0  }
0x3a7: {  	[sflag:s8] =	ssyncadd.s32 $0xFFFFEC00  }
0x3a8: {  	_ =	swait.ge [sflag:s8], $0x1400  }
0x3a9: {  	[sflag:s8] =	ssyncset.done $0x0  }
0x3aa: {  	[sflag:s8] =	ssyncadd.s32 $0xFFFFEC00  }
0x3ab: {  	_ =	swait.ge [sflag:s8], $0x1400  }
0x3ac: {  	[sflag:s8] =	ssyncset.done $0x0  }
0x3ad: {  	[sflag:s8] =	ssyncadd.s32 $0xFFFFEC00  }
0x3ae: {  	_ =	swait.ge [sflag:s8], $0x1400  }
0x3af: {  	[sflag:s8] =	ssyncset.done $0x0  }
0x3b0: {  	[sflag:s8] =	ssyncadd.s32 $0xFFFFEC00  }
0x3b1: {  	_ =	swait.ge [sflag:s8], $0x1400  }
0x3b2: {  	s20 =	sld [smem:$0x7C2]  }
0x3b3: {  	[sflag:s8] =	ssyncset.done $0x0  }
0x3b4: {  	s17 =	simm.s32 $0x0;
	s21 =	sld [smem:$0x7C3];
	[sflag:s8] =	ssyncadd.s32 $0xFFFFEC00  }
0x3b5: {  	[tilespmem:s9], [sflag:$0x2] =	stream.linear.gather [hbm4b:s20+s17], $0x1400, $0x38;
	[tilespmem:$0x1CB00] =	vst v63  }
0x3b6: {  	s19 =	sld [smem:$0x7C4]  }
0x3b7: {  	[tilespmem:s10], [sflag:$0x2] =	stream.linear.gather [hbm4b:s21+s17], $0x1400, $0x38;
	[tilespmem:$0x1CB00] =	vst v63  }
0x3b8: {  	s20 =	sld [smem:$0x7C5]  }
0x3b9: {  	[tilespmem:s11], [sflag:$0x2] =	stream.linear.gather [hbm4b:s19+s17], $0x1400, $0x38;
	[tilespmem:$0x1CB00] =	vst v63  }
0x3ba: {  	s21 =	sld [smem:$0x7C6]  }
0x3bb: {  	[tilespmem:s12], [sflag:$0x2] =	stream.linear.gather [hbm4b:s20+s17], $0x1400, $0x38;
	[tilespmem:$0x1CB00] =	vst v63  }
0x3bc: {  	s18 =	simm.s32 $0x0  }
0x3bd: {  	[tilespmem:s13], [sflag:$0x2] =	stream.linear.gather [hbm4b:s21+s17], $0x1400, $0x38;
	[tilespmem:$0x1CB00] =	vst v63  }
0x3be: {  	v2 =	vld [tilespmem:s18+$0x0]  }
0x3bf: {  	s17 =	simm.s32 $0x40;
	v1 =	vld [tilespmem:s18+$0xA000]  }
.LBB2_36:
0x3c0: {  	p0 =	sne.s32 s17, $0x4FC0;
	v3 =	vld [tilespmem:s18+$0x7800]  }
0x3c1: {  	v4 =	vld [tilespmem:s18+$0x5000]  }
0x3c2: {  	v5 =	vld [tilespmem:s18+$0x2800]  }
0x3c3: {  	v6 =	vadd.s32 $0x1, v2  }
0x3c4: {  	v7 =	vadd.s32 $0x80, v2  }
0x3c5: {  	v8 =	vadd.s32 $0x81, v2;
	_ =	sdelay $0x1  }
0x3c6: {  	[tilespmem:v2+s14+$0x0] =	vst.idx.add.f32.msk $0xffff, v5  }
.Ltmp17:
0x3c7: {  	[tilespmem:v6+s14+$0x0] =	vst.idx.add.f32.msk $0xffff, v4;
	(pc) =	sbr.rel @p0 .LBB2_36-.Ltmp17, $4  }
0x3c8: {  	[tilespmem:v7+s14+$0x0] =	vst.idx.add.f32.msk $0xffff, v3  }
0x3c9: {  	s18 =	sshra.s32 s17, $0x2;
	[tilespmem:v8+s14+$0x0] =	vst.idx.add.f32.msk $0xffff, v1  }
0x3ca: {  	v2 =	vld [tilespmem:s18+$0x0]  }
0x3cb: {  	s17 =	sadd.s32 $0x40, s17;
	v1 =	vld [tilespmem:s18+$0xA000]  }
0x3cc: {  	_ =	sdelay $0x1  }
0x3cd: {  	v3 =	vld [tilespmem:s18+$0x2800]  }
0x3ce: {  	v4 =	vld [tilespmem:s18+$0x5000];
	v5 =	vadd.s32 $0x1, v2  }
0x3cf: {  	v6 =	vld [tilespmem:s18+$0x7800];
	v7 =	vadd.s32 $0x80, v2  }
0x3d0: {  	v8 =	vadd.s32 $0x81, v2;
	_ =	sdelay $0x1  }
0x3d1: {  	[tilespmem:v2+s14+$0x0] =	vst.idx.add.f32.msk $0xffff, v3  }
0x3d2: {  	[tilespmem:v5+s14+$0x0] =	vst.idx.add.f32.msk $0xffff, v4  }
0x3d3: {  	[tilespmem:v7+s14+$0x0] =	vst.idx.add.f32.msk $0xffff, v6  }
0x3d4: {  	[tilespmem:v8+s14+$0x0] =	vst.idx.add.f32.msk $0xffff, v1  }
0x3d5: {  	_ =	swait.ge [sflag:s15], $0x1400  }
0x3d6: {  	[sflag:s15] =	ssyncset.done $0x0  }
0x3d7: {  	[sflag:s15] =	ssyncadd.s32 $0xFFFFEC00  }
0x3d8: {  	_ =	swait.ge [sflag:s15], $0x1400  }
0x3d9: {  	[sflag:s15] =	ssyncset.done $0x0  }
0x3da: {  	[sflag:s15] =	ssyncadd.s32 $0xFFFFEC00  }
0x3db: {  	_ =	swait.ge [sflag:s15], $0x1400  }
0x3dc: {  	[sflag:s15] =	ssyncset.done $0x0  }
0x3dd: {  	[sflag:s15] =	ssyncadd.s32 $0xFFFFEC00  }
0x3de: {  	_ =	swait.ge [sflag:s15], $0x1400  }
0x3df: {  	[sflag:s15] =	ssyncset.done $0x0  }
0x3e0: {  	[sflag:s15] =	ssyncadd.s32 $0xFFFFEC00  }
0x3e1: {  	_ =	swait.ge [sflag:s15], $0x1400  }
0x3e2: {  	s20 =	sld [smem:$0x7C7]  }
0x3e3: {  	[sflag:s15] =	ssyncset.done $0x0  }
0x3e4: {  	s17 =	simm.s32 $0x0;
	s21 =	sld [smem:$0x7C8];
	[sflag:s15] =	ssyncadd.s32 $0xFFFFEC00  }
0x3e5: {  	[tilespmem:s17], [sflag:$0x1] =	stream.linear.gather [hbm4b:s20+s17], $0x1400, $0x38;
	[tilespmem:$0x1CB00] =	vst v63  }
0x3e6: {  	s19 =	sld [smem:$0x7C9]  }
0x3e7: {  	[tilespmem:s4], [sflag:$0x1] =	stream.linear.gather [hbm4b:s21+s17], $0x1400, $0x38;
	[tilespmem:$0x1CB00] =	vst v63  }
0x3e8: {  	s20 =	sld [smem:$0x7CA]  }
0x3e9: {  	[tilespmem:s5], [sflag:$0x1] =	stream.linear.gather [hbm4b:s19+s17], $0x1400, $0x38;
	[tilespmem:$0x1CB00] =	vst v63  }
0x3ea: {  	s21 =	sld [smem:$0x7CB]  }
0x3eb: {  	[tilespmem:s6], [sflag:$0x1] =	stream.linear.gather [hbm4b:s20+s17], $0x1400, $0x38;
	[tilespmem:$0x1CB00] =	vst v63  }
0x3ec: {  	s18 =	simm.s32 $0x0  }
0x3ed: {  	[tilespmem:s7], [sflag:$0x1] =	stream.linear.gather [hbm4b:s21+s17], $0x1400, $0x38;
	[tilespmem:$0x1CB00] =	vst v63  }
0x3ee: {  	v2 =	vld [tilespmem:s18+$0x1400]  }
0x3ef: {  	s17 =	simm.s32 $0x40;
	v1 =	vld [tilespmem:s18+$0xB400]  }
.LBB2_38:
0x3f0: {  	p0 =	sne.s32 s17, $0x4FC0;
	v3 =	vld [tilespmem:s18+$0x8C00]  }
0x3f1: {  	v4 =	vld [tilespmem:s18+$0x6400]  }
0x3f2: {  	v5 =	vld [tilespmem:s18+$0x3C00]  }
0x3f3: {  	v6 =	vadd.s32 $0x1, v2  }
0x3f4: {  	v7 =	vadd.s32 $0x80, v2  }
0x3f5: {  	v8 =	vadd.s32 $0x81, v2;
	_ =	sdelay $0x1  }
0x3f6: {  	[tilespmem:v2+s14+$0x0] =	vst.idx.add.f32.msk $0xffff, v5  }
.Ltmp18:
0x3f7: {  	[tilespmem:v6+s14+$0x0] =	vst.idx.add.f32.msk $0xffff, v4;
	(pc) =	sbr.rel @p0 .LBB2_38-.Ltmp18, $4  }
0x3f8: {  	[tilespmem:v7+s14+$0x0] =	vst.idx.add.f32.msk $0xffff, v3  }
0x3f9: {  	s18 =	sshra.s32 s17, $0x2;
	[tilespmem:v8+s14+$0x0] =	vst.idx.add.f32.msk $0xffff, v1  }
0x3fa: {  	v2 =	vld [tilespmem:s18+$0x1400]  }
0x3fb: {  	s17 =	sadd.s32 $0x40, s17;
	v1 =	vld [tilespmem:s18+$0xB400]  }
0x3fc: {  	_ =	sdelay $0x1  }
0x3fd: {  	v3 =	vld [tilespmem:s18+$0x3C00]  }
0x3fe: {  	v4 =	vld [tilespmem:s18+$0x6400];
	v5 =	vadd.s32 $0x1, v2  }
0x3ff: {  	v6 =	vld [tilespmem:s18+$0x8C00];
	v7 =	vadd.s32 $0x80, v2  }
0x400: {  	v8 =	vadd.s32 $0x81, v2;
	_ =	sdelay $0x1  }
0x401: {  	[tilespmem:v2+s14+$0x0] =	vst.idx.add.f32.msk $0xffff, v3  }
0x402: {  	[tilespmem:v5+s14+$0x0] =	vst.idx.add.f32.msk $0xffff, v4  }
0x403: {  	[tilespmem:v7+s14+$0x0] =	vst.idx.add.f32.msk $0xffff, v6  }
0x404: {  	[tilespmem:v8+s14+$0x0] =	vst.idx.add.f32.msk $0xffff, v1  }
0x405: {  	_ =	swait.ge [sflag:s8], $0x1400  }
0x406: {  	[sflag:s8] =	ssyncset.done $0x0  }
0x407: {  	[sflag:s8] =	ssyncadd.s32 $0xFFFFEC00  }
0x408: {  	_ =	swait.ge [sflag:s8], $0x1400  }
0x409: {  	[sflag:s8] =	ssyncset.done $0x0  }
0x40a: {  	[sflag:s8] =	ssyncadd.s32 $0xFFFFEC00  }
0x40b: {  	_ =	swait.ge [sflag:s8], $0x1400  }
0x40c: {  	[sflag:s8] =	ssyncset.done $0x0  }
0x40d: {  	[sflag:s8] =	ssyncadd.s32 $0xFFFFEC00  }
0x40e: {  	_ =	swait.ge [sflag:s8], $0x1400  }
0x40f: {  	[sflag:s8] =	ssyncset.done $0x0  }
0x410: {  	[sflag:s8] =	ssyncadd.s32 $0xFFFFEC00  }
0x411: {  	_ =	swait.ge [sflag:s8], $0x1400  }
0x412: {  	s20 =	sld [smem:$0x7CC]  }
0x413: {  	[sflag:s8] =	ssyncset.done $0x0  }
0x414: {  	s17 =	simm.s32 $0x0;
	s21 =	sld [smem:$0x7CD];
	[sflag:s8] =	ssyncadd.s32 $0xFFFFEC00  }
0x415: {  	[tilespmem:s9], [sflag:$0x2] =	stream.linear.gather [hbm4b:s20+s17], $0x1400, $0x38;
	[tilespmem:$0x1CB00] =	vst v63  }
0x416: {  	s19 =	sld [smem:$0x7CE]  }
0x417: {  	[tilespmem:s10], [sflag:$0x2] =	stream.linear.gather [hbm4b:s21+s17], $0x1400, $0x38;
	[tilespmem:$0x1CB00] =	vst v63  }
0x418: {  	s20 =	sld [smem:$0x7CF]  }
0x419: {  	[tilespmem:s11], [sflag:$0x2] =	stream.linear.gather [hbm4b:s19+s17], $0x1400, $0x38;
	[tilespmem:$0x1CB00] =	vst v63  }
0x41a: {  	s21 =	sld [smem:$0x7D0]  }
0x41b: {  	[tilespmem:s12], [sflag:$0x2] =	stream.linear.gather [hbm4b:s20+s17], $0x1400, $0x38;
	[tilespmem:$0x1CB00] =	vst v63  }
0x41c: {  	s18 =	simm.s32 $0x0  }
0x41d: {  	[tilespmem:s13], [sflag:$0x2] =	stream.linear.gather [hbm4b:s21+s17], $0x1400, $0x38;
	[tilespmem:$0x1CB00] =	vst v63  }
0x41e: {  	v2 =	vld [tilespmem:s18+$0x0]  }
0x41f: {  	s17 =	simm.s32 $0x40;
	v1 =	vld [tilespmem:s18+$0xA000]  }
.LBB2_40:
0x420: {  	p0 =	sne.s32 s17, $0x4FC0;
	v3 =	vld [tilespmem:s18+$0x7800]  }
0x421: {  	v4 =	vld [tilespmem:s18+$0x5000]  }
0x422: {  	v5 =	vld [tilespmem:s18+$0x2800]  }
0x423: {  	v6 =	vadd.s32 $0x1, v2  }
0x424: {  	v7 =	vadd.s32 $0x80, v2  }
0x425: {  	v8 =	vadd.s32 $0x81, v2;
	_ =	sdelay $0x1  }
0x426: {  	[tilespmem:v2+s14+$0x0] =	vst.idx.add.f32.msk $0xffff, v5  }
.Ltmp19:
0x427: {  	[tilespmem:v6+s14+$0x0] =	vst.idx.add.f32.msk $0xffff, v4;
	(pc) =	sbr.rel @p0 .LBB2_40-.Ltmp19, $4  }
0x428: {  	[tilespmem:v7+s14+$0x0] =	vst.idx.add.f32.msk $0xffff, v3  }
0x429: {  	s18 =	sshra.s32 s17, $0x2;
	[tilespmem:v8+s14+$0x0] =	vst.idx.add.f32.msk $0xffff, v1  }
0x42a: {  	v2 =	vld [tilespmem:s18+$0x0]  }
0x42b: {  	s17 =	sadd.s32 $0x40, s17;
	v1 =	vld [tilespmem:s18+$0xA000]  }
0x42c: {  	_ =	sdelay $0x1  }
0x42d: {  	v3 =	vld [tilespmem:s18+$0x2800]  }
0x42e: {  	v4 =	vld [tilespmem:s18+$0x5000];
	v5 =	vadd.s32 $0x1, v2  }
0x42f: {  	v6 =	vld [tilespmem:s18+$0x7800];
	v7 =	vadd.s32 $0x80, v2  }
0x430: {  	v8 =	vadd.s32 $0x81, v2;
	_ =	sdelay $0x1  }
0x431: {  	[tilespmem:v2+s14+$0x0] =	vst.idx.add.f32.msk $0xffff, v3  }
0x432: {  	[tilespmem:v5+s14+$0x0] =	vst.idx.add.f32.msk $0xffff, v4  }
0x433: {  	[tilespmem:v7+s14+$0x0] =	vst.idx.add.f32.msk $0xffff, v6  }
0x434: {  	[tilespmem:v8+s14+$0x0] =	vst.idx.add.f32.msk $0xffff, v1  }
0x435: {  	_ =	swait.ge [sflag:s15], $0x1400  }
0x436: {  	[sflag:s15] =	ssyncset.done $0x0  }
0x437: {  	[sflag:s15] =	ssyncadd.s32 $0xFFFFEC00  }
0x438: {  	_ =	swait.ge [sflag:s15], $0x1400  }
0x439: {  	[sflag:s15] =	ssyncset.done $0x0  }
0x43a: {  	[sflag:s15] =	ssyncadd.s32 $0xFFFFEC00  }
0x43b: {  	_ =	swait.ge [sflag:s15], $0x1400  }
0x43c: {  	[sflag:s15] =	ssyncset.done $0x0  }
0x43d: {  	[sflag:s15] =	ssyncadd.s32 $0xFFFFEC00  }
0x43e: {  	_ =	swait.ge [sflag:s15], $0x1400  }
0x43f: {  	[sflag:s15] =	ssyncset.done $0x0  }
0x440: {  	[sflag:s15] =	ssyncadd.s32 $0xFFFFEC00  }
0x441: {  	_ =	swait.ge [sflag:s15], $0x1400  }
0x442: {  	s20 =	sld [smem:$0x7D1]  }
0x443: {  	[sflag:s15] =	ssyncset.done $0x0  }
0x444: {  	s17 =	simm.s32 $0x0;
	s21 =	sld [smem:$0x7D2];
	[sflag:s15] =	ssyncadd.s32 $0xFFFFEC00  }
0x445: {  	[tilespmem:s17], [sflag:$0x1] =	stream.linear.gather [hbm4b:s20+s17], $0x1400, $0x38;
	[tilespmem:$0x1CB00] =	vst v63  }
0x446: {  	s19 =	sld [smem:$0x7D3]  }
0x447: {  	[tilespmem:s4], [sflag:$0x1] =	stream.linear.gather [hbm4b:s21+s17], $0x1400, $0x38;
	[tilespmem:$0x1CB00] =	vst v63  }
0x448: {  	s20 =	sld [smem:$0x7D4]  }
0x449: {  	[tilespmem:s5], [sflag:$0x1] =	stream.linear.gather [hbm4b:s19+s17], $0x1400, $0x38;
	[tilespmem:$0x1CB00] =	vst v63  }
0x44a: {  	s21 =	sld [smem:$0x7D5]  }
0x44b: {  	[tilespmem:s6], [sflag:$0x1] =	stream.linear.gather [hbm4b:s20+s17], $0x1400, $0x38;
	[tilespmem:$0x1CB00] =	vst v63  }
0x44c: {  	s18 =	simm.s32 $0x0  }
0x44d: {  	[tilespmem:s7], [sflag:$0x1] =	stream.linear.gather [hbm4b:s21+s17], $0x1400, $0x38;
	[tilespmem:$0x1CB00] =	vst v63  }
0x44e: {  	v2 =	vld [tilespmem:s18+$0x1400]  }
0x44f: {  	s17 =	simm.s32 $0x40;
	v1 =	vld [tilespmem:s18+$0xB400]  }
.LBB2_42:
0x450: {  	p0 =	sne.s32 s17, $0x4FC0;
	v3 =	vld [tilespmem:s18+$0x8C00]  }
0x451: {  	v4 =	vld [tilespmem:s18+$0x6400]  }
0x452: {  	v5 =	vld [tilespmem:s18+$0x3C00]  }
0x453: {  	v6 =	vadd.s32 $0x1, v2  }
0x454: {  	v7 =	vadd.s32 $0x80, v2  }
0x455: {  	v8 =	vadd.s32 $0x81, v2;
	_ =	sdelay $0x1  }
0x456: {  	[tilespmem:v2+s14+$0x0] =	vst.idx.add.f32.msk $0xffff, v5  }
.Ltmp20:
0x457: {  	[tilespmem:v6+s14+$0x0] =	vst.idx.add.f32.msk $0xffff, v4;
	(pc) =	sbr.rel @p0 .LBB2_42-.Ltmp20, $4  }
0x458: {  	[tilespmem:v7+s14+$0x0] =	vst.idx.add.f32.msk $0xffff, v3  }
0x459: {  	s18 =	sshra.s32 s17, $0x2;
	[tilespmem:v8+s14+$0x0] =	vst.idx.add.f32.msk $0xffff, v1  }
0x45a: {  	v2 =	vld [tilespmem:s18+$0x1400]  }
0x45b: {  	s17 =	sadd.s32 $0x40, s17;
	v1 =	vld [tilespmem:s18+$0xB400]  }
0x45c: {  	_ =	sdelay $0x1  }
0x45d: {  	v3 =	vld [tilespmem:s18+$0x3C00]  }
0x45e: {  	v4 =	vld [tilespmem:s18+$0x6400];
	v5 =	vadd.s32 $0x1, v2  }
0x45f: {  	v6 =	vld [tilespmem:s18+$0x8C00];
	v7 =	vadd.s32 $0x80, v2  }
0x460: {  	v8 =	vadd.s32 $0x81, v2;
	_ =	sdelay $0x1  }
0x461: {  	[tilespmem:v2+s14+$0x0] =	vst.idx.add.f32.msk $0xffff, v3  }
0x462: {  	[tilespmem:v5+s14+$0x0] =	vst.idx.add.f32.msk $0xffff, v4  }
0x463: {  	[tilespmem:v7+s14+$0x0] =	vst.idx.add.f32.msk $0xffff, v6  }
0x464: {  	[tilespmem:v8+s14+$0x0] =	vst.idx.add.f32.msk $0xffff, v1  }
0x465: {  	_ =	swait.ge [sflag:s8], $0x1400  }
0x466: {  	[sflag:s8] =	ssyncset.done $0x0  }
0x467: {  	[sflag:s8] =	ssyncadd.s32 $0xFFFFEC00  }
0x468: {  	_ =	swait.ge [sflag:s8], $0x1400  }
0x469: {  	[sflag:s8] =	ssyncset.done $0x0  }
0x46a: {  	[sflag:s8] =	ssyncadd.s32 $0xFFFFEC00  }
0x46b: {  	_ =	swait.ge [sflag:s8], $0x1400  }
0x46c: {  	[sflag:s8] =	ssyncset.done $0x0  }
0x46d: {  	[sflag:s8] =	ssyncadd.s32 $0xFFFFEC00  }
0x46e: {  	_ =	swait.ge [sflag:s8], $0x1400  }
0x46f: {  	[sflag:s8] =	ssyncset.done $0x0  }
0x470: {  	[sflag:s8] =	ssyncadd.s32 $0xFFFFEC00  }
0x471: {  	_ =	swait.ge [sflag:s8], $0x1400  }
0x472: {  	s20 =	sld [smem:$0x7D6]  }
0x473: {  	[sflag:s8] =	ssyncset.done $0x0  }
0x474: {  	s17 =	simm.s32 $0x0;
	s21 =	sld [smem:$0x7D7];
	[sflag:s8] =	ssyncadd.s32 $0xFFFFEC00  }
0x475: {  	[tilespmem:s9], [sflag:$0x2] =	stream.linear.gather [hbm4b:s20+s17], $0x1400, $0x38;
	[tilespmem:$0x1CB00] =	vst v63  }
0x476: {  	s19 =	sld [smem:$0x7D8]  }
0x477: {  	[tilespmem:s10], [sflag:$0x2] =	stream.linear.gather [hbm4b:s21+s17], $0x1400, $0x38;
	[tilespmem:$0x1CB00] =	vst v63  }
0x478: {  	s20 =	sld [smem:$0x7D9]  }
0x479: {  	[tilespmem:s11], [sflag:$0x2] =	stream.linear.gather [hbm4b:s19+s17], $0x1400, $0x38;
	[tilespmem:$0x1CB00] =	vst v63  }
0x47a: {  	s21 =	sld [smem:$0x7DA]  }
0x47b: {  	[tilespmem:s12], [sflag:$0x2] =	stream.linear.gather [hbm4b:s20+s17], $0x1400, $0x38;
	[tilespmem:$0x1CB00] =	vst v63  }
0x47c: {  	s18 =	simm.s32 $0x0  }
0x47d: {  	[tilespmem:s13], [sflag:$0x2] =	stream.linear.gather [hbm4b:s21+s17], $0x1400, $0x38;
	[tilespmem:$0x1CB00] =	vst v63  }
0x47e: {  	v2 =	vld [tilespmem:s18+$0x0]  }
0x47f: {  	s17 =	simm.s32 $0x40;
	v1 =	vld [tilespmem:s18+$0xA000]  }
.LBB2_44:
0x480: {  	p0 =	sne.s32 s17, $0x4FC0;
	v3 =	vld [tilespmem:s18+$0x7800]  }
0x481: {  	v4 =	vld [tilespmem:s18+$0x5000]  }
0x482: {  	v5 =	vld [tilespmem:s18+$0x2800]  }
0x483: {  	v6 =	vadd.s32 $0x1, v2  }
0x484: {  	v7 =	vadd.s32 $0x80, v2  }
0x485: {  	v8 =	vadd.s32 $0x81, v2;
	_ =	sdelay $0x1  }
0x486: {  	[tilespmem:v2+s14+$0x0] =	vst.idx.add.f32.msk $0xffff, v5  }
.Ltmp21:
0x487: {  	[tilespmem:v6+s14+$0x0] =	vst.idx.add.f32.msk $0xffff, v4;
	(pc) =	sbr.rel @p0 .LBB2_44-.Ltmp21, $4  }
0x488: {  	[tilespmem:v7+s14+$0x0] =	vst.idx.add.f32.msk $0xffff, v3  }
0x489: {  	s18 =	sshra.s32 s17, $0x2;
	[tilespmem:v8+s14+$0x0] =	vst.idx.add.f32.msk $0xffff, v1  }
0x48a: {  	v2 =	vld [tilespmem:s18+$0x0]  }
0x48b: {  	s17 =	sadd.s32 $0x40, s17;
	v1 =	vld [tilespmem:s18+$0xA000]  }
0x48c: {  	_ =	sdelay $0x1  }
0x48d: {  	v3 =	vld [tilespmem:s18+$0x2800]  }
0x48e: {  	v4 =	vld [tilespmem:s18+$0x5000];
	v5 =	vadd.s32 $0x1, v2  }
0x48f: {  	v6 =	vld [tilespmem:s18+$0x7800];
	v7 =	vadd.s32 $0x80, v2  }
0x490: {  	v8 =	vadd.s32 $0x81, v2;
	_ =	sdelay $0x1  }
0x491: {  	[tilespmem:v2+s14+$0x0] =	vst.idx.add.f32.msk $0xffff, v3  }
0x492: {  	[tilespmem:v5+s14+$0x0] =	vst.idx.add.f32.msk $0xffff, v4  }
0x493: {  	[tilespmem:v7+s14+$0x0] =	vst.idx.add.f32.msk $0xffff, v6  }
0x494: {  	[tilespmem:v8+s14+$0x0] =	vst.idx.add.f32.msk $0xffff, v1  }
0x495: {  	_ =	swait.ge [sflag:s15], $0x1400  }
0x496: {  	[sflag:s15] =	ssyncset.done $0x0  }
0x497: {  	[sflag:s15] =	ssyncadd.s32 $0xFFFFEC00  }
0x498: {  	_ =	swait.ge [sflag:s15], $0x1400  }
0x499: {  	[sflag:s15] =	ssyncset.done $0x0  }
0x49a: {  	[sflag:s15] =	ssyncadd.s32 $0xFFFFEC00  }
0x49b: {  	_ =	swait.ge [sflag:s15], $0x1400  }
0x49c: {  	[sflag:s15] =	ssyncset.done $0x0  }
0x49d: {  	[sflag:s15] =	ssyncadd.s32 $0xFFFFEC00  }
0x49e: {  	_ =	swait.ge [sflag:s15], $0x1400  }
0x49f: {  	[sflag:s15] =	ssyncset.done $0x0  }
0x4a0: {  	[sflag:s15] =	ssyncadd.s32 $0xFFFFEC00  }
0x4a1: {  	_ =	swait.ge [sflag:s15], $0x1400  }
0x4a2: {  	s20 =	sld [smem:$0x7DB]  }
0x4a3: {  	[sflag:s15] =	ssyncset.done $0x0  }
0x4a4: {  	s17 =	simm.s32 $0x0;
	s21 =	sld [smem:$0x7DC];
	[sflag:s15] =	ssyncadd.s32 $0xFFFFEC00  }
0x4a5: {  	[tilespmem:s17], [sflag:$0x1] =	stream.linear.gather [hbm4b:s20+s17], $0x1400, $0x38;
	[tilespmem:$0x1CB00] =	vst v63  }
0x4a6: {  	s19 =	sld [smem:$0x7DD]  }
0x4a7: {  	[tilespmem:s4], [sflag:$0x1] =	stream.linear.gather [hbm4b:s21+s17], $0x1400, $0x38;
	[tilespmem:$0x1CB00] =	vst v63  }
0x4a8: {  	s20 =	sld [smem:$0x7DE]  }
0x4a9: {  	[tilespmem:s5], [sflag:$0x1] =	stream.linear.gather [hbm4b:s19+s17], $0x1400, $0x38;
	[tilespmem:$0x1CB00] =	vst v63  }
0x4aa: {  	s21 =	sld [smem:$0x7DF]  }
0x4ab: {  	[tilespmem:s6], [sflag:$0x1] =	stream.linear.gather [hbm4b:s20+s17], $0x1400, $0x38;
	[tilespmem:$0x1CB00] =	vst v63  }
0x4ac: {  	s18 =	simm.s32 $0x0  }
0x4ad: {  	[tilespmem:s7], [sflag:$0x1] =	stream.linear.gather [hbm4b:s21+s17], $0x1400, $0x38;
	[tilespmem:$0x1CB00] =	vst v63  }
0x4ae: {  	v2 =	vld [tilespmem:s18+$0x1400]  }
0x4af: {  	s17 =	simm.s32 $0x40;
	v1 =	vld [tilespmem:s18+$0xB400]  }
.LBB2_46:
0x4b0: {  	p0 =	sne.s32 s17, $0x4FC0;
	v3 =	vld [tilespmem:s18+$0x8C00]  }
0x4b1: {  	v4 =	vld [tilespmem:s18+$0x6400]  }
0x4b2: {  	v5 =	vld [tilespmem:s18+$0x3C00]  }
0x4b3: {  	v6 =	vadd.s32 $0x1, v2  }
0x4b4: {  	v7 =	vadd.s32 $0x80, v2  }
0x4b5: {  	v8 =	vadd.s32 $0x81, v2;
	_ =	sdelay $0x1  }
0x4b6: {  	[tilespmem:v2+s14+$0x0] =	vst.idx.add.f32.msk $0xffff, v5  }
.Ltmp22:
0x4b7: {  	[tilespmem:v6+s14+$0x0] =	vst.idx.add.f32.msk $0xffff, v4;
	(pc) =	sbr.rel @p0 .LBB2_46-.Ltmp22, $4  }
0x4b8: {  	[tilespmem:v7+s14+$0x0] =	vst.idx.add.f32.msk $0xffff, v3  }
0x4b9: {  	s18 =	sshra.s32 s17, $0x2;
	[tilespmem:v8+s14+$0x0] =	vst.idx.add.f32.msk $0xffff, v1  }
0x4ba: {  	v2 =	vld [tilespmem:s18+$0x1400]  }
0x4bb: {  	s17 =	sadd.s32 $0x40, s17;
	v1 =	vld [tilespmem:s18+$0xB400]  }
0x4bc: {  	_ =	sdelay $0x1  }
0x4bd: {  	v3 =	vld [tilespmem:s18+$0x3C00]  }
0x4be: {  	v4 =	vld [tilespmem:s18+$0x6400];
	v5 =	vadd.s32 $0x1, v2  }
0x4bf: {  	v6 =	vld [tilespmem:s18+$0x8C00];
	v7 =	vadd.s32 $0x80, v2  }
0x4c0: {  	v8 =	vadd.s32 $0x81, v2;
	_ =	sdelay $0x1  }
0x4c1: {  	[tilespmem:v2+s14+$0x0] =	vst.idx.add.f32.msk $0xffff, v3  }
0x4c2: {  	[tilespmem:v5+s14+$0x0] =	vst.idx.add.f32.msk $0xffff, v4  }
0x4c3: {  	[tilespmem:v7+s14+$0x0] =	vst.idx.add.f32.msk $0xffff, v6  }
0x4c4: {  	[tilespmem:v8+s14+$0x0] =	vst.idx.add.f32.msk $0xffff, v1  }
0x4c5: {  	_ =	swait.ge [sflag:s8], $0x1400  }
0x4c6: {  	[sflag:s8] =	ssyncset.done $0x0  }
0x4c7: {  	[sflag:s8] =	ssyncadd.s32 $0xFFFFEC00  }
0x4c8: {  	_ =	swait.ge [sflag:s8], $0x1400  }
0x4c9: {  	[sflag:s8] =	ssyncset.done $0x0  }
0x4ca: {  	[sflag:s8] =	ssyncadd.s32 $0xFFFFEC00  }
0x4cb: {  	_ =	swait.ge [sflag:s8], $0x1400  }
0x4cc: {  	[sflag:s8] =	ssyncset.done $0x0  }
0x4cd: {  	[sflag:s8] =	ssyncadd.s32 $0xFFFFEC00  }
0x4ce: {  	_ =	swait.ge [sflag:s8], $0x1400  }
0x4cf: {  	[sflag:s8] =	ssyncset.done $0x0  }
0x4d0: {  	[sflag:s8] =	ssyncadd.s32 $0xFFFFEC00  }
0x4d1: {  	_ =	swait.ge [sflag:s8], $0x1400  }
0x4d2: {  	s20 =	sld [smem:$0x7E0]  }
0x4d3: {  	[sflag:s8] =	ssyncset.done $0x0  }
0x4d4: {  	s17 =	simm.s32 $0x0;
	s21 =	sld [smem:$0x7E1];
	[sflag:s8] =	ssyncadd.s32 $0xFFFFEC00  }
0x4d5: {  	[tilespmem:s9], [sflag:$0x2] =	stream.linear.gather [hbm4b:s20+s17], $0x1400, $0x38;
	[tilespmem:$0x1CB00] =	vst v63  }
0x4d6: {  	s19 =	sld [smem:$0x7E2]  }
0x4d7: {  	[tilespmem:s10], [sflag:$0x2] =	stream.linear.gather [hbm4b:s21+s17], $0x1400, $0x38;
	[tilespmem:$0x1CB00] =	vst v63  }
0x4d8: {  	s20 =	sld [smem:$0x7E3]  }
0x4d9: {  	[tilespmem:s11], [sflag:$0x2] =	stream.linear.gather [hbm4b:s19+s17], $0x1400, $0x38;
	[tilespmem:$0x1CB00] =	vst v63  }
0x4da: {  	s21 =	sld [smem:$0x7E4]  }
0x4db: {  	[tilespmem:s12], [sflag:$0x2] =	stream.linear.gather [hbm4b:s20+s17], $0x1400, $0x38;
	[tilespmem:$0x1CB00] =	vst v63  }
0x4dc: {  	s18 =	simm.s32 $0x0  }
0x4dd: {  	[tilespmem:s13], [sflag:$0x2] =	stream.linear.gather [hbm4b:s21+s17], $0x1400, $0x38;
	[tilespmem:$0x1CB00] =	vst v63  }
0x4de: {  	v2 =	vld [tilespmem:s18+$0x0]  }
0x4df: {  	s17 =	simm.s32 $0x40;
	v1 =	vld [tilespmem:s18+$0xA000]  }
.LBB2_48:
0x4e0: {  	p0 =	sne.s32 s17, $0x4FC0;
	v3 =	vld [tilespmem:s18+$0x7800]  }
0x4e1: {  	v4 =	vld [tilespmem:s18+$0x5000]  }
0x4e2: {  	v5 =	vld [tilespmem:s18+$0x2800]  }
0x4e3: {  	v6 =	vadd.s32 $0x1, v2  }
0x4e4: {  	v7 =	vadd.s32 $0x80, v2  }
0x4e5: {  	v8 =	vadd.s32 $0x81, v2;
	_ =	sdelay $0x1  }
0x4e6: {  	[tilespmem:v2+s14+$0x0] =	vst.idx.add.f32.msk $0xffff, v5  }
.Ltmp23:
0x4e7: {  	[tilespmem:v6+s14+$0x0] =	vst.idx.add.f32.msk $0xffff, v4;
	(pc) =	sbr.rel @p0 .LBB2_48-.Ltmp23, $4  }
0x4e8: {  	[tilespmem:v7+s14+$0x0] =	vst.idx.add.f32.msk $0xffff, v3  }
0x4e9: {  	s18 =	sshra.s32 s17, $0x2;
	[tilespmem:v8+s14+$0x0] =	vst.idx.add.f32.msk $0xffff, v1  }
0x4ea: {  	v2 =	vld [tilespmem:s18+$0x0]  }
0x4eb: {  	s17 =	sadd.s32 $0x40, s17;
	v1 =	vld [tilespmem:s18+$0xA000]  }
0x4ec: {  	_ =	sdelay $0x1  }
0x4ed: {  	v3 =	vld [tilespmem:s18+$0x2800]  }
0x4ee: {  	v4 =	vld [tilespmem:s18+$0x5000];
	v5 =	vadd.s32 $0x1, v2  }
0x4ef: {  	v6 =	vld [tilespmem:s18+$0x7800];
	v7 =	vadd.s32 $0x80, v2  }
0x4f0: {  	v8 =	vadd.s32 $0x81, v2;
	_ =	sdelay $0x1  }
0x4f1: {  	[tilespmem:v2+s14+$0x0] =	vst.idx.add.f32.msk $0xffff, v3  }
0x4f2: {  	[tilespmem:v5+s14+$0x0] =	vst.idx.add.f32.msk $0xffff, v4  }
0x4f3: {  	[tilespmem:v7+s14+$0x0] =	vst.idx.add.f32.msk $0xffff, v6  }
0x4f4: {  	[tilespmem:v8+s14+$0x0] =	vst.idx.add.f32.msk $0xffff, v1  }
0x4f5: {  	_ =	swait.ge [sflag:s15], $0x1400  }
0x4f6: {  	[sflag:s15] =	ssyncset.done $0x0  }
0x4f7: {  	[sflag:s15] =	ssyncadd.s32 $0xFFFFEC00  }
0x4f8: {  	_ =	swait.ge [sflag:s15], $0x1400  }
0x4f9: {  	[sflag:s15] =	ssyncset.done $0x0  }
0x4fa: {  	[sflag:s15] =	ssyncadd.s32 $0xFFFFEC00  }
0x4fb: {  	_ =	swait.ge [sflag:s15], $0x1400  }
0x4fc: {  	[sflag:s15] =	ssyncset.done $0x0  }
0x4fd: {  	[sflag:s15] =	ssyncadd.s32 $0xFFFFEC00  }
0x4fe: {  	_ =	swait.ge [sflag:s15], $0x1400  }
0x4ff: {  	[sflag:s15] =	ssyncset.done $0x0  }
0x500: {  	[sflag:s15] =	ssyncadd.s32 $0xFFFFEC00  }
0x501: {  	_ =	swait.ge [sflag:s15], $0x1400  }
0x502: {  	s20 =	sld [smem:$0x7E5]  }
0x503: {  	[sflag:s15] =	ssyncset.done $0x0  }
0x504: {  	s17 =	simm.s32 $0x0;
	s21 =	sld [smem:$0x7E6];
	[sflag:s15] =	ssyncadd.s32 $0xFFFFEC00  }
0x505: {  	[tilespmem:s17], [sflag:$0x1] =	stream.linear.gather [hbm4b:s20+s17], $0x1400, $0x38;
	[tilespmem:$0x1CB00] =	vst v63  }
0x506: {  	s19 =	sld [smem:$0x7E7]  }
0x507: {  	[tilespmem:s4], [sflag:$0x1] =	stream.linear.gather [hbm4b:s21+s17], $0x1400, $0x38;
	[tilespmem:$0x1CB00] =	vst v63  }
0x508: {  	s20 =	sld [smem:$0x7E8]  }
0x509: {  	[tilespmem:s5], [sflag:$0x1] =	stream.linear.gather [hbm4b:s19+s17], $0x1400, $0x38;
	[tilespmem:$0x1CB00] =	vst v63  }
0x50a: {  	s21 =	sld [smem:$0x7E9]  }
0x50b: {  	[tilespmem:s6], [sflag:$0x1] =	stream.linear.gather [hbm4b:s20+s17], $0x1400, $0x38;
	[tilespmem:$0x1CB00] =	vst v63  }
0x50c: {  	s18 =	simm.s32 $0x0  }
0x50d: {  	[tilespmem:s7], [sflag:$0x1] =	stream.linear.gather [hbm4b:s21+s17], $0x1400, $0x38;
	[tilespmem:$0x1CB00] =	vst v63  }
0x50e: {  	v2 =	vld [tilespmem:s18+$0x1400]  }
0x50f: {  	s17 =	simm.s32 $0x40;
	v1 =	vld [tilespmem:s18+$0xB400]  }
.LBB2_50:
0x510: {  	p0 =	sne.s32 s17, $0x4FC0;
	v3 =	vld [tilespmem:s18+$0x8C00]  }
0x511: {  	v4 =	vld [tilespmem:s18+$0x6400]  }
0x512: {  	v5 =	vld [tilespmem:s18+$0x3C00]  }
0x513: {  	v6 =	vadd.s32 $0x1, v2  }
0x514: {  	v7 =	vadd.s32 $0x80, v2  }
0x515: {  	v8 =	vadd.s32 $0x81, v2;
	_ =	sdelay $0x1  }
0x516: {  	[tilespmem:v2+s14+$0x0] =	vst.idx.add.f32.msk $0xffff, v5  }
.Ltmp24:
0x517: {  	[tilespmem:v6+s14+$0x0] =	vst.idx.add.f32.msk $0xffff, v4;
	(pc) =	sbr.rel @p0 .LBB2_50-.Ltmp24, $4  }
0x518: {  	[tilespmem:v7+s14+$0x0] =	vst.idx.add.f32.msk $0xffff, v3  }
0x519: {  	s18 =	sshra.s32 s17, $0x2;
	[tilespmem:v8+s14+$0x0] =	vst.idx.add.f32.msk $0xffff, v1  }
0x51a: {  	v2 =	vld [tilespmem:s18+$0x1400]  }
0x51b: {  	s17 =	sadd.s32 $0x40, s17;
	v1 =	vld [tilespmem:s18+$0xB400]  }
0x51c: {  	_ =	sdelay $0x1  }
0x51d: {  	v3 =	vld [tilespmem:s18+$0x3C00]  }
0x51e: {  	v4 =	vld [tilespmem:s18+$0x6400];
	v5 =	vadd.s32 $0x1, v2  }
0x51f: {  	v6 =	vld [tilespmem:s18+$0x8C00];
	v7 =	vadd.s32 $0x80, v2  }
0x520: {  	v8 =	vadd.s32 $0x81, v2;
	_ =	sdelay $0x1  }
0x521: {  	[tilespmem:v2+s14+$0x0] =	vst.idx.add.f32.msk $0xffff, v3  }
0x522: {  	[tilespmem:v5+s14+$0x0] =	vst.idx.add.f32.msk $0xffff, v4  }
0x523: {  	[tilespmem:v7+s14+$0x0] =	vst.idx.add.f32.msk $0xffff, v6  }
0x524: {  	[tilespmem:v8+s14+$0x0] =	vst.idx.add.f32.msk $0xffff, v1  }
0x525: {  	_ =	swait.ge [sflag:s8], $0x1400  }
0x526: {  	[sflag:s8] =	ssyncset.done $0x0  }
0x527: {  	[sflag:s8] =	ssyncadd.s32 $0xFFFFEC00  }
0x528: {  	_ =	swait.ge [sflag:s8], $0x1400  }
0x529: {  	[sflag:s8] =	ssyncset.done $0x0  }
0x52a: {  	[sflag:s8] =	ssyncadd.s32 $0xFFFFEC00  }
0x52b: {  	_ =	swait.ge [sflag:s8], $0x1400  }
0x52c: {  	[sflag:s8] =	ssyncset.done $0x0  }
0x52d: {  	[sflag:s8] =	ssyncadd.s32 $0xFFFFEC00  }
0x52e: {  	_ =	swait.ge [sflag:s8], $0x1400  }
0x52f: {  	[sflag:s8] =	ssyncset.done $0x0  }
0x530: {  	[sflag:s8] =	ssyncadd.s32 $0xFFFFEC00  }
0x531: {  	_ =	swait.ge [sflag:s8], $0x1400  }
0x532: {  	s20 =	sld [smem:$0x7EA]  }
0x533: {  	[sflag:s8] =	ssyncset.done $0x0  }
0x534: {  	s17 =	simm.s32 $0x0;
	s21 =	sld [smem:$0x7EB];
	[sflag:s8] =	ssyncadd.s32 $0xFFFFEC00  }
0x535: {  	[tilespmem:s9], [sflag:$0x2] =	stream.linear.gather [hbm4b:s20+s17], $0x1400, $0x38;
	[tilespmem:$0x1CB00] =	vst v63  }
0x536: {  	s19 =	sld [smem:$0x7EC]  }
0x537: {  	[tilespmem:s10], [sflag:$0x2] =	stream.linear.gather [hbm4b:s21+s17], $0x1400, $0x38;
	[tilespmem:$0x1CB00] =	vst v63  }
0x538: {  	s20 =	sld [smem:$0x7ED]  }
0x539: {  	[tilespmem:s11], [sflag:$0x2] =	stream.linear.gather [hbm4b:s19+s17], $0x1400, $0x38;
	[tilespmem:$0x1CB00] =	vst v63  }
0x53a: {  	s21 =	sld [smem:$0x7EE]  }
0x53b: {  	[tilespmem:s12], [sflag:$0x2] =	stream.linear.gather [hbm4b:s20+s17], $0x1400, $0x38;
	[tilespmem:$0x1CB00] =	vst v63  }
0x53c: {  	s18 =	simm.s32 $0x0  }
0x53d: {  	[tilespmem:s13], [sflag:$0x2] =	stream.linear.gather [hbm4b:s21+s17], $0x1400, $0x38;
	[tilespmem:$0x1CB00] =	vst v63  }
0x53e: {  	v2 =	vld [tilespmem:s18+$0x0]  }
0x53f: {  	s17 =	simm.s32 $0x40;
	v1 =	vld [tilespmem:s18+$0xA000]  }
.LBB2_52:
0x540: {  	p0 =	sne.s32 s17, $0x4FC0;
	v3 =	vld [tilespmem:s18+$0x7800]  }
0x541: {  	v4 =	vld [tilespmem:s18+$0x5000]  }
0x542: {  	v5 =	vld [tilespmem:s18+$0x2800]  }
0x543: {  	v6 =	vadd.s32 $0x1, v2  }
0x544: {  	v7 =	vadd.s32 $0x80, v2  }
0x545: {  	v8 =	vadd.s32 $0x81, v2;
	_ =	sdelay $0x1  }
0x546: {  	[tilespmem:v2+s14+$0x0] =	vst.idx.add.f32.msk $0xffff, v5  }
.Ltmp25:
0x547: {  	[tilespmem:v6+s14+$0x0] =	vst.idx.add.f32.msk $0xffff, v4;
	(pc) =	sbr.rel @p0 .LBB2_52-.Ltmp25, $4  }
0x548: {  	[tilespmem:v7+s14+$0x0] =	vst.idx.add.f32.msk $0xffff, v3  }
0x549: {  	s18 =	sshra.s32 s17, $0x2;
	[tilespmem:v8+s14+$0x0] =	vst.idx.add.f32.msk $0xffff, v1  }
0x54a: {  	v2 =	vld [tilespmem:s18+$0x0]  }
0x54b: {  	s17 =	sadd.s32 $0x40, s17;
	v1 =	vld [tilespmem:s18+$0xA000]  }
0x54c: {  	_ =	sdelay $0x1  }
0x54d: {  	v3 =	vld [tilespmem:s18+$0x2800]  }
0x54e: {  	v4 =	vld [tilespmem:s18+$0x5000];
	v5 =	vadd.s32 $0x1, v2  }
0x54f: {  	v6 =	vld [tilespmem:s18+$0x7800];
	v7 =	vadd.s32 $0x80, v2  }
0x550: {  	v8 =	vadd.s32 $0x81, v2;
	_ =	sdelay $0x1  }
0x551: {  	[tilespmem:v2+s14+$0x0] =	vst.idx.add.f32.msk $0xffff, v3  }
0x552: {  	[tilespmem:v5+s14+$0x0] =	vst.idx.add.f32.msk $0xffff, v4  }
0x553: {  	[tilespmem:v7+s14+$0x0] =	vst.idx.add.f32.msk $0xffff, v6  }
0x554: {  	[tilespmem:v8+s14+$0x0] =	vst.idx.add.f32.msk $0xffff, v1  }
0x555: {  	_ =	swait.ge [sflag:s15], $0x1400  }
0x556: {  	[sflag:s15] =	ssyncset.done $0x0  }
0x557: {  	[sflag:s15] =	ssyncadd.s32 $0xFFFFEC00  }
0x558: {  	_ =	swait.ge [sflag:s15], $0x1400  }
0x559: {  	[sflag:s15] =	ssyncset.done $0x0  }
0x55a: {  	[sflag:s15] =	ssyncadd.s32 $0xFFFFEC00  }
0x55b: {  	_ =	swait.ge [sflag:s15], $0x1400  }
0x55c: {  	[sflag:s15] =	ssyncset.done $0x0  }
0x55d: {  	[sflag:s15] =	ssyncadd.s32 $0xFFFFEC00  }
0x55e: {  	_ =	swait.ge [sflag:s15], $0x1400  }
0x55f: {  	[sflag:s15] =	ssyncset.done $0x0  }
0x560: {  	[sflag:s15] =	ssyncadd.s32 $0xFFFFEC00  }
0x561: {  	_ =	swait.ge [sflag:s15], $0x1400  }
0x562: {  	s20 =	sld [smem:$0x7EF]  }
0x563: {  	[sflag:s15] =	ssyncset.done $0x0  }
0x564: {  	s17 =	simm.s32 $0x0;
	s21 =	sld [smem:$0x7F0];
	[sflag:s15] =	ssyncadd.s32 $0xFFFFEC00  }
0x565: {  	[tilespmem:s17], [sflag:$0x1] =	stream.linear.gather [hbm4b:s20+s17], $0x1400, $0x38;
	[tilespmem:$0x1CB00] =	vst v63  }
0x566: {  	s19 =	sld [smem:$0x7F1]  }
0x567: {  	[tilespmem:s4], [sflag:$0x1] =	stream.linear.gather [hbm4b:s21+s17], $0x1400, $0x38;
	[tilespmem:$0x1CB00] =	vst v63  }
0x568: {  	s20 =	sld [smem:$0x7F2]  }
0x569: {  	[tilespmem:s5], [sflag:$0x1] =	stream.linear.gather [hbm4b:s19+s17], $0x1400, $0x38;
	[tilespmem:$0x1CB00] =	vst v63  }
0x56a: {  	s21 =	sld [smem:$0x7F3]  }
0x56b: {  	[tilespmem:s6], [sflag:$0x1] =	stream.linear.gather [hbm4b:s20+s17], $0x1400, $0x38;
	[tilespmem:$0x1CB00] =	vst v63  }
0x56c: {  	s18 =	simm.s32 $0x0  }
0x56d: {  	[tilespmem:s7], [sflag:$0x1] =	stream.linear.gather [hbm4b:s21+s17], $0x1400, $0x38;
	[tilespmem:$0x1CB00] =	vst v63  }
0x56e: {  	v2 =	vld [tilespmem:s18+$0x1400]  }
0x56f: {  	s17 =	simm.s32 $0x40;
	v1 =	vld [tilespmem:s18+$0xB400]  }
.LBB2_54:
0x570: {  	p0 =	sne.s32 s17, $0x4FC0;
	v3 =	vld [tilespmem:s18+$0x8C00]  }
0x571: {  	v4 =	vld [tilespmem:s18+$0x6400]  }
0x572: {  	v5 =	vld [tilespmem:s18+$0x3C00]  }
0x573: {  	v6 =	vadd.s32 $0x1, v2  }
0x574: {  	v7 =	vadd.s32 $0x80, v2  }
0x575: {  	v8 =	vadd.s32 $0x81, v2;
	_ =	sdelay $0x1  }
0x576: {  	[tilespmem:v2+s14+$0x0] =	vst.idx.add.f32.msk $0xffff, v5  }
.Ltmp26:
0x577: {  	[tilespmem:v6+s14+$0x0] =	vst.idx.add.f32.msk $0xffff, v4;
	(pc) =	sbr.rel @p0 .LBB2_54-.Ltmp26, $4  }
0x578: {  	[tilespmem:v7+s14+$0x0] =	vst.idx.add.f32.msk $0xffff, v3  }
0x579: {  	s18 =	sshra.s32 s17, $0x2;
	[tilespmem:v8+s14+$0x0] =	vst.idx.add.f32.msk $0xffff, v1  }
0x57a: {  	v2 =	vld [tilespmem:s18+$0x1400]  }
0x57b: {  	s17 =	sadd.s32 $0x40, s17;
	v1 =	vld [tilespmem:s18+$0xB400]  }
0x57c: {  	_ =	sdelay $0x1  }
0x57d: {  	v3 =	vld [tilespmem:s18+$0x3C00]  }
0x57e: {  	v4 =	vld [tilespmem:s18+$0x6400];
	v5 =	vadd.s32 $0x1, v2  }
0x57f: {  	v6 =	vld [tilespmem:s18+$0x8C00];
	v7 =	vadd.s32 $0x80, v2  }
0x580: {  	v8 =	vadd.s32 $0x81, v2;
	_ =	sdelay $0x1  }
0x581: {  	[tilespmem:v2+s14+$0x0] =	vst.idx.add.f32.msk $0xffff, v3  }
0x582: {  	[tilespmem:v5+s14+$0x0] =	vst.idx.add.f32.msk $0xffff, v4  }
0x583: {  	[tilespmem:v7+s14+$0x0] =	vst.idx.add.f32.msk $0xffff, v6  }
0x584: {  	[tilespmem:v8+s14+$0x0] =	vst.idx.add.f32.msk $0xffff, v1  }
0x585: {  	_ =	swait.ge [sflag:s8], $0x1400  }
0x586: {  	[sflag:s8] =	ssyncset.done $0x0  }
0x587: {  	[sflag:s8] =	ssyncadd.s32 $0xFFFFEC00  }
0x588: {  	_ =	swait.ge [sflag:s8], $0x1400  }
0x589: {  	[sflag:s8] =	ssyncset.done $0x0  }
0x58a: {  	[sflag:s8] =	ssyncadd.s32 $0xFFFFEC00  }
0x58b: {  	_ =	swait.ge [sflag:s8], $0x1400  }
0x58c: {  	[sflag:s8] =	ssyncset.done $0x0  }
0x58d: {  	[sflag:s8] =	ssyncadd.s32 $0xFFFFEC00  }
0x58e: {  	_ =	swait.ge [sflag:s8], $0x1400  }
0x58f: {  	[sflag:s8] =	ssyncset.done $0x0  }
0x590: {  	[sflag:s8] =	ssyncadd.s32 $0xFFFFEC00  }
0x591: {  	_ =	swait.ge [sflag:s8], $0x1400  }
0x592: {  	s20 =	sld [smem:$0x7F4]  }
0x593: {  	[sflag:s8] =	ssyncset.done $0x0  }
0x594: {  	s17 =	simm.s32 $0x0;
	s21 =	sld [smem:$0x7F5];
	[sflag:s8] =	ssyncadd.s32 $0xFFFFEC00  }
0x595: {  	[tilespmem:s9], [sflag:$0x2] =	stream.linear.gather [hbm4b:s20+s17], $0x1400, $0x38;
	[tilespmem:$0x1CB00] =	vst v63  }
0x596: {  	s19 =	sld [smem:$0x7F6]  }
0x597: {  	[tilespmem:s10], [sflag:$0x2] =	stream.linear.gather [hbm4b:s21+s17], $0x1400, $0x38;
	[tilespmem:$0x1CB00] =	vst v63  }
0x598: {  	s20 =	sld [smem:$0x7F7]  }
0x599: {  	[tilespmem:s11], [sflag:$0x2] =	stream.linear.gather [hbm4b:s19+s17], $0x1400, $0x38;
	[tilespmem:$0x1CB00] =	vst v63  }
0x59a: {  	s21 =	sld [smem:$0x7F8]  }
0x59b: {  	[tilespmem:s12], [sflag:$0x2] =	stream.linear.gather [hbm4b:s20+s17], $0x1400, $0x38;
	[tilespmem:$0x1CB00] =	vst v63  }
0x59c: {  	s18 =	simm.s32 $0x0  }
0x59d: {  	[tilespmem:s13], [sflag:$0x2] =	stream.linear.gather [hbm4b:s21+s17], $0x1400, $0x38;
	[tilespmem:$0x1CB00] =	vst v63  }
0x59e: {  	v2 =	vld [tilespmem:s18+$0x0]  }
0x59f: {  	s17 =	simm.s32 $0x40;
	v1 =	vld [tilespmem:s18+$0xA000]  }
.LBB2_56:
0x5a0: {  	p0 =	sne.s32 s17, $0x4FC0;
	v3 =	vld [tilespmem:s18+$0x7800]  }
0x5a1: {  	v4 =	vld [tilespmem:s18+$0x5000]  }
0x5a2: {  	v5 =	vld [tilespmem:s18+$0x2800]  }
0x5a3: {  	v6 =	vadd.s32 $0x1, v2  }
0x5a4: {  	v7 =	vadd.s32 $0x80, v2  }
0x5a5: {  	v8 =	vadd.s32 $0x81, v2;
	_ =	sdelay $0x1  }
0x5a6: {  	[tilespmem:v2+s14+$0x0] =	vst.idx.add.f32.msk $0xffff, v5  }
.Ltmp27:
0x5a7: {  	[tilespmem:v6+s14+$0x0] =	vst.idx.add.f32.msk $0xffff, v4;
	(pc) =	sbr.rel @p0 .LBB2_56-.Ltmp27, $4  }
0x5a8: {  	[tilespmem:v7+s14+$0x0] =	vst.idx.add.f32.msk $0xffff, v3  }
0x5a9: {  	s18 =	sshra.s32 s17, $0x2;
	[tilespmem:v8+s14+$0x0] =	vst.idx.add.f32.msk $0xffff, v1  }
0x5aa: {  	v2 =	vld [tilespmem:s18+$0x0]  }
0x5ab: {  	s17 =	sadd.s32 $0x40, s17;
	v1 =	vld [tilespmem:s18+$0xA000]  }
0x5ac: {  	_ =	sdelay $0x1  }
0x5ad: {  	v3 =	vld [tilespmem:s18+$0x2800]  }
0x5ae: {  	v4 =	vld [tilespmem:s18+$0x5000];
	v5 =	vadd.s32 $0x1, v2  }
0x5af: {  	v6 =	vld [tilespmem:s18+$0x7800];
	v7 =	vadd.s32 $0x80, v2  }
0x5b0: {  	v8 =	vadd.s32 $0x81, v2;
	_ =	sdelay $0x1  }
0x5b1: {  	[tilespmem:v2+s14+$0x0] =	vst.idx.add.f32.msk $0xffff, v3  }
0x5b2: {  	[tilespmem:v5+s14+$0x0] =	vst.idx.add.f32.msk $0xffff, v4  }
0x5b3: {  	[tilespmem:v7+s14+$0x0] =	vst.idx.add.f32.msk $0xffff, v6  }
0x5b4: {  	[tilespmem:v8+s14+$0x0] =	vst.idx.add.f32.msk $0xffff, v1  }
0x5b5: {  	_ =	swait.ge [sflag:s15], $0x1400  }
0x5b6: {  	[sflag:s15] =	ssyncset.done $0x0  }
0x5b7: {  	[sflag:s15] =	ssyncadd.s32 $0xFFFFEC00  }
0x5b8: {  	_ =	swait.ge [sflag:s15], $0x1400  }
0x5b9: {  	[sflag:s15] =	ssyncset.done $0x0  }
0x5ba: {  	[sflag:s15] =	ssyncadd.s32 $0xFFFFEC00  }
0x5bb: {  	_ =	swait.ge [sflag:s15], $0x1400  }
0x5bc: {  	[sflag:s15] =	ssyncset.done $0x0  }
0x5bd: {  	[sflag:s15] =	ssyncadd.s32 $0xFFFFEC00  }
0x5be: {  	_ =	swait.ge [sflag:s15], $0x1400  }
0x5bf: {  	[sflag:s15] =	ssyncset.done $0x0  }
0x5c0: {  	[sflag:s15] =	ssyncadd.s32 $0xFFFFEC00  }
0x5c1: {  	_ =	swait.ge [sflag:s15], $0x1400  }
0x5c2: {  	s20 =	sld [smem:$0x7F9]  }
0x5c3: {  	[sflag:s15] =	ssyncset.done $0x0  }
0x5c4: {  	s17 =	simm.s32 $0x0;
	s21 =	sld [smem:$0x7FA];
	[sflag:s15] =	ssyncadd.s32 $0xFFFFEC00  }
0x5c5: {  	[tilespmem:s17], [sflag:$0x1] =	stream.linear.gather [hbm4b:s20+s17], $0x1400, $0x38;
	[tilespmem:$0x1CB00] =	vst v63  }
0x5c6: {  	s19 =	sld [smem:$0x7FB]  }
0x5c7: {  	[tilespmem:s4], [sflag:$0x1] =	stream.linear.gather [hbm4b:s21+s17], $0x1400, $0x38;
	[tilespmem:$0x1CB00] =	vst v63  }
0x5c8: {  	s20 =	sld [smem:$0x7FC]  }
0x5c9: {  	[tilespmem:s5], [sflag:$0x1] =	stream.linear.gather [hbm4b:s19+s17], $0x1400, $0x38;
	[tilespmem:$0x1CB00] =	vst v63  }
0x5ca: {  	s21 =	sld [smem:$0x7FD]  }
0x5cb: {  	[tilespmem:s6], [sflag:$0x1] =	stream.linear.gather [hbm4b:s20+s17], $0x1400, $0x38;
	[tilespmem:$0x1CB00] =	vst v63  }
0x5cc: {  	s18 =	simm.s32 $0x0  }
0x5cd: {  	[tilespmem:s7], [sflag:$0x1] =	stream.linear.gather [hbm4b:s21+s17], $0x1400, $0x38;
	[tilespmem:$0x1CB00] =	vst v63  }
0x5ce: {  	v2 =	vld [tilespmem:s18+$0x1400]  }
0x5cf: {  	s17 =	simm.s32 $0x40;
	v1 =	vld [tilespmem:s18+$0xB400]  }
.LBB2_58:
0x5d0: {  	p0 =	sne.s32 s17, $0x4FC0;
	v3 =	vld [tilespmem:s18+$0x8C00]  }
0x5d1: {  	v4 =	vld [tilespmem:s18+$0x6400]  }
0x5d2: {  	v5 =	vld [tilespmem:s18+$0x3C00]  }
0x5d3: {  	v6 =	vadd.s32 $0x1, v2  }
0x5d4: {  	v7 =	vadd.s32 $0x80, v2  }
0x5d5: {  	v8 =	vadd.s32 $0x81, v2;
	_ =	sdelay $0x1  }
0x5d6: {  	[tilespmem:v2+s14+$0x0] =	vst.idx.add.f32.msk $0xffff, v5  }
.Ltmp28:
0x5d7: {  	[tilespmem:v6+s14+$0x0] =	vst.idx.add.f32.msk $0xffff, v4;
	(pc) =	sbr.rel @p0 .LBB2_58-.Ltmp28, $4  }
0x5d8: {  	[tilespmem:v7+s14+$0x0] =	vst.idx.add.f32.msk $0xffff, v3  }
0x5d9: {  	s18 =	sshra.s32 s17, $0x2;
	[tilespmem:v8+s14+$0x0] =	vst.idx.add.f32.msk $0xffff, v1  }
0x5da: {  	v2 =	vld [tilespmem:s18+$0x1400]  }
0x5db: {  	s17 =	sadd.s32 $0x40, s17;
	v1 =	vld [tilespmem:s18+$0xB400]  }
0x5dc: {  	_ =	sdelay $0x1  }
0x5dd: {  	v3 =	vld [tilespmem:s18+$0x3C00]  }
0x5de: {  	v4 =	vld [tilespmem:s18+$0x6400];
	v5 =	vadd.s32 $0x1, v2  }
0x5df: {  	v6 =	vld [tilespmem:s18+$0x8C00];
	v7 =	vadd.s32 $0x80, v2  }
0x5e0: {  	v8 =	vadd.s32 $0x81, v2;
	_ =	sdelay $0x1  }
0x5e1: {  	[tilespmem:v2+s14+$0x0] =	vst.idx.add.f32.msk $0xffff, v3  }
0x5e2: {  	[tilespmem:v5+s14+$0x0] =	vst.idx.add.f32.msk $0xffff, v4  }
0x5e3: {  	[tilespmem:v7+s14+$0x0] =	vst.idx.add.f32.msk $0xffff, v6  }
0x5e4: {  	[tilespmem:v8+s14+$0x0] =	vst.idx.add.f32.msk $0xffff, v1  }
0x5e5: {  	_ =	swait.ge [sflag:s8], $0x1400  }
0x5e6: {  	[sflag:s8] =	ssyncset.done $0x0  }
0x5e7: {  	[sflag:s8] =	ssyncadd.s32 $0xFFFFEC00  }
0x5e8: {  	_ =	swait.ge [sflag:s8], $0x1400  }
0x5e9: {  	[sflag:s8] =	ssyncset.done $0x0  }
0x5ea: {  	[sflag:s8] =	ssyncadd.s32 $0xFFFFEC00  }
0x5eb: {  	_ =	swait.ge [sflag:s8], $0x1400  }
0x5ec: {  	[sflag:s8] =	ssyncset.done $0x0  }
0x5ed: {  	[sflag:s8] =	ssyncadd.s32 $0xFFFFEC00  }
0x5ee: {  	_ =	swait.ge [sflag:s8], $0x1400  }
0x5ef: {  	[sflag:s8] =	ssyncset.done $0x0  }
0x5f0: {  	[sflag:s8] =	ssyncadd.s32 $0xFFFFEC00  }
0x5f1: {  	_ =	swait.ge [sflag:s8], $0x1400  }
0x5f2: {  	[sflag:s8] =	ssyncset.done $0x0  }
0x5f3: {  	s17 =	simm.s32 $0x0;
	[sflag:s8] =	ssyncadd.s32 $0xFFFFEC00  }
0x5f4: {  	[tilespmem:s9], [sflag:$0x2] =	stream.linear.gather [hbm4b:s28+s17], $0x1400, $0x38;
	[tilespmem:$0x1CB00] =	vst v63  }
0x5f5: {  	_ = 	snop  }
0x5f6: {  	[tilespmem:s10], [sflag:$0x2] =	stream.linear.gather [hbm4b:s29+s17], $0x1400, $0x38;
	[tilespmem:$0x1CB00] =	vst v63  }
0x5f7: {  	_ = 	snop  }
0x5f8: {  	[tilespmem:s11], [sflag:$0x2] =	stream.linear.gather [hbm4b:s30+s17], $0x1400, $0x38;
	[tilespmem:$0x1CB00] =	vst v63  }
0x5f9: {  	_ = 	snop  }
0x5fa: {  	[tilespmem:s12], [sflag:$0x2] =	stream.linear.gather [hbm4b:s31+s17], $0x1400, $0x38;
	[tilespmem:$0x1CB00] =	vst v63  }
0x5fb: {  	s18 =	simm.s32 $0x0  }
0x5fc: {  	[tilespmem:s13], [sflag:$0x2] =	stream.linear.gather [hbm4b:s0+s17], $0x1400, $0x38;
	[tilespmem:$0x1CB00] =	vst v63  }
0x5fd: {  	v2 =	vld [tilespmem:s18+$0x0]  }
0x5fe: {  	s17 =	simm.s32 $0x40;
	v1 =	vld [tilespmem:s18+$0xA000]  }
.LBB2_60:
0x5ff: {  	p0 =	sne.s32 s17, $0x4FC0;
	v3 =	vld [tilespmem:s18+$0x7800]  }
0x600: {  	v4 =	vld [tilespmem:s18+$0x5000]  }
0x601: {  	v5 =	vld [tilespmem:s18+$0x2800]  }
0x602: {  	v6 =	vadd.s32 $0x1, v2  }
0x603: {  	v7 =	vadd.s32 $0x80, v2  }
0x604: {  	v8 =	vadd.s32 $0x81, v2;
	_ =	sdelay $0x1  }
0x605: {  	[tilespmem:v2+s14+$0x0] =	vst.idx.add.f32.msk $0xffff, v5  }
.Ltmp29:
0x606: {  	[tilespmem:v6+s14+$0x0] =	vst.idx.add.f32.msk $0xffff, v4;
	(pc) =	sbr.rel @p0 .LBB2_60-.Ltmp29, $4  }
0x607: {  	[tilespmem:v7+s14+$0x0] =	vst.idx.add.f32.msk $0xffff, v3  }
0x608: {  	s18 =	sshra.s32 s17, $0x2;
	[tilespmem:v8+s14+$0x0] =	vst.idx.add.f32.msk $0xffff, v1  }
0x609: {  	v2 =	vld [tilespmem:s18+$0x0]  }
0x60a: {  	s17 =	sadd.s32 $0x40, s17;
	v1 =	vld [tilespmem:s18+$0xA000]  }
0x60b: {  	_ =	sdelay $0x1  }
0x60c: {  	v3 =	vld [tilespmem:s18+$0x2800]  }
0x60d: {  	v4 =	vld [tilespmem:s18+$0x5000];
	v5 =	vadd.s32 $0x1, v2  }
0x60e: {  	v6 =	vld [tilespmem:s18+$0x7800];
	v7 =	vadd.s32 $0x80, v2  }
0x60f: {  	v8 =	vadd.s32 $0x81, v2;
	_ =	sdelay $0x1  }
0x610: {  	[tilespmem:v2+s14+$0x0] =	vst.idx.add.f32.msk $0xffff, v3  }
0x611: {  	[tilespmem:v5+s14+$0x0] =	vst.idx.add.f32.msk $0xffff, v4  }
0x612: {  	[tilespmem:v7+s14+$0x0] =	vst.idx.add.f32.msk $0xffff, v6  }
0x613: {  	[tilespmem:v8+s14+$0x0] =	vst.idx.add.f32.msk $0xffff, v1  }
0x614: {  	_ =	swait.ge [sflag:s15], $0x1400  }
0x615: {  	[sflag:s15] =	ssyncset.done $0x0  }
0x616: {  	[sflag:s15] =	ssyncadd.s32 $0xFFFFEC00  }
0x617: {  	_ =	swait.ge [sflag:s15], $0x1400  }
0x618: {  	[sflag:s15] =	ssyncset.done $0x0  }
0x619: {  	[sflag:s15] =	ssyncadd.s32 $0xFFFFEC00  }
0x61a: {  	_ =	swait.ge [sflag:s15], $0x1400  }
0x61b: {  	[sflag:s15] =	ssyncset.done $0x0  }
0x61c: {  	[sflag:s15] =	ssyncadd.s32 $0xFFFFEC00  }
0x61d: {  	_ =	swait.ge [sflag:s15], $0x1400  }
0x61e: {  	[sflag:s15] =	ssyncset.done $0x0  }
0x61f: {  	[sflag:s15] =	ssyncadd.s32 $0xFFFFEC00  }
0x620: {  	_ =	swait.ge [sflag:s15], $0x1400  }
0x621: {  	[sflag:s15] =	ssyncset.done $0x0  }
0x622: {  	s17 =	simm.s32 $0x0;
	s18 =	simm.s32 $0x0;
	[sflag:s15] =	ssyncadd.s32 $0xFFFFEC00  }
.LBB2_62:
0x623: {  	s19 =	sshra.s32 s18, $0x2  }
0x624: {  	v1 =	vld [tilespmem:s19+$0x1400];
	_ =	sdelay $0x3  }
0x625: {  	v2 =	vld [tilespmem:s19+$0x3C00]  }
0x626: {  	v3 =	vld [tilespmem:s19+$0x6400];
	v4 =	vadd.s32 $0x1, v1  }
0x627: {  	v5 =	vld [tilespmem:s19+$0x8C00];
	v6 =	vadd.s32 $0x80, v1  }
0x628: {  	p0 =	sne.s32 s18, $0x4FC0;
	v7 =	vld [tilespmem:s19+$0xB400];
	v8 =	vadd.s32 $0x81, v1  }
.Ltmp30:
0x629: {  	_ = 	snop;
	(pc) =	sbr.rel @p0 .LBB2_62-.Ltmp30, $4  }
0x62a: {  	[tilespmem:v1+s14+$0x0] =	vst.idx.add.f32.msk $0xffff, v2  }
0x62b: {  	[tilespmem:v4+s14+$0x0] =	vst.idx.add.f32.msk $0xffff, v3  }
0x62c: {  	[tilespmem:v6+s14+$0x0] =	vst.idx.add.f32.msk $0xffff, v5  }
0x62d: {  	s18 =	sadd.s32 $0x40, s18;
	[tilespmem:v8+s14+$0x0] =	vst.idx.add.f32.msk $0xffff, v7  }
0x62e: {  	s18 =	simm.s32 $0x18A40  }
0x62f: {  	v1 =	vld [tilespmem:s18+$0xFFFF7E80]  }
0x630: {  	s20 =	simm.s32 $0x10;
	s19 =	simm.s32 $0x18A40;
	v2 =	vld [tilespmem:s18+$0xFFFF3DC0]  }
.LBB2_64:
0x631: {  	p0 =	sne.s32 s20, $0x3FF0;
	s21 =	sand.u32 $0x3FF0, s17;
	s17 =	smov.u32 s20  }
0x632: {  	v3 =	vld [tilespmem:s21+$0x14980];
	_ =	sdelay $0x1  }
0x633: {  	v4 =	vld [tilespmem:s18+$0x0]  }
0x634: {  	v1 =	vadd.f32 v1, v2;
	_ =	sdelay $0x1  }
0x635: {  	v1 =	vadd.f32 v3, v1  }
.Ltmp31:
0x636: {  	(pc) =	sbr.rel @p0 .LBB2_64-.Ltmp31, $4  }
0x637: {  	v2 =	vadd.f32 v4, v1  }
0x638: {  	s18 =	sadd.s32 $0x10, s18  }
0x639: {  	v1 =	vld [tilespmem:s18+$0xFFFF7E80];
	[tilespmem:s19+$0xFFFF3DC0] =	vst v2;
	s19 =	smov.u32 s18  }
0x63a: {  	s20 =	sadd.s32 $0x10, s20;
	v2 =	vld [tilespmem:s18+$0xFFFF3DC0]  }
0x63b: {  	s17 =	sand.u32 $0x3FF0, s17  }
0x63c: {  	v3 =	vld [tilespmem:s17+$0x14980];
	_ =	sdelay $0x1  }
0x63d: {  	v4 =	vld [tilespmem:s18+$0x0]  }
0x63e: {  	v1 =	vadd.f32 v1, v2;
	_ =	sdelay $0x1  }
0x63f: {  	v1 =	vadd.f32 v3, v1;
	_ =	sdelay $0x1  }
0x640: {  	s1 =	sadd.s32 $0x1, s1;
	v1 =	vadd.f32 v4, v1  }
0x641: {  	p0 =	sne.s32 s1, s3  }
.Ltmp32:
0x642: {  	s20 =	simm.s32 $0x80;
	s21 =	simm.s32 $0x400;
	[tilespmem:s19+$0xFFFF3DC0] =	vst v1;
	(pc) =	sbr.rel @p0 .LBB2_1-.Ltmp32, $4  }
0x643: {  	[hbm4b:s2+s20] =	stream.strided.scatter [tilespmem:s14], [sflag:$0x3], $0x4000, s21, s20, $0x38;
	[tilespmem:$0x1CB00] =	vst v63  }
0x644: {  	_ =	swait.ge [sflag:s16], $0x4000  }
0x645: {  	[sflag:s16] =	ssyncset.done $0x0  }
0x646: {  	[sflag:s16] =	ssyncadd.s32 $0xFFFFC000  }
0x647: {  	_ =	sfence.sel $0x180000  }
0x648: {  	[bflag:$0x0] =	sbarrier.arrive $0xFFFF  }
0x649: {  	_ =	strace $0x90000047  }
0x64a: {  	s0 =	stileid.u32;
	[bflag:$0x2] =	sbarrier.arrive $0xFFFF  }
0x64b: {  	p0 =	sne.s32 s0, $0x0;
	s0 =	rddreg [dreg:$0x1]  }
0x64c: {  	s0 =	sadd.s32 @!p0 $0x100000, s0  }
0x64d: {  	[sflag:s0] =	ssyncadd.tile.s32 @!p0 $0x1;
	_ =	shalt  }
.Lfunc_end2:
_tile_overlayer_lowered:
.L_overlay_start_2:
0x64e: {  	(tag) =	ssettag $0x2  }
0x64f: {  	s0 =	rddreg [dreg:$0x0];
	s2 =	stileid.u32  }
0x650: {  	s1 =	rddreg [dreg:$0x1];
	p0 =	sne.s32 s2, $0x0  }
0x651: {  	s3 =	rddreg [dreg:$0x2];
	[bflag:$0x3] =	sbarrier.arrive $0xFFFF;
	s2 =	simm.s32 @!p0 $0x1C03  }
0x652: {  	[timem:s3], [sflag:s2] =	dma.local @!p0 [hbm:s0], s1  }
0x653: {  	s0 =	simm.s32 @!p0 $0x3  }
0x654: {  	_ =	swait.ge @!p0 [sflag:s0], s1  }
0x655: {  	s1 =	ssub.s32 @!p0 $0x0, s1;
	[sflag:s0] =	ssyncset.done @!p0 $0x0  }
0x656: {  	[sflag:s0] =	ssyncadd.s32 @!p0 s1  }
0x657: {  	[bflag:$0x3] =	sbarrier.arrive $0xFFFF  }
0x658: {  	_ =	shalt  }

</sc_bundles>
